<compile_context>
chip_gen: v7x
topology: tpu7x:2x2x1
jax: 0.10.2.dev20260603
libtpu: 0.0.44.dev20260713+nightly
codegen_flags: <defaults>
</compile_context>

<pallas_src>
import functools

import jax
import jax.numpy as jnp
from jax import lax
from jax.experimental import pallas as pl
from jax.experimental.pallas import tpu as pltpu
from jax.experimental.pallas import tpu_sc as plsc

_N_NODES = 10000
_D = 128
_N_EDGES = 320000
_NC = 2
_NS = 16
_EPW = _N_EDGES // (_NC * _NS)
_CH = 40
_NCHUNK = _EPW // _CH
_NP = 10240
_RPT = _NP // _NS


_NBUF = 5
_NOUT = _NCHUNK // _NBUF


def _sc_body(j_hbm, ea_hbm, out_hbm, idx_v, rows_v, agg_sh, isem, rsem):
    c = lax.axis_index("c")
    s = lax.axis_index("s")
    zv = jnp.zeros((16,), jnp.float32)
    for r in range(_CH):
        for c16 in range(_D // 16):
            rows_v[0, r, pl.ds(c16 * 16, 16)] = zv
    for k in range(_RPT // _CH):
        pltpu.async_copy(rows_v.at[0],
                         agg_sh.at[pl.ds(s * _RPT + k * _CH, _CH)],
                         isem.at[0])
    for k in range(_RPT // _CH):
        pltpu.make_async_copy(rows_v.at[0],
                              agg_sh.at[pl.ds(s * _RPT + k * _CH, _CH)],
                              isem.at[0]).wait()
    plsc.subcore_barrier()
    ebase0 = (c * _NS + s) * _EPW
    jbase0 = _N_EDGES + ebase0

    for b in range(_NBUF):
        off = b * _CH
        pltpu.async_copy(j_hbm.at[pl.ds(jbase0 + off, _CH)], idx_v.at[b],
                         isem.at[b])
        pltpu.async_copy(ea_hbm.at[pl.ds(ebase0 + off, _CH)], rows_v.at[b],
                         rsem.at[b])

    def outer(o, carry):
        for b in range(_NBUF):
            off = (o * _NBUF + b) * _CH
            pltpu.make_async_copy(j_hbm.at[pl.ds(jbase0 + off, _CH)],
                                  idx_v.at[b], isem.at[b]).wait()
            pltpu.make_async_copy(ea_hbm.at[pl.ds(ebase0 + off, _CH)],
                                  rows_v.at[b], rsem.at[b]).wait()
            pltpu.sync_copy(rows_v.at[b], agg_sh.at[idx_v.at[b]], add=True)

            @pl.when(o < _NOUT - 1)
            def _():
                noff = off + _NBUF * _CH
                pltpu.async_copy(j_hbm.at[pl.ds(jbase0 + noff, _CH)],
                                 idx_v.at[b], isem.at[b])
                pltpu.async_copy(ea_hbm.at[pl.ds(ebase0 + noff, _CH)],
                                 rows_v.at[b], rsem.at[b])
        return carry

    lax.fori_loop(0, _NOUT, outer, 0)
    plsc.subcore_barrier()
    dst = out_hbm.at[pl.ds(c * _NP + s * _RPT, _RPT)]
    pltpu.sync_copy(agg_sh.at[pl.ds(s * _RPT, _RPT)], dst)


@functools.cache
def _sc_scatter():
    return pl.kernel(
        _sc_body,
        out_type=jax.ShapeDtypeStruct((_NC * _NP, _D), jnp.float32),
        mesh=plsc.VectorSubcoreMesh(core_axis_name="c", subcore_axis_name="s",
                                    num_cores=_NC, num_subcores=_NS),
        scratch_types=[
            pltpu.VMEM((_NBUF, _CH), jnp.int32),
            pltpu.VMEM((_NBUF, _CH, _D), jnp.float32),
            pltpu.VMEM_SHARED((_NP, _D), jnp.float32),
            pltpu.SemaphoreType.DMA((_NBUF,)),
            pltpu.SemaphoreType.DMA((_NBUF,)),
        ],
    )


_BLK = 1280
_NBLK = _NP // _BLK


def _mlp1_body(x_ref, w1a_ref, b1_ref, hx_ref):
    hx_ref[...] = (jnp.dot(x_ref[...], w1a_ref[...],
                           preferred_element_type=jnp.float32) + b1_ref[...])


def _tc_mlp1(x, w1a, b1):
    return pl.pallas_call(
        _mlp1_body,
        grid=(_NBLK,),
        in_specs=[
            pl.BlockSpec((_BLK, _D), lambda i: (i, 0)),
            pl.BlockSpec((_D, 256), lambda i: (0, 0)),
            pl.BlockSpec((1, 256), lambda i: (0, 0)),
        ],
        out_specs=pl.BlockSpec((_BLK, 256), lambda i: (i, 0)),
        out_shape=jax.ShapeDtypeStruct((_N_NODES, 256), jnp.float32),
    )(x, w1a, b1)


def _mlp2_body(x_ref, hx_ref, p0_ref, p1_ref, w1b_ref, w2_ref, b2_ref,
               g_ref, bt_ref, o_ref):
    agg = p0_ref[...] + p1_ref[...]
    h = hx_ref[...] + jnp.dot(agg, w1b_ref[...],
                              preferred_element_type=jnp.float32)
    h = h * lax.logistic(h)
    h = jnp.dot(h, w2_ref[...], preferred_element_type=jnp.float32) + b2_ref[...]
    m = jnp.mean(h, axis=-1, keepdims=True)
    hc = h - m
    v = jnp.mean(hc * hc, axis=-1, keepdims=True)
    o_ref[...] = x_ref[...] + hc * lax.rsqrt(v + 1e-5) * g_ref[...] + bt_ref[...]


def _tc_mlp2(x, hx, partials, w1b, w2, b2, gamma, beta):
    return pl.pallas_call(
        _mlp2_body,
        grid=(_NBLK,),
        in_specs=[
            pl.BlockSpec((_BLK, _D), lambda i: (i, 0)),
            pl.BlockSpec((_BLK, 256), lambda i: (i, 0)),
            pl.BlockSpec((_BLK, _D), lambda i: (i, 0)),
            pl.BlockSpec((_BLK, _D), lambda i: (_NBLK + i, 0)),
            pl.BlockSpec((_D, 256), lambda i: (0, 0)),
            pl.BlockSpec((256, _D), lambda i: (0, 0)),
            pl.BlockSpec((1, _D), lambda i: (0, 0)),
            pl.BlockSpec((1, _D), lambda i: (0, 0)),
            pl.BlockSpec((1, _D), lambda i: (0, 0)),
        ],
        out_specs=pl.BlockSpec((_BLK, _D), lambda i: (i, 0)),
        out_shape=jax.ShapeDtypeStruct((_N_NODES, _D), jnp.float32),
    )(x, hx, partials, partials, w1b, w2, b2, gamma, beta)


def kernel(x, edge_index, edge_attr, W1, b1, W2, b2, gamma, beta):
    if edge_index.dtype != jnp.int32:
        edge_index = edge_index.astype(jnp.int32)
    ij = edge_index.reshape(-1)
    partials = _sc_scatter()(ij, edge_attr)
    hx = _tc_mlp1(x, W1[:_D], b1.reshape(1, -1))
    return _tc_mlp2(x, hx, partials, W1[_D:], W2, b2.reshape(1, -1),
                    gamma.reshape(1, -1), beta.reshape(1, -1))

# --- scband reference (transcript-rebuilt; emitter-appended) ---
"""Pipeline reference for scband-node-processor-31825707663673 (READ-ONLY COPY).

The authoritative reference and input builder live on the scoring server;
editing this copy changes nothing except your own understanding.
"""

import jax, jax.numpy as jnp
import numpy as np

N_NODES = 10000
N_EDGES = 320000
D_FEAT = 128
DIMS = [256, 256, 128]


def setup_inputs(seed: int = 0) -> dict:
    key = jax.random.key(seed)
    ks = jax.random.split(key, 8)
    x = jax.random.normal(ks[0], (N_NODES, D_FEAT), dtype=jnp.float32)
    edge_index = jax.random.randint(ks[1], (2, N_EDGES), 0, N_NODES, dtype=jnp.int64)
    edge_attr = jax.random.normal(ks[2], (N_EDGES, D_FEAT), dtype=jnp.float32)
    # MLP params: Linear(256->256) + SiLU + Linear(256->128), then LayerNorm(128)
    W1 = jax.random.normal(ks[3], (DIMS[0], DIMS[1]), dtype=jnp.float32) * (1.0 / np.sqrt(DIMS[0]))
    b1 = jnp.zeros((DIMS[1],), dtype=jnp.float32)
    W2 = jax.random.normal(ks[4], (DIMS[1], DIMS[2]), dtype=jnp.float32) * (1.0 / np.sqrt(DIMS[1]))
    b2 = jnp.zeros((DIMS[2],), dtype=jnp.float32)
    gamma = jnp.ones((DIMS[2],), dtype=jnp.float32)
    beta = jnp.zeros((DIMS[2],), dtype=jnp.float32)
    return {"x": x, "edge_index": edge_index, "edge_attr": edge_attr,
            "W1": W1, "b1": b1, "W2": W2, "b2": b2, "gamma": gamma, "beta": beta}


def _layer_norm(h, gamma, beta, eps=1e-5):
    mean = jnp.mean(h, axis=-1, keepdims=True)
    var = jnp.var(h, axis=-1, keepdims=True)
    return (h - mean) / jnp.sqrt(var + eps) * gamma + beta


def reference(x, edge_index, edge_attr, W1, b1, W2, b2, gamma, beta):
    # j = edge_index[1]; scatter-add edge_attr into per-node buckets
    j = edge_index[1]
    agg = jax.ops.segment_sum(edge_attr, j, num_segments=x.shape[0])
    out = jnp.concatenate([x, agg], axis=-1)
    # MLP with SiLU activation between layers
    h = jax.nn.silu(out @ W1 + b1)
    h = h @ W2 + b2
    h = _layer_norm(h, gamma, beta)
    return x + h

if __name__ == "__main__":
    import jax
    _d = setup_inputs()
    print(jax.jit(kernel)(*tuple(_d.values())))

</pallas_src>

<mosaic_0001>
#map = affine_map<(d0, d1) -> (0)>
#map1 = affine_map<(d0, d1) -> (0, 0)>
module attributes {stable_mosaic.version = 14 : i64} {
  func.func @_sc_body(%arg0: i32, %arg1: i32, %arg2: memref<640000xi32, #tpu.memory_space<hbm>>, %arg3: memref<320000x128xf32, #tpu.memory_space<hbm>>, %arg4: memref<20480x128xf32, #tpu.memory_space<hbm>>, %arg5: memref<5x40xi32, #tpu.memory_space<vmem>>, %arg6: memref<5x40x128xf32, #tpu.memory_space<vmem>>, %arg7: memref<10240x128xf32, #tpu.memory_space<vmem_shared>>, %arg8: memref<5x!tpu.dma_semaphore, #tpu.memory_space<semaphore_mem>>, %arg9: memref<5x!tpu.dma_semaphore, #tpu.memory_space<semaphore_mem>>) attributes {dimension_semantics = [#tpu.dimension_semantics<core_parallel>, #tpu.dimension_semantics<subcore_parallel>], iteration_bounds = array<i64: 2, 16>, scalar_prefetch = 0 : i64, scratch_operands = 5 : i64, tpu.core_type = #tpu.core_type<sc_vector_subcore>, window_params = [{transform_indices = #map}, {transform_indices = #map1}, {transform_indices = #map1}]} {
    %broadcast_in_dim3A = arith.constant 0.000000e+00 : f32
    %broadcast_in_dim3A_0 = vector.broadcast %broadcast_in_dim3A : f32 to vector<16xf32>
    %swap3A = arith.constant 0 : i32
    %swap3A_1 = arith.constant 0 : i32
    %swap3A_2 = arith.index_cast %swap3A : i32 to index
    %swap3A_3 = arith.index_cast %swap3A_1 : i32 to index
    %swap3A_4 = arith.constant 0 : index
    %swap3A_5 = tpu.vector_load %arg6[%swap3A_2, %swap3A_3, %swap3A_4] {strides = array<i32>} : memref<5x40x128xf32, #tpu.memory_space<vmem>>, vector<1x1x16xf32>,
    %swap3A_6 = vector.shape_cast %swap3A_5 : vector<1x1x16xf32> to vector<16xf32>
    %swap3A_7 = vector.shape_cast %broadcast_in_dim3A_0 : vector<16xf32> to vector<1x1x16xf32>
    tpu.vector_store %arg6[%swap3A_2, %swap3A_3, %swap3A_4], %swap3A_7 {strides = array<i32>} : memref<5x40x128xf32, #tpu.memory_space<vmem>>, vector<1x1x16xf32>,
    %swap3A_8 = arith.constant 0 : i32
    %swap3A_9 = arith.constant 0 : i32
    %swap3A_10 = arith.index_cast %swap3A_8 : i32 to index
    %swap3A_11 = arith.index_cast %swap3A_9 : i32 to index
    %swap3A_12 = arith.constant 16 : index
    %swap3A_13 = tpu.vector_load %arg6[%swap3A_10, %swap3A_11, %swap3A_12] {strides = array<i32>} : memref<5x40x128xf32, #tpu.memory_space<vmem>>, vector<1x1x16xf32>,
    %swap3A_14 = vector.shape_cast %swap3A_13 : vector<1x1x16xf32> to vector<16xf32>
    %swap3A_15 = vector.shape_cast %broadcast_in_dim3A_0 : vector<16xf32> to vector<1x1x16xf32>
    tpu.vector_store %arg6[%swap3A_10, %swap3A_11, %swap3A_12], %swap3A_15 {strides = array<i32>} : memref<5x40x128xf32, #tpu.memory_space<vmem>>, vector<1x1x16xf32>,
    %swap3A_16 = arith.constant 0 : i32
    %swap3A_17 = arith.constant 0 : i32
    %swap3A_18 = arith.index_cast %swap3A_16 : i32 to index
    %swap3A_19 = arith.index_cast %swap3A_17 : i32 to index
    %swap3A_20 = arith.constant 32 : index
    %swap3A_21 = tpu.vector_load %arg6[%swap3A_18, %swap3A_19, %swap3A_20] {strides = array<i32>} : memref<5x40x128xf32, #tpu.memory_space<vmem>>, vector<1x1x16xf32>,
    %swap3A_22 = vector.shape_cast %swap3A_21 : vector<1x1x16xf32> to vector<16xf32>
    %swap3A_23 = vector.shape_cast %broadcast_in_dim3A_0 : vector<16xf32> to vector<1x1x16xf32>
    tpu.vector_store %arg6[%swap3A_18, %swap3A_19, %swap3A_20], %swap3A_23 {strides = array<i32>} : memref<5x40x128xf32, #tpu.memory_space<vmem>>, vector<1x1x16xf32>,
    %swap3A_24 = arith.constant 0 : i32
    %swap3A_25 = arith.constant 0 : i32
    %swap3A_26 = arith.index_cast %swap3A_24 : i32 to index
    %swap3A_27 = arith.index_cast %swap3A_25 : i32 to index
    %swap3A_28 = arith.constant 48 : index
    %swap3A_29 = tpu.vector_load %arg6[%swap3A_26, %swap3A_27, %swap3A_28] {strides = array<i32>} : memref<5x40x128xf32, #tpu.memory_space<vmem>>, vector<1x1x16xf32>,
    %swap3A_30 = vector.shape_cast %swap3A_29 : vector<1x1x16xf32> to vector<16xf32>
    %swap3A_31 = vector.shape_cast %broadcast_in_dim3A_0 : vector<16xf32> to vector<1x1x16xf32>
    tpu.vector_store %arg6[%swap3A_26, %swap3A_27, %swap3A_28], %swap3A_31 {strides = array<i32>} : memref<5x40x128xf32, #tpu.memory_space<vmem>>, vector<1x1x16xf32>,
    %swap3A_32 = arith.constant 0 : i32
    %swap3A_33 = arith.constant 0 : i32
    %swap3A_34 = arith.index_cast %swap3A_32 : i32 to index
    %swap3A_35 = arith.index_cast %swap3A_33 : i32 to index
    %swap3A_36 = arith.constant 64 : index
    %swap3A_37 = tpu.vector_load %arg6[%swap3A_34, %swap3A_35, %swap3A_36] {strides = array<i32>} : memref<5x40x128xf32, #tpu.memory_space<vmem>>, vector<1x1x16xf32>,
    %swap3A_38 = vector.shape_cast %swap3A_37 : vector<1x1x16xf32> to vector<16xf32>
    %swap3A_39 = vector.shape_cast %broadcast_in_dim3A_0 : vector<16xf32> to vector<1x1x16xf32>
    tpu.vector_store %arg6[%swap3A_34, %swap3A_35, %swap3A_36], %swap3A_39 {strides = array<i32>} : memref<5x40x128xf32, #tpu.memory_space<vmem>>, vector<1x1x16xf32>,
    %swap3A_40 = arith.constant 0 : i32
    %swap3A_41 = arith.constant 0 : i32
    %swap3A_42 = arith.index_cast %swap3A_40 : i32 to index
    %swap3A_43 = arith.index_cast %swap3A_41 : i32 to index
    %swap3A_44 = arith.constant 80 : index
    %swap3A_45 = tpu.vector_load %arg6[%swap3A_42, %swap3A_43, %swap3A_44] {strides = array<i32>} : memref<5x40x128xf32, #tpu.memory_space<vmem>>, vector<1x1x16xf32>,
    %swap3A_46 = vector.shape_cast %swap3A_45 : vector<1x1x16xf32> to vector<16xf32>
    %swap3A_47 = vector.shape_cast %broadcast_in_dim3A_0 : vector<16xf32> to vector<1x1x16xf32>
    tpu.vector_store %arg6[%swap3A_42, %swap3A_43, %swap3A_44], %swap3A_47 {strides = array<i32>} : memref<5x40x128xf32, #tpu.memory_space<vmem>>, vector<1x1x16xf32>,
    %swap3A_48 = arith.constant 0 : i32
    %swap3A_49 = arith.constant 0 : i32
    %swap3A_50 = arith.index_cast %swap3A_48 : i32 to index
    %swap3A_51 = arith.index_cast %swap3A_49 : i32 to index
    %swap3A_52 = arith.constant 96 : index
    %swap3A_53 = tpu.vector_load %arg6[%swap3A_50, %swap3A_51, %swap3A_52] {strides = array<i32>} : memref<5x40x128xf32, #tpu.memory_space<vmem>>, vector<1x1x16xf32>,
    %swap3A_54 = vector.shape_cast %swap3A_53 : vector<1x1x16xf32> to vector<16xf32>
    %swap3A_55 = vector.shape_cast %broadcast_in_dim3A_0 : vector<16xf32> to vector<1x1x16xf32>
    tpu.vector_store %arg6[%swap3A_50, %swap3A_51, %swap3A_52], %swap3A_55 {strides = array<i32>} : memref<5x40x128xf32, #tpu.memory_space<vmem>>, vector<1x1x16xf32>,
    %swap3A_56 = arith.constant 0 : i32
    %swap3A_57 = arith.constant 0 : i32
    %swap3A_58 = arith.index_cast %swap3A_56 : i32 to index
    %swap3A_59 = arith.index_cast %swap3A_57 : i32 to index
    %swap3A_60 = arith.constant 112 : index
    %swap3A_61 = tpu.vector_load %arg6[%swap3A_58, %swap3A_59, %swap3A_60] {strides = array<i32>} : memref<5x40x128xf32, #tpu.memory_space<vmem>>, vector<1x1x16xf32>,
    %swap3A_62 = vector.shape_cast %swap3A_61 : vector<1x1x16xf32> to vector<16xf32>
    %swap3A_63 = vector.shape_cast %broadcast_in_dim3A_0 : vector<16xf32> to vector<1x1x16xf32>
    tpu.vector_store %arg6[%swap3A_58, %swap3A_59, %swap3A_60], %swap3A_63 {strides = array<i32>} : memref<5x40x128xf32, #tpu.memory_space<vmem>>, vector<1x1x16xf32>,
    %swap3A_64 = arith.constant 0 : i32
    %swap3A_65 = arith.constant 1 : i32
    %swap3A_66 = arith.index_cast %swap3A_64 : i32 to index
    %swap3A_67 = arith.index_cast %swap3A_65 : i32 to index
    %swap3A_68 = arith.constant 0 : index
    %swap3A_69 = tpu.vector_load %arg6[%swap3A_66, %swap3A_67, %swap3A_68] {strides = array<i32>} : memref<5x40x128xf32, #tpu.memory_space<vmem>>, vector<1x1x16xf32>,
    %swap3A_70 = vector.shape_cast %swap3A_69 : vector<1x1x16xf32> to vector<16xf32>
    %swap3A_71 = vector.shape_cast %broadcast_in_dim3A_0 : vector<16xf32> to vector<1x1x16xf32>
    tpu.vector_store %arg6[%swap3A_66, %swap3A_67, %swap3A_68], %swap3A_71 {strides = array<i32>} : memref<5x40x128xf32, #tpu.memory_space<vmem>>, vector<1x1x16xf32>,
    %swap3A_72 = arith.constant 0 : i32
    %swap3A_73 = arith.constant 1 : i32
    %swap3A_74 = arith.index_cast %swap3A_72 : i32 to index
    %swap3A_75 = arith.index_cast %swap3A_73 : i32 to index
    %swap3A_76 = arith.constant 16 : index
    %swap3A_77 = tpu.vector_load %arg6[%swap3A_74, %swap3A_75, %swap3A_76] {strides = array<i32>} : memref<5x40x128xf32, #tpu.memory_space<vmem>>, vector<1x1x16xf32>,
    %swap3A_78 = vector.shape_cast %swap3A_77 : vector<1x1x16xf32> to vector<16xf32>
    %swap3A_79 = vector.shape_cast %broadcast_in_dim3A_0 : vector<16xf32> to vector<1x1x16xf32>
    tpu.vector_store %arg6[%swap3A_74, %swap3A_75, %swap3A_76], %swap3A_79 {strides = array<i32>} : memref<5x40x128xf32, #tpu.memory_space<vmem>>, vector<1x1x16xf32>,
    %swap3A_80 = arith.constant 0 : i32
    %swap3A_81 = arith.constant 1 : i32
    %swap3A_82 = arith.index_cast %swap3A_80 : i32 to index
    %swap3A_83 = arith.index_cast %swap3A_81 : i32 to index
    %swap3A_84 = arith.constant 32 : index
    %swap3A_85 = tpu.vector_load %arg6[%swap3A_82, %swap3A_83, %swap3A_84] {strides = array<i32>} : memref<5x40x128xf32, #tpu.memory_space<vmem>>, vector<1x1x16xf32>,
    %swap3A_86 = vector.shape_cast %swap3A_85 : vector<1x1x16xf32> to vector<16xf32>
    %swap3A_87 = vector.shape_cast %broadcast_in_dim3A_0 : vector<16xf32> to vector<1x1x16xf32>
    tpu.vector_store %arg6[%swap3A_82, %swap3A_83, %swap3A_84], %swap3A_87 {strides = array<i32>} : memref<5x40x128xf32, #tpu.memory_space<vmem>>, vector<1x1x16xf32>,
    %swap3A_88 = arith.constant 0 : i32
    %swap3A_89 = arith.constant 1 : i32
    %swap3A_90 = arith.index_cast %swap3A_88 : i32 to index
    %swap3A_91 = arith.index_cast %swap3A_89 : i32 to index
    %swap3A_92 = arith.constant 48 : index
    %swap3A_93 = tpu.vector_load %arg6[%swap3A_90, %swap3A_91, %swap3A_92] {strides = array<i32>} : memref<5x40x128xf32, #tpu.memory_space<vmem>>, vector<1x1x16xf32>,
    %swap3A_94 = vector.shape_cast %swap3A_93 : vector<1x1x16xf32> to vector<16xf32>
    %swap3A_95 = vector.shape_cast %broadcast_in_dim3A_0 : vector<16xf32> to vector<1x1x16xf32>
    tpu.vector_store %arg6[%swap3A_90, %swap3A_91, %swap3A_92], %swap3A_95 {strides = array<i32>} : memref<5x40x128xf32, #tpu.memory_space<vmem>>, vector<1x1x16xf32>,
    %swap3A_96 = arith.constant 0 : i32
    %swap3A_97 = arith.constant 1 : i32
    %swap3A_98 = arith.index_cast %swap3A_96 : i32 to index
    %swap3A_99 = arith.index_cast %swap3A_97 : i32 to index
    %swap3A_100 = arith.constant 64 : index
    %swap3A_101 = tpu.vector_load %arg6[%swap3A_98, %swap3A_99, %swap3A_100] {strides = array<i32>} : memref<5x40x128xf32, #tpu.memory_space<vmem>>, vector<1x1x16xf32>,
    %swap3A_102 = vector.shape_cast %swap3A_101 : vector<1x1x16xf32> to vector<16xf32>
    %swap3A_103 = vector.shape_cast %broadcast_in_dim3A_0 : vector<16xf32> to vector<1x1x16xf32>
    tpu.vector_store %arg6[%swap3A_98, %swap3A_99, %swap3A_100], %swap3A_103 {strides = array<i32>} : memref<5x40x128xf32, #tpu.memory_space<vmem>>, vector<1x1x16xf32>,
    %swap3A_104 = arith.constant 0 : i32
    %swap3A_105 = arith.constant 1 : i32
    %swap3A_106 = arith.index_cast %swap3A_104 : i32 to index
    %swap3A_107 = arith.index_cast %swap3A_105 : i32 to index
    %swap3A_108 = arith.constant 80 : index
    %swap3A_109 = tpu.vector_load %arg6[%swap3A_106, %swap3A_107, %swap3A_108] {strides = array<i32>} : memref<5x40x128xf32, #tpu.memory_space<vmem>>, vector<1x1x16xf32>,
    %swap3A_110 = vector.shape_cast %swap3A_109 : vector<1x1x16xf32> to vector<16xf32>
    %swap3A_111 = vector.shape_cast %broadcast_in_dim3A_0 : vector<16xf32> to vector<1x1x16xf32>
    tpu.vector_store %arg6[%swap3A_106, %swap3A_107, %swap3A_108], %swap3A_111 {strides = array<i32>} : memref<5x40x128xf32, #tpu.memory_space<vmem>>, vector<1x1x16xf32>,
    %swap3A_112 = arith.constant 0 : i32
    %swap3A_113 = arith.constant 1 : i32
    %swap3A_114 = arith.index_cast %swap3A_112 : i32 to index
    %swap3A_115 = arith.index_cast %swap3A_113 : i32 to index
    %swap3A_116 = arith.constant 96 : index
    %swap3A_117 = tpu.vector_load %arg6[%swap3A_114, %swap3A_115, %swap3A_116] {strides = array<i32>} : memref<5x40x128xf32, #tpu.memory_space<vmem>>, vector<1x1x16xf32>,
    %swap3A_118 = vector.shape_cast %swap3A_117 : vector<1x1x16xf32> to vector<16xf32>
    %swap3A_119 = vector.shape_cast %broadcast_in_dim3A_0 : vector<16xf32> to vector<1x1x16xf32>
    tpu.vector_store %arg6[%swap3A_114, %swap3A_115, %swap3A_116], %swap3A_119 {strides = array<i32>} : memref<5x40x128xf32, #tpu.memory_space<vmem>>, vector<1x1x16xf32>,
    %swap3A_120 = arith.constant 0 : i32
    %swap3A_121 = arith.constant 1 : i32
    %swap3A_122 = arith.index_cast %swap3A_120 : i32 to index
    %swap3A_123 = arith.index_cast %swap3A_121 : i32 to index
    %swap3A_124 = arith.constant 112 : index
    %swap3A_125 = tpu.vector_load %arg6[%swap3A_122, %swap3A_123, %swap3A_124] {strides = array<i32>} : memref<5x40x128xf32, #tpu.memory_space<vmem>>, vector<1x1x16xf32>,
    %swap3A_126 = vector.shape_cast %swap3A_125 : vector<1x1x16xf32> to vector<16xf32>
    %swap3A_127 = vector.shape_cast %broadcast_in_dim3A_0 : vector<16xf32> to vector<1x1x16xf32>
    tpu.vector_store %arg6[%swap3A_122, %swap3A_123, %swap3A_124], %swap3A_127 {strides = array<i32>} : memref<5x40x128xf32, #tpu.memory_space<vmem>>, vector<1x1x16xf32>,
    %swap3A_128 = arith.constant 0 : i32
    %swap3A_129 = arith.constant 2 : i32
    %swap3A_130 = arith.index_cast %swap3A_128 : i32 to index
    %swap3A_131 = arith.index_cast %swap3A_129 : i32 to index
    %swap3A_132 = arith.constant 0 : index
    %swap3A_133 = tpu.vector_load %arg6[%swap3A_130, %swap3A_131, %swap3A_132] {strides = array<i32>} : memref<5x40x128xf32, #tpu.memory_space<vmem>>, vector<1x1x16xf32>,
    %swap3A_134 = vector.shape_cast %swap3A_133 : vector<1x1x16xf32> to vector<16xf32>
    %swap3A_135 = vector.shape_cast %broadcast_in_dim3A_0 : vector<16xf32> to vector<1x1x16xf32>
    tpu.vector_store %arg6[%swap3A_130, %swap3A_131, %swap3A_132], %swap3A_135 {strides = array<i32>} : memref<5x40x128xf32, #tpu.memory_space<vmem>>, vector<1x1x16xf32>,
    %swap3A_136 = arith.constant 0 : i32
    %swap3A_137 = arith.constant 2 : i32
    %swap3A_138 = arith.index_cast %swap3A_136 : i32 to index
    %swap3A_139 = arith.index_cast %swap3A_137 : i32 to index
    %swap3A_140 = arith.constant 16 : index
    %swap3A_141 = tpu.vector_load %arg6[%swap3A_138, %swap3A_139, %swap3A_140] {strides = array<i32>} : memref<5x40x128xf32, #tpu.memory_space<vmem>>, vector<1x1x16xf32>,
    %swap3A_142 = vector.shape_cast %swap3A_141 : vector<1x1x16xf32> to vector<16xf32>
    %swap3A_143 = vector.shape_cast %broadcast_in_dim3A_0 : vector<16xf32> to vector<1x1x16xf32>
    tpu.vector_store %arg6[%swap3A_138, %swap3A_139, %swap3A_140], %swap3A_143 {strides = array<i32>} : memref<5x40x128xf32, #tpu.memory_space<vmem>>, vector<1x1x16xf32>,
    %swap3A_144 = arith.constant 0 : i32
    %swap3A_145 = arith.constant 2 : i32
    %swap3A_146 = arith.index_cast %swap3A_144 : i32 to index
    %swap3A_147 = arith.index_cast %swap3A_145 : i32 to index
    %swap3A_148 = arith.constant 32 : index
    %swap3A_149 = tpu.vector_load %arg6[%swap3A_146, %swap3A_147, %swap3A_148] {strides = array<i32>} : memref<5x40x128xf32, #tpu.memory_space<vmem>>, vector<1x1x16xf32>,
    %swap3A_150 = vector.shape_cast %swap3A_149 : vector<1x1x16xf32> to vector<16xf32>
    %swap3A_151 = vector.shape_cast %broadcast_in_dim3A_0 : vector<16xf32> to vector<1x1x16xf32>
    tpu.vector_store %arg6[%swap3A_146, %swap3A_147, %swap3A_148], %swap3A_151 {strides = array<i32>} : memref<5x40x128xf32, #tpu.memory_space<vmem>>, vector<1x1x16xf32>,
    %swap3A_152 = arith.constant 0 : i32
    %swap3A_153 = arith.constant 2 : i32
    %swap3A_154 = arith.index_cast %swap3A_152 : i32 to index
    %swap3A_155 = arith.index_cast %swap3A_153 : i32 to index
    %swap3A_156 = arith.constant 48 : index
    %swap3A_157 = tpu.vector_load %arg6[%swap3A_154, %swap3A_155, %swap3A_156] {strides = array<i32>} : memref<5x40x128xf32, #tpu.memory_space<vmem>>, vector<1x1x16xf32>,
    %swap3A_158 = vector.shape_cast %swap3A_157 : vector<1x1x16xf32> to vector<16xf32>
    %swap3A_159 = vector.shape_cast %broadcast_in_dim3A_0 : vector<16xf32> to vector<1x1x16xf32>
    tpu.vector_store %arg6[%swap3A_154, %swap3A_155, %swap3A_156], %swap3A_159 {strides = array<i32>} : memref<5x40x128xf32, #tpu.memory_space<vmem>>, vector<1x1x16xf32>,
    %swap3A_160 = arith.constant 0 : i32
    %swap3A_161 = arith.constant 2 : i32
    %swap3A_162 = arith.index_cast %swap3A_160 : i32 to index
    %swap3A_163 = arith.index_cast %swap3A_161 : i32 to index
    %swap3A_164 = arith.constant 64 : index
    %swap3A_165 = tpu.vector_load %arg6[%swap3A_162, %swap3A_163, %swap3A_164] {strides = array<i32>} : memref<5x40x128xf32, #tpu.memory_space<vmem>>, vector<1x1x16xf32>,
    %swap3A_166 = vector.shape_cast %swap3A_165 : vector<1x1x16xf32> to vector<16xf32>
    %swap3A_167 = vector.shape_cast %broadcast_in_dim3A_0 : vector<16xf32> to vector<1x1x16xf32>
    tpu.vector_store %arg6[%swap3A_162, %swap3A_163, %swap3A_164], %swap3A_167 {strides = array<i32>} : memref<5x40x128xf32, #tpu.memory_space<vmem>>, vector<1x1x16xf32>,
    %swap3A_168 = arith.constant 0 : i32
    %swap3A_169 = arith.constant 2 : i32
    %swap3A_170 = arith.index_cast %swap3A_168 : i32 to index
    %swap3A_171 = arith.index_cast %swap3A_169 : i32 to index
    %swap3A_172 = arith.constant 80 : index
    %swap3A_173 = tpu.vector_load %arg6[%swap3A_170, %swap3A_171, %swap3A_172] {strides = array<i32>} : memref<5x40x128xf32, #tpu.memory_space<vmem>>, vector<1x1x16xf32>,
    %swap3A_174 = vector.shape_cast %swap3A_173 : vector<1x1x16xf32> to vector<16xf32>
    %swap3A_175 = vector.shape_cast %broadcast_in_dim3A_0 : vector<16xf32> to vector<1x1x16xf32>
    tpu.vector_store %arg6[%swap3A_170, %swap3A_171, %swap3A_172], %swap3A_175 {strides = array<i32>} : memref<5x40x128xf32, #tpu.memory_space<vmem>>, vector<1x1x16xf32>,
    %swap3A_176 = arith.constant 0 : i32
    %swap3A_177 = arith.constant 2 : i32
    %swap3A_178 = arith.index_cast %swap3A_176 : i32 to index
    %swap3A_179 = arith.index_cast %swap3A_177 : i32 to index
    %swap3A_180 = arith.constant 96 : index
    %swap3A_181 = tpu.vector_load %arg6[%swap3A_178, %swap3A_179, %swap3A_180] {strides = array<i32>} : memref<5x40x128xf32, #tpu.memory_space<vmem>>, vector<1x1x16xf32>,
    %swap3A_182 = vector.shape_cast %swap3A_181 : vector<1x1x16xf32> to vector<16xf32>
    %swap3A_183 = vector.shape_cast %broadcast_in_dim3A_0 : vector<16xf32> to vector<1x1x16xf32>
    tpu.vector_store %arg6[%swap3A_178, %swap3A_179, %swap3A_180], %swap3A_183 {strides = array<i32>} : memref<5x40x128xf32, #tpu.memory_space<vmem>>, vector<1x1x16xf32>,
    %swap3A_184 = arith.constant 0 : i32
    %swap3A_185 = arith.constant 2 : i32
    %swap3A_186 = arith.index_cast %swap3A_184 : i32 to index
    %swap3A_187 = arith.index_cast %swap3A_185 : i32 to index
    %swap3A_188 = arith.constant 112 : index
    %swap3A_189 = tpu.vector_load %arg6[%swap3A_186, %swap3A_187, %swap3A_188] {strides = array<i32>} : memref<5x40x128xf32, #tpu.memory_space<vmem>>, vector<1x1x16xf32>,
    %swap3A_190 = vector.shape_cast %swap3A_189 : vector<1x1x16xf32> to vector<16xf32>
    %swap3A_191 = vector.shape_cast %broadcast_in_dim3A_0 : vector<16xf32> to vector<1x1x16xf32>
    tpu.vector_store %arg6[%swap3A_186, %swap3A_187, %swap3A_188], %swap3A_191 {strides = array<i32>} : memref<5x40x128xf32, #tpu.memory_space<vmem>>, vector<1x1x16xf32>,
    %swap3A_192 = arith.constant 0 : i32
    %swap3A_193 = arith.constant 3 : i32
    %swap3A_194 = arith.index_cast %swap3A_192 : i32 to index
    %swap3A_195 = arith.index_cast %swap3A_193 : i32 to index
    %swap3A_196 = arith.constant 0 : index
    %swap3A_197 = tpu.vector_load %arg6[%swap3A_194, %swap3A_195, %swap3A_196] {strides = array<i32>} : memref<5x40x128xf32, #tpu.memory_space<vmem>>, vector<1x1x16xf32>,
    %swap3A_198 = vector.shape_cast %swap3A_197 : vector<1x1x16xf32> to vector<16xf32>
    %swap3A_199 = vector.shape_cast %broadcast_in_dim3A_0 : vector<16xf32> to vector<1x1x16xf32>
    tpu.vector_store %arg6[%swap3A_194, %swap3A_195, %swap3A_196], %swap3A_199 {strides = array<i32>} : memref<5x40x128xf32, #tpu.memory_space<vmem>>, vector<1x1x16xf32>,
    %swap3A_200 = arith.constant 0 : i32
    %swap3A_201 = arith.constant 3 : i32
    %swap3A_202 = arith.index_cast %swap3A_200 : i32 to index
    %swap3A_203 = arith.index_cast %swap3A_201 : i32 to index
    %swap3A_204 = arith.constant 16 : index
    %swap3A_205 = tpu.vector_load %arg6[%swap3A_202, %swap3A_203, %swap3A_204] {strides = array<i32>} : memref<5x40x128xf32, #tpu.memory_space<vmem>>, vector<1x1x16xf32>,
    %swap3A_206 = vector.shape_cast %swap3A_205 : vector<1x1x16xf32> to vector<16xf32>
    %swap3A_207 = vector.shape_cast %broadcast_in_dim3A_0 : vector<16xf32> to vector<1x1x16xf32>
    tpu.vector_store %arg6[%swap3A_202, %swap3A_203, %swap3A_204], %swap3A_207 {strides = array<i32>} : memref<5x40x128xf32, #tpu.memory_space<vmem>>, vector<1x1x16xf32>,
    %swap3A_208 = arith.constant 0 : i32
    %swap3A_209 = arith.constant 3 : i32
    %swap3A_210 = arith.index_cast %swap3A_208 : i32 to index
    %swap3A_211 = arith.index_cast %swap3A_209 : i32 to index
    %swap3A_212 = arith.constant 32 : index
    %swap3A_213 = tpu.vector_load %arg6[%swap3A_210, %swap3A_211, %swap3A_212] {strides = array<i32>} : memref<5x40x128xf32, #tpu.memory_space<vmem>>, vector<1x1x16xf32>,
    %swap3A_214 = vector.shape_cast %swap3A_213 : vector<1x1x16xf32> to vector<16xf32>
    %swap3A_215 = vector.shape_cast %broadcast_in_dim3A_0 : vector<16xf32> to vector<1x1x16xf32>
    tpu.vector_store %arg6[%swap3A_210, %swap3A_211, %swap3A_212], %swap3A_215 {strides = array<i32>} : memref<5x40x128xf32, #tpu.memory_space<vmem>>, vector<1x1x16xf32>,
    %swap3A_216 = arith.constant 0 : i32
    %swap3A_217 = arith.constant 3 : i32
    %swap3A_218 = arith.index_cast %swap3A_216 : i32 to index
    %swap3A_219 = arith.index_cast %swap3A_217 : i32 to index
    %swap3A_220 = arith.constant 48 : index
    %swap3A_221 = tpu.vector_load %arg6[%swap3A_218, %swap3A_219, %swap3A_220] {strides = array<i32>} : memref<5x40x128xf32, #tpu.memory_space<vmem>>, vector<1x1x16xf32>,
    %swap3A_222 = vector.shape_cast %swap3A_221 : vector<1x1x16xf32> to vector<16xf32>
    %swap3A_223 = vector.shape_cast %broadcast_in_dim3A_0 : vector<16xf32> to vector<1x1x16xf32>
    tpu.vector_store %arg6[%swap3A_218, %swap3A_219, %swap3A_220], %swap3A_223 {strides = array<i32>} : memref<5x40x128xf32, #tpu.memory_space<vmem>>, vector<1x1x16xf32>,
    %swap3A_224 = arith.constant 0 : i32
    %swap3A_225 = arith.constant 3 : i32
    %swap3A_226 = arith.index_cast %swap3A_224 : i32 to index
    %swap3A_227 = arith.index_cast %swap3A_225 : i32 to index
    %swap3A_228 = arith.constant 64 : index
    %swap3A_229 = tpu.vector_load %arg6[%swap3A_226, %swap3A_227, %swap3A_228] {strides = array<i32>} : memref<5x40x128xf32, #tpu.memory_space<vmem>>, vector<1x1x16xf32>,
    %swap3A_230 = vector.shape_cast %swap3A_229 : vector<1x1x16xf32> to vector<16xf32>
    %swap3A_231 = vector.shape_cast %broadcast_in_dim3A_0 : vector<16xf32> to vector<1x1x16xf32>
    tpu.vector_store %arg6[%swap3A_226, %swap3A_227, %swap3A_228], %swap3A_231 {strides = array<i32>} : memref<5x40x128xf32, #tpu.memory_space<vmem>>, vector<1x1x16xf32>,
    %swap3A_232 = arith.constant 0 : i32
    %swap3A_233 = arith.constant 3 : i32
    %swap3A_234 = arith.index_cast %swap3A_232 : i32 to index
    %swap3A_235 = arith.index_cast %swap3A_233 : i32 to index
    %swap3A_236 = arith.constant 80 : index
    %swap3A_237 = tpu.vector_load %arg6[%swap3A_234, %swap3A_235, %swap3A_236] {strides = array<i32>} : memref<5x40x128xf32, #tpu.memory_space<vmem>>, vector<1x1x16xf32>,
    %swap3A_238 = vector.shape_cast %swap3A_237 : vector<1x1x16xf32> to vector<16xf32>
    %swap3A_239 = vector.shape_cast %broadcast_in_dim3A_0 : vector<16xf32> to vector<1x1x16xf32>
    tpu.vector_store %arg6[%swap3A_234, %swap3A_235, %swap3A_236], %swap3A_239 {strides = array<i32>} : memref<5x40x128xf32, #tpu.memory_space<vmem>>, vector<1x1x16xf32>,
    %swap3A_240 = arith.constant 0 : i32
    %swap3A_241 = arith.constant 3 : i32
    %swap3A_242 = arith.index_cast %swap3A_240 : i32 to index
    %swap3A_243 = arith.index_cast %swap3A_241 : i32 to index
    %swap3A_244 = arith.constant 96 : index
    %swap3A_245 = tpu.vector_load %arg6[%swap3A_242, %swap3A_243, %swap3A_244] {strides = array<i32>} : memref<5x40x128xf32, #tpu.memory_space<vmem>>, vector<1x1x16xf32>,
    %swap3A_246 = vector.shape_cast %swap3A_245 : vector<1x1x16xf32> to vector<16xf32>
    %swap3A_247 = vector.shape_cast %broadcast_in_dim3A_0 : vector<16xf32> to vector<1x1x16xf32>
    tpu.vector_store %arg6[%swap3A_242, %swap3A_243, %swap3A_244], %swap3A_247 {strides = array<i32>} : memref<5x40x128xf32, #tpu.memory_space<vmem>>, vector<1x1x16xf32>,
    %swap3A_248 = arith.constant 0 : i32
    %swap3A_249 = arith.constant 3 : i32
    %swap3A_250 = arith.index_cast %swap3A_248 : i32 to index
    %swap3A_251 = arith.index_cast %swap3A_249 : i32 to index
    %swap3A_252 = arith.constant 112 : index
    %swap3A_253 = tpu.vector_load %arg6[%swap3A_250, %swap3A_251, %swap3A_252] {strides = array<i32>} : memref<5x40x128xf32, #tpu.memory_space<vmem>>, vector<1x1x16xf32>,
    %swap3A_254 = vector.shape_cast %swap3A_253 : vector<1x1x16xf32> to vector<16xf32>
    %swap3A_255 = vector.shape_cast %broadcast_in_dim3A_0 : vector<16xf32> to vector<1x1x16xf32>
    tpu.vector_store %arg6[%swap3A_250, %swap3A_251, %swap3A_252], %swap3A_255 {strides = array<i32>} : memref<5x40x128xf32, #tpu.memory_space<vmem>>, vector<1x1x16xf32>,
    %swap3A_256 = arith.constant 0 : i32
    %swap3A_257 = arith.constant 4 : i32
    %swap3A_258 = arith.index_cast %swap3A_256 : i32 to index
    %swap3A_259 = arith.index_cast %swap3A_257 : i32 to index
    %swap3A_260 = arith.constant 0 : index
    %swap3A_261 = tpu.vector_load %arg6[%swap3A_258, %swap3A_259, %swap3A_260] {strides = array<i32>} : memref<5x40x128xf32, #tpu.memory_space<vmem>>, vector<1x1x16xf32>,
    %swap3A_262 = vector.shape_cast %swap3A_261 : vector<1x1x16xf32> to vector<16xf32>
    %swap3A_263 = vector.shape_cast %broadcast_in_dim3A_0 : vector<16xf32> to vector<1x1x16xf32>
    tpu.vector_store %arg6[%swap3A_258, %swap3A_259, %swap3A_260], %swap3A_263 {strides = array<i32>} : memref<5x40x128xf32, #tpu.memory_space<vmem>>, vector<1x1x16xf32>,
    %swap3A_264 = arith.constant 0 : i32
    %swap3A_265 = arith.constant 4 : i32
    %swap3A_266 = arith.index_cast %swap3A_264 : i32 to index
    %swap3A_267 = arith.index_cast %swap3A_265 : i32 to index
    %swap3A_268 = arith.constant 16 : index
    %swap3A_269 = tpu.vector_load %arg6[%swap3A_266, %swap3A_267, %swap3A_268] {strides = array<i32>} : memref<5x40x128xf32, #tpu.memory_space<vmem>>, vector<1x1x16xf32>,
    %swap3A_270 = vector.shape_cast %swap3A_269 : vector<1x1x16xf32> to vector<16xf32>
    %swap3A_271 = vector.shape_cast %broadcast_in_dim3A_0 : vector<16xf32> to vector<1x1x16xf32>
    tpu.vector_store %arg6[%swap3A_266, %swap3A_267, %swap3A_268], %swap3A_271 {strides = array<i32>} : memref<5x40x128xf32, #tpu.memory_space<vmem>>, vector<1x1x16xf32>,
    %swap3A_272 = arith.constant 0 : i32
    %swap3A_273 = arith.constant 4 : i32
    %swap3A_274 = arith.index_cast %swap3A_272 : i32 to index
    %swap3A_275 = arith.index_cast %swap3A_273 : i32 to index
    %swap3A_276 = arith.constant 32 : index
    %swap3A_277 = tpu.vector_load %arg6[%swap3A_274, %swap3A_275, %swap3A_276] {strides = array<i32>} : memref<5x40x128xf32, #tpu.memory_space<vmem>>, vector<1x1x16xf32>,
    %swap3A_278 = vector.shape_cast %swap3A_277 : vector<1x1x16xf32> to vector<16xf32>
    %swap3A_279 = vector.shape_cast %broadcast_in_dim3A_0 : vector<16xf32> to vector<1x1x16xf32>
    tpu.vector_store %arg6[%swap3A_274, %swap3A_275, %swap3A_276], %swap3A_279 {strides = array<i32>} : memref<5x40x128xf32, #tpu.memory_space<vmem>>, vector<1x1x16xf32>,
    %swap3A_280 = arith.constant 0 : i32
    %swap3A_281 = arith.constant 4 : i32
    %swap3A_282 = arith.index_cast %swap3A_280 : i32 to index
    %swap3A_283 = arith.index_cast %swap3A_281 : i32 to index
    %swap3A_284 = arith.constant 48 : index
    %swap3A_285 = tpu.vector_load %arg6[%swap3A_282, %swap3A_283, %swap3A_284] {strides = array<i32>} : memref<5x40x128xf32, #tpu.memory_space<vmem>>, vector<1x1x16xf32>,
    %swap3A_286 = vector.shape_cast %swap3A_285 : vector<1x1x16xf32> to vector<16xf32>
    %swap3A_287 = vector.shape_cast %broadcast_in_dim3A_0 : vector<16xf32> to vector<1x1x16xf32>
    tpu.vector_store %arg6[%swap3A_282, %swap3A_283, %swap3A_284], %swap3A_287 {strides = array<i32>} : memref<5x40x128xf32, #tpu.memory_space<vmem>>, vector<1x1x16xf32>,
    %swap3A_288 = arith.constant 0 : i32
    %swap3A_289 = arith.constant 4 : i32
    %swap3A_290 = arith.index_cast %swap3A_288 : i32 to index
    %swap3A_291 = arith.index_cast %swap3A_289 : i32 to index
    %swap3A_292 = arith.constant 64 : index
    %swap3A_293 = tpu.vector_load %arg6[%swap3A_290, %swap3A_291, %swap3A_292] {strides = array<i32>} : memref<5x40x128xf32, #tpu.memory_space<vmem>>, vector<1x1x16xf32>,
    %swap3A_294 = vector.shape_cast %swap3A_293 : vector<1x1x16xf32> to vector<16xf32>
    %swap3A_295 = vector.shape_cast %broadcast_in_dim3A_0 : vector<16xf32> to vector<1x1x16xf32>
    tpu.vector_store %arg6[%swap3A_290, %swap3A_291, %swap3A_292], %swap3A_295 {strides = array<i32>} : memref<5x40x128xf32, #tpu.memory_space<vmem>>, vector<1x1x16xf32>,
    %swap3A_296 = arith.constant 0 : i32
    %swap3A_297 = arith.constant 4 : i32
    %swap3A_298 = arith.index_cast %swap3A_296 : i32 to index
    %swap3A_299 = arith.index_cast %swap3A_297 : i32 to index
    %swap3A_300 = arith.constant 80 : index
    %swap3A_301 = tpu.vector_load %arg6[%swap3A_298, %swap3A_299, %swap3A_300] {strides = array<i32>} : memref<5x40x128xf32, #tpu.memory_space<vmem>>, vector<1x1x16xf32>,
    %swap3A_302 = vector.shape_cast %swap3A_301 : vector<1x1x16xf32> to vector<16xf32>
    %swap3A_303 = vector.shape_cast %broadcast_in_dim3A_0 : vector<16xf32> to vector<1x1x16xf32>
    tpu.vector_store %arg6[%swap3A_298, %swap3A_299, %swap3A_300], %swap3A_303 {strides = array<i32>} : memref<5x40x128xf32, #tpu.memory_space<vmem>>, vector<1x1x16xf32>,
    %swap3A_304 = arith.constant 0 : i32
    %swap3A_305 = arith.constant 4 : i32
    %swap3A_306 = arith.index_cast %swap3A_304 : i32 to index
    %swap3A_307 = arith.index_cast %swap3A_305 : i32 to index
    %swap3A_308 = arith.constant 96 : index
    %swap3A_309 = tpu.vector_load %arg6[%swap3A_306, %swap3A_307, %swap3A_308] {strides = array<i32>} : memref<5x40x128xf32, #tpu.memory_space<vmem>>, vector<1x1x16xf32>,
    %swap3A_310 = vector.shape_cast %swap3A_309 : vector<1x1x16xf32> to vector<16xf32>
    %swap3A_311 = vector.shape_cast %broadcast_in_dim3A_0 : vector<16xf32> to vector<1x1x16xf32>
    tpu.vector_store %arg6[%swap3A_306, %swap3A_307, %swap3A_308], %swap3A_311 {strides = array<i32>} : memref<5x40x128xf32, #tpu.memory_space<vmem>>, vector<1x1x16xf32>,
    %swap3A_312 = arith.constant 0 : i32
    %swap3A_313 = arith.constant 4 : i32
    %swap3A_314 = arith.index_cast %swap3A_312 : i32 to index
    %swap3A_315 = arith.index_cast %swap3A_313 : i32 to index
    %swap3A_316 = arith.constant 112 : index
    %swap3A_317 = tpu.vector_load %arg6[%swap3A_314, %swap3A_315, %swap3A_316] {strides = array<i32>} : memref<5x40x128xf32, #tpu.memory_space<vmem>>, vector<1x1x16xf32>,
    %swap3A_318 = vector.shape_cast %swap3A_317 : vector<1x1x16xf32> to vector<16xf32>
    %swap3A_319 = vector.shape_cast %broadcast_in_dim3A_0 : vector<16xf32> to vector<1x1x16xf32>
    tpu.vector_store %arg6[%swap3A_314, %swap3A_315, %swap3A_316], %swap3A_319 {strides = array<i32>} : memref<5x40x128xf32, #tpu.memory_space<vmem>>, vector<1x1x16xf32>,
    %swap3A_320 = arith.constant 0 : i32
    %swap3A_321 = arith.constant 5 : i32
    %swap3A_322 = arith.index_cast %swap3A_320 : i32 to index
    %swap3A_323 = arith.index_cast %swap3A_321 : i32 to index
    %swap3A_324 = arith.constant 0 : index
    %swap3A_325 = tpu.vector_load %arg6[%swap3A_322, %swap3A_323, %swap3A_324] {strides = array<i32>} : memref<5x40x128xf32, #tpu.memory_space<vmem>>, vector<1x1x16xf32>,
    %swap3A_326 = vector.shape_cast %swap3A_325 : vector<1x1x16xf32> to vector<16xf32>
    %swap3A_327 = vector.shape_cast %broadcast_in_dim3A_0 : vector<16xf32> to vector<1x1x16xf32>
    tpu.vector_store %arg6[%swap3A_322, %swap3A_323, %swap3A_324], %swap3A_327 {strides = array<i32>} : memref<5x40x128xf32, #tpu.memory_space<vmem>>, vector<1x1x16xf32>,
    %swap3A_328 = arith.constant 0 : i32
    %swap3A_329 = arith.constant 5 : i32
    %swap3A_330 = arith.index_cast %swap3A_328 : i32 to index
    %swap3A_331 = arith.index_cast %swap3A_329 : i32 to index
    %swap3A_332 = arith.constant 16 : index
    %swap3A_333 = tpu.vector_load %arg6[%swap3A_330, %swap3A_331, %swap3A_332] {strides = array<i32>} : memref<5x40x128xf32, #tpu.memory_space<vmem>>, vector<1x1x16xf32>,
    %swap3A_334 = vector.shape_cast %swap3A_333 : vector<1x1x16xf32> to vector<16xf32>
    %swap3A_335 = vector.shape_cast %broadcast_in_dim3A_0 : vector<16xf32> to vector<1x1x16xf32>
    tpu.vector_store %arg6[%swap3A_330, %swap3A_331, %swap3A_332], %swap3A_335 {strides = array<i32>} : memref<5x40x128xf32, #tpu.memory_space<vmem>>, vector<1x1x16xf32>,
    %swap3A_336 = arith.constant 0 : i32
    %swap3A_337 = arith.constant 5 : i32
    %swap3A_338 = arith.index_cast %swap3A_336 : i32 to index
    %swap3A_339 = arith.index_cast %swap3A_337 : i32 to index
    %swap3A_340 = arith.constant 32 : index
    %swap3A_341 = tpu.vector_load %arg6[%swap3A_338, %swap3A_339, %swap3A_340] {strides = array<i32>} : memref<5x40x128xf32, #tpu.memory_space<vmem>>, vector<1x1x16xf32>,
    %swap3A_342 = vector.shape_cast %swap3A_341 : vector<1x1x16xf32> to vector<16xf32>
    %swap3A_343 = vector.shape_cast %broadcast_in_dim3A_0 : vector<16xf32> to vector<1x1x16xf32>
    tpu.vector_store %arg6[%swap3A_338, %swap3A_339, %swap3A_340], %swap3A_343 {strides = array<i32>} : memref<5x40x128xf32, #tpu.memory_space<vmem>>, vector<1x1x16xf32>,
    %swap3A_344 = arith.constant 0 : i32
    %swap3A_345 = arith.constant 5 : i32
    %swap3A_346 = arith.index_cast %swap3A_344 : i32 to index
    %swap3A_347 = arith.index_cast %swap3A_345 : i32 to index
    %swap3A_348 = arith.constant 48 : index
    %swap3A_349 = tpu.vector_load %arg6[%swap3A_346, %swap3A_347, %swap3A_348] {strides = array<i32>} : memref<5x40x128xf32, #tpu.memory_space<vmem>>, vector<1x1x16xf32>,
    %swap3A_350 = vector.shape_cast %swap3A_349 : vector<1x1x16xf32> to vector<16xf32>
    %swap3A_351 = vector.shape_cast %broadcast_in_dim3A_0 : vector<16xf32> to vector<1x1x16xf32>
    tpu.vector_store %arg6[%swap3A_346, %swap3A_347, %swap3A_348], %swap3A_351 {strides = array<i32>} : memref<5x40x128xf32, #tpu.memory_space<vmem>>, vector<1x1x16xf32>,
    %swap3A_352 = arith.constant 0 : i32
    %swap3A_353 = arith.constant 5 : i32
    %swap3A_354 = arith.index_cast %swap3A_352 : i32 to index
    %swap3A_355 = arith.index_cast %swap3A_353 : i32 to index
    %swap3A_356 = arith.constant 64 : index
    %swap3A_357 = tpu.vector_load %arg6[%swap3A_354, %swap3A_355, %swap3A_356] {strides = array<i32>} : memref<5x40x128xf32, #tpu.memory_space<vmem>>, vector<1x1x16xf32>,
    %swap3A_358 = vector.shape_cast %swap3A_357 : vector<1x1x16xf32> to vector<16xf32>
    %swap3A_359 = vector.shape_cast %broadcast_in_dim3A_0 : vector<16xf32> to vector<1x1x16xf32>
    tpu.vector_store %arg6[%swap3A_354, %swap3A_355, %swap3A_356], %swap3A_359 {strides = array<i32>} : memref<5x40x128xf32, #tpu.memory_space<vmem>>, vector<1x1x16xf32>,
    %swap3A_360 = arith.constant 0 : i32
    %swap3A_361 = arith.constant 5 : i32
    %swap3A_362 = arith.index_cast %swap3A_360 : i32 to index
    %swap3A_363 = arith.index_cast %swap3A_361 : i32 to index
    %swap3A_364 = arith.constant 80 : index
    %swap3A_365 = tpu.vector_load %arg6[%swap3A_362, %swap3A_363, %swap3A_364] {strides = array<i32>} : memref<5x40x128xf32, #tpu.memory_space<vmem>>, vector<1x1x16xf32>,
    %swap3A_366 = vector.shape_cast %swap3A_365 : vector<1x1x16xf32> to vector<16xf32>
    %swap3A_367 = vector.shape_cast %broadcast_in_dim3A_0 : vector<16xf32> to vector<1x1x16xf32>
    tpu.vector_store %arg6[%swap3A_362, %swap3A_363, %swap3A_364], %swap3A_367 {strides = array<i32>} : memref<5x40x128xf32, #tpu.memory_space<vmem>>, vector<1x1x16xf32>,
    %swap3A_368 = arith.constant 0 : i32
    %swap3A_369 = arith.constant 5 : i32
    %swap3A_370 = arith.index_cast %swap3A_368 : i32 to index
    %swap3A_371 = arith.index_cast %swap3A_369 : i32 to index
    %swap3A_372 = arith.constant 96 : index
    %swap3A_373 = tpu.vector_load %arg6[%swap3A_370, %swap3A_371, %swap3A_372] {strides = array<i32>} : memref<5x40x128xf32, #tpu.memory_space<vmem>>, vector<1x1x16xf32>,
    %swap3A_374 = vector.shape_cast %swap3A_373 : vector<1x1x16xf32> to vector<16xf32>
    %swap3A_375 = vector.shape_cast %broadcast_in_dim3A_0 : vector<16xf32> to vector<1x1x16xf32>
    tpu.vector_store %arg6[%swap3A_370, %swap3A_371, %swap3A_372], %swap3A_375 {strides = array<i32>} : memref<5x40x128xf32, #tpu.memory_space<vmem>>, vector<1x1x16xf32>,
    %swap3A_376 = arith.constant 0 : i32
    %swap3A_377 = arith.constant 5 : i32
    %swap3A_378 = arith.index_cast %swap3A_376 : i32 to index
    %swap3A_379 = arith.index_cast %swap3A_377 : i32 to index
    %swap3A_380 = arith.constant 112 : index
    %swap3A_381 = tpu.vector_load %arg6[%swap3A_378, %swap3A_379, %swap3A_380] {strides = array<i32>} : memref<5x40x128xf32, #tpu.memory_space<vmem>>, vector<1x1x16xf32>,
    %swap3A_382 = vector.shape_cast %swap3A_381 : vector<1x1x16xf32> to vector<16xf32>
    %swap3A_383 = vector.shape_cast %broadcast_in_dim3A_0 : vector<16xf32> to vector<1x1x16xf32>
    tpu.vector_store %arg6[%swap3A_378, %swap3A_379, %swap3A_380], %swap3A_383 {strides = array<i32>} : memref<5x40x128xf32, #tpu.memory_space<vmem>>, vector<1x1x16xf32>,
    %swap3A_384 = arith.constant 0 : i32
    %swap3A_385 = arith.constant 6 : i32
    %swap3A_386 = arith.index_cast %swap3A_384 : i32 to index
    %swap3A_387 = arith.index_cast %swap3A_385 : i32 to index
    %swap3A_388 = arith.constant 0 : index
    %swap3A_389 = tpu.vector_load %arg6[%swap3A_386, %swap3A_387, %swap3A_388] {strides = array<i32>} : memref<5x40x128xf32, #tpu.memory_space<vmem>>, vector<1x1x16xf32>,
    %swap3A_390 = vector.shape_cast %swap3A_389 : vector<1x1x16xf32> to vector<16xf32>
    %swap3A_391 = vector.shape_cast %broadcast_in_dim3A_0 : vector<16xf32> to vector<1x1x16xf32>
    tpu.vector_store %arg6[%swap3A_386, %swap3A_387, %swap3A_388], %swap3A_391 {strides = array<i32>} : memref<5x40x128xf32, #tpu.memory_space<vmem>>, vector<1x1x16xf32>,
    %swap3A_392 = arith.constant 0 : i32
    %swap3A_393 = arith.constant 6 : i32
    %swap3A_394 = arith.index_cast %swap3A_392 : i32 to index
    %swap3A_395 = arith.index_cast %swap3A_393 : i32 to index
    %swap3A_396 = arith.constant 16 : index
    %swap3A_397 = tpu.vector_load %arg6[%swap3A_394, %swap3A_395, %swap3A_396] {strides = array<i32>} : memref<5x40x128xf32, #tpu.memory_space<vmem>>, vector<1x1x16xf32>,
    %swap3A_398 = vector.shape_cast %swap3A_397 : vector<1x1x16xf32> to vector<16xf32>
    %swap3A_399 = vector.shape_cast %broadcast_in_dim3A_0 : vector<16xf32> to vector<1x1x16xf32>
    tpu.vector_store %arg6[%swap3A_394, %swap3A_395, %swap3A_396], %swap3A_399 {strides = array<i32>} : memref<5x40x128xf32, #tpu.memory_space<vmem>>, vector<1x1x16xf32>,
    %swap3A_400 = arith.constant 0 : i32
    %swap3A_401 = arith.constant 6 : i32
    %swap3A_402 = arith.index_cast %swap3A_400 : i32 to index
    %swap3A_403 = arith.index_cast %swap3A_401 : i32 to index
    %swap3A_404 = arith.constant 32 : index
    %swap3A_405 = tpu.vector_load %arg6[%swap3A_402, %swap3A_403, %swap3A_404] {strides = array<i32>} : memref<5x40x128xf32, #tpu.memory_space<vmem>>, vector<1x1x16xf32>,
    %swap3A_406 = vector.shape_cast %swap3A_405 : vector<1x1x16xf32> to vector<16xf32>
    %swap3A_407 = vector.shape_cast %broadcast_in_dim3A_0 : vector<16xf32> to vector<1x1x16xf32>
    tpu.vector_store %arg6[%swap3A_402, %swap3A_403, %swap3A_404], %swap3A_407 {strides = array<i32>} : memref<5x40x128xf32, #tpu.memory_space<vmem>>, vector<1x1x16xf32>,
    %swap3A_408 = arith.constant 0 : i32
    %swap3A_409 = arith.constant 6 : i32
    %swap3A_410 = arith.index_cast %swap3A_408 : i32 to index
    %swap3A_411 = arith.index_cast %swap3A_409 : i32 to index
    %swap3A_412 = arith.constant 48 : index
    %swap3A_413 = tpu.vector_load %arg6[%swap3A_410, %swap3A_411, %swap3A_412] {strides = array<i32>} : memref<5x40x128xf32, #tpu.memory_space<vmem>>, vector<1x1x16xf32>,
    %swap3A_414 = vector.shape_cast %swap3A_413 : vector<1x1x16xf32> to vector<16xf32>
    %swap3A_415 = vector.shape_cast %broadcast_in_dim3A_0 : vector<16xf32> to vector<1x1x16xf32>
    tpu.vector_store %arg6[%swap3A_410, %swap3A_411, %swap3A_412], %swap3A_415 {strides = array<i32>} : memref<5x40x128xf32, #tpu.memory_space<vmem>>, vector<1x1x16xf32>,
    %swap3A_416 = arith.constant 0 : i32
    %swap3A_417 = arith.constant 6 : i32
    %swap3A_418 = arith.index_cast %swap3A_416 : i32 to index
    %swap3A_419 = arith.index_cast %swap3A_417 : i32 to index
    %swap3A_420 = arith.constant 64 : index
    %swap3A_421 = tpu.vector_load %arg6[%swap3A_418, %swap3A_419, %swap3A_420] {strides = array<i32>} : memref<5x40x128xf32, #tpu.memory_space<vmem>>, vector<1x1x16xf32>,
    %swap3A_422 = vector.shape_cast %swap3A_421 : vector<1x1x16xf32> to vector<16xf32>
    %swap3A_423 = vector.shape_cast %broadcast_in_dim3A_0 : vector<16xf32> to vector<1x1x16xf32>
    tpu.vector_store %arg6[%swap3A_418, %swap3A_419, %swap3A_420], %swap3A_423 {strides = array<i32>} : memref<5x40x128xf32, #tpu.memory_space<vmem>>, vector<1x1x16xf32>,
    %swap3A_424 = arith.constant 0 : i32
    %swap3A_425 = arith.constant 6 : i32
    %swap3A_426 = arith.index_cast %swap3A_424 : i32 to index
    %swap3A_427 = arith.index_cast %swap3A_425 : i32 to index
    %swap3A_428 = arith.constant 80 : index
    %swap3A_429 = tpu.vector_load %arg6[%swap3A_426, %swap3A_427, %swap3A_428] {strides = array<i32>} : memref<5x40x128xf32, #tpu.memory_space<vmem>>, vector<1x1x16xf32>,
    %swap3A_430 = vector.shape_cast %swap3A_429 : vector<1x1x16xf32> to vector<16xf32>
    %swap3A_431 = vector.shape_cast %broadcast_in_dim3A_0 : vector<16xf32> to vector<1x1x16xf32>
    tpu.vector_store %arg6[%swap3A_426, %swap3A_427, %swap3A_428], %swap3A_431 {strides = array<i32>} : memref<5x40x128xf32, #tpu.memory_space<vmem>>, vector<1x1x16xf32>,
    %swap3A_432 = arith.constant 0 : i32
    %swap3A_433 = arith.constant 6 : i32
    %swap3A_434 = arith.index_cast %swap3A_432 : i32 to index
    %swap3A_435 = arith.index_cast %swap3A_433 : i32 to index
    %swap3A_436 = arith.constant 96 : index
    %swap3A_437 = tpu.vector_load %arg6[%swap3A_434, %swap3A_435, %swap3A_436] {strides = array<i32>} : memref<5x40x128xf32, #tpu.memory_space<vmem>>, vector<1x1x16xf32>,
    %swap3A_438 = vector.shape_cast %swap3A_437 : vector<1x1x16xf32> to vector<16xf32>
    %swap3A_439 = vector.shape_cast %broadcast_in_dim3A_0 : vector<16xf32> to vector<1x1x16xf32>
    tpu.vector_store %arg6[%swap3A_434, %swap3A_435, %swap3A_436], %swap3A_439 {strides = array<i32>} : memref<5x40x128xf32, #tpu.memory_space<vmem>>, vector<1x1x16xf32>,
    %swap3A_440 = arith.constant 0 : i32
    %swap3A_441 = arith.constant 6 : i32
    %swap3A_442 = arith.index_cast %swap3A_440 : i32 to index
    %swap3A_443 = arith.index_cast %swap3A_441 : i32 to index
    %swap3A_444 = arith.constant 112 : index
    %swap3A_445 = tpu.vector_load %arg6[%swap3A_442, %swap3A_443, %swap3A_444] {strides = array<i32>} : memref<5x40x128xf32, #tpu.memory_space<vmem>>, vector<1x1x16xf32>,
    %swap3A_446 = vector.shape_cast %swap3A_445 : vector<1x1x16xf32> to vector<16xf32>
    %swap3A_447 = vector.shape_cast %broadcast_in_dim3A_0 : vector<16xf32> to vector<1x1x16xf32>
    tpu.vector_store %arg6[%swap3A_442, %swap3A_443, %swap3A_444], %swap3A_447 {strides = array<i32>} : memref<5x40x128xf32, #tpu.memory_space<vmem>>, vector<1x1x16xf32>,
    %swap3A_448 = arith.constant 0 : i32
    %swap3A_449 = arith.constant 7 : i32
    %swap3A_450 = arith.index_cast %swap3A_448 : i32 to index
    %swap3A_451 = arith.index_cast %swap3A_449 : i32 to index
    %swap3A_452 = arith.constant 0 : index
    %swap3A_453 = tpu.vector_load %arg6[%swap3A_450, %swap3A_451, %swap3A_452] {strides = array<i32>} : memref<5x40x128xf32, #tpu.memory_space<vmem>>, vector<1x1x16xf32>,
    %swap3A_454 = vector.shape_cast %swap3A_453 : vector<1x1x16xf32> to vector<16xf32>
    %swap3A_455 = vector.shape_cast %broadcast_in_dim3A_0 : vector<16xf32> to vector<1x1x16xf32>
    tpu.vector_store %arg6[%swap3A_450, %swap3A_451, %swap3A_452], %swap3A_455 {strides = array<i32>} : memref<5x40x128xf32, #tpu.memory_space<vmem>>, vector<1x1x16xf32>,
    %swap3A_456 = arith.constant 0 : i32
    %swap3A_457 = arith.constant 7 : i32
    %swap3A_458 = arith.index_cast %swap3A_456 : i32 to index
    %swap3A_459 = arith.index_cast %swap3A_457 : i32 to index
    %swap3A_460 = arith.constant 16 : index
    %swap3A_461 = tpu.vector_load %arg6[%swap3A_458, %swap3A_459, %swap3A_460] {strides = array<i32>} : memref<5x40x128xf32, #tpu.memory_space<vmem>>, vector<1x1x16xf32>,
    %swap3A_462 = vector.shape_cast %swap3A_461 : vector<1x1x16xf32> to vector<16xf32>
    %swap3A_463 = vector.shape_cast %broadcast_in_dim3A_0 : vector<16xf32> to vector<1x1x16xf32>
    tpu.vector_store %arg6[%swap3A_458, %swap3A_459, %swap3A_460], %swap3A_463 {strides = array<i32>} : memref<5x40x128xf32, #tpu.memory_space<vmem>>, vector<1x1x16xf32>,
    %swap3A_464 = arith.constant 0 : i32
    %swap3A_465 = arith.constant 7 : i32
    %swap3A_466 = arith.index_cast %swap3A_464 : i32 to index
    %swap3A_467 = arith.index_cast %swap3A_465 : i32 to index
    %swap3A_468 = arith.constant 32 : index
    %swap3A_469 = tpu.vector_load %arg6[%swap3A_466, %swap3A_467, %swap3A_468] {strides = array<i32>} : memref<5x40x128xf32, #tpu.memory_space<vmem>>, vector<1x1x16xf32>,
    %swap3A_470 = vector.shape_cast %swap3A_469 : vector<1x1x16xf32> to vector<16xf32>
    %swap3A_471 = vector.shape_cast %broadcast_in_dim3A_0 : vector<16xf32> to vector<1x1x16xf32>
    tpu.vector_store %arg6[%swap3A_466, %swap3A_467, %swap3A_468], %swap3A_471 {strides = array<i32>} : memref<5x40x128xf32, #tpu.memory_space<vmem>>, vector<1x1x16xf32>,
    %swap3A_472 = arith.constant 0 : i32
    %swap3A_473 = arith.constant 7 : i32
    %swap3A_474 = arith.index_cast %swap3A_472 : i32 to index
    %swap3A_475 = arith.index_cast %swap3A_473 : i32 to index
    %swap3A_476 = arith.constant 48 : index
    %swap3A_477 = tpu.vector_load %arg6[%swap3A_474, %swap3A_475, %swap3A_476] {strides = array<i32>} : memref<5x40x128xf32, #tpu.memory_space<vmem>>, vector<1x1x16xf32>,
    %swap3A_478 = vector.shape_cast %swap3A_477 : vector<1x1x16xf32> to vector<16xf32>
    %swap3A_479 = vector.shape_cast %broadcast_in_dim3A_0 : vector<16xf32> to vector<1x1x16xf32>
    tpu.vector_store %arg6[%swap3A_474, %swap3A_475, %swap3A_476], %swap3A_479 {strides = array<i32>} : memref<5x40x128xf32, #tpu.memory_space<vmem>>, vector<1x1x16xf32>,
    %swap3A_480 = arith.constant 0 : i32
    %swap3A_481 = arith.constant 7 : i32
    %swap3A_482 = arith.index_cast %swap3A_480 : i32 to index
    %swap3A_483 = arith.index_cast %swap3A_481 : i32 to index
    %swap3A_484 = arith.constant 64 : index
    %swap3A_485 = tpu.vector_load %arg6[%swap3A_482, %swap3A_483, %swap3A_484] {strides = array<i32>} : memref<5x40x128xf32, #tpu.memory_space<vmem>>, vector<1x1x16xf32>,
    %swap3A_486 = vector.shape_cast %swap3A_485 : vector<1x1x16xf32> to vector<16xf32>
    %swap3A_487 = vector.shape_cast %broadcast_in_dim3A_0 : vector<16xf32> to vector<1x1x16xf32>
    tpu.vector_store %arg6[%swap3A_482, %swap3A_483, %swap3A_484], %swap3A_487 {strides = array<i32>} : memref<5x40x128xf32, #tpu.memory_space<vmem>>, vector<1x1x16xf32>,
    %swap3A_488 = arith.constant 0 : i32
    %swap3A_489 = arith.constant 7 : i32
    %swap3A_490 = arith.index_cast %swap3A_488 : i32 to index
    %swap3A_491 = arith.index_cast %swap3A_489 : i32 to index
    %swap3A_492 = arith.constant 80 : index
    %swap3A_493 = tpu.vector_load %arg6[%swap3A_490, %swap3A_491, %swap3A_492] {strides = array<i32>} : memref<5x40x128xf32, #tpu.memory_space<vmem>>, vector<1x1x16xf32>,
    %swap3A_494 = vector.shape_cast %swap3A_493 : vector<1x1x16xf32> to vector<16xf32>
    %swap3A_495 = vector.shape_cast %broadcast_in_dim3A_0 : vector<16xf32> to vector<1x1x16xf32>
    tpu.vector_store %arg6[%swap3A_490, %swap3A_491, %swap3A_492], %swap3A_495 {strides = array<i32>} : memref<5x40x128xf32, #tpu.memory_space<vmem>>, vector<1x1x16xf32>,
    %swap3A_496 = arith.constant 0 : i32
    %swap3A_497 = arith.constant 7 : i32
    %swap3A_498 = arith.index_cast %swap3A_496 : i32 to index
    %swap3A_499 = arith.index_cast %swap3A_497 : i32 to index
    %swap3A_500 = arith.constant 96 : index
    %swap3A_501 = tpu.vector_load %arg6[%swap3A_498, %swap3A_499, %swap3A_500] {strides = array<i32>} : memref<5x40x128xf32, #tpu.memory_space<vmem>>, vector<1x1x16xf32>,
    %swap3A_502 = vector.shape_cast %swap3A_501 : vector<1x1x16xf32> to vector<16xf32>
    %swap3A_503 = vector.shape_cast %broadcast_in_dim3A_0 : vector<16xf32> to vector<1x1x16xf32>
    tpu.vector_store %arg6[%swap3A_498, %swap3A_499, %swap3A_500], %swap3A_503 {strides = array<i32>} : memref<5x40x128xf32, #tpu.memory_space<vmem>>, vector<1x1x16xf32>,
    %swap3A_504 = arith.constant 0 : i32
    %swap3A_505 = arith.constant 7 : i32
    %swap3A_506 = arith.index_cast %swap3A_504 : i32 to index
    %swap3A_507 = arith.index_cast %swap3A_505 : i32 to index
    %swap3A_508 = arith.constant 112 : index
    %swap3A_509 = tpu.vector_load %arg6[%swap3A_506, %swap3A_507, %swap3A_508] {strides = array<i32>} : memref<5x40x128xf32, #tpu.memory_space<vmem>>, vector<1x1x16xf32>,
    %swap3A_510 = vector.shape_cast %swap3A_509 : vector<1x1x16xf32> to vector<16xf32>
    %swap3A_511 = vector.shape_cast %broadcast_in_dim3A_0 : vector<16xf32> to vector<1x1x16xf32>
    tpu.vector_store %arg6[%swap3A_506, %swap3A_507, %swap3A_508], %swap3A_511 {strides = array<i32>} : memref<5x40x128xf32, #tpu.memory_space<vmem>>, vector<1x1x16xf32>,
    %swap3A_512 = arith.constant 0 : i32
    %swap3A_513 = arith.constant 8 : i32
    %swap3A_514 = arith.index_cast %swap3A_512 : i32 to index
    %swap3A_515 = arith.index_cast %swap3A_513 : i32 to index
    %swap3A_516 = arith.constant 0 : index
    %swap3A_517 = tpu.vector_load %arg6[%swap3A_514, %swap3A_515, %swap3A_516] {strides = array<i32>} : memref<5x40x128xf32, #tpu.memory_space<vmem>>, vector<1x1x16xf32>,
    %swap3A_518 = vector.shape_cast %swap3A_517 : vector<1x1x16xf32> to vector<16xf32>
    %swap3A_519 = vector.shape_cast %broadcast_in_dim3A_0 : vector<16xf32> to vector<1x1x16xf32>
    tpu.vector_store %arg6[%swap3A_514, %swap3A_515, %swap3A_516], %swap3A_519 {strides = array<i32>} : memref<5x40x128xf32, #tpu.memory_space<vmem>>, vector<1x1x16xf32>,
    %swap3A_520 = arith.constant 0 : i32
    %swap3A_521 = arith.constant 8 : i32
    %swap3A_522 = arith.index_cast %swap3A_520 : i32 to index
    %swap3A_523 = arith.index_cast %swap3A_521 : i32 to index
    %swap3A_524 = arith.constant 16 : index
    %swap3A_525 = tpu.vector_load %arg6[%swap3A_522, %swap3A_523, %swap3A_524] {strides = array<i32>} : memref<5x40x128xf32, #tpu.memory_space<vmem>>, vector<1x1x16xf32>,
    %swap3A_526 = vector.shape_cast %swap3A_525 : vector<1x1x16xf32> to vector<16xf32>
    %swap3A_527 = vector.shape_cast %broadcast_in_dim3A_0 : vector<16xf32> to vector<1x1x16xf32>
    tpu.vector_store %arg6[%swap3A_522, %swap3A_523, %swap3A_524], %swap3A_527 {strides = array<i32>} : memref<5x40x128xf32, #tpu.memory_space<vmem>>, vector<1x1x16xf32>,
    %swap3A_528 = arith.constant 0 : i32
    %swap3A_529 = arith.constant 8 : i32
    %swap3A_530 = arith.index_cast %swap3A_528 : i32 to index
    %swap3A_531 = arith.index_cast %swap3A_529 : i32 to index
    %swap3A_532 = arith.constant 32 : index
    %swap3A_533 = tpu.vector_load %arg6[%swap3A_530, %swap3A_531, %swap3A_532] {strides = array<i32>} : memref<5x40x128xf32, #tpu.memory_space<vmem>>, vector<1x1x16xf32>,
    %swap3A_534 = vector.shape_cast %swap3A_533 : vector<1x1x16xf32> to vector<16xf32>
    %swap3A_535 = vector.shape_cast %broadcast_in_dim3A_0 : vector<16xf32> to vector<1x1x16xf32>
    tpu.vector_store %arg6[%swap3A_530, %swap3A_531, %swap3A_532], %swap3A_535 {strides = array<i32>} : memref<5x40x128xf32, #tpu.memory_space<vmem>>, vector<1x1x16xf32>,
    %swap3A_536 = arith.constant 0 : i32
    %swap3A_537 = arith.constant 8 : i32
    %swap3A_538 = arith.index_cast %swap3A_536 : i32 to index
    %swap3A_539 = arith.index_cast %swap3A_537 : i32 to index
    %swap3A_540 = arith.constant 48 : index
    %swap3A_541 = tpu.vector_load %arg6[%swap3A_538, %swap3A_539, %swap3A_540] {strides = array<i32>} : memref<5x40x128xf32, #tpu.memory_space<vmem>>, vector<1x1x16xf32>,
    %swap3A_542 = vector.shape_cast %swap3A_541 : vector<1x1x16xf32> to vector<16xf32>
    %swap3A_543 = vector.shape_cast %broadcast_in_dim3A_0 : vector<16xf32> to vector<1x1x16xf32>
    tpu.vector_store %arg6[%swap3A_538, %swap3A_539, %swap3A_540], %swap3A_543 {strides = array<i32>} : memref<5x40x128xf32, #tpu.memory_space<vmem>>, vector<1x1x16xf32>,
    %swap3A_544 = arith.constant 0 : i32
    %swap3A_545 = arith.constant 8 : i32
    %swap3A_546 = arith.index_cast %swap3A_544 : i32 to index
    %swap3A_547 = arith.index_cast %swap3A_545 : i32 to index
    %swap3A_548 = arith.constant 64 : index
    %swap3A_549 = tpu.vector_load %arg6[%swap3A_546, %swap3A_547, %swap3A_548] {strides = array<i32>} : memref<5x40x128xf32, #tpu.memory_space<vmem>>, vector<1x1x16xf32>,
    %swap3A_550 = vector.shape_cast %swap3A_549 : vector<1x1x16xf32> to vector<16xf32>
    %swap3A_551 = vector.shape_cast %broadcast_in_dim3A_0 : vector<16xf32> to vector<1x1x16xf32>
    tpu.vector_store %arg6[%swap3A_546, %swap3A_547, %swap3A_548], %swap3A_551 {strides = array<i32>} : memref<5x40x128xf32, #tpu.memory_space<vmem>>, vector<1x1x16xf32>,
    %swap3A_552 = arith.constant 0 : i32
    %swap3A_553 = arith.constant 8 : i32
    %swap3A_554 = arith.index_cast %swap3A_552 : i32 to index
    %swap3A_555 = arith.index_cast %swap3A_553 : i32 to index
    %swap3A_556 = arith.constant 80 : index
    %swap3A_557 = tpu.vector_load %arg6[%swap3A_554, %swap3A_555, %swap3A_556] {strides = array<i32>} : memref<5x40x128xf32, #tpu.memory_space<vmem>>, vector<1x1x16xf32>,
    %swap3A_558 = vector.shape_cast %swap3A_557 : vector<1x1x16xf32> to vector<16xf32>
    %swap3A_559 = vector.shape_cast %broadcast_in_dim3A_0 : vector<16xf32> to vector<1x1x16xf32>
    tpu.vector_store %arg6[%swap3A_554, %swap3A_555, %swap3A_556], %swap3A_559 {strides = array<i32>} : memref<5x40x128xf32, #tpu.memory_space<vmem>>, vector<1x1x16xf32>,
    %swap3A_560 = arith.constant 0 : i32
    %swap3A_561 = arith.constant 8 : i32
    %swap3A_562 = arith.index_cast %swap3A_560 : i32 to index
    %swap3A_563 = arith.index_cast %swap3A_561 : i32 to index
    %swap3A_564 = arith.constant 96 : index
    %swap3A_565 = tpu.vector_load %arg6[%swap3A_562, %swap3A_563, %swap3A_564] {strides = array<i32>} : memref<5x40x128xf32, #tpu.memory_space<vmem>>, vector<1x1x16xf32>,
    %swap3A_566 = vector.shape_cast %swap3A_565 : vector<1x1x16xf32> to vector<16xf32>
    %swap3A_567 = vector.shape_cast %broadcast_in_dim3A_0 : vector<16xf32> to vector<1x1x16xf32>
    tpu.vector_store %arg6[%swap3A_562, %swap3A_563, %swap3A_564], %swap3A_567 {strides = array<i32>} : memref<5x40x128xf32, #tpu.memory_space<vmem>>, vector<1x1x16xf32>,
    %swap3A_568 = arith.constant 0 : i32
    %swap3A_569 = arith.constant 8 : i32
    %swap3A_570 = arith.index_cast %swap3A_568 : i32 to index
    %swap3A_571 = arith.index_cast %swap3A_569 : i32 to index
    %swap3A_572 = arith.constant 112 : index
    %swap3A_573 = tpu.vector_load %arg6[%swap3A_570, %swap3A_571, %swap3A_572] {strides = array<i32>} : memref<5x40x128xf32, #tpu.memory_space<vmem>>, vector<1x1x16xf32>,
    %swap3A_574 = vector.shape_cast %swap3A_573 : vector<1x1x16xf32> to vector<16xf32>
    %swap3A_575 = vector.shape_cast %broadcast_in_dim3A_0 : vector<16xf32> to vector<1x1x16xf32>
    tpu.vector_store %arg6[%swap3A_570, %swap3A_571, %swap3A_572], %swap3A_575 {strides = array<i32>} : memref<5x40x128xf32, #tpu.memory_space<vmem>>, vector<1x1x16xf32>,
    %swap3A_576 = arith.constant 0 : i32
    %swap3A_577 = arith.constant 9 : i32
    %swap3A_578 = arith.index_cast %swap3A_576 : i32 to index
    %swap3A_579 = arith.index_cast %swap3A_577 : i32 to index
    %swap3A_580 = arith.constant 0 : index
    %swap3A_581 = tpu.vector_load %arg6[%swap3A_578, %swap3A_579, %swap3A_580] {strides = array<i32>} : memref<5x40x128xf32, #tpu.memory_space<vmem>>, vector<1x1x16xf32>,
    %swap3A_582 = vector.shape_cast %swap3A_581 : vector<1x1x16xf32> to vector<16xf32>
    %swap3A_583 = vector.shape_cast %broadcast_in_dim3A_0 : vector<16xf32> to vector<1x1x16xf32>
    tpu.vector_store %arg6[%swap3A_578, %swap3A_579, %swap3A_580], %swap3A_583 {strides = array<i32>} : memref<5x40x128xf32, #tpu.memory_space<vmem>>, vector<1x1x16xf32>,
    %swap3A_584 = arith.constant 0 : i32
    %swap3A_585 = arith.constant 9 : i32
    %swap3A_586 = arith.index_cast %swap3A_584 : i32 to index
    %swap3A_587 = arith.index_cast %swap3A_585 : i32 to index
    %swap3A_588 = arith.constant 16 : index
    %swap3A_589 = tpu.vector_load %arg6[%swap3A_586, %swap3A_587, %swap3A_588] {strides = array<i32>} : memref<5x40x128xf32, #tpu.memory_space<vmem>>, vector<1x1x16xf32>,
    %swap3A_590 = vector.shape_cast %swap3A_589 : vector<1x1x16xf32> to vector<16xf32>
    %swap3A_591 = vector.shape_cast %broadcast_in_dim3A_0 : vector<16xf32> to vector<1x1x16xf32>
    tpu.vector_store %arg6[%swap3A_586, %swap3A_587, %swap3A_588], %swap3A_591 {strides = array<i32>} : memref<5x40x128xf32, #tpu.memory_space<vmem>>, vector<1x1x16xf32>,
    %swap3A_592 = arith.constant 0 : i32
    %swap3A_593 = arith.constant 9 : i32
    %swap3A_594 = arith.index_cast %swap3A_592 : i32 to index
    %swap3A_595 = arith.index_cast %swap3A_593 : i32 to index
    %swap3A_596 = arith.constant 32 : index
    %swap3A_597 = tpu.vector_load %arg6[%swap3A_594, %swap3A_595, %swap3A_596] {strides = array<i32>} : memref<5x40x128xf32, #tpu.memory_space<vmem>>, vector<1x1x16xf32>,
    %swap3A_598 = vector.shape_cast %swap3A_597 : vector<1x1x16xf32> to vector<16xf32>
    %swap3A_599 = vector.shape_cast %broadcast_in_dim3A_0 : vector<16xf32> to vector<1x1x16xf32>
    tpu.vector_store %arg6[%swap3A_594, %swap3A_595, %swap3A_596], %swap3A_599 {strides = array<i32>} : memref<5x40x128xf32, #tpu.memory_space<vmem>>, vector<1x1x16xf32>,
    %swap3A_600 = arith.constant 0 : i32
    %swap3A_601 = arith.constant 9 : i32
    %swap3A_602 = arith.index_cast %swap3A_600 : i32 to index
    %swap3A_603 = arith.index_cast %swap3A_601 : i32 to index
    %swap3A_604 = arith.constant 48 : index
    %swap3A_605 = tpu.vector_load %arg6[%swap3A_602, %swap3A_603, %swap3A_604] {strides = array<i32>} : memref<5x40x128xf32, #tpu.memory_space<vmem>>, vector<1x1x16xf32>,
    %swap3A_606 = vector.shape_cast %swap3A_605 : vector<1x1x16xf32> to vector<16xf32>
    %swap3A_607 = vector.shape_cast %broadcast_in_dim3A_0 : vector<16xf32> to vector<1x1x16xf32>
    tpu.vector_store %arg6[%swap3A_602, %swap3A_603, %swap3A_604], %swap3A_607 {strides = array<i32>} : memref<5x40x128xf32, #tpu.memory_space<vmem>>, vector<1x1x16xf32>,
    %swap3A_608 = arith.constant 0 : i32
    %swap3A_609 = arith.constant 9 : i32
    %swap3A_610 = arith.index_cast %swap3A_608 : i32 to index
    %swap3A_611 = arith.index_cast %swap3A_609 : i32 to index
    %swap3A_612 = arith.constant 64 : index
    %swap3A_613 = tpu.vector_load %arg6[%swap3A_610, %swap3A_611, %swap3A_612] {strides = array<i32>} : memref<5x40x128xf32, #tpu.memory_space<vmem>>, vector<1x1x16xf32>,
    %swap3A_614 = vector.shape_cast %swap3A_613 : vector<1x1x16xf32> to vector<16xf32>
    %swap3A_615 = vector.shape_cast %broadcast_in_dim3A_0 : vector<16xf32> to vector<1x1x16xf32>
    tpu.vector_store %arg6[%swap3A_610, %swap3A_611, %swap3A_612], %swap3A_615 {strides = array<i32>} : memref<5x40x128xf32, #tpu.memory_space<vmem>>, vector<1x1x16xf32>,
    %swap3A_616 = arith.constant 0 : i32
    %swap3A_617 = arith.constant 9 : i32
    %swap3A_618 = arith.index_cast %swap3A_616 : i32 to index
    %swap3A_619 = arith.index_cast %swap3A_617 : i32 to index
    %swap3A_620 = arith.constant 80 : index
    %swap3A_621 = tpu.vector_load %arg6[%swap3A_618, %swap3A_619, %swap3A_620] {strides = array<i32>} : memref<5x40x128xf32, #tpu.memory_space<vmem>>, vector<1x1x16xf32>,
    %swap3A_622 = vector.shape_cast %swap3A_621 : vector<1x1x16xf32> to vector<16xf32>
    %swap3A_623 = vector.shape_cast %broadcast_in_dim3A_0 : vector<16xf32> to vector<1x1x16xf32>
    tpu.vector_store %arg6[%swap3A_618, %swap3A_619, %swap3A_620], %swap3A_623 {strides = array<i32>} : memref<5x40x128xf32, #tpu.memory_space<vmem>>, vector<1x1x16xf32>,
    %swap3A_624 = arith.constant 0 : i32
    %swap3A_625 = arith.constant 9 : i32
    %swap3A_626 = arith.index_cast %swap3A_624 : i32 to index
    %swap3A_627 = arith.index_cast %swap3A_625 : i32 to index
    %swap3A_628 = arith.constant 96 : index
    %swap3A_629 = tpu.vector_load %arg6[%swap3A_626, %swap3A_627, %swap3A_628] {strides = array<i32>} : memref<5x40x128xf32, #tpu.memory_space<vmem>>, vector<1x1x16xf32>,
    %swap3A_630 = vector.shape_cast %swap3A_629 : vector<1x1x16xf32> to vector<16xf32>
    %swap3A_631 = vector.shape_cast %broadcast_in_dim3A_0 : vector<16xf32> to vector<1x1x16xf32>
    tpu.vector_store %arg6[%swap3A_626, %swap3A_627, %swap3A_628], %swap3A_631 {strides = array<i32>} : memref<5x40x128xf32, #tpu.memory_space<vmem>>, vector<1x1x16xf32>,
    %swap3A_632 = arith.constant 0 : i32
    %swap3A_633 = arith.constant 9 : i32
    %swap3A_634 = arith.index_cast %swap3A_632 : i32 to index
    %swap3A_635 = arith.index_cast %swap3A_633 : i32 to index
    %swap3A_636 = arith.constant 112 : index
    %swap3A_637 = tpu.vector_load %arg6[%swap3A_634, %swap3A_635, %swap3A_636] {strides = array<i32>} : memref<5x40x128xf32, #tpu.memory_space<vmem>>, vector<1x1x16xf32>,
    %swap3A_638 = vector.shape_cast %swap3A_637 : vector<1x1x16xf32> to vector<16xf32>
    %swap3A_639 = vector.shape_cast %broadcast_in_dim3A_0 : vector<16xf32> to vector<1x1x16xf32>
    tpu.vector_store %arg6[%swap3A_634, %swap3A_635, %swap3A_636], %swap3A_639 {strides = array<i32>} : memref<5x40x128xf32, #tpu.memory_space<vmem>>, vector<1x1x16xf32>,
    %swap3A_640 = arith.constant 0 : i32
    %swap3A_641 = arith.constant 10 : i32
    %swap3A_642 = arith.index_cast %swap3A_640 : i32 to index
    %swap3A_643 = arith.index_cast %swap3A_641 : i32 to index
    %swap3A_644 = arith.constant 0 : index
    %swap3A_645 = tpu.vector_load %arg6[%swap3A_642, %swap3A_643, %swap3A_644] {strides = array<i32>} : memref<5x40x128xf32, #tpu.memory_space<vmem>>, vector<1x1x16xf32>,
    %swap3A_646 = vector.shape_cast %swap3A_645 : vector<1x1x16xf32> to vector<16xf32>
    %swap3A_647 = vector.shape_cast %broadcast_in_dim3A_0 : vector<16xf32> to vector<1x1x16xf32>
    tpu.vector_store %arg6[%swap3A_642, %swap3A_643, %swap3A_644], %swap3A_647 {strides = array<i32>} : memref<5x40x128xf32, #tpu.memory_space<vmem>>, vector<1x1x16xf32>,
    %swap3A_648 = arith.constant 0 : i32
    %swap3A_649 = arith.constant 10 : i32
    %swap3A_650 = arith.index_cast %swap3A_648 : i32 to index
    %swap3A_651 = arith.index_cast %swap3A_649 : i32 to index
    %swap3A_652 = arith.constant 16 : index
    %swap3A_653 = tpu.vector_load %arg6[%swap3A_650, %swap3A_651, %swap3A_652] {strides = array<i32>} : memref<5x40x128xf32, #tpu.memory_space<vmem>>, vector<1x1x16xf32>,
    %swap3A_654 = vector.shape_cast %swap3A_653 : vector<1x1x16xf32> to vector<16xf32>
    %swap3A_655 = vector.shape_cast %broadcast_in_dim3A_0 : vector<16xf32> to vector<1x1x16xf32>
    tpu.vector_store %arg6[%swap3A_650, %swap3A_651, %swap3A_652], %swap3A_655 {strides = array<i32>} : memref<5x40x128xf32, #tpu.memory_space<vmem>>, vector<1x1x16xf32>,
    %swap3A_656 = arith.constant 0 : i32
    %swap3A_657 = arith.constant 10 : i32
    %swap3A_658 = arith.index_cast %swap3A_656 : i32 to index
    %swap3A_659 = arith.index_cast %swap3A_657 : i32 to index
    %swap3A_660 = arith.constant 32 : index
    %swap3A_661 = tpu.vector_load %arg6[%swap3A_658, %swap3A_659, %swap3A_660] {strides = array<i32>} : memref<5x40x128xf32, #tpu.memory_space<vmem>>, vector<1x1x16xf32>,
    %swap3A_662 = vector.shape_cast %swap3A_661 : vector<1x1x16xf32> to vector<16xf32>
    %swap3A_663 = vector.shape_cast %broadcast_in_dim3A_0 : vector<16xf32> to vector<1x1x16xf32>
    tpu.vector_store %arg6[%swap3A_658, %swap3A_659, %swap3A_660], %swap3A_663 {strides = array<i32>} : memref<5x40x128xf32, #tpu.memory_space<vmem>>, vector<1x1x16xf32>,
    %swap3A_664 = arith.constant 0 : i32
    %swap3A_665 = arith.constant 10 : i32
    %swap3A_666 = arith.index_cast %swap3A_664 : i32 to index
    %swap3A_667 = arith.index_cast %swap3A_665 : i32 to index
    %swap3A_668 = arith.constant 48 : index
    %swap3A_669 = tpu.vector_load %arg6[%swap3A_666, %swap3A_667, %swap3A_668] {strides = array<i32>} : memref<5x40x128xf32, #tpu.memory_space<vmem>>, vector<1x1x16xf32>,
    %swap3A_670 = vector.shape_cast %swap3A_669 : vector<1x1x16xf32> to vector<16xf32>
    %swap3A_671 = vector.shape_cast %broadcast_in_dim3A_0 : vector<16xf32> to vector<1x1x16xf32>
    tpu.vector_store %arg6[%swap3A_666, %swap3A_667, %swap3A_668], %swap3A_671 {strides = array<i32>} : memref<5x40x128xf32, #tpu.memory_space<vmem>>, vector<1x1x16xf32>,
    %swap3A_672 = arith.constant 0 : i32
    %swap3A_673 = arith.constant 10 : i32
    %swap3A_674 = arith.index_cast %swap3A_672 : i32 to index
    %swap3A_675 = arith.index_cast %swap3A_673 : i32 to index
    %swap3A_676 = arith.constant 64 : index
    %swap3A_677 = tpu.vector_load %arg6[%swap3A_674, %swap3A_675, %swap3A_676] {strides = array<i32>} : memref<5x40x128xf32, #tpu.memory_space<vmem>>, vector<1x1x16xf32>,
    %swap3A_678 = vector.shape_cast %swap3A_677 : vector<1x1x16xf32> to vector<16xf32>
    %swap3A_679 = vector.shape_cast %broadcast_in_dim3A_0 : vector<16xf32> to vector<1x1x16xf32>
    tpu.vector_store %arg6[%swap3A_674, %swap3A_675, %swap3A_676], %swap3A_679 {strides = array<i32>} : memref<5x40x128xf32, #tpu.memory_space<vmem>>, vector<1x1x16xf32>,
    %swap3A_680 = arith.constant 0 : i32
    %swap3A_681 = arith.constant 10 : i32
    %swap3A_682 = arith.index_cast %swap3A_680 : i32 to index
    %swap3A_683 = arith.index_cast %swap3A_681 : i32 to index
    %swap3A_684 = arith.constant 80 : index
    %swap3A_685 = tpu.vector_load %arg6[%swap3A_682, %swap3A_683, %swap3A_684] {strides = array<i32>} : memref<5x40x128xf32, #tpu.memory_space<vmem>>, vector<1x1x16xf32>,
    %swap3A_686 = vector.shape_cast %swap3A_685 : vector<1x1x16xf32> to vector<16xf32>
    %swap3A_687 = vector.shape_cast %broadcast_in_dim3A_0 : vector<16xf32> to vector<1x1x16xf32>
    tpu.vector_store %arg6[%swap3A_682, %swap3A_683, %swap3A_684], %swap3A_687 {strides = array<i32>} : memref<5x40x128xf32, #tpu.memory_space<vmem>>, vector<1x1x16xf32>,
    %swap3A_688 = arith.constant 0 : i32
    %swap3A_689 = arith.constant 10 : i32
    %swap3A_690 = arith.index_cast %swap3A_688 : i32 to index
    %swap3A_691 = arith.index_cast %swap3A_689 : i32 to index
    %swap3A_692 = arith.constant 96 : index
    %swap3A_693 = tpu.vector_load %arg6[%swap3A_690, %swap3A_691, %swap3A_692] {strides = array<i32>} : memref<5x40x128xf32, #tpu.memory_space<vmem>>, vector<1x1x16xf32>,
    %swap3A_694 = vector.shape_cast %swap3A_693 : vector<1x1x16xf32> to vector<16xf32>
    %swap3A_695 = vector.shape_cast %broadcast_in_dim3A_0 : vector<16xf32> to vector<1x1x16xf32>
    tpu.vector_store %arg6[%swap3A_690, %swap3A_691, %swap3A_692], %swap3A_695 {strides = array<i32>} : memref<5x40x128xf32, #tpu.memory_space<vmem>>, vector<1x1x16xf32>,
    %swap3A_696 = arith.constant 0 : i32
    %swap3A_697 = arith.constant 10 : i32
    %swap3A_698 = arith.index_cast %swap3A_696 : i32 to index
    %swap3A_699 = arith.index_cast %swap3A_697 : i32 to index
    %swap3A_700 = arith.constant 112 : index
    %swap3A_701 = tpu.vector_load %arg6[%swap3A_698, %swap3A_699, %swap3A_700] {strides = array<i32>} : memref<5x40x128xf32, #tpu.memory_space<vmem>>, vector<1x1x16xf32>,
    %swap3A_702 = vector.shape_cast %swap3A_701 : vector<1x1x16xf32> to vector<16xf32>
    %swap3A_703 = vector.shape_cast %broadcast_in_dim3A_0 : vector<16xf32> to vector<1x1x16xf32>
    tpu.vector_store %arg6[%swap3A_698, %swap3A_699, %swap3A_700], %swap3A_703 {strides = array<i32>} : memref<5x40x128xf32, #tpu.memory_space<vmem>>, vector<1x1x16xf32>,
    %swap3A_704 = arith.constant 0 : i32
    %swap3A_705 = arith.constant 11 : i32
    %swap3A_706 = arith.index_cast %swap3A_704 : i32 to index
    %swap3A_707 = arith.index_cast %swap3A_705 : i32 to index
    %swap3A_708 = arith.constant 0 : index
    %swap3A_709 = tpu.vector_load %arg6[%swap3A_706, %swap3A_707, %swap3A_708] {strides = array<i32>} : memref<5x40x128xf32, #tpu.memory_space<vmem>>, vector<1x1x16xf32>,
    %swap3A_710 = vector.shape_cast %swap3A_709 : vector<1x1x16xf32> to vector<16xf32>
    %swap3A_711 = vector.shape_cast %broadcast_in_dim3A_0 : vector<16xf32> to vector<1x1x16xf32>
    tpu.vector_store %arg6[%swap3A_706, %swap3A_707, %swap3A_708], %swap3A_711 {strides = array<i32>} : memref<5x40x128xf32, #tpu.memory_space<vmem>>, vector<1x1x16xf32>,
    %swap3A_712 = arith.constant 0 : i32
    %swap3A_713 = arith.constant 11 : i32
    %swap3A_714 = arith.index_cast %swap3A_712 : i32 to index
    %swap3A_715 = arith.index_cast %swap3A_713 : i32 to index
    %swap3A_716 = arith.constant 16 : index
    %swap3A_717 = tpu.vector_load %arg6[%swap3A_714, %swap3A_715, %swap3A_716] {strides = array<i32>} : memref<5x40x128xf32, #tpu.memory_space<vmem>>, vector<1x1x16xf32>,
    %swap3A_718 = vector.shape_cast %swap3A_717 : vector<1x1x16xf32> to vector<16xf32>
    %swap3A_719 = vector.shape_cast %broadcast_in_dim3A_0 : vector<16xf32> to vector<1x1x16xf32>
    tpu.vector_store %arg6[%swap3A_714, %swap3A_715, %swap3A_716], %swap3A_719 {strides = array<i32>} : memref<5x40x128xf32, #tpu.memory_space<vmem>>, vector<1x1x16xf32>,
    %swap3A_720 = arith.constant 0 : i32
    %swap3A_721 = arith.constant 11 : i32
    %swap3A_722 = arith.index_cast %swap3A_720 : i32 to index
    %swap3A_723 = arith.index_cast %swap3A_721 : i32 to index
    %swap3A_724 = arith.constant 32 : index
    %swap3A_725 = tpu.vector_load %arg6[%swap3A_722, %swap3A_723, %swap3A_724] {strides = array<i32>} : memref<5x40x128xf32, #tpu.memory_space<vmem>>, vector<1x1x16xf32>,
    %swap3A_726 = vector.shape_cast %swap3A_725 : vector<1x1x16xf32> to vector<16xf32>
    %swap3A_727 = vector.shape_cast %broadcast_in_dim3A_0 : vector<16xf32> to vector<1x1x16xf32>
    tpu.vector_store %arg6[%swap3A_722, %swap3A_723, %swap3A_724], %swap3A_727 {strides = array<i32>} : memref<5x40x128xf32, #tpu.memory_space<vmem>>, vector<1x1x16xf32>,
    %swap3A_728 = arith.constant 0 : i32
    %swap3A_729 = arith.constant 11 : i32
    %swap3A_730 = arith.index_cast %swap3A_728 : i32 to index
    %swap3A_731 = arith.index_cast %swap3A_729 : i32 to index
    %swap3A_732 = arith.constant 48 : index
    %swap3A_733 = tpu.vector_load %arg6[%swap3A_730, %swap3A_731, %swap3A_732] {strides = array<i32>} : memref<5x40x128xf32, #tpu.memory_space<vmem>>, vector<1x1x16xf32>,
    %swap3A_734 = vector.shape_cast %swap3A_733 : vector<1x1x16xf32> to vector<16xf32>
    %swap3A_735 = vector.shape_cast %broadcast_in_dim3A_0 : vector<16xf32> to vector<1x1x16xf32>
    tpu.vector_store %arg6[%swap3A_730, %swap3A_731, %swap3A_732], %swap3A_735 {strides = array<i32>} : memref<5x40x128xf32, #tpu.memory_space<vmem>>, vector<1x1x16xf32>,
    %swap3A_736 = arith.constant 0 : i32
    %swap3A_737 = arith.constant 11 : i32
    %swap3A_738 = arith.index_cast %swap3A_736 : i32 to index
    %swap3A_739 = arith.index_cast %swap3A_737 : i32 to index
    %swap3A_740 = arith.constant 64 : index
    %swap3A_741 = tpu.vector_load %arg6[%swap3A_738, %swap3A_739, %swap3A_740] {strides = array<i32>} : memref<5x40x128xf32, #tpu.memory_space<vmem>>, vector<1x1x16xf32>,
    %swap3A_742 = vector.shape_cast %swap3A_741 : vector<1x1x16xf32> to vector<16xf32>
    %swap3A_743 = vector.shape_cast %broadcast_in_dim3A_0 : vector<16xf32> to vector<1x1x16xf32>
    tpu.vector_store %arg6[%swap3A_738, %swap3A_739, %swap3A_740], %swap3A_743 {strides = array<i32>} : memref<5x40x128xf32, #tpu.memory_space<vmem>>, vector<1x1x16xf32>,
    %swap3A_744 = arith.constant 0 : i32
    %swap3A_745 = arith.constant 11 : i32
    %swap3A_746 = arith.index_cast %swap3A_744 : i32 to index
    %swap3A_747 = arith.index_cast %swap3A_745 : i32 to index
    %swap3A_748 = arith.constant 80 : index
    %swap3A_749 = tpu.vector_load %arg6[%swap3A_746, %swap3A_747, %swap3A_748] {strides = array<i32>} : memref<5x40x128xf32, #tpu.memory_space<vmem>>, vector<1x1x16xf32>,
    %swap3A_750 = vector.shape_cast %swap3A_749 : vector<1x1x16xf32> to vector<16xf32>
    %swap3A_751 = vector.shape_cast %broadcast_in_dim3A_0 : vector<16xf32> to vector<1x1x16xf32>
    tpu.vector_store %arg6[%swap3A_746, %swap3A_747, %swap3A_748], %swap3A_751 {strides = array<i32>} : memref<5x40x128xf32, #tpu.memory_space<vmem>>, vector<1x1x16xf32>,
    %swap3A_752 = arith.constant 0 : i32
    %swap3A_753 = arith.constant 11 : i32
    %swap3A_754 = arith.index_cast %swap3A_752 : i32 to index
    %swap3A_755 = arith.index_cast %swap3A_753 : i32 to index
    %swap3A_756 = arith.constant 96 : index
    %swap3A_757 = tpu.vector_load %arg6[%swap3A_754, %swap3A_755, %swap3A_756] {strides = array<i32>} : memref<5x40x128xf32, #tpu.memory_space<vmem>>, vector<1x1x16xf32>,
    %swap3A_758 = vector.shape_cast %swap3A_757 : vector<1x1x16xf32> to vector<16xf32>
    %swap3A_759 = vector.shape_cast %broadcast_in_dim3A_0 : vector<16xf32> to vector<1x1x16xf32>
    tpu.vector_store %arg6[%swap3A_754, %swap3A_755, %swap3A_756], %swap3A_759 {strides = array<i32>} : memref<5x40x128xf32, #tpu.memory_space<vmem>>, vector<1x1x16xf32>,
    %swap3A_760 = arith.constant 0 : i32
    %swap3A_761 = arith.constant 11 : i32
    %swap3A_762 = arith.index_cast %swap3A_760 : i32 to index
    %swap3A_763 = arith.index_cast %swap3A_761 : i32 to index
    %swap3A_764 = arith.constant 112 : index
    %swap3A_765 = tpu.vector_load %arg6[%swap3A_762, %swap3A_763, %swap3A_764] {strides = array<i32>} : memref<5x40x128xf32, #tpu.memory_space<vmem>>, vector<1x1x16xf32>,
    %swap3A_766 = vector.shape_cast %swap3A_765 : vector<1x1x16xf32> to vector<16xf32>
    %swap3A_767 = vector.shape_cast %broadcast_in_dim3A_0 : vector<16xf32> to vector<1x1x16xf32>
    tpu.vector_store %arg6[%swap3A_762, %swap3A_763, %swap3A_764], %swap3A_767 {strides = array<i32>} : memref<5x40x128xf32, #tpu.memory_space<vmem>>, vector<1x1x16xf32>,
    %swap3A_768 = arith.constant 0 : i32
    %swap3A_769 = arith.constant 12 : i32
    %swap3A_770 = arith.index_cast %swap3A_768 : i32 to index
    %swap3A_771 = arith.index_cast %swap3A_769 : i32 to index
    %swap3A_772 = arith.constant 0 : index
    %swap3A_773 = tpu.vector_load %arg6[%swap3A_770, %swap3A_771, %swap3A_772] {strides = array<i32>} : memref<5x40x128xf32, #tpu.memory_space<vmem>>, vector<1x1x16xf32>,
    %swap3A_774 = vector.shape_cast %swap3A_773 : vector<1x1x16xf32> to vector<16xf32>
    %swap3A_775 = vector.shape_cast %broadcast_in_dim3A_0 : vector<16xf32> to vector<1x1x16xf32>
    tpu.vector_store %arg6[%swap3A_770, %swap3A_771, %swap3A_772], %swap3A_775 {strides = array<i32>} : memref<5x40x128xf32, #tpu.memory_space<vmem>>, vector<1x1x16xf32>,
    %swap3A_776 = arith.constant 0 : i32
    %swap3A_777 = arith.constant 12 : i32
    %swap3A_778 = arith.index_cast %swap3A_776 : i32 to index
    %swap3A_779 = arith.index_cast %swap3A_777 : i32 to index
    %swap3A_780 = arith.constant 16 : index
    %swap3A_781 = tpu.vector_load %arg6[%swap3A_778, %swap3A_779, %swap3A_780] {strides = array<i32>} : memref<5x40x128xf32, #tpu.memory_space<vmem>>, vector<1x1x16xf32>,
    %swap3A_782 = vector.shape_cast %swap3A_781 : vector<1x1x16xf32> to vector<16xf32>
    %swap3A_783 = vector.shape_cast %broadcast_in_dim3A_0 : vector<16xf32> to vector<1x1x16xf32>
    tpu.vector_store %arg6[%swap3A_778, %swap3A_779, %swap3A_780], %swap3A_783 {strides = array<i32>} : memref<5x40x128xf32, #tpu.memory_space<vmem>>, vector<1x1x16xf32>,
    %swap3A_784 = arith.constant 0 : i32
    %swap3A_785 = arith.constant 12 : i32
    %swap3A_786 = arith.index_cast %swap3A_784 : i32 to index
    %swap3A_787 = arith.index_cast %swap3A_785 : i32 to index
    %swap3A_788 = arith.constant 32 : index
    %swap3A_789 = tpu.vector_load %arg6[%swap3A_786, %swap3A_787, %swap3A_788] {strides = array<i32>} : memref<5x40x128xf32, #tpu.memory_space<vmem>>, vector<1x1x16xf32>,
    %swap3A_790 = vector.shape_cast %swap3A_789 : vector<1x1x16xf32> to vector<16xf32>
    %swap3A_791 = vector.shape_cast %broadcast_in_dim3A_0 : vector<16xf32> to vector<1x1x16xf32>
    tpu.vector_store %arg6[%swap3A_786, %swap3A_787, %swap3A_788], %swap3A_791 {strides = array<i32>} : memref<5x40x128xf32, #tpu.memory_space<vmem>>, vector<1x1x16xf32>,
    %swap3A_792 = arith.constant 0 : i32
    %swap3A_793 = arith.constant 12 : i32
    %swap3A_794 = arith.index_cast %swap3A_792 : i32 to index
    %swap3A_795 = arith.index_cast %swap3A_793 : i32 to index
    %swap3A_796 = arith.constant 48 : index
    %swap3A_797 = tpu.vector_load %arg6[%swap3A_794, %swap3A_795, %swap3A_796] {strides = array<i32>} : memref<5x40x128xf32, #tpu.memory_space<vmem>>, vector<1x1x16xf32>,
    %swap3A_798 = vector.shape_cast %swap3A_797 : vector<1x1x16xf32> to vector<16xf32>
    %swap3A_799 = vector.shape_cast %broadcast_in_dim3A_0 : vector<16xf32> to vector<1x1x16xf32>
    tpu.vector_store %arg6[%swap3A_794, %swap3A_795, %swap3A_796], %swap3A_799 {strides = array<i32>} : memref<5x40x128xf32, #tpu.memory_space<vmem>>, vector<1x1x16xf32>,
    %swap3A_800 = arith.constant 0 : i32
    %swap3A_801 = arith.constant 12 : i32
    %swap3A_802 = arith.index_cast %swap3A_800 : i32 to index
    %swap3A_803 = arith.index_cast %swap3A_801 : i32 to index
    %swap3A_804 = arith.constant 64 : index
    %swap3A_805 = tpu.vector_load %arg6[%swap3A_802, %swap3A_803, %swap3A_804] {strides = array<i32>} : memref<5x40x128xf32, #tpu.memory_space<vmem>>, vector<1x1x16xf32>,
    %swap3A_806 = vector.shape_cast %swap3A_805 : vector<1x1x16xf32> to vector<16xf32>
    %swap3A_807 = vector.shape_cast %broadcast_in_dim3A_0 : vector<16xf32> to vector<1x1x16xf32>
    tpu.vector_store %arg6[%swap3A_802, %swap3A_803, %swap3A_804], %swap3A_807 {strides = array<i32>} : memref<5x40x128xf32, #tpu.memory_space<vmem>>, vector<1x1x16xf32>,
    %swap3A_808 = arith.constant 0 : i32
    %swap3A_809 = arith.constant 12 : i32
    %swap3A_810 = arith.index_cast %swap3A_808 : i32 to index
    %swap3A_811 = arith.index_cast %swap3A_809 : i32 to index
    %swap3A_812 = arith.constant 80 : index
    %swap3A_813 = tpu.vector_load %arg6[%swap3A_810, %swap3A_811, %swap3A_812] {strides = array<i32>} : memref<5x40x128xf32, #tpu.memory_space<vmem>>, vector<1x1x16xf32>,
    %swap3A_814 = vector.shape_cast %swap3A_813 : vector<1x1x16xf32> to vector<16xf32>
    %swap3A_815 = vector.shape_cast %broadcast_in_dim3A_0 : vector<16xf32> to vector<1x1x16xf32>
    tpu.vector_store %arg6[%swap3A_810, %swap3A_811, %swap3A_812], %swap3A_815 {strides = array<i32>} : memref<5x40x128xf32, #tpu.memory_space<vmem>>, vector<1x1x16xf32>,
    %swap3A_816 = arith.constant 0 : i32
    %swap3A_817 = arith.constant 12 : i32
    %swap3A_818 = arith.index_cast %swap3A_816 : i32 to index
    %swap3A_819 = arith.index_cast %swap3A_817 : i32 to index
    %swap3A_820 = arith.constant 96 : index
    %swap3A_821 = tpu.vector_load %arg6[%swap3A_818, %swap3A_819, %swap3A_820] {strides = array<i32>} : memref<5x40x128xf32, #tpu.memory_space<vmem>>, vector<1x1x16xf32>,
    %swap3A_822 = vector.shape_cast %swap3A_821 : vector<1x1x16xf32> to vector<16xf32>
    %swap3A_823 = vector.shape_cast %broadcast_in_dim3A_0 : vector<16xf32> to vector<1x1x16xf32>
    tpu.vector_store %arg6[%swap3A_818, %swap3A_819, %swap3A_820], %swap3A_823 {strides = array<i32>} : memref<5x40x128xf32, #tpu.memory_space<vmem>>, vector<1x1x16xf32>,
    %swap3A_824 = arith.constant 0 : i32
    %swap3A_825 = arith.constant 12 : i32
    %swap3A_826 = arith.index_cast %swap3A_824 : i32 to index
    %swap3A_827 = arith.index_cast %swap3A_825 : i32 to index
    %swap3A_828 = arith.constant 112 : index
    %swap3A_829 = tpu.vector_load %arg6[%swap3A_826, %swap3A_827, %swap3A_828] {strides = array<i32>} : memref<5x40x128xf32, #tpu.memory_space<vmem>>, vector<1x1x16xf32>,
    %swap3A_830 = vector.shape_cast %swap3A_829 : vector<1x1x16xf32> to vector<16xf32>
    %swap3A_831 = vector.shape_cast %broadcast_in_dim3A_0 : vector<16xf32> to vector<1x1x16xf32>
    tpu.vector_store %arg6[%swap3A_826, %swap3A_827, %swap3A_828], %swap3A_831 {strides = array<i32>} : memref<5x40x128xf32, #tpu.memory_space<vmem>>, vector<1x1x16xf32>,
    %swap3A_832 = arith.constant 0 : i32
    %swap3A_833 = arith.constant 13 : i32
    %swap3A_834 = arith.index_cast %swap3A_832 : i32 to index
    %swap3A_835 = arith.index_cast %swap3A_833 : i32 to index
    %swap3A_836 = arith.constant 0 : index
    %swap3A_837 = tpu.vector_load %arg6[%swap3A_834, %swap3A_835, %swap3A_836] {strides = array<i32>} : memref<5x40x128xf32, #tpu.memory_space<vmem>>, vector<1x1x16xf32>,
    %swap3A_838 = vector.shape_cast %swap3A_837 : vector<1x1x16xf32> to vector<16xf32>
    %swap3A_839 = vector.shape_cast %broadcast_in_dim3A_0 : vector<16xf32> to vector<1x1x16xf32>
    tpu.vector_store %arg6[%swap3A_834, %swap3A_835, %swap3A_836], %swap3A_839 {strides = array<i32>} : memref<5x40x128xf32, #tpu.memory_space<vmem>>, vector<1x1x16xf32>,
    %swap3A_840 = arith.constant 0 : i32
    %swap3A_841 = arith.constant 13 : i32
    %swap3A_842 = arith.index_cast %swap3A_840 : i32 to index
    %swap3A_843 = arith.index_cast %swap3A_841 : i32 to index
    %swap3A_844 = arith.constant 16 : index
    %swap3A_845 = tpu.vector_load %arg6[%swap3A_842, %swap3A_843, %swap3A_844] {strides = array<i32>} : memref<5x40x128xf32, #tpu.memory_space<vmem>>, vector<1x1x16xf32>,
    %swap3A_846 = vector.shape_cast %swap3A_845 : vector<1x1x16xf32> to vector<16xf32>
    %swap3A_847 = vector.shape_cast %broadcast_in_dim3A_0 : vector<16xf32> to vector<1x1x16xf32>
    tpu.vector_store %arg6[%swap3A_842, %swap3A_843, %swap3A_844], %swap3A_847 {strides = array<i32>} : memref<5x40x128xf32, #tpu.memory_space<vmem>>, vector<1x1x16xf32>,
    %swap3A_848 = arith.constant 0 : i32
    %swap3A_849 = arith.constant 13 : i32
    %swap3A_850 = arith.index_cast %swap3A_848 : i32 to index
    %swap3A_851 = arith.index_cast %swap3A_849 : i32 to index
    %swap3A_852 = arith.constant 32 : index
    %swap3A_853 = tpu.vector_load %arg6[%swap3A_850, %swap3A_851, %swap3A_852] {strides = array<i32>} : memref<5x40x128xf32, #tpu.memory_space<vmem>>, vector<1x1x16xf32>,
    %swap3A_854 = vector.shape_cast %swap3A_853 : vector<1x1x16xf32> to vector<16xf32>
    %swap3A_855 = vector.shape_cast %broadcast_in_dim3A_0 : vector<16xf32> to vector<1x1x16xf32>
    tpu.vector_store %arg6[%swap3A_850, %swap3A_851, %swap3A_852], %swap3A_855 {strides = array<i32>} : memref<5x40x128xf32, #tpu.memory_space<vmem>>, vector<1x1x16xf32>,
    %swap3A_856 = arith.constant 0 : i32
    %swap3A_857 = arith.constant 13 : i32
    %swap3A_858 = arith.index_cast %swap3A_856 : i32 to index
    %swap3A_859 = arith.index_cast %swap3A_857 : i32 to index
    %swap3A_860 = arith.constant 48 : index
    %swap3A_861 = tpu.vector_load %arg6[%swap3A_858, %swap3A_859, %swap3A_860] {strides = array<i32>} : memref<5x40x128xf32, #tpu.memory_space<vmem>>, vector<1x1x16xf32>,
    %swap3A_862 = vector.shape_cast %swap3A_861 : vector<1x1x16xf32> to vector<16xf32>
    %swap3A_863 = vector.shape_cast %broadcast_in_dim3A_0 : vector<16xf32> to vector<1x1x16xf32>
    tpu.vector_store %arg6[%swap3A_858, %swap3A_859, %swap3A_860], %swap3A_863 {strides = array<i32>} : memref<5x40x128xf32, #tpu.memory_space<vmem>>, vector<1x1x16xf32>,
    %swap3A_864 = arith.constant 0 : i32
    %swap3A_865 = arith.constant 13 : i32
    %swap3A_866 = arith.index_cast %swap3A_864 : i32 to index
    %swap3A_867 = arith.index_cast %swap3A_865 : i32 to index
    %swap3A_868 = arith.constant 64 : index
    %swap3A_869 = tpu.vector_load %arg6[%swap3A_866, %swap3A_867, %swap3A_868] {strides = array<i32>} : memref<5x40x128xf32, #tpu.memory_space<vmem>>, vector<1x1x16xf32>,
    %swap3A_870 = vector.shape_cast %swap3A_869 : vector<1x1x16xf32> to vector<16xf32>
    %swap3A_871 = vector.shape_cast %broadcast_in_dim3A_0 : vector<16xf32> to vector<1x1x16xf32>
    tpu.vector_store %arg6[%swap3A_866, %swap3A_867, %swap3A_868], %swap3A_871 {strides = array<i32>} : memref<5x40x128xf32, #tpu.memory_space<vmem>>, vector<1x1x16xf32>,
    %swap3A_872 = arith.constant 0 : i32
    %swap3A_873 = arith.constant 13 : i32
    %swap3A_874 = arith.index_cast %swap3A_872 : i32 to index
    %swap3A_875 = arith.index_cast %swap3A_873 : i32 to index
    %swap3A_876 = arith.constant 80 : index
    %swap3A_877 = tpu.vector_load %arg6[%swap3A_874, %swap3A_875, %swap3A_876] {strides = array<i32>} : memref<5x40x128xf32, #tpu.memory_space<vmem>>, vector<1x1x16xf32>,
    %swap3A_878 = vector.shape_cast %swap3A_877 : vector<1x1x16xf32> to vector<16xf32>
    %swap3A_879 = vector.shape_cast %broadcast_in_dim3A_0 : vector<16xf32> to vector<1x1x16xf32>
    tpu.vector_store %arg6[%swap3A_874, %swap3A_875, %swap3A_876], %swap3A_879 {strides = array<i32>} : memref<5x40x128xf32, #tpu.memory_space<vmem>>, vector<1x1x16xf32>,
    %swap3A_880 = arith.constant 0 : i32
    %swap3A_881 = arith.constant 13 : i32
    %swap3A_882 = arith.index_cast %swap3A_880 : i32 to index
    %swap3A_883 = arith.index_cast %swap3A_881 : i32 to index
    %swap3A_884 = arith.constant 96 : index
    %swap3A_885 = tpu.vector_load %arg6[%swap3A_882, %swap3A_883, %swap3A_884] {strides = array<i32>} : memref<5x40x128xf32, #tpu.memory_space<vmem>>, vector<1x1x16xf32>,
    %swap3A_886 = vector.shape_cast %swap3A_885 : vector<1x1x16xf32> to vector<16xf32>
    %swap3A_887 = vector.shape_cast %broadcast_in_dim3A_0 : vector<16xf32> to vector<1x1x16xf32>
    tpu.vector_store %arg6[%swap3A_882, %swap3A_883, %swap3A_884], %swap3A_887 {strides = array<i32>} : memref<5x40x128xf32, #tpu.memory_space<vmem>>, vector<1x1x16xf32>,
    %swap3A_888 = arith.constant 0 : i32
    %swap3A_889 = arith.constant 13 : i32
    %swap3A_890 = arith.index_cast %swap3A_888 : i32 to index
    %swap3A_891 = arith.index_cast %swap3A_889 : i32 to index
    %swap3A_892 = arith.constant 112 : index
    %swap3A_893 = tpu.vector_load %arg6[%swap3A_890, %swap3A_891, %swap3A_892] {strides = array<i32>} : memref<5x40x128xf32, #tpu.memory_space<vmem>>, vector<1x1x16xf32>,
    %swap3A_894 = vector.shape_cast %swap3A_893 : vector<1x1x16xf32> to vector<16xf32>
    %swap3A_895 = vector.shape_cast %broadcast_in_dim3A_0 : vector<16xf32> to vector<1x1x16xf32>
    tpu.vector_store %arg6[%swap3A_890, %swap3A_891, %swap3A_892], %swap3A_895 {strides = array<i32>} : memref<5x40x128xf32, #tpu.memory_space<vmem>>, vector<1x1x16xf32>,
    %swap3A_896 = arith.constant 0 : i32
    %swap3A_897 = arith.constant 14 : i32
    %swap3A_898 = arith.index_cast %swap3A_896 : i32 to index
    %swap3A_899 = arith.index_cast %swap3A_897 : i32 to index
    %swap3A_900 = arith.constant 0 : index
    %swap3A_901 = tpu.vector_load %arg6[%swap3A_898, %swap3A_899, %swap3A_900] {strides = array<i32>} : memref<5x40x128xf32, #tpu.memory_space<vmem>>, vector<1x1x16xf32>,
    %swap3A_902 = vector.shape_cast %swap3A_901 : vector<1x1x16xf32> to vector<16xf32>
    %swap3A_903 = vector.shape_cast %broadcast_in_dim3A_0 : vector<16xf32> to vector<1x1x16xf32>
    tpu.vector_store %arg6[%swap3A_898, %swap3A_899, %swap3A_900], %swap3A_903 {strides = array<i32>} : memref<5x40x128xf32, #tpu.memory_space<vmem>>, vector<1x1x16xf32>,
    %swap3A_904 = arith.constant 0 : i32
    %swap3A_905 = arith.constant 14 : i32
    %swap3A_906 = arith.index_cast %swap3A_904 : i32 to index
    %swap3A_907 = arith.index_cast %swap3A_905 : i32 to index
    %swap3A_908 = arith.constant 16 : index
    %swap3A_909 = tpu.vector_load %arg6[%swap3A_906, %swap3A_907, %swap3A_908] {strides = array<i32>} : memref<5x40x128xf32, #tpu.memory_space<vmem>>, vector<1x1x16xf32>,
    %swap3A_910 = vector.shape_cast %swap3A_909 : vector<1x1x16xf32> to vector<16xf32>
    %swap3A_911 = vector.shape_cast %broadcast_in_dim3A_0 : vector<16xf32> to vector<1x1x16xf32>
    tpu.vector_store %arg6[%swap3A_906, %swap3A_907, %swap3A_908], %swap3A_911 {strides = array<i32>} : memref<5x40x128xf32, #tpu.memory_space<vmem>>, vector<1x1x16xf32>,
    %swap3A_912 = arith.constant 0 : i32
    %swap3A_913 = arith.constant 14 : i32
    %swap3A_914 = arith.index_cast %swap3A_912 : i32 to index
    %swap3A_915 = arith.index_cast %swap3A_913 : i32 to index
    %swap3A_916 = arith.constant 32 : index
    %swap3A_917 = tpu.vector_load %arg6[%swap3A_914, %swap3A_915, %swap3A_916] {strides = array<i32>} : memref<5x40x128xf32, #tpu.memory_space<vmem>>, vector<1x1x16xf32>,
    %swap3A_918 = vector.shape_cast %swap3A_917 : vector<1x1x16xf32> to vector<16xf32>
    %swap3A_919 = vector.shape_cast %broadcast_in_dim3A_0 : vector<16xf32> to vector<1x1x16xf32>
    tpu.vector_store %arg6[%swap3A_914, %swap3A_915, %swap3A_916], %swap3A_919 {strides = array<i32>} : memref<5x40x128xf32, #tpu.memory_space<vmem>>, vector<1x1x16xf32>,
    %swap3A_920 = arith.constant 0 : i32
    %swap3A_921 = arith.constant 14 : i32
    %swap3A_922 = arith.index_cast %swap3A_920 : i32 to index
    %swap3A_923 = arith.index_cast %swap3A_921 : i32 to index
    %swap3A_924 = arith.constant 48 : index
    %swap3A_925 = tpu.vector_load %arg6[%swap3A_922, %swap3A_923, %swap3A_924] {strides = array<i32>} : memref<5x40x128xf32, #tpu.memory_space<vmem>>, vector<1x1x16xf32>,
    %swap3A_926 = vector.shape_cast %swap3A_925 : vector<1x1x16xf32> to vector<16xf32>
    %swap3A_927 = vector.shape_cast %broadcast_in_dim3A_0 : vector<16xf32> to vector<1x1x16xf32>
    tpu.vector_store %arg6[%swap3A_922, %swap3A_923, %swap3A_924], %swap3A_927 {strides = array<i32>} : memref<5x40x128xf32, #tpu.memory_space<vmem>>, vector<1x1x16xf32>,
    %swap3A_928 = arith.constant 0 : i32
    %swap3A_929 = arith.constant 14 : i32
    %swap3A_930 = arith.index_cast %swap3A_928 : i32 to index
    %swap3A_931 = arith.index_cast %swap3A_929 : i32 to index
    %swap3A_932 = arith.constant 64 : index
    %swap3A_933 = tpu.vector_load %arg6[%swap3A_930, %swap3A_931, %swap3A_932] {strides = array<i32>} : memref<5x40x128xf32, #tpu.memory_space<vmem>>, vector<1x1x16xf32>,
    %swap3A_934 = vector.shape_cast %swap3A_933 : vector<1x1x16xf32> to vector<16xf32>
    %swap3A_935 = vector.shape_cast %broadcast_in_dim3A_0 : vector<16xf32> to vector<1x1x16xf32>
    tpu.vector_store %arg6[%swap3A_930, %swap3A_931, %swap3A_932], %swap3A_935 {strides = array<i32>} : memref<5x40x128xf32, #tpu.memory_space<vmem>>, vector<1x1x16xf32>,
    %swap3A_936 = arith.constant 0 : i32
    %swap3A_937 = arith.constant 14 : i32
    %swap3A_938 = arith.index_cast %swap3A_936 : i32 to index
    %swap3A_939 = arith.index_cast %swap3A_937 : i32 to index
    %swap3A_940 = arith.constant 80 : index
    %swap3A_941 = tpu.vector_load %arg6[%swap3A_938, %swap3A_939, %swap3A_940] {strides = array<i32>} : memref<5x40x128xf32, #tpu.memory_space<vmem>>, vector<1x1x16xf32>,
    %swap3A_942 = vector.shape_cast %swap3A_941 : vector<1x1x16xf32> to vector<16xf32>
    %swap3A_943 = vector.shape_cast %broadcast_in_dim3A_0 : vector<16xf32> to vector<1x1x16xf32>
    tpu.vector_store %arg6[%swap3A_938, %swap3A_939, %swap3A_940], %swap3A_943 {strides = array<i32>} : memref<5x40x128xf32, #tpu.memory_space<vmem>>, vector<1x1x16xf32>,
    %swap3A_944 = arith.constant 0 : i32
    %swap3A_945 = arith.constant 14 : i32
    %swap3A_946 = arith.index_cast %swap3A_944 : i32 to index
    %swap3A_947 = arith.index_cast %swap3A_945 : i32 to index
    %swap3A_948 = arith.constant 96 : index
    %swap3A_949 = tpu.vector_load %arg6[%swap3A_946, %swap3A_947, %swap3A_948] {strides = array<i32>} : memref<5x40x128xf32, #tpu.memory_space<vmem>>, vector<1x1x16xf32>,
    %swap3A_950 = vector.shape_cast %swap3A_949 : vector<1x1x16xf32> to vector<16xf32>
    %swap3A_951 = vector.shape_cast %broadcast_in_dim3A_0 : vector<16xf32> to vector<1x1x16xf32>
    tpu.vector_store %arg6[%swap3A_946, %swap3A_947, %swap3A_948], %swap3A_951 {strides = array<i32>} : memref<5x40x128xf32, #tpu.memory_space<vmem>>, vector<1x1x16xf32>,
    %swap3A_952 = arith.constant 0 : i32
    %swap3A_953 = arith.constant 14 : i32
    %swap3A_954 = arith.index_cast %swap3A_952 : i32 to index
    %swap3A_955 = arith.index_cast %swap3A_953 : i32 to index
    %swap3A_956 = arith.constant 112 : index
    %swap3A_957 = tpu.vector_load %arg6[%swap3A_954, %swap3A_955, %swap3A_956] {strides = array<i32>} : memref<5x40x128xf32, #tpu.memory_space<vmem>>, vector<1x1x16xf32>,
    %swap3A_958 = vector.shape_cast %swap3A_957 : vector<1x1x16xf32> to vector<16xf32>
    %swap3A_959 = vector.shape_cast %broadcast_in_dim3A_0 : vector<16xf32> to vector<1x1x16xf32>
    tpu.vector_store %arg6[%swap3A_954, %swap3A_955, %swap3A_956], %swap3A_959 {strides = array<i32>} : memref<5x40x128xf32, #tpu.memory_space<vmem>>, vector<1x1x16xf32>,
    %swap3A_960 = arith.constant 0 : i32
    %swap3A_961 = arith.constant 15 : i32
    %swap3A_962 = arith.index_cast %swap3A_960 : i32 to index
    %swap3A_963 = arith.index_cast %swap3A_961 : i32 to index
    %swap3A_964 = arith.constant 0 : index
    %swap3A_965 = tpu.vector_load %arg6[%swap3A_962, %swap3A_963, %swap3A_964] {strides = array<i32>} : memref<5x40x128xf32, #tpu.memory_space<vmem>>, vector<1x1x16xf32>,
    %swap3A_966 = vector.shape_cast %swap3A_965 : vector<1x1x16xf32> to vector<16xf32>
    %swap3A_967 = vector.shape_cast %broadcast_in_dim3A_0 : vector<16xf32> to vector<1x1x16xf32>
    tpu.vector_store %arg6[%swap3A_962, %swap3A_963, %swap3A_964], %swap3A_967 {strides = array<i32>} : memref<5x40x128xf32, #tpu.memory_space<vmem>>, vector<1x1x16xf32>,
    %swap3A_968 = arith.constant 0 : i32
    %swap3A_969 = arith.constant 15 : i32
    %swap3A_970 = arith.index_cast %swap3A_968 : i32 to index
    %swap3A_971 = arith.index_cast %swap3A_969 : i32 to index
    %swap3A_972 = arith.constant 16 : index
    %swap3A_973 = tpu.vector_load %arg6[%swap3A_970, %swap3A_971, %swap3A_972] {strides = array<i32>} : memref<5x40x128xf32, #tpu.memory_space<vmem>>, vector<1x1x16xf32>,
    %swap3A_974 = vector.shape_cast %swap3A_973 : vector<1x1x16xf32> to vector<16xf32>
    %swap3A_975 = vector.shape_cast %broadcast_in_dim3A_0 : vector<16xf32> to vector<1x1x16xf32>
    tpu.vector_store %arg6[%swap3A_970, %swap3A_971, %swap3A_972], %swap3A_975 {strides = array<i32>} : memref<5x40x128xf32, #tpu.memory_space<vmem>>, vector<1x1x16xf32>,
    %swap3A_976 = arith.constant 0 : i32
    %swap3A_977 = arith.constant 15 : i32
    %swap3A_978 = arith.index_cast %swap3A_976 : i32 to index
    %swap3A_979 = arith.index_cast %swap3A_977 : i32 to index
    %swap3A_980 = arith.constant 32 : index
    %swap3A_981 = tpu.vector_load %arg6[%swap3A_978, %swap3A_979, %swap3A_980] {strides = array<i32>} : memref<5x40x128xf32, #tpu.memory_space<vmem>>, vector<1x1x16xf32>,
    %swap3A_982 = vector.shape_cast %swap3A_981 : vector<1x1x16xf32> to vector<16xf32>
    %swap3A_983 = vector.shape_cast %broadcast_in_dim3A_0 : vector<16xf32> to vector<1x1x16xf32>
    tpu.vector_store %arg6[%swap3A_978, %swap3A_979, %swap3A_980], %swap3A_983 {strides = array<i32>} : memref<5x40x128xf32, #tpu.memory_space<vmem>>, vector<1x1x16xf32>,
    %swap3A_984 = arith.constant 0 : i32
    %swap3A_985 = arith.constant 15 : i32
    %swap3A_986 = arith.index_cast %swap3A_984 : i32 to index
    %swap3A_987 = arith.index_cast %swap3A_985 : i32 to index
    %swap3A_988 = arith.constant 48 : index
    %swap3A_989 = tpu.vector_load %arg6[%swap3A_986, %swap3A_987, %swap3A_988] {strides = array<i32>} : memref<5x40x128xf32, #tpu.memory_space<vmem>>, vector<1x1x16xf32>,
    %swap3A_990 = vector.shape_cast %swap3A_989 : vector<1x1x16xf32> to vector<16xf32>
    %swap3A_991 = vector.shape_cast %broadcast_in_dim3A_0 : vector<16xf32> to vector<1x1x16xf32>
    tpu.vector_store %arg6[%swap3A_986, %swap3A_987, %swap3A_988], %swap3A_991 {strides = array<i32>} : memref<5x40x128xf32, #tpu.memory_space<vmem>>, vector<1x1x16xf32>,
    %swap3A_992 = arith.constant 0 : i32
    %swap3A_993 = arith.constant 15 : i32
    %swap3A_994 = arith.index_cast %swap3A_992 : i32 to index
    %swap3A_995 = arith.index_cast %swap3A_993 : i32 to index
    %swap3A_996 = arith.constant 64 : index
    %swap3A_997 = tpu.vector_load %arg6[%swap3A_994, %swap3A_995, %swap3A_996] {strides = array<i32>} : memref<5x40x128xf32, #tpu.memory_space<vmem>>, vector<1x1x16xf32>,
    %swap3A_998 = vector.shape_cast %swap3A_997 : vector<1x1x16xf32> to vector<16xf32>
    %swap3A_999 = vector.shape_cast %broadcast_in_dim3A_0 : vector<16xf32> to vector<1x1x16xf32>
    tpu.vector_store %arg6[%swap3A_994, %swap3A_995, %swap3A_996], %swap3A_999 {strides = array<i32>} : memref<5x40x128xf32, #tpu.memory_space<vmem>>, vector<1x1x16xf32>,
    %swap3A_1000 = arith.constant 0 : i32
    %swap3A_1001 = arith.constant 15 : i32
    %swap3A_1002 = arith.index_cast %swap3A_1000 : i32 to index
    %swap3A_1003 = arith.index_cast %swap3A_1001 : i32 to index
    %swap3A_1004 = arith.constant 80 : index
    %swap3A_1005 = tpu.vector_load %arg6[%swap3A_1002, %swap3A_1003, %swap3A_1004] {strides = array<i32>} : memref<5x40x128xf32, #tpu.memory_space<vmem>>, vector<1x1x16xf32>,
    %swap3A_1006 = vector.shape_cast %swap3A_1005 : vector<1x1x16xf32> to vector<16xf32>
    %swap3A_1007 = vector.shape_cast %broadcast_in_dim3A_0 : vector<16xf32> to vector<1x1x16xf32>
    tpu.vector_store %arg6[%swap3A_1002, %swap3A_1003, %swap3A_1004], %swap3A_1007 {strides = array<i32>} : memref<5x40x128xf32, #tpu.memory_space<vmem>>, vector<1x1x16xf32>,
    %swap3A_1008 = arith.constant 0 : i32
    %swap3A_1009 = arith.constant 15 : i32
    %swap3A_1010 = arith.index_cast %swap3A_1008 : i32 to index
    %swap3A_1011 = arith.index_cast %swap3A_1009 : i32 to index
    %swap3A_1012 = arith.constant 96 : index
    %swap3A_1013 = tpu.vector_load %arg6[%swap3A_1010, %swap3A_1011, %swap3A_1012] {strides = array<i32>} : memref<5x40x128xf32, #tpu.memory_space<vmem>>, vector<1x1x16xf32>,
    %swap3A_1014 = vector.shape_cast %swap3A_1013 : vector<1x1x16xf32> to vector<16xf32>
    %swap3A_1015 = vector.shape_cast %broadcast_in_dim3A_0 : vector<16xf32> to vector<1x1x16xf32>
    tpu.vector_store %arg6[%swap3A_1010, %swap3A_1011, %swap3A_1012], %swap3A_1015 {strides = array<i32>} : memref<5x40x128xf32, #tpu.memory_space<vmem>>, vector<1x1x16xf32>,
    %swap3A_1016 = arith.constant 0 : i32
    %swap3A_1017 = arith.constant 15 : i32
    %swap3A_1018 = arith.index_cast %swap3A_1016 : i32 to index
    %swap3A_1019 = arith.index_cast %swap3A_1017 : i32 to index
    %swap3A_1020 = arith.constant 112 : index
    %swap3A_1021 = tpu.vector_load %arg6[%swap3A_1018, %swap3A_1019, %swap3A_1020] {strides = array<i32>} : memref<5x40x128xf32, #tpu.memory_space<vmem>>, vector<1x1x16xf32>,
    %swap3A_1022 = vector.shape_cast %swap3A_1021 : vector<1x1x16xf32> to vector<16xf32>
    %swap3A_1023 = vector.shape_cast %broadcast_in_dim3A_0 : vector<16xf32> to vector<1x1x16xf32>
    tpu.vector_store %arg6[%swap3A_1018, %swap3A_1019, %swap3A_1020], %swap3A_1023 {strides = array<i32>} : memref<5x40x128xf32, #tpu.memory_space<vmem>>, vector<1x1x16xf32>,
    %swap3A_1024 = arith.constant 0 : i32
    %swap3A_1025 = arith.constant 16 : i32
    %swap3A_1026 = arith.index_cast %swap3A_1024 : i32 to index
    %swap3A_1027 = arith.index_cast %swap3A_1025 : i32 to index
    %swap3A_1028 = arith.constant 0 : index
    %swap3A_1029 = tpu.vector_load %arg6[%swap3A_1026, %swap3A_1027, %swap3A_1028] {strides = array<i32>} : memref<5x40x128xf32, #tpu.memory_space<vmem>>, vector<1x1x16xf32>,
    %swap3A_1030 = vector.shape_cast %swap3A_1029 : vector<1x1x16xf32> to vector<16xf32>
    %swap3A_1031 = vector.shape_cast %broadcast_in_dim3A_0 : vector<16xf32> to vector<1x1x16xf32>
    tpu.vector_store %arg6[%swap3A_1026, %swap3A_1027, %swap3A_1028], %swap3A_1031 {strides = array<i32>} : memref<5x40x128xf32, #tpu.memory_space<vmem>>, vector<1x1x16xf32>,
    %swap3A_1032 = arith.constant 0 : i32
    %swap3A_1033 = arith.constant 16 : i32
    %swap3A_1034 = arith.index_cast %swap3A_1032 : i32 to index
    %swap3A_1035 = arith.index_cast %swap3A_1033 : i32 to index
    %swap3A_1036 = arith.constant 16 : index
    %swap3A_1037 = tpu.vector_load %arg6[%swap3A_1034, %swap3A_1035, %swap3A_1036] {strides = array<i32>} : memref<5x40x128xf32, #tpu.memory_space<vmem>>, vector<1x1x16xf32>,
    %swap3A_1038 = vector.shape_cast %swap3A_1037 : vector<1x1x16xf32> to vector<16xf32>
    %swap3A_1039 = vector.shape_cast %broadcast_in_dim3A_0 : vector<16xf32> to vector<1x1x16xf32>
    tpu.vector_store %arg6[%swap3A_1034, %swap3A_1035, %swap3A_1036], %swap3A_1039 {strides = array<i32>} : memref<5x40x128xf32, #tpu.memory_space<vmem>>, vector<1x1x16xf32>,
    %swap3A_1040 = arith.constant 0 : i32
    %swap3A_1041 = arith.constant 16 : i32
    %swap3A_1042 = arith.index_cast %swap3A_1040 : i32 to index
    %swap3A_1043 = arith.index_cast %swap3A_1041 : i32 to index
    %swap3A_1044 = arith.constant 32 : index
    %swap3A_1045 = tpu.vector_load %arg6[%swap3A_1042, %swap3A_1043, %swap3A_1044] {strides = array<i32>} : memref<5x40x128xf32, #tpu.memory_space<vmem>>, vector<1x1x16xf32>,
    %swap3A_1046 = vector.shape_cast %swap3A_1045 : vector<1x1x16xf32> to vector<16xf32>
    %swap3A_1047 = vector.shape_cast %broadcast_in_dim3A_0 : vector<16xf32> to vector<1x1x16xf32>
    tpu.vector_store %arg6[%swap3A_1042, %swap3A_1043, %swap3A_1044], %swap3A_1047 {strides = array<i32>} : memref<5x40x128xf32, #tpu.memory_space<vmem>>, vector<1x1x16xf32>,
    %swap3A_1048 = arith.constant 0 : i32
    %swap3A_1049 = arith.constant 16 : i32
    %swap3A_1050 = arith.index_cast %swap3A_1048 : i32 to index
    %swap3A_1051 = arith.index_cast %swap3A_1049 : i32 to index
    %swap3A_1052 = arith.constant 48 : index
    %swap3A_1053 = tpu.vector_load %arg6[%swap3A_1050, %swap3A_1051, %swap3A_1052] {strides = array<i32>} : memref<5x40x128xf32, #tpu.memory_space<vmem>>, vector<1x1x16xf32>,
    %swap3A_1054 = vector.shape_cast %swap3A_1053 : vector<1x1x16xf32> to vector<16xf32>
    %swap3A_1055 = vector.shape_cast %broadcast_in_dim3A_0 : vector<16xf32> to vector<1x1x16xf32>
    tpu.vector_store %arg6[%swap3A_1050, %swap3A_1051, %swap3A_1052], %swap3A_1055 {strides = array<i32>} : memref<5x40x128xf32, #tpu.memory_space<vmem>>, vector<1x1x16xf32>,
    %swap3A_1056 = arith.constant 0 : i32
    %swap3A_1057 = arith.constant 16 : i32
    %swap3A_1058 = arith.index_cast %swap3A_1056 : i32 to index
    %swap3A_1059 = arith.index_cast %swap3A_1057 : i32 to index
    %swap3A_1060 = arith.constant 64 : index
    %swap3A_1061 = tpu.vector_load %arg6[%swap3A_1058, %swap3A_1059, %swap3A_1060] {strides = array<i32>} : memref<5x40x128xf32, #tpu.memory_space<vmem>>, vector<1x1x16xf32>,
    %swap3A_1062 = vector.shape_cast %swap3A_1061 : vector<1x1x16xf32> to vector<16xf32>
    %swap3A_1063 = vector.shape_cast %broadcast_in_dim3A_0 : vector<16xf32> to vector<1x1x16xf32>
    tpu.vector_store %arg6[%swap3A_1058, %swap3A_1059, %swap3A_1060], %swap3A_1063 {strides = array<i32>} : memref<5x40x128xf32, #tpu.memory_space<vmem>>, vector<1x1x16xf32>,
    %swap3A_1064 = arith.constant 0 : i32
    %swap3A_1065 = arith.constant 16 : i32
    %swap3A_1066 = arith.index_cast %swap3A_1064 : i32 to index
    %swap3A_1067 = arith.index_cast %swap3A_1065 : i32 to index
    %swap3A_1068 = arith.constant 80 : index
    %swap3A_1069 = tpu.vector_load %arg6[%swap3A_1066, %swap3A_1067, %swap3A_1068] {strides = array<i32>} : memref<5x40x128xf32, #tpu.memory_space<vmem>>, vector<1x1x16xf32>,
    %swap3A_1070 = vector.shape_cast %swap3A_1069 : vector<1x1x16xf32> to vector<16xf32>
    %swap3A_1071 = vector.shape_cast %broadcast_in_dim3A_0 : vector<16xf32> to vector<1x1x16xf32>
    tpu.vector_store %arg6[%swap3A_1066, %swap3A_1067, %swap3A_1068], %swap3A_1071 {strides = array<i32>} : memref<5x40x128xf32, #tpu.memory_space<vmem>>, vector<1x1x16xf32>,
    %swap3A_1072 = arith.constant 0 : i32
    %swap3A_1073 = arith.constant 16 : i32
    %swap3A_1074 = arith.index_cast %swap3A_1072 : i32 to index
    %swap3A_1075 = arith.index_cast %swap3A_1073 : i32 to index
    %swap3A_1076 = arith.constant 96 : index
    %swap3A_1077 = tpu.vector_load %arg6[%swap3A_1074, %swap3A_1075, %swap3A_1076] {strides = array<i32>} : memref<5x40x128xf32, #tpu.memory_space<vmem>>, vector<1x1x16xf32>,
    %swap3A_1078 = vector.shape_cast %swap3A_1077 : vector<1x1x16xf32> to vector<16xf32>
    %swap3A_1079 = vector.shape_cast %broadcast_in_dim3A_0 : vector<16xf32> to vector<1x1x16xf32>
    tpu.vector_store %arg6[%swap3A_1074, %swap3A_1075, %swap3A_1076], %swap3A_1079 {strides = array<i32>} : memref<5x40x128xf32, #tpu.memory_space<vmem>>, vector<1x1x16xf32>,
    %swap3A_1080 = arith.constant 0 : i32
    %swap3A_1081 = arith.constant 16 : i32
    %swap3A_1082 = arith.index_cast %swap3A_1080 : i32 to index
    %swap3A_1083 = arith.index_cast %swap3A_1081 : i32 to index
    %swap3A_1084 = arith.constant 112 : index
    %swap3A_1085 = tpu.vector_load %arg6[%swap3A_1082, %swap3A_1083, %swap3A_1084] {strides = array<i32>} : memref<5x40x128xf32, #tpu.memory_space<vmem>>, vector<1x1x16xf32>,
    %swap3A_1086 = vector.shape_cast %swap3A_1085 : vector<1x1x16xf32> to vector<16xf32>
    %swap3A_1087 = vector.shape_cast %broadcast_in_dim3A_0 : vector<16xf32> to vector<1x1x16xf32>
    tpu.vector_store %arg6[%swap3A_1082, %swap3A_1083, %swap3A_1084], %swap3A_1087 {strides = array<i32>} : memref<5x40x128xf32, #tpu.memory_space<vmem>>, vector<1x1x16xf32>,
    %swap3A_1088 = arith.constant 0 : i32
    %swap3A_1089 = arith.constant 17 : i32
    %swap3A_1090 = arith.index_cast %swap3A_1088 : i32 to index
    %swap3A_1091 = arith.index_cast %swap3A_1089 : i32 to index
    %swap3A_1092 = arith.constant 0 : index
    %swap3A_1093 = tpu.vector_load %arg6[%swap3A_1090, %swap3A_1091, %swap3A_1092] {strides = array<i32>} : memref<5x40x128xf32, #tpu.memory_space<vmem>>, vector<1x1x16xf32>,
    %swap3A_1094 = vector.shape_cast %swap3A_1093 : vector<1x1x16xf32> to vector<16xf32>
    %swap3A_1095 = vector.shape_cast %broadcast_in_dim3A_0 : vector<16xf32> to vector<1x1x16xf32>
    tpu.vector_store %arg6[%swap3A_1090, %swap3A_1091, %swap3A_1092], %swap3A_1095 {strides = array<i32>} : memref<5x40x128xf32, #tpu.memory_space<vmem>>, vector<1x1x16xf32>,
    %swap3A_1096 = arith.constant 0 : i32
    %swap3A_1097 = arith.constant 17 : i32
    %swap3A_1098 = arith.index_cast %swap3A_1096 : i32 to index
    %swap3A_1099 = arith.index_cast %swap3A_1097 : i32 to index
    %swap3A_1100 = arith.constant 16 : index
    %swap3A_1101 = tpu.vector_load %arg6[%swap3A_1098, %swap3A_1099, %swap3A_1100] {strides = array<i32>} : memref<5x40x128xf32, #tpu.memory_space<vmem>>, vector<1x1x16xf32>,
    %swap3A_1102 = vector.shape_cast %swap3A_1101 : vector<1x1x16xf32> to vector<16xf32>
    %swap3A_1103 = vector.shape_cast %broadcast_in_dim3A_0 : vector<16xf32> to vector<1x1x16xf32>
    tpu.vector_store %arg6[%swap3A_1098, %swap3A_1099, %swap3A_1100], %swap3A_1103 {strides = array<i32>} : memref<5x40x128xf32, #tpu.memory_space<vmem>>, vector<1x1x16xf32>,
    %swap3A_1104 = arith.constant 0 : i32
    %swap3A_1105 = arith.constant 17 : i32
    %swap3A_1106 = arith.index_cast %swap3A_1104 : i32 to index
    %swap3A_1107 = arith.index_cast %swap3A_1105 : i32 to index
    %swap3A_1108 = arith.constant 32 : index
    %swap3A_1109 = tpu.vector_load %arg6[%swap3A_1106, %swap3A_1107, %swap3A_1108] {strides = array<i32>} : memref<5x40x128xf32, #tpu.memory_space<vmem>>, vector<1x1x16xf32>,
    %swap3A_1110 = vector.shape_cast %swap3A_1109 : vector<1x1x16xf32> to vector<16xf32>
    %swap3A_1111 = vector.shape_cast %broadcast_in_dim3A_0 : vector<16xf32> to vector<1x1x16xf32>
    tpu.vector_store %arg6[%swap3A_1106, %swap3A_1107, %swap3A_1108], %swap3A_1111 {strides = array<i32>} : memref<5x40x128xf32, #tpu.memory_space<vmem>>, vector<1x1x16xf32>,
    %swap3A_1112 = arith.constant 0 : i32
    %swap3A_1113 = arith.constant 17 : i32
    %swap3A_1114 = arith.index_cast %swap3A_1112 : i32 to index
    %swap3A_1115 = arith.index_cast %swap3A_1113 : i32 to index
    %swap3A_1116 = arith.constant 48 : index
    %swap3A_1117 = tpu.vector_load %arg6[%swap3A_1114, %swap3A_1115, %swap3A_1116] {strides = array<i32>} : memref<5x40x128xf32, #tpu.memory_space<vmem>>, vector<1x1x16xf32>,
    %swap3A_1118 = vector.shape_cast %swap3A_1117 : vector<1x1x16xf32> to vector<16xf32>
    %swap3A_1119 = vector.shape_cast %broadcast_in_dim3A_0 : vector<16xf32> to vector<1x1x16xf32>
    tpu.vector_store %arg6[%swap3A_1114, %swap3A_1115, %swap3A_1116], %swap3A_1119 {strides = array<i32>} : memref<5x40x128xf32, #tpu.memory_space<vmem>>, vector<1x1x16xf32>,
    %swap3A_1120 = arith.constant 0 : i32
    %swap3A_1121 = arith.constant 17 : i32
    %swap3A_1122 = arith.index_cast %swap3A_1120 : i32 to index
    %swap3A_1123 = arith.index_cast %swap3A_1121 : i32 to index
    %swap3A_1124 = arith.constant 64 : index
    %swap3A_1125 = tpu.vector_load %arg6[%swap3A_1122, %swap3A_1123, %swap3A_1124] {strides = array<i32>} : memref<5x40x128xf32, #tpu.memory_space<vmem>>, vector<1x1x16xf32>,
    %swap3A_1126 = vector.shape_cast %swap3A_1125 : vector<1x1x16xf32> to vector<16xf32>
    %swap3A_1127 = vector.shape_cast %broadcast_in_dim3A_0 : vector<16xf32> to vector<1x1x16xf32>
    tpu.vector_store %arg6[%swap3A_1122, %swap3A_1123, %swap3A_1124], %swap3A_1127 {strides = array<i32>} : memref<5x40x128xf32, #tpu.memory_space<vmem>>, vector<1x1x16xf32>,
    %swap3A_1128 = arith.constant 0 : i32
    %swap3A_1129 = arith.constant 17 : i32
    %swap3A_1130 = arith.index_cast %swap3A_1128 : i32 to index
    %swap3A_1131 = arith.index_cast %swap3A_1129 : i32 to index
    %swap3A_1132 = arith.constant 80 : index
    %swap3A_1133 = tpu.vector_load %arg6[%swap3A_1130, %swap3A_1131, %swap3A_1132] {strides = array<i32>} : memref<5x40x128xf32, #tpu.memory_space<vmem>>, vector<1x1x16xf32>,
    %swap3A_1134 = vector.shape_cast %swap3A_1133 : vector<1x1x16xf32> to vector<16xf32>
    %swap3A_1135 = vector.shape_cast %broadcast_in_dim3A_0 : vector<16xf32> to vector<1x1x16xf32>
    tpu.vector_store %arg6[%swap3A_1130, %swap3A_1131, %swap3A_1132], %swap3A_1135 {strides = array<i32>} : memref<5x40x128xf32, #tpu.memory_space<vmem>>, vector<1x1x16xf32>,
    %swap3A_1136 = arith.constant 0 : i32
    %swap3A_1137 = arith.constant 17 : i32
    %swap3A_1138 = arith.index_cast %swap3A_1136 : i32 to index
    %swap3A_1139 = arith.index_cast %swap3A_1137 : i32 to index
    %swap3A_1140 = arith.constant 96 : index
    %swap3A_1141 = tpu.vector_load %arg6[%swap3A_1138, %swap3A_1139, %swap3A_1140] {strides = array<i32>} : memref<5x40x128xf32, #tpu.memory_space<vmem>>, vector<1x1x16xf32>,
    %swap3A_1142 = vector.shape_cast %swap3A_1141 : vector<1x1x16xf32> to vector<16xf32>
    %swap3A_1143 = vector.shape_cast %broadcast_in_dim3A_0 : vector<16xf32> to vector<1x1x16xf32>
    tpu.vector_store %arg6[%swap3A_1138, %swap3A_1139, %swap3A_1140], %swap3A_1143 {strides = array<i32>} : memref<5x40x128xf32, #tpu.memory_space<vmem>>, vector<1x1x16xf32>,
    %swap3A_1144 = arith.constant 0 : i32
    %swap3A_1145 = arith.constant 17 : i32
    %swap3A_1146 = arith.index_cast %swap3A_1144 : i32 to index
    %swap3A_1147 = arith.index_cast %swap3A_1145 : i32 to index
    %swap3A_1148 = arith.constant 112 : index
    %swap3A_1149 = tpu.vector_load %arg6[%swap3A_1146, %swap3A_1147, %swap3A_1148] {strides = array<i32>} : memref<5x40x128xf32, #tpu.memory_space<vmem>>, vector<1x1x16xf32>,
    %swap3A_1150 = vector.shape_cast %swap3A_1149 : vector<1x1x16xf32> to vector<16xf32>
    %swap3A_1151 = vector.shape_cast %broadcast_in_dim3A_0 : vector<16xf32> to vector<1x1x16xf32>
    tpu.vector_store %arg6[%swap3A_1146, %swap3A_1147, %swap3A_1148], %swap3A_1151 {strides = array<i32>} : memref<5x40x128xf32, #tpu.memory_space<vmem>>, vector<1x1x16xf32>,
    %swap3A_1152 = arith.constant 0 : i32
    %swap3A_1153 = arith.constant 18 : i32
    %swap3A_1154 = arith.index_cast %swap3A_1152 : i32 to index
    %swap3A_1155 = arith.index_cast %swap3A_1153 : i32 to index
    %swap3A_1156 = arith.constant 0 : index
    %swap3A_1157 = tpu.vector_load %arg6[%swap3A_1154, %swap3A_1155, %swap3A_1156] {strides = array<i32>} : memref<5x40x128xf32, #tpu.memory_space<vmem>>, vector<1x1x16xf32>,
    %swap3A_1158 = vector.shape_cast %swap3A_1157 : vector<1x1x16xf32> to vector<16xf32>
    %swap3A_1159 = vector.shape_cast %broadcast_in_dim3A_0 : vector<16xf32> to vector<1x1x16xf32>
    tpu.vector_store %arg6[%swap3A_1154, %swap3A_1155, %swap3A_1156], %swap3A_1159 {strides = array<i32>} : memref<5x40x128xf32, #tpu.memory_space<vmem>>, vector<1x1x16xf32>,
    %swap3A_1160 = arith.constant 0 : i32
    %swap3A_1161 = arith.constant 18 : i32
    %swap3A_1162 = arith.index_cast %swap3A_1160 : i32 to index
    %swap3A_1163 = arith.index_cast %swap3A_1161 : i32 to index
    %swap3A_1164 = arith.constant 16 : index
    %swap3A_1165 = tpu.vector_load %arg6[%swap3A_1162, %swap3A_1163, %swap3A_1164] {strides = array<i32>} : memref<5x40x128xf32, #tpu.memory_space<vmem>>, vector<1x1x16xf32>,
    %swap3A_1166 = vector.shape_cast %swap3A_1165 : vector<1x1x16xf32> to vector<16xf32>
    %swap3A_1167 = vector.shape_cast %broadcast_in_dim3A_0 : vector<16xf32> to vector<1x1x16xf32>
    tpu.vector_store %arg6[%swap3A_1162, %swap3A_1163, %swap3A_1164], %swap3A_1167 {strides = array<i32>} : memref<5x40x128xf32, #tpu.memory_space<vmem>>, vector<1x1x16xf32>,
    %swap3A_1168 = arith.constant 0 : i32
    %swap3A_1169 = arith.constant 18 : i32
    %swap3A_1170 = arith.index_cast %swap3A_1168 : i32 to index
    %swap3A_1171 = arith.index_cast %swap3A_1169 : i32 to index
    %swap3A_1172 = arith.constant 32 : index
    %swap3A_1173 = tpu.vector_load %arg6[%swap3A_1170, %swap3A_1171, %swap3A_1172] {strides = array<i32>} : memref<5x40x128xf32, #tpu.memory_space<vmem>>, vector<1x1x16xf32>,
    %swap3A_1174 = vector.shape_cast %swap3A_1173 : vector<1x1x16xf32> to vector<16xf32>
    %swap3A_1175 = vector.shape_cast %broadcast_in_dim3A_0 : vector<16xf32> to vector<1x1x16xf32>
    tpu.vector_store %arg6[%swap3A_1170, %swap3A_1171, %swap3A_1172], %swap3A_1175 {strides = array<i32>} : memref<5x40x128xf32, #tpu.memory_space<vmem>>, vector<1x1x16xf32>,
    %swap3A_1176 = arith.constant 0 : i32
    %swap3A_1177 = arith.constant 18 : i32
    %swap3A_1178 = arith.index_cast %swap3A_1176 : i32 to index
    %swap3A_1179 = arith.index_cast %swap3A_1177 : i32 to index
    %swap3A_1180 = arith.constant 48 : index
    %swap3A_1181 = tpu.vector_load %arg6[%swap3A_1178, %swap3A_1179, %swap3A_1180] {strides = array<i32>} : memref<5x40x128xf32, #tpu.memory_space<vmem>>, vector<1x1x16xf32>,
    %swap3A_1182 = vector.shape_cast %swap3A_1181 : vector<1x1x16xf32> to vector<16xf32>
    %swap3A_1183 = vector.shape_cast %broadcast_in_dim3A_0 : vector<16xf32> to vector<1x1x16xf32>
    tpu.vector_store %arg6[%swap3A_1178, %swap3A_1179, %swap3A_1180], %swap3A_1183 {strides = array<i32>} : memref<5x40x128xf32, #tpu.memory_space<vmem>>, vector<1x1x16xf32>,
    %swap3A_1184 = arith.constant 0 : i32
    %swap3A_1185 = arith.constant 18 : i32
    %swap3A_1186 = arith.index_cast %swap3A_1184 : i32 to index
    %swap3A_1187 = arith.index_cast %swap3A_1185 : i32 to index
    %swap3A_1188 = arith.constant 64 : index
    %swap3A_1189 = tpu.vector_load %arg6[%swap3A_1186, %swap3A_1187, %swap3A_1188] {strides = array<i32>} : memref<5x40x128xf32, #tpu.memory_space<vmem>>, vector<1x1x16xf32>,
    %swap3A_1190 = vector.shape_cast %swap3A_1189 : vector<1x1x16xf32> to vector<16xf32>
    %swap3A_1191 = vector.shape_cast %broadcast_in_dim3A_0 : vector<16xf32> to vector<1x1x16xf32>
    tpu.vector_store %arg6[%swap3A_1186, %swap3A_1187, %swap3A_1188], %swap3A_1191 {strides = array<i32>} : memref<5x40x128xf32, #tpu.memory_space<vmem>>, vector<1x1x16xf32>,
    %swap3A_1192 = arith.constant 0 : i32
    %swap3A_1193 = arith.constant 18 : i32
    %swap3A_1194 = arith.index_cast %swap3A_1192 : i32 to index
    %swap3A_1195 = arith.index_cast %swap3A_1193 : i32 to index
    %swap3A_1196 = arith.constant 80 : index
    %swap3A_1197 = tpu.vector_load %arg6[%swap3A_1194, %swap3A_1195, %swap3A_1196] {strides = array<i32>} : memref<5x40x128xf32, #tpu.memory_space<vmem>>, vector<1x1x16xf32>,
    %swap3A_1198 = vector.shape_cast %swap3A_1197 : vector<1x1x16xf32> to vector<16xf32>
    %swap3A_1199 = vector.shape_cast %broadcast_in_dim3A_0 : vector<16xf32> to vector<1x1x16xf32>
    tpu.vector_store %arg6[%swap3A_1194, %swap3A_1195, %swap3A_1196], %swap3A_1199 {strides = array<i32>} : memref<5x40x128xf32, #tpu.memory_space<vmem>>, vector<1x1x16xf32>,
    %swap3A_1200 = arith.constant 0 : i32
    %swap3A_1201 = arith.constant 18 : i32
    %swap3A_1202 = arith.index_cast %swap3A_1200 : i32 to index
    %swap3A_1203 = arith.index_cast %swap3A_1201 : i32 to index
    %swap3A_1204 = arith.constant 96 : index
    %swap3A_1205 = tpu.vector_load %arg6[%swap3A_1202, %swap3A_1203, %swap3A_1204] {strides = array<i32>} : memref<5x40x128xf32, #tpu.memory_space<vmem>>, vector<1x1x16xf32>,
    %swap3A_1206 = vector.shape_cast %swap3A_1205 : vector<1x1x16xf32> to vector<16xf32>
    %swap3A_1207 = vector.shape_cast %broadcast_in_dim3A_0 : vector<16xf32> to vector<1x1x16xf32>
    tpu.vector_store %arg6[%swap3A_1202, %swap3A_1203, %swap3A_1204], %swap3A_1207 {strides = array<i32>} : memref<5x40x128xf32, #tpu.memory_space<vmem>>, vector<1x1x16xf32>,
    %swap3A_1208 = arith.constant 0 : i32
    %swap3A_1209 = arith.constant 18 : i32
    %swap3A_1210 = arith.index_cast %swap3A_1208 : i32 to index
    %swap3A_1211 = arith.index_cast %swap3A_1209 : i32 to index
    %swap3A_1212 = arith.constant 112 : index
    %swap3A_1213 = tpu.vector_load %arg6[%swap3A_1210, %swap3A_1211, %swap3A_1212] {strides = array<i32>} : memref<5x40x128xf32, #tpu.memory_space<vmem>>, vector<1x1x16xf32>,
    %swap3A_1214 = vector.shape_cast %swap3A_1213 : vector<1x1x16xf32> to vector<16xf32>
    %swap3A_1215 = vector.shape_cast %broadcast_in_dim3A_0 : vector<16xf32> to vector<1x1x16xf32>
    tpu.vector_store %arg6[%swap3A_1210, %swap3A_1211, %swap3A_1212], %swap3A_1215 {strides = array<i32>} : memref<5x40x128xf32, #tpu.memory_space<vmem>>, vector<1x1x16xf32>,
    %swap3A_1216 = arith.constant 0 : i32
    %swap3A_1217 = arith.constant 19 : i32
    %swap3A_1218 = arith.index_cast %swap3A_1216 : i32 to index
    %swap3A_1219 = arith.index_cast %swap3A_1217 : i32 to index
    %swap3A_1220 = arith.constant 0 : index
    %swap3A_1221 = tpu.vector_load %arg6[%swap3A_1218, %swap3A_1219, %swap3A_1220] {strides = array<i32>} : memref<5x40x128xf32, #tpu.memory_space<vmem>>, vector<1x1x16xf32>,
    %swap3A_1222 = vector.shape_cast %swap3A_1221 : vector<1x1x16xf32> to vector<16xf32>
    %swap3A_1223 = vector.shape_cast %broadcast_in_dim3A_0 : vector<16xf32> to vector<1x1x16xf32>
    tpu.vector_store %arg6[%swap3A_1218, %swap3A_1219, %swap3A_1220], %swap3A_1223 {strides = array<i32>} : memref<5x40x128xf32, #tpu.memory_space<vmem>>, vector<1x1x16xf32>,
    %swap3A_1224 = arith.constant 0 : i32
    %swap3A_1225 = arith.constant 19 : i32
    %swap3A_1226 = arith.index_cast %swap3A_1224 : i32 to index
    %swap3A_1227 = arith.index_cast %swap3A_1225 : i32 to index
    %swap3A_1228 = arith.constant 16 : index
    %swap3A_1229 = tpu.vector_load %arg6[%swap3A_1226, %swap3A_1227, %swap3A_1228] {strides = array<i32>} : memref<5x40x128xf32, #tpu.memory_space<vmem>>, vector<1x1x16xf32>,
    %swap3A_1230 = vector.shape_cast %swap3A_1229 : vector<1x1x16xf32> to vector<16xf32>
    %swap3A_1231 = vector.shape_cast %broadcast_in_dim3A_0 : vector<16xf32> to vector<1x1x16xf32>
    tpu.vector_store %arg6[%swap3A_1226, %swap3A_1227, %swap3A_1228], %swap3A_1231 {strides = array<i32>} : memref<5x40x128xf32, #tpu.memory_space<vmem>>, vector<1x1x16xf32>,
    %swap3A_1232 = arith.constant 0 : i32
    %swap3A_1233 = arith.constant 19 : i32
    %swap3A_1234 = arith.index_cast %swap3A_1232 : i32 to index
    %swap3A_1235 = arith.index_cast %swap3A_1233 : i32 to index
    %swap3A_1236 = arith.constant 32 : index
    %swap3A_1237 = tpu.vector_load %arg6[%swap3A_1234, %swap3A_1235, %swap3A_1236] {strides = array<i32>} : memref<5x40x128xf32, #tpu.memory_space<vmem>>, vector<1x1x16xf32>,
    %swap3A_1238 = vector.shape_cast %swap3A_1237 : vector<1x1x16xf32> to vector<16xf32>
    %swap3A_1239 = vector.shape_cast %broadcast_in_dim3A_0 : vector<16xf32> to vector<1x1x16xf32>
    tpu.vector_store %arg6[%swap3A_1234, %swap3A_1235, %swap3A_1236], %swap3A_1239 {strides = array<i32>} : memref<5x40x128xf32, #tpu.memory_space<vmem>>, vector<1x1x16xf32>,
    %swap3A_1240 = arith.constant 0 : i32
    %swap3A_1241 = arith.constant 19 : i32
    %swap3A_1242 = arith.index_cast %swap3A_1240 : i32 to index
    %swap3A_1243 = arith.index_cast %swap3A_1241 : i32 to index
    %swap3A_1244 = arith.constant 48 : index
    %swap3A_1245 = tpu.vector_load %arg6[%swap3A_1242, %swap3A_1243, %swap3A_1244] {strides = array<i32>} : memref<5x40x128xf32, #tpu.memory_space<vmem>>, vector<1x1x16xf32>,
    %swap3A_1246 = vector.shape_cast %swap3A_1245 : vector<1x1x16xf32> to vector<16xf32>
    %swap3A_1247 = vector.shape_cast %broadcast_in_dim3A_0 : vector<16xf32> to vector<1x1x16xf32>
    tpu.vector_store %arg6[%swap3A_1242, %swap3A_1243, %swap3A_1244], %swap3A_1247 {strides = array<i32>} : memref<5x40x128xf32, #tpu.memory_space<vmem>>, vector<1x1x16xf32>,
    %swap3A_1248 = arith.constant 0 : i32
    %swap3A_1249 = arith.constant 19 : i32
    %swap3A_1250 = arith.index_cast %swap3A_1248 : i32 to index
    %swap3A_1251 = arith.index_cast %swap3A_1249 : i32 to index
    %swap3A_1252 = arith.constant 64 : index
    %swap3A_1253 = tpu.vector_load %arg6[%swap3A_1250, %swap3A_1251, %swap3A_1252] {strides = array<i32>} : memref<5x40x128xf32, #tpu.memory_space<vmem>>, vector<1x1x16xf32>,
    %swap3A_1254 = vector.shape_cast %swap3A_1253 : vector<1x1x16xf32> to vector<16xf32>
    %swap3A_1255 = vector.shape_cast %broadcast_in_dim3A_0 : vector<16xf32> to vector<1x1x16xf32>
    tpu.vector_store %arg6[%swap3A_1250, %swap3A_1251, %swap3A_1252], %swap3A_1255 {strides = array<i32>} : memref<5x40x128xf32, #tpu.memory_space<vmem>>, vector<1x1x16xf32>,
    %swap3A_1256 = arith.constant 0 : i32
    %swap3A_1257 = arith.constant 19 : i32
    %swap3A_1258 = arith.index_cast %swap3A_1256 : i32 to index
    %swap3A_1259 = arith.index_cast %swap3A_1257 : i32 to index
    %swap3A_1260 = arith.constant 80 : index
    %swap3A_1261 = tpu.vector_load %arg6[%swap3A_1258, %swap3A_1259, %swap3A_1260] {strides = array<i32>} : memref<5x40x128xf32, #tpu.memory_space<vmem>>, vector<1x1x16xf32>,
    %swap3A_1262 = vector.shape_cast %swap3A_1261 : vector<1x1x16xf32> to vector<16xf32>
    %swap3A_1263 = vector.shape_cast %broadcast_in_dim3A_0 : vector<16xf32> to vector<1x1x16xf32>
    tpu.vector_store %arg6[%swap3A_1258, %swap3A_1259, %swap3A_1260], %swap3A_1263 {strides = array<i32>} : memref<5x40x128xf32, #tpu.memory_space<vmem>>, vector<1x1x16xf32>,
    %swap3A_1264 = arith.constant 0 : i32
    %swap3A_1265 = arith.constant 19 : i32
    %swap3A_1266 = arith.index_cast %swap3A_1264 : i32 to index
    %swap3A_1267 = arith.index_cast %swap3A_1265 : i32 to index
    %swap3A_1268 = arith.constant 96 : index
    %swap3A_1269 = tpu.vector_load %arg6[%swap3A_1266, %swap3A_1267, %swap3A_1268] {strides = array<i32>} : memref<5x40x128xf32, #tpu.memory_space<vmem>>, vector<1x1x16xf32>,
    %swap3A_1270 = vector.shape_cast %swap3A_1269 : vector<1x1x16xf32> to vector<16xf32>
    %swap3A_1271 = vector.shape_cast %broadcast_in_dim3A_0 : vector<16xf32> to vector<1x1x16xf32>
    tpu.vector_store %arg6[%swap3A_1266, %swap3A_1267, %swap3A_1268], %swap3A_1271 {strides = array<i32>} : memref<5x40x128xf32, #tpu.memory_space<vmem>>, vector<1x1x16xf32>,
    %swap3A_1272 = arith.constant 0 : i32
    %swap3A_1273 = arith.constant 19 : i32
    %swap3A_1274 = arith.index_cast %swap3A_1272 : i32 to index
    %swap3A_1275 = arith.index_cast %swap3A_1273 : i32 to index
    %swap3A_1276 = arith.constant 112 : index
    %swap3A_1277 = tpu.vector_load %arg6[%swap3A_1274, %swap3A_1275, %swap3A_1276] {strides = array<i32>} : memref<5x40x128xf32, #tpu.memory_space<vmem>>, vector<1x1x16xf32>,
    %swap3A_1278 = vector.shape_cast %swap3A_1277 : vector<1x1x16xf32> to vector<16xf32>
    %swap3A_1279 = vector.shape_cast %broadcast_in_dim3A_0 : vector<16xf32> to vector<1x1x16xf32>
    tpu.vector_store %arg6[%swap3A_1274, %swap3A_1275, %swap3A_1276], %swap3A_1279 {strides = array<i32>} : memref<5x40x128xf32, #tpu.memory_space<vmem>>, vector<1x1x16xf32>,
    %swap3A_1280 = arith.constant 0 : i32
    %swap3A_1281 = arith.constant 20 : i32
    %swap3A_1282 = arith.index_cast %swap3A_1280 : i32 to index
    %swap3A_1283 = arith.index_cast %swap3A_1281 : i32 to index
    %swap3A_1284 = arith.constant 0 : index
    %swap3A_1285 = tpu.vector_load %arg6[%swap3A_1282, %swap3A_1283, %swap3A_1284] {strides = array<i32>} : memref<5x40x128xf32, #tpu.memory_space<vmem>>, vector<1x1x16xf32>,
    %swap3A_1286 = vector.shape_cast %swap3A_1285 : vector<1x1x16xf32> to vector<16xf32>
    %swap3A_1287 = vector.shape_cast %broadcast_in_dim3A_0 : vector<16xf32> to vector<1x1x16xf32>
    tpu.vector_store %arg6[%swap3A_1282, %swap3A_1283, %swap3A_1284], %swap3A_1287 {strides = array<i32>} : memref<5x40x128xf32, #tpu.memory_space<vmem>>, vector<1x1x16xf32>,
    %swap3A_1288 = arith.constant 0 : i32
    %swap3A_1289 = arith.constant 20 : i32
    %swap3A_1290 = arith.index_cast %swap3A_1288 : i32 to index
    %swap3A_1291 = arith.index_cast %swap3A_1289 : i32 to index
    %swap3A_1292 = arith.constant 16 : index
    %swap3A_1293 = tpu.vector_load %arg6[%swap3A_1290, %swap3A_1291, %swap3A_1292] {strides = array<i32>} : memref<5x40x128xf32, #tpu.memory_space<vmem>>, vector<1x1x16xf32>,
    %swap3A_1294 = vector.shape_cast %swap3A_1293 : vector<1x1x16xf32> to vector<16xf32>
    %swap3A_1295 = vector.shape_cast %broadcast_in_dim3A_0 : vector<16xf32> to vector<1x1x16xf32>
    tpu.vector_store %arg6[%swap3A_1290, %swap3A_1291, %swap3A_1292], %swap3A_1295 {strides = array<i32>} : memref<5x40x128xf32, #tpu.memory_space<vmem>>, vector<1x1x16xf32>,
    %swap3A_1296 = arith.constant 0 : i32
    %swap3A_1297 = arith.constant 20 : i32
    %swap3A_1298 = arith.index_cast %swap3A_1296 : i32 to index
    %swap3A_1299 = arith.index_cast %swap3A_1297 : i32 to index
    %swap3A_1300 = arith.constant 32 : index
    %swap3A_1301 = tpu.vector_load %arg6[%swap3A_1298, %swap3A_1299, %swap3A_1300] {strides = array<i32>} : memref<5x40x128xf32, #tpu.memory_space<vmem>>, vector<1x1x16xf32>,
    %swap3A_1302 = vector.shape_cast %swap3A_1301 : vector<1x1x16xf32> to vector<16xf32>
    %swap3A_1303 = vector.shape_cast %broadcast_in_dim3A_0 : vector<16xf32> to vector<1x1x16xf32>
    tpu.vector_store %arg6[%swap3A_1298, %swap3A_1299, %swap3A_1300], %swap3A_1303 {strides = array<i32>} : memref<5x40x128xf32, #tpu.memory_space<vmem>>, vector<1x1x16xf32>,
    %swap3A_1304 = arith.constant 0 : i32
    %swap3A_1305 = arith.constant 20 : i32
    %swap3A_1306 = arith.index_cast %swap3A_1304 : i32 to index
    %swap3A_1307 = arith.index_cast %swap3A_1305 : i32 to index
    %swap3A_1308 = arith.constant 48 : index
    %swap3A_1309 = tpu.vector_load %arg6[%swap3A_1306, %swap3A_1307, %swap3A_1308] {strides = array<i32>} : memref<5x40x128xf32, #tpu.memory_space<vmem>>, vector<1x1x16xf32>,
    %swap3A_1310 = vector.shape_cast %swap3A_1309 : vector<1x1x16xf32> to vector<16xf32>
    %swap3A_1311 = vector.shape_cast %broadcast_in_dim3A_0 : vector<16xf32> to vector<1x1x16xf32>
    tpu.vector_store %arg6[%swap3A_1306, %swap3A_1307, %swap3A_1308], %swap3A_1311 {strides = array<i32>} : memref<5x40x128xf32, #tpu.memory_space<vmem>>, vector<1x1x16xf32>,
    %swap3A_1312 = arith.constant 0 : i32
    %swap3A_1313 = arith.constant 20 : i32
    %swap3A_1314 = arith.index_cast %swap3A_1312 : i32 to index
    %swap3A_1315 = arith.index_cast %swap3A_1313 : i32 to index
    %swap3A_1316 = arith.constant 64 : index
    %swap3A_1317 = tpu.vector_load %arg6[%swap3A_1314, %swap3A_1315, %swap3A_1316] {strides = array<i32>} : memref<5x40x128xf32, #tpu.memory_space<vmem>>, vector<1x1x16xf32>,
    %swap3A_1318 = vector.shape_cast %swap3A_1317 : vector<1x1x16xf32> to vector<16xf32>
    %swap3A_1319 = vector.shape_cast %broadcast_in_dim3A_0 : vector<16xf32> to vector<1x1x16xf32>
    tpu.vector_store %arg6[%swap3A_1314, %swap3A_1315, %swap3A_1316], %swap3A_1319 {strides = array<i32>} : memref<5x40x128xf32, #tpu.memory_space<vmem>>, vector<1x1x16xf32>,
    %swap3A_1320 = arith.constant 0 : i32
    %swap3A_1321 = arith.constant 20 : i32
    %swap3A_1322 = arith.index_cast %swap3A_1320 : i32 to index
    %swap3A_1323 = arith.index_cast %swap3A_1321 : i32 to index
    %swap3A_1324 = arith.constant 80 : index
    %swap3A_1325 = tpu.vector_load %arg6[%swap3A_1322, %swap3A_1323, %swap3A_1324] {strides = array<i32>} : memref<5x40x128xf32, #tpu.memory_space<vmem>>, vector<1x1x16xf32>,
    %swap3A_1326 = vector.shape_cast %swap3A_1325 : vector<1x1x16xf32> to vector<16xf32>
    %swap3A_1327 = vector.shape_cast %broadcast_in_dim3A_0 : vector<16xf32> to vector<1x1x16xf32>
    tpu.vector_store %arg6[%swap3A_1322, %swap3A_1323, %swap3A_1324], %swap3A_1327 {strides = array<i32>} : memref<5x40x128xf32, #tpu.memory_space<vmem>>, vector<1x1x16xf32>,
    %swap3A_1328 = arith.constant 0 : i32
    %swap3A_1329 = arith.constant 20 : i32
    %swap3A_1330 = arith.index_cast %swap3A_1328 : i32 to index
    %swap3A_1331 = arith.index_cast %swap3A_1329 : i32 to index
    %swap3A_1332 = arith.constant 96 : index
    %swap3A_1333 = tpu.vector_load %arg6[%swap3A_1330, %swap3A_1331, %swap3A_1332] {strides = array<i32>} : memref<5x40x128xf32, #tpu.memory_space<vmem>>, vector<1x1x16xf32>,
    %swap3A_1334 = vector.shape_cast %swap3A_1333 : vector<1x1x16xf32> to vector<16xf32>
    %swap3A_1335 = vector.shape_cast %broadcast_in_dim3A_0 : vector<16xf32> to vector<1x1x16xf32>
    tpu.vector_store %arg6[%swap3A_1330, %swap3A_1331, %swap3A_1332], %swap3A_1335 {strides = array<i32>} : memref<5x40x128xf32, #tpu.memory_space<vmem>>, vector<1x1x16xf32>,
    %swap3A_1336 = arith.constant 0 : i32
    %swap3A_1337 = arith.constant 20 : i32
    %swap3A_1338 = arith.index_cast %swap3A_1336 : i32 to index
    %swap3A_1339 = arith.index_cast %swap3A_1337 : i32 to index
    %swap3A_1340 = arith.constant 112 : index
    %swap3A_1341 = tpu.vector_load %arg6[%swap3A_1338, %swap3A_1339, %swap3A_1340] {strides = array<i32>} : memref<5x40x128xf32, #tpu.memory_space<vmem>>, vector<1x1x16xf32>,
    %swap3A_1342 = vector.shape_cast %swap3A_1341 : vector<1x1x16xf32> to vector<16xf32>
    %swap3A_1343 = vector.shape_cast %broadcast_in_dim3A_0 : vector<16xf32> to vector<1x1x16xf32>
    tpu.vector_store %arg6[%swap3A_1338, %swap3A_1339, %swap3A_1340], %swap3A_1343 {strides = array<i32>} : memref<5x40x128xf32, #tpu.memory_space<vmem>>, vector<1x1x16xf32>,
    %swap3A_1344 = arith.constant 0 : i32
    %swap3A_1345 = arith.constant 21 : i32
    %swap3A_1346 = arith.index_cast %swap3A_1344 : i32 to index
    %swap3A_1347 = arith.index_cast %swap3A_1345 : i32 to index
    %swap3A_1348 = arith.constant 0 : index
    %swap3A_1349 = tpu.vector_load %arg6[%swap3A_1346, %swap3A_1347, %swap3A_1348] {strides = array<i32>} : memref<5x40x128xf32, #tpu.memory_space<vmem>>, vector<1x1x16xf32>,
    %swap3A_1350 = vector.shape_cast %swap3A_1349 : vector<1x1x16xf32> to vector<16xf32>
    %swap3A_1351 = vector.shape_cast %broadcast_in_dim3A_0 : vector<16xf32> to vector<1x1x16xf32>
    tpu.vector_store %arg6[%swap3A_1346, %swap3A_1347, %swap3A_1348], %swap3A_1351 {strides = array<i32>} : memref<5x40x128xf32, #tpu.memory_space<vmem>>, vector<1x1x16xf32>,
    %swap3A_1352 = arith.constant 0 : i32
    %swap3A_1353 = arith.constant 21 : i32
    %swap3A_1354 = arith.index_cast %swap3A_1352 : i32 to index
    %swap3A_1355 = arith.index_cast %swap3A_1353 : i32 to index
    %swap3A_1356 = arith.constant 16 : index
    %swap3A_1357 = tpu.vector_load %arg6[%swap3A_1354, %swap3A_1355, %swap3A_1356] {strides = array<i32>} : memref<5x40x128xf32, #tpu.memory_space<vmem>>, vector<1x1x16xf32>,
    %swap3A_1358 = vector.shape_cast %swap3A_1357 : vector<1x1x16xf32> to vector<16xf32>
    %swap3A_1359 = vector.shape_cast %broadcast_in_dim3A_0 : vector<16xf32> to vector<1x1x16xf32>
    tpu.vector_store %arg6[%swap3A_1354, %swap3A_1355, %swap3A_1356], %swap3A_1359 {strides = array<i32>} : memref<5x40x128xf32, #tpu.memory_space<vmem>>, vector<1x1x16xf32>,
    %swap3A_1360 = arith.constant 0 : i32
    %swap3A_1361 = arith.constant 21 : i32
    %swap3A_1362 = arith.index_cast %swap3A_1360 : i32 to index
    %swap3A_1363 = arith.index_cast %swap3A_1361 : i32 to index
    %swap3A_1364 = arith.constant 32 : index
    %swap3A_1365 = tpu.vector_load %arg6[%swap3A_1362, %swap3A_1363, %swap3A_1364] {strides = array<i32>} : memref<5x40x128xf32, #tpu.memory_space<vmem>>, vector<1x1x16xf32>,
    %swap3A_1366 = vector.shape_cast %swap3A_1365 : vector<1x1x16xf32> to vector<16xf32>
    %swap3A_1367 = vector.shape_cast %broadcast_in_dim3A_0 : vector<16xf32> to vector<1x1x16xf32>
    tpu.vector_store %arg6[%swap3A_1362, %swap3A_1363, %swap3A_1364], %swap3A_1367 {strides = array<i32>} : memref<5x40x128xf32, #tpu.memory_space<vmem>>, vector<1x1x16xf32>,
    %swap3A_1368 = arith.constant 0 : i32
    %swap3A_1369 = arith.constant 21 : i32
    %swap3A_1370 = arith.index_cast %swap3A_1368 : i32 to index
    %swap3A_1371 = arith.index_cast %swap3A_1369 : i32 to index
    %swap3A_1372 = arith.constant 48 : index
    %swap3A_1373 = tpu.vector_load %arg6[%swap3A_1370, %swap3A_1371, %swap3A_1372] {strides = array<i32>} : memref<5x40x128xf32, #tpu.memory_space<vmem>>, vector<1x1x16xf32>,
    %swap3A_1374 = vector.shape_cast %swap3A_1373 : vector<1x1x16xf32> to vector<16xf32>
    %swap3A_1375 = vector.shape_cast %broadcast_in_dim3A_0 : vector<16xf32> to vector<1x1x16xf32>
    tpu.vector_store %arg6[%swap3A_1370, %swap3A_1371, %swap3A_1372], %swap3A_1375 {strides = array<i32>} : memref<5x40x128xf32, #tpu.memory_space<vmem>>, vector<1x1x16xf32>,
    %swap3A_1376 = arith.constant 0 : i32
    %swap3A_1377 = arith.constant 21 : i32
    %swap3A_1378 = arith.index_cast %swap3A_1376 : i32 to index
    %swap3A_1379 = arith.index_cast %swap3A_1377 : i32 to index
    %swap3A_1380 = arith.constant 64 : index
    %swap3A_1381 = tpu.vector_load %arg6[%swap3A_1378, %swap3A_1379, %swap3A_1380] {strides = array<i32>} : memref<5x40x128xf32, #tpu.memory_space<vmem>>, vector<1x1x16xf32>,
    %swap3A_1382 = vector.shape_cast %swap3A_1381 : vector<1x1x16xf32> to vector<16xf32>
    %swap3A_1383 = vector.shape_cast %broadcast_in_dim3A_0 : vector<16xf32> to vector<1x1x16xf32>
    tpu.vector_store %arg6[%swap3A_1378, %swap3A_1379, %swap3A_1380], %swap3A_1383 {strides = array<i32>} : memref<5x40x128xf32, #tpu.memory_space<vmem>>, vector<1x1x16xf32>,
    %swap3A_1384 = arith.constant 0 : i32
    %swap3A_1385 = arith.constant 21 : i32
    %swap3A_1386 = arith.index_cast %swap3A_1384 : i32 to index
    %swap3A_1387 = arith.index_cast %swap3A_1385 : i32 to index
    %swap3A_1388 = arith.constant 80 : index
    %swap3A_1389 = tpu.vector_load %arg6[%swap3A_1386, %swap3A_1387, %swap3A_1388] {strides = array<i32>} : memref<5x40x128xf32, #tpu.memory_space<vmem>>, vector<1x1x16xf32>,
    %swap3A_1390 = vector.shape_cast %swap3A_1389 : vector<1x1x16xf32> to vector<16xf32>
    %swap3A_1391 = vector.shape_cast %broadcast_in_dim3A_0 : vector<16xf32> to vector<1x1x16xf32>
    tpu.vector_store %arg6[%swap3A_1386, %swap3A_1387, %swap3A_1388], %swap3A_1391 {strides = array<i32>} : memref<5x40x128xf32, #tpu.memory_space<vmem>>, vector<1x1x16xf32>,
    %swap3A_1392 = arith.constant 0 : i32
    %swap3A_1393 = arith.constant 21 : i32
    %swap3A_1394 = arith.index_cast %swap3A_1392 : i32 to index
    %swap3A_1395 = arith.index_cast %swap3A_1393 : i32 to index
    %swap3A_1396 = arith.constant 96 : index
    %swap3A_1397 = tpu.vector_load %arg6[%swap3A_1394, %swap3A_1395, %swap3A_1396] {strides = array<i32>} : memref<5x40x128xf32, #tpu.memory_space<vmem>>, vector<1x1x16xf32>,
    %swap3A_1398 = vector.shape_cast %swap3A_1397 : vector<1x1x16xf32> to vector<16xf32>
    %swap3A_1399 = vector.shape_cast %broadcast_in_dim3A_0 : vector<16xf32> to vector<1x1x16xf32>
    tpu.vector_store %arg6[%swap3A_1394, %swap3A_1395, %swap3A_1396], %swap3A_1399 {strides = array<i32>} : memref<5x40x128xf32, #tpu.memory_space<vmem>>, vector<1x1x16xf32>,
    %swap3A_1400 = arith.constant 0 : i32
    %swap3A_1401 = arith.constant 21 : i32
    %swap3A_1402 = arith.index_cast %swap3A_1400 : i32 to index
    %swap3A_1403 = arith.index_cast %swap3A_1401 : i32 to index
    %swap3A_1404 = arith.constant 112 : index
    %swap3A_1405 = tpu.vector_load %arg6[%swap3A_1402, %swap3A_1403, %swap3A_1404] {strides = array<i32>} : memref<5x40x128xf32, #tpu.memory_space<vmem>>, vector<1x1x16xf32>,
    %swap3A_1406 = vector.shape_cast %swap3A_1405 : vector<1x1x16xf32> to vector<16xf32>
    %swap3A_1407 = vector.shape_cast %broadcast_in_dim3A_0 : vector<16xf32> to vector<1x1x16xf32>
    tpu.vector_store %arg6[%swap3A_1402, %swap3A_1403, %swap3A_1404], %swap3A_1407 {strides = array<i32>} : memref<5x40x128xf32, #tpu.memory_space<vmem>>, vector<1x1x16xf32>,
    %swap3A_1408 = arith.constant 0 : i32
    %swap3A_1409 = arith.constant 22 : i32
    %swap3A_1410 = arith.index_cast %swap3A_1408 : i32 to index
    %swap3A_1411 = arith.index_cast %swap3A_1409 : i32 to index
    %swap3A_1412 = arith.constant 0 : index
    %swap3A_1413 = tpu.vector_load %arg6[%swap3A_1410, %swap3A_1411, %swap3A_1412] {strides = array<i32>} : memref<5x40x128xf32, #tpu.memory_space<vmem>>, vector<1x1x16xf32>,
    %swap3A_1414 = vector.shape_cast %swap3A_1413 : vector<1x1x16xf32> to vector<16xf32>
    %swap3A_1415 = vector.shape_cast %broadcast_in_dim3A_0 : vector<16xf32> to vector<1x1x16xf32>
    tpu.vector_store %arg6[%swap3A_1410, %swap3A_1411, %swap3A_1412], %swap3A_1415 {strides = array<i32>} : memref<5x40x128xf32, #tpu.memory_space<vmem>>, vector<1x1x16xf32>,
    %swap3A_1416 = arith.constant 0 : i32
    %swap3A_1417 = arith.constant 22 : i32
    %swap3A_1418 = arith.index_cast %swap3A_1416 : i32 to index
    %swap3A_1419 = arith.index_cast %swap3A_1417 : i32 to index
    %swap3A_1420 = arith.constant 16 : index
    %swap3A_1421 = tpu.vector_load %arg6[%swap3A_1418, %swap3A_1419, %swap3A_1420] {strides = array<i32>} : memref<5x40x128xf32, #tpu.memory_space<vmem>>, vector<1x1x16xf32>,
    %swap3A_1422 = vector.shape_cast %swap3A_1421 : vector<1x1x16xf32> to vector<16xf32>
    %swap3A_1423 = vector.shape_cast %broadcast_in_dim3A_0 : vector<16xf32> to vector<1x1x16xf32>
    tpu.vector_store %arg6[%swap3A_1418, %swap3A_1419, %swap3A_1420], %swap3A_1423 {strides = array<i32>} : memref<5x40x128xf32, #tpu.memory_space<vmem>>, vector<1x1x16xf32>,
    %swap3A_1424 = arith.constant 0 : i32
    %swap3A_1425 = arith.constant 22 : i32
    %swap3A_1426 = arith.index_cast %swap3A_1424 : i32 to index
    %swap3A_1427 = arith.index_cast %swap3A_1425 : i32 to index
    %swap3A_1428 = arith.constant 32 : index
    %swap3A_1429 = tpu.vector_load %arg6[%swap3A_1426, %swap3A_1427, %swap3A_1428] {strides = array<i32>} : memref<5x40x128xf32, #tpu.memory_space<vmem>>, vector<1x1x16xf32>,
    %swap3A_1430 = vector.shape_cast %swap3A_1429 : vector<1x1x16xf32> to vector<16xf32>
    %swap3A_1431 = vector.shape_cast %broadcast_in_dim3A_0 : vector<16xf32> to vector<1x1x16xf32>
    tpu.vector_store %arg6[%swap3A_1426, %swap3A_1427, %swap3A_1428], %swap3A_1431 {strides = array<i32>} : memref<5x40x128xf32, #tpu.memory_space<vmem>>, vector<1x1x16xf32>,
    %swap3A_1432 = arith.constant 0 : i32
    %swap3A_1433 = arith.constant 22 : i32
    %swap3A_1434 = arith.index_cast %swap3A_1432 : i32 to index
    %swap3A_1435 = arith.index_cast %swap3A_1433 : i32 to index
    %swap3A_1436 = arith.constant 48 : index
    %swap3A_1437 = tpu.vector_load %arg6[%swap3A_1434, %swap3A_1435, %swap3A_1436] {strides = array<i32>} : memref<5x40x128xf32, #tpu.memory_space<vmem>>, vector<1x1x16xf32>,
    %swap3A_1438 = vector.shape_cast %swap3A_1437 : vector<1x1x16xf32> to vector<16xf32>
    %swap3A_1439 = vector.shape_cast %broadcast_in_dim3A_0 : vector<16xf32> to vector<1x1x16xf32>
    tpu.vector_store %arg6[%swap3A_1434, %swap3A_1435, %swap3A_1436], %swap3A_1439 {strides = array<i32>} : memref<5x40x128xf32, #tpu.memory_space<vmem>>, vector<1x1x16xf32>,
    %swap3A_1440 = arith.constant 0 : i32
    %swap3A_1441 = arith.constant 22 : i32
    %swap3A_1442 = arith.index_cast %swap3A_1440 : i32 to index
    %swap3A_1443 = arith.index_cast %swap3A_1441 : i32 to index
    %swap3A_1444 = arith.constant 64 : index
    %swap3A_1445 = tpu.vector_load %arg6[%swap3A_1442, %swap3A_1443, %swap3A_1444] {strides = array<i32>} : memref<5x40x128xf32, #tpu.memory_space<vmem>>, vector<1x1x16xf32>,
    %swap3A_1446 = vector.shape_cast %swap3A_1445 : vector<1x1x16xf32> to vector<16xf32>
    %swap3A_1447 = vector.shape_cast %broadcast_in_dim3A_0 : vector<16xf32> to vector<1x1x16xf32>
    tpu.vector_store %arg6[%swap3A_1442, %swap3A_1443, %swap3A_1444], %swap3A_1447 {strides = array<i32>} : memref<5x40x128xf32, #tpu.memory_space<vmem>>, vector<1x1x16xf32>,
    %swap3A_1448 = arith.constant 0 : i32
    %swap3A_1449 = arith.constant 22 : i32
    %swap3A_1450 = arith.index_cast %swap3A_1448 : i32 to index
    %swap3A_1451 = arith.index_cast %swap3A_1449 : i32 to index
    %swap3A_1452 = arith.constant 80 : index
    %swap3A_1453 = tpu.vector_load %arg6[%swap3A_1450, %swap3A_1451, %swap3A_1452] {strides = array<i32>} : memref<5x40x128xf32, #tpu.memory_space<vmem>>, vector<1x1x16xf32>,
    %swap3A_1454 = vector.shape_cast %swap3A_1453 : vector<1x1x16xf32> to vector<16xf32>
    %swap3A_1455 = vector.shape_cast %broadcast_in_dim3A_0 : vector<16xf32> to vector<1x1x16xf32>
    tpu.vector_store %arg6[%swap3A_1450, %swap3A_1451, %swap3A_1452], %swap3A_1455 {strides = array<i32>} : memref<5x40x128xf32, #tpu.memory_space<vmem>>, vector<1x1x16xf32>,
    %swap3A_1456 = arith.constant 0 : i32
    %swap3A_1457 = arith.constant 22 : i32
    %swap3A_1458 = arith.index_cast %swap3A_1456 : i32 to index
    %swap3A_1459 = arith.index_cast %swap3A_1457 : i32 to index
    %swap3A_1460 = arith.constant 96 : index
    %swap3A_1461 = tpu.vector_load %arg6[%swap3A_1458, %swap3A_1459, %swap3A_1460] {strides = array<i32>} : memref<5x40x128xf32, #tpu.memory_space<vmem>>, vector<1x1x16xf32>,
    %swap3A_1462 = vector.shape_cast %swap3A_1461 : vector<1x1x16xf32> to vector<16xf32>
    %swap3A_1463 = vector.shape_cast %broadcast_in_dim3A_0 : vector<16xf32> to vector<1x1x16xf32>
    tpu.vector_store %arg6[%swap3A_1458, %swap3A_1459, %swap3A_1460], %swap3A_1463 {strides = array<i32>} : memref<5x40x128xf32, #tpu.memory_space<vmem>>, vector<1x1x16xf32>,
    %swap3A_1464 = arith.constant 0 : i32
    %swap3A_1465 = arith.constant 22 : i32
    %swap3A_1466 = arith.index_cast %swap3A_1464 : i32 to index
    %swap3A_1467 = arith.index_cast %swap3A_1465 : i32 to index
    %swap3A_1468 = arith.constant 112 : index
    %swap3A_1469 = tpu.vector_load %arg6[%swap3A_1466, %swap3A_1467, %swap3A_1468] {strides = array<i32>} : memref<5x40x128xf32, #tpu.memory_space<vmem>>, vector<1x1x16xf32>,
    %swap3A_1470 = vector.shape_cast %swap3A_1469 : vector<1x1x16xf32> to vector<16xf32>
    %swap3A_1471 = vector.shape_cast %broadcast_in_dim3A_0 : vector<16xf32> to vector<1x1x16xf32>
    tpu.vector_store %arg6[%swap3A_1466, %swap3A_1467, %swap3A_1468], %swap3A_1471 {strides = array<i32>} : memref<5x40x128xf32, #tpu.memory_space<vmem>>, vector<1x1x16xf32>,
    %swap3A_1472 = arith.constant 0 : i32
    %swap3A_1473 = arith.constant 23 : i32
    %swap3A_1474 = arith.index_cast %swap3A_1472 : i32 to index
    %swap3A_1475 = arith.index_cast %swap3A_1473 : i32 to index
    %swap3A_1476 = arith.constant 0 : index
    %swap3A_1477 = tpu.vector_load %arg6[%swap3A_1474, %swap3A_1475, %swap3A_1476] {strides = array<i32>} : memref<5x40x128xf32, #tpu.memory_space<vmem>>, vector<1x1x16xf32>,
    %swap3A_1478 = vector.shape_cast %swap3A_1477 : vector<1x1x16xf32> to vector<16xf32>
    %swap3A_1479 = vector.shape_cast %broadcast_in_dim3A_0 : vector<16xf32> to vector<1x1x16xf32>
    tpu.vector_store %arg6[%swap3A_1474, %swap3A_1475, %swap3A_1476], %swap3A_1479 {strides = array<i32>} : memref<5x40x128xf32, #tpu.memory_space<vmem>>, vector<1x1x16xf32>,
    %swap3A_1480 = arith.constant 0 : i32
    %swap3A_1481 = arith.constant 23 : i32
    %swap3A_1482 = arith.index_cast %swap3A_1480 : i32 to index
    %swap3A_1483 = arith.index_cast %swap3A_1481 : i32 to index
    %swap3A_1484 = arith.constant 16 : index
    %swap3A_1485 = tpu.vector_load %arg6[%swap3A_1482, %swap3A_1483, %swap3A_1484] {strides = array<i32>} : memref<5x40x128xf32, #tpu.memory_space<vmem>>, vector<1x1x16xf32>,
    %swap3A_1486 = vector.shape_cast %swap3A_1485 : vector<1x1x16xf32> to vector<16xf32>
    %swap3A_1487 = vector.shape_cast %broadcast_in_dim3A_0 : vector<16xf32> to vector<1x1x16xf32>
    tpu.vector_store %arg6[%swap3A_1482, %swap3A_1483, %swap3A_1484], %swap3A_1487 {strides = array<i32>} : memref<5x40x128xf32, #tpu.memory_space<vmem>>, vector<1x1x16xf32>,
    %swap3A_1488 = arith.constant 0 : i32
    %swap3A_1489 = arith.constant 23 : i32
    %swap3A_1490 = arith.index_cast %swap3A_1488 : i32 to index
    %swap3A_1491 = arith.index_cast %swap3A_1489 : i32 to index
    %swap3A_1492 = arith.constant 32 : index
    %swap3A_1493 = tpu.vector_load %arg6[%swap3A_1490, %swap3A_1491, %swap3A_1492] {strides = array<i32>} : memref<5x40x128xf32, #tpu.memory_space<vmem>>, vector<1x1x16xf32>,
    %swap3A_1494 = vector.shape_cast %swap3A_1493 : vector<1x1x16xf32> to vector<16xf32>
    %swap3A_1495 = vector.shape_cast %broadcast_in_dim3A_0 : vector<16xf32> to vector<1x1x16xf32>
    tpu.vector_store %arg6[%swap3A_1490, %swap3A_1491, %swap3A_1492], %swap3A_1495 {strides = array<i32>} : memref<5x40x128xf32, #tpu.memory_space<vmem>>, vector<1x1x16xf32>,
    %swap3A_1496 = arith.constant 0 : i32
    %swap3A_1497 = arith.constant 23 : i32
    %swap3A_1498 = arith.index_cast %swap3A_1496 : i32 to index
    %swap3A_1499 = arith.index_cast %swap3A_1497 : i32 to index
    %swap3A_1500 = arith.constant 48 : index
    %swap3A_1501 = tpu.vector_load %arg6[%swap3A_1498, %swap3A_1499, %swap3A_1500] {strides = array<i32>} : memref<5x40x128xf32, #tpu.memory_space<vmem>>, vector<1x1x16xf32>,
    %swap3A_1502 = vector.shape_cast %swap3A_1501 : vector<1x1x16xf32> to vector<16xf32>
    %swap3A_1503 = vector.shape_cast %broadcast_in_dim3A_0 : vector<16xf32> to vector<1x1x16xf32>
    tpu.vector_store %arg6[%swap3A_1498, %swap3A_1499, %swap3A_1500], %swap3A_1503 {strides = array<i32>} : memref<5x40x128xf32, #tpu.memory_space<vmem>>, vector<1x1x16xf32>,
    %swap3A_1504 = arith.constant 0 : i32
    %swap3A_1505 = arith.constant 23 : i32
    %swap3A_1506 = arith.index_cast %swap3A_1504 : i32 to index
    %swap3A_1507 = arith.index_cast %swap3A_1505 : i32 to index
    %swap3A_1508 = arith.constant 64 : index
    %swap3A_1509 = tpu.vector_load %arg6[%swap3A_1506, %swap3A_1507, %swap3A_1508] {strides = array<i32>} : memref<5x40x128xf32, #tpu.memory_space<vmem>>, vector<1x1x16xf32>,
    %swap3A_1510 = vector.shape_cast %swap3A_1509 : vector<1x1x16xf32> to vector<16xf32>
    %swap3A_1511 = vector.shape_cast %broadcast_in_dim3A_0 : vector<16xf32> to vector<1x1x16xf32>
    tpu.vector_store %arg6[%swap3A_1506, %swap3A_1507, %swap3A_1508], %swap3A_1511 {strides = array<i32>} : memref<5x40x128xf32, #tpu.memory_space<vmem>>, vector<1x1x16xf32>,
    %swap3A_1512 = arith.constant 0 : i32
    %swap3A_1513 = arith.constant 23 : i32
    %swap3A_1514 = arith.index_cast %swap3A_1512 : i32 to index
    %swap3A_1515 = arith.index_cast %swap3A_1513 : i32 to index
    %swap3A_1516 = arith.constant 80 : index
    %swap3A_1517 = tpu.vector_load %arg6[%swap3A_1514, %swap3A_1515, %swap3A_1516] {strides = array<i32>} : memref<5x40x128xf32, #tpu.memory_space<vmem>>, vector<1x1x16xf32>,
    %swap3A_1518 = vector.shape_cast %swap3A_1517 : vector<1x1x16xf32> to vector<16xf32>
    %swap3A_1519 = vector.shape_cast %broadcast_in_dim3A_0 : vector<16xf32> to vector<1x1x16xf32>
    tpu.vector_store %arg6[%swap3A_1514, %swap3A_1515, %swap3A_1516], %swap3A_1519 {strides = array<i32>} : memref<5x40x128xf32, #tpu.memory_space<vmem>>, vector<1x1x16xf32>,
    %swap3A_1520 = arith.constant 0 : i32
    %swap3A_1521 = arith.constant 23 : i32
    %swap3A_1522 = arith.index_cast %swap3A_1520 : i32 to index
    %swap3A_1523 = arith.index_cast %swap3A_1521 : i32 to index
    %swap3A_1524 = arith.constant 96 : index
    %swap3A_1525 = tpu.vector_load %arg6[%swap3A_1522, %swap3A_1523, %swap3A_1524] {strides = array<i32>} : memref<5x40x128xf32, #tpu.memory_space<vmem>>, vector<1x1x16xf32>,
    %swap3A_1526 = vector.shape_cast %swap3A_1525 : vector<1x1x16xf32> to vector<16xf32>
    %swap3A_1527 = vector.shape_cast %broadcast_in_dim3A_0 : vector<16xf32> to vector<1x1x16xf32>
    tpu.vector_store %arg6[%swap3A_1522, %swap3A_1523, %swap3A_1524], %swap3A_1527 {strides = array<i32>} : memref<5x40x128xf32, #tpu.memory_space<vmem>>, vector<1x1x16xf32>,
    %swap3A_1528 = arith.constant 0 : i32
    %swap3A_1529 = arith.constant 23 : i32
    %swap3A_1530 = arith.index_cast %swap3A_1528 : i32 to index
    %swap3A_1531 = arith.index_cast %swap3A_1529 : i32 to index
    %swap3A_1532 = arith.constant 112 : index
    %swap3A_1533 = tpu.vector_load %arg6[%swap3A_1530, %swap3A_1531, %swap3A_1532] {strides = array<i32>} : memref<5x40x128xf32, #tpu.memory_space<vmem>>, vector<1x1x16xf32>,
    %swap3A_1534 = vector.shape_cast %swap3A_1533 : vector<1x1x16xf32> to vector<16xf32>
    %swap3A_1535 = vector.shape_cast %broadcast_in_dim3A_0 : vector<16xf32> to vector<1x1x16xf32>
    tpu.vector_store %arg6[%swap3A_1530, %swap3A_1531, %swap3A_1532], %swap3A_1535 {strides = array<i32>} : memref<5x40x128xf32, #tpu.memory_space<vmem>>, vector<1x1x16xf32>,
    %swap3A_1536 = arith.constant 0 : i32
    %swap3A_1537 = arith.constant 24 : i32
    %swap3A_1538 = arith.index_cast %swap3A_1536 : i32 to index
    %swap3A_1539 = arith.index_cast %swap3A_1537 : i32 to index
    %swap3A_1540 = arith.constant 0 : index
    %swap3A_1541 = tpu.vector_load %arg6[%swap3A_1538, %swap3A_1539, %swap3A_1540] {strides = array<i32>} : memref<5x40x128xf32, #tpu.memory_space<vmem>>, vector<1x1x16xf32>,
    %swap3A_1542 = vector.shape_cast %swap3A_1541 : vector<1x1x16xf32> to vector<16xf32>
    %swap3A_1543 = vector.shape_cast %broadcast_in_dim3A_0 : vector<16xf32> to vector<1x1x16xf32>
    tpu.vector_store %arg6[%swap3A_1538, %swap3A_1539, %swap3A_1540], %swap3A_1543 {strides = array<i32>} : memref<5x40x128xf32, #tpu.memory_space<vmem>>, vector<1x1x16xf32>,
    %swap3A_1544 = arith.constant 0 : i32
    %swap3A_1545 = arith.constant 24 : i32
    %swap3A_1546 = arith.index_cast %swap3A_1544 : i32 to index
    %swap3A_1547 = arith.index_cast %swap3A_1545 : i32 to index
    %swap3A_1548 = arith.constant 16 : index
    %swap3A_1549 = tpu.vector_load %arg6[%swap3A_1546, %swap3A_1547, %swap3A_1548] {strides = array<i32>} : memref<5x40x128xf32, #tpu.memory_space<vmem>>, vector<1x1x16xf32>,
    %swap3A_1550 = vector.shape_cast %swap3A_1549 : vector<1x1x16xf32> to vector<16xf32>
    %swap3A_1551 = vector.shape_cast %broadcast_in_dim3A_0 : vector<16xf32> to vector<1x1x16xf32>
    tpu.vector_store %arg6[%swap3A_1546, %swap3A_1547, %swap3A_1548], %swap3A_1551 {strides = array<i32>} : memref<5x40x128xf32, #tpu.memory_space<vmem>>, vector<1x1x16xf32>,
    %swap3A_1552 = arith.constant 0 : i32
    %swap3A_1553 = arith.constant 24 : i32
    %swap3A_1554 = arith.index_cast %swap3A_1552 : i32 to index
    %swap3A_1555 = arith.index_cast %swap3A_1553 : i32 to index
    %swap3A_1556 = arith.constant 32 : index
    %swap3A_1557 = tpu.vector_load %arg6[%swap3A_1554, %swap3A_1555, %swap3A_1556] {strides = array<i32>} : memref<5x40x128xf32, #tpu.memory_space<vmem>>, vector<1x1x16xf32>,
    %swap3A_1558 = vector.shape_cast %swap3A_1557 : vector<1x1x16xf32> to vector<16xf32>
    %swap3A_1559 = vector.shape_cast %broadcast_in_dim3A_0 : vector<16xf32> to vector<1x1x16xf32>
    tpu.vector_store %arg6[%swap3A_1554, %swap3A_1555, %swap3A_1556], %swap3A_1559 {strides = array<i32>} : memref<5x40x128xf32, #tpu.memory_space<vmem>>, vector<1x1x16xf32>,
    %swap3A_1560 = arith.constant 0 : i32
    %swap3A_1561 = arith.constant 24 : i32
    %swap3A_1562 = arith.index_cast %swap3A_1560 : i32 to index
    %swap3A_1563 = arith.index_cast %swap3A_1561 : i32 to index
    %swap3A_1564 = arith.constant 48 : index
    %swap3A_1565 = tpu.vector_load %arg6[%swap3A_1562, %swap3A_1563, %swap3A_1564] {strides = array<i32>} : memref<5x40x128xf32, #tpu.memory_space<vmem>>, vector<1x1x16xf32>,
    %swap3A_1566 = vector.shape_cast %swap3A_1565 : vector<1x1x16xf32> to vector<16xf32>
    %swap3A_1567 = vector.shape_cast %broadcast_in_dim3A_0 : vector<16xf32> to vector<1x1x16xf32>
    tpu.vector_store %arg6[%swap3A_1562, %swap3A_1563, %swap3A_1564], %swap3A_1567 {strides = array<i32>} : memref<5x40x128xf32, #tpu.memory_space<vmem>>, vector<1x1x16xf32>,
    %swap3A_1568 = arith.constant 0 : i32
    %swap3A_1569 = arith.constant 24 : i32
    %swap3A_1570 = arith.index_cast %swap3A_1568 : i32 to index
    %swap3A_1571 = arith.index_cast %swap3A_1569 : i32 to index
    %swap3A_1572 = arith.constant 64 : index
    %swap3A_1573 = tpu.vector_load %arg6[%swap3A_1570, %swap3A_1571, %swap3A_1572] {strides = array<i32>} : memref<5x40x128xf32, #tpu.memory_space<vmem>>, vector<1x1x16xf32>,
    %swap3A_1574 = vector.shape_cast %swap3A_1573 : vector<1x1x16xf32> to vector<16xf32>
    %swap3A_1575 = vector.shape_cast %broadcast_in_dim3A_0 : vector<16xf32> to vector<1x1x16xf32>
    tpu.vector_store %arg6[%swap3A_1570, %swap3A_1571, %swap3A_1572], %swap3A_1575 {strides = array<i32>} : memref<5x40x128xf32, #tpu.memory_space<vmem>>, vector<1x1x16xf32>,
    %swap3A_1576 = arith.constant 0 : i32
    %swap3A_1577 = arith.constant 24 : i32
    %swap3A_1578 = arith.index_cast %swap3A_1576 : i32 to index
    %swap3A_1579 = arith.index_cast %swap3A_1577 : i32 to index
    %swap3A_1580 = arith.constant 80 : index
    %swap3A_1581 = tpu.vector_load %arg6[%swap3A_1578, %swap3A_1579, %swap3A_1580] {strides = array<i32>} : memref<5x40x128xf32, #tpu.memory_space<vmem>>, vector<1x1x16xf32>,
    %swap3A_1582 = vector.shape_cast %swap3A_1581 : vector<1x1x16xf32> to vector<16xf32>
    %swap3A_1583 = vector.shape_cast %broadcast_in_dim3A_0 : vector<16xf32> to vector<1x1x16xf32>
    tpu.vector_store %arg6[%swap3A_1578, %swap3A_1579, %swap3A_1580], %swap3A_1583 {strides = array<i32>} : memref<5x40x128xf32, #tpu.memory_space<vmem>>, vector<1x1x16xf32>,
    %swap3A_1584 = arith.constant 0 : i32
    %swap3A_1585 = arith.constant 24 : i32
    %swap3A_1586 = arith.index_cast %swap3A_1584 : i32 to index
    %swap3A_1587 = arith.index_cast %swap3A_1585 : i32 to index
    %swap3A_1588 = arith.constant 96 : index
    %swap3A_1589 = tpu.vector_load %arg6[%swap3A_1586, %swap3A_1587, %swap3A_1588] {strides = array<i32>} : memref<5x40x128xf32, #tpu.memory_space<vmem>>, vector<1x1x16xf32>,
    %swap3A_1590 = vector.shape_cast %swap3A_1589 : vector<1x1x16xf32> to vector<16xf32>
    %swap3A_1591 = vector.shape_cast %broadcast_in_dim3A_0 : vector<16xf32> to vector<1x1x16xf32>
    tpu.vector_store %arg6[%swap3A_1586, %swap3A_1587, %swap3A_1588], %swap3A_1591 {strides = array<i32>} : memref<5x40x128xf32, #tpu.memory_space<vmem>>, vector<1x1x16xf32>,
    %swap3A_1592 = arith.constant 0 : i32
    %swap3A_1593 = arith.constant 24 : i32
    %swap3A_1594 = arith.index_cast %swap3A_1592 : i32 to index
    %swap3A_1595 = arith.index_cast %swap3A_1593 : i32 to index
    %swap3A_1596 = arith.constant 112 : index
    %swap3A_1597 = tpu.vector_load %arg6[%swap3A_1594, %swap3A_1595, %swap3A_1596] {strides = array<i32>} : memref<5x40x128xf32, #tpu.memory_space<vmem>>, vector<1x1x16xf32>,
    %swap3A_1598 = vector.shape_cast %swap3A_1597 : vector<1x1x16xf32> to vector<16xf32>
    %swap3A_1599 = vector.shape_cast %broadcast_in_dim3A_0 : vector<16xf32> to vector<1x1x16xf32>
    tpu.vector_store %arg6[%swap3A_1594, %swap3A_1595, %swap3A_1596], %swap3A_1599 {strides = array<i32>} : memref<5x40x128xf32, #tpu.memory_space<vmem>>, vector<1x1x16xf32>,
    %swap3A_1600 = arith.constant 0 : i32
    %swap3A_1601 = arith.constant 25 : i32
    %swap3A_1602 = arith.index_cast %swap3A_1600 : i32 to index
    %swap3A_1603 = arith.index_cast %swap3A_1601 : i32 to index
    %swap3A_1604 = arith.constant 0 : index
    %swap3A_1605 = tpu.vector_load %arg6[%swap3A_1602, %swap3A_1603, %swap3A_1604] {strides = array<i32>} : memref<5x40x128xf32, #tpu.memory_space<vmem>>, vector<1x1x16xf32>,
    %swap3A_1606 = vector.shape_cast %swap3A_1605 : vector<1x1x16xf32> to vector<16xf32>
    %swap3A_1607 = vector.shape_cast %broadcast_in_dim3A_0 : vector<16xf32> to vector<1x1x16xf32>
    tpu.vector_store %arg6[%swap3A_1602, %swap3A_1603, %swap3A_1604], %swap3A_1607 {strides = array<i32>} : memref<5x40x128xf32, #tpu.memory_space<vmem>>, vector<1x1x16xf32>,
    %swap3A_1608 = arith.constant 0 : i32
    %swap3A_1609 = arith.constant 25 : i32
    %swap3A_1610 = arith.index_cast %swap3A_1608 : i32 to index
    %swap3A_1611 = arith.index_cast %swap3A_1609 : i32 to index
    %swap3A_1612 = arith.constant 16 : index
    %swap3A_1613 = tpu.vector_load %arg6[%swap3A_1610, %swap3A_1611, %swap3A_1612] {strides = array<i32>} : memref<5x40x128xf32, #tpu.memory_space<vmem>>, vector<1x1x16xf32>,
    %swap3A_1614 = vector.shape_cast %swap3A_1613 : vector<1x1x16xf32> to vector<16xf32>
    %swap3A_1615 = vector.shape_cast %broadcast_in_dim3A_0 : vector<16xf32> to vector<1x1x16xf32>
    tpu.vector_store %arg6[%swap3A_1610, %swap3A_1611, %swap3A_1612], %swap3A_1615 {strides = array<i32>} : memref<5x40x128xf32, #tpu.memory_space<vmem>>, vector<1x1x16xf32>,
    %swap3A_1616 = arith.constant 0 : i32
    %swap3A_1617 = arith.constant 25 : i32
    %swap3A_1618 = arith.index_cast %swap3A_1616 : i32 to index
    %swap3A_1619 = arith.index_cast %swap3A_1617 : i32 to index
    %swap3A_1620 = arith.constant 32 : index
    %swap3A_1621 = tpu.vector_load %arg6[%swap3A_1618, %swap3A_1619, %swap3A_1620] {strides = array<i32>} : memref<5x40x128xf32, #tpu.memory_space<vmem>>, vector<1x1x16xf32>,
    %swap3A_1622 = vector.shape_cast %swap3A_1621 : vector<1x1x16xf32> to vector<16xf32>
    %swap3A_1623 = vector.shape_cast %broadcast_in_dim3A_0 : vector<16xf32> to vector<1x1x16xf32>
    tpu.vector_store %arg6[%swap3A_1618, %swap3A_1619, %swap3A_1620], %swap3A_1623 {strides = array<i32>} : memref<5x40x128xf32, #tpu.memory_space<vmem>>, vector<1x1x16xf32>,
    %swap3A_1624 = arith.constant 0 : i32
    %swap3A_1625 = arith.constant 25 : i32
    %swap3A_1626 = arith.index_cast %swap3A_1624 : i32 to index
    %swap3A_1627 = arith.index_cast %swap3A_1625 : i32 to index
    %swap3A_1628 = arith.constant 48 : index
    %swap3A_1629 = tpu.vector_load %arg6[%swap3A_1626, %swap3A_1627, %swap3A_1628] {strides = array<i32>} : memref<5x40x128xf32, #tpu.memory_space<vmem>>, vector<1x1x16xf32>,
    %swap3A_1630 = vector.shape_cast %swap3A_1629 : vector<1x1x16xf32> to vector<16xf32>
    %swap3A_1631 = vector.shape_cast %broadcast_in_dim3A_0 : vector<16xf32> to vector<1x1x16xf32>
    tpu.vector_store %arg6[%swap3A_1626, %swap3A_1627, %swap3A_1628], %swap3A_1631 {strides = array<i32>} : memref<5x40x128xf32, #tpu.memory_space<vmem>>, vector<1x1x16xf32>,
    %swap3A_1632 = arith.constant 0 : i32
    %swap3A_1633 = arith.constant 25 : i32
    %swap3A_1634 = arith.index_cast %swap3A_1632 : i32 to index
    %swap3A_1635 = arith.index_cast %swap3A_1633 : i32 to index
    %swap3A_1636 = arith.constant 64 : index
    %swap3A_1637 = tpu.vector_load %arg6[%swap3A_1634, %swap3A_1635, %swap3A_1636] {strides = array<i32>} : memref<5x40x128xf32, #tpu.memory_space<vmem>>, vector<1x1x16xf32>,
    %swap3A_1638 = vector.shape_cast %swap3A_1637 : vector<1x1x16xf32> to vector<16xf32>
    %swap3A_1639 = vector.shape_cast %broadcast_in_dim3A_0 : vector<16xf32> to vector<1x1x16xf32>
    tpu.vector_store %arg6[%swap3A_1634, %swap3A_1635, %swap3A_1636], %swap3A_1639 {strides = array<i32>} : memref<5x40x128xf32, #tpu.memory_space<vmem>>, vector<1x1x16xf32>,
    %swap3A_1640 = arith.constant 0 : i32
    %swap3A_1641 = arith.constant 25 : i32
    %swap3A_1642 = arith.index_cast %swap3A_1640 : i32 to index
    %swap3A_1643 = arith.index_cast %swap3A_1641 : i32 to index
    %swap3A_1644 = arith.constant 80 : index
    %swap3A_1645 = tpu.vector_load %arg6[%swap3A_1642, %swap3A_1643, %swap3A_1644] {strides = array<i32>} : memref<5x40x128xf32, #tpu.memory_space<vmem>>, vector<1x1x16xf32>,
    %swap3A_1646 = vector.shape_cast %swap3A_1645 : vector<1x1x16xf32> to vector<16xf32>
    %swap3A_1647 = vector.shape_cast %broadcast_in_dim3A_0 : vector<16xf32> to vector<1x1x16xf32>
    tpu.vector_store %arg6[%swap3A_1642, %swap3A_1643, %swap3A_1644], %swap3A_1647 {strides = array<i32>} : memref<5x40x128xf32, #tpu.memory_space<vmem>>, vector<1x1x16xf32>,
    %swap3A_1648 = arith.constant 0 : i32
    %swap3A_1649 = arith.constant 25 : i32
    %swap3A_1650 = arith.index_cast %swap3A_1648 : i32 to index
    %swap3A_1651 = arith.index_cast %swap3A_1649 : i32 to index
    %swap3A_1652 = arith.constant 96 : index
    %swap3A_1653 = tpu.vector_load %arg6[%swap3A_1650, %swap3A_1651, %swap3A_1652] {strides = array<i32>} : memref<5x40x128xf32, #tpu.memory_space<vmem>>, vector<1x1x16xf32>,
    %swap3A_1654 = vector.shape_cast %swap3A_1653 : vector<1x1x16xf32> to vector<16xf32>
    %swap3A_1655 = vector.shape_cast %broadcast_in_dim3A_0 : vector<16xf32> to vector<1x1x16xf32>
    tpu.vector_store %arg6[%swap3A_1650, %swap3A_1651, %swap3A_1652], %swap3A_1655 {strides = array<i32>} : memref<5x40x128xf32, #tpu.memory_space<vmem>>, vector<1x1x16xf32>,
    %swap3A_1656 = arith.constant 0 : i32
    %swap3A_1657 = arith.constant 25 : i32
    %swap3A_1658 = arith.index_cast %swap3A_1656 : i32 to index
    %swap3A_1659 = arith.index_cast %swap3A_1657 : i32 to index
    %swap3A_1660 = arith.constant 112 : index
    %swap3A_1661 = tpu.vector_load %arg6[%swap3A_1658, %swap3A_1659, %swap3A_1660] {strides = array<i32>} : memref<5x40x128xf32, #tpu.memory_space<vmem>>, vector<1x1x16xf32>,
    %swap3A_1662 = vector.shape_cast %swap3A_1661 : vector<1x1x16xf32> to vector<16xf32>
    %swap3A_1663 = vector.shape_cast %broadcast_in_dim3A_0 : vector<16xf32> to vector<1x1x16xf32>
    tpu.vector_store %arg6[%swap3A_1658, %swap3A_1659, %swap3A_1660], %swap3A_1663 {strides = array<i32>} : memref<5x40x128xf32, #tpu.memory_space<vmem>>, vector<1x1x16xf32>,
    %swap3A_1664 = arith.constant 0 : i32
    %swap3A_1665 = arith.constant 26 : i32
    %swap3A_1666 = arith.index_cast %swap3A_1664 : i32 to index
    %swap3A_1667 = arith.index_cast %swap3A_1665 : i32 to index
    %swap3A_1668 = arith.constant 0 : index
    %swap3A_1669 = tpu.vector_load %arg6[%swap3A_1666, %swap3A_1667, %swap3A_1668] {strides = array<i32>} : memref<5x40x128xf32, #tpu.memory_space<vmem>>, vector<1x1x16xf32>,
    %swap3A_1670 = vector.shape_cast %swap3A_1669 : vector<1x1x16xf32> to vector<16xf32>
    %swap3A_1671 = vector.shape_cast %broadcast_in_dim3A_0 : vector<16xf32> to vector<1x1x16xf32>
    tpu.vector_store %arg6[%swap3A_1666, %swap3A_1667, %swap3A_1668], %swap3A_1671 {strides = array<i32>} : memref<5x40x128xf32, #tpu.memory_space<vmem>>, vector<1x1x16xf32>,
    %swap3A_1672 = arith.constant 0 : i32
    %swap3A_1673 = arith.constant 26 : i32
    %swap3A_1674 = arith.index_cast %swap3A_1672 : i32 to index
    %swap3A_1675 = arith.index_cast %swap3A_1673 : i32 to index
    %swap3A_1676 = arith.constant 16 : index
    %swap3A_1677 = tpu.vector_load %arg6[%swap3A_1674, %swap3A_1675, %swap3A_1676] {strides = array<i32>} : memref<5x40x128xf32, #tpu.memory_space<vmem>>, vector<1x1x16xf32>,
    %swap3A_1678 = vector.shape_cast %swap3A_1677 : vector<1x1x16xf32> to vector<16xf32>
    %swap3A_1679 = vector.shape_cast %broadcast_in_dim3A_0 : vector<16xf32> to vector<1x1x16xf32>
    tpu.vector_store %arg6[%swap3A_1674, %swap3A_1675, %swap3A_1676], %swap3A_1679 {strides = array<i32>} : memref<5x40x128xf32, #tpu.memory_space<vmem>>, vector<1x1x16xf32>,
    %swap3A_1680 = arith.constant 0 : i32
    %swap3A_1681 = arith.constant 26 : i32
    %swap3A_1682 = arith.index_cast %swap3A_1680 : i32 to index
    %swap3A_1683 = arith.index_cast %swap3A_1681 : i32 to index
    %swap3A_1684 = arith.constant 32 : index
    %swap3A_1685 = tpu.vector_load %arg6[%swap3A_1682, %swap3A_1683, %swap3A_1684] {strides = array<i32>} : memref<5x40x128xf32, #tpu.memory_space<vmem>>, vector<1x1x16xf32>,
    %swap3A_1686 = vector.shape_cast %swap3A_1685 : vector<1x1x16xf32> to vector<16xf32>
    %swap3A_1687 = vector.shape_cast %broadcast_in_dim3A_0 : vector<16xf32> to vector<1x1x16xf32>
    tpu.vector_store %arg6[%swap3A_1682, %swap3A_1683, %swap3A_1684], %swap3A_1687 {strides = array<i32>} : memref<5x40x128xf32, #tpu.memory_space<vmem>>, vector<1x1x16xf32>,
    %swap3A_1688 = arith.constant 0 : i32
    %swap3A_1689 = arith.constant 26 : i32
    %swap3A_1690 = arith.index_cast %swap3A_1688 : i32 to index
    %swap3A_1691 = arith.index_cast %swap3A_1689 : i32 to index
    %swap3A_1692 = arith.constant 48 : index
    %swap3A_1693 = tpu.vector_load %arg6[%swap3A_1690, %swap3A_1691, %swap3A_1692] {strides = array<i32>} : memref<5x40x128xf32, #tpu.memory_space<vmem>>, vector<1x1x16xf32>,
    %swap3A_1694 = vector.shape_cast %swap3A_1693 : vector<1x1x16xf32> to vector<16xf32>
    %swap3A_1695 = vector.shape_cast %broadcast_in_dim3A_0 : vector<16xf32> to vector<1x1x16xf32>
    tpu.vector_store %arg6[%swap3A_1690, %swap3A_1691, %swap3A_1692], %swap3A_1695 {strides = array<i32>} : memref<5x40x128xf32, #tpu.memory_space<vmem>>, vector<1x1x16xf32>,
    %swap3A_1696 = arith.constant 0 : i32
    %swap3A_1697 = arith.constant 26 : i32
    %swap3A_1698 = arith.index_cast %swap3A_1696 : i32 to index
    %swap3A_1699 = arith.index_cast %swap3A_1697 : i32 to index
    %swap3A_1700 = arith.constant 64 : index
    %swap3A_1701 = tpu.vector_load %arg6[%swap3A_1698, %swap3A_1699, %swap3A_1700] {strides = array<i32>} : memref<5x40x128xf32, #tpu.memory_space<vmem>>, vector<1x1x16xf32>,
    %swap3A_1702 = vector.shape_cast %swap3A_1701 : vector<1x1x16xf32> to vector<16xf32>
    %swap3A_1703 = vector.shape_cast %broadcast_in_dim3A_0 : vector<16xf32> to vector<1x1x16xf32>
    tpu.vector_store %arg6[%swap3A_1698, %swap3A_1699, %swap3A_1700], %swap3A_1703 {strides = array<i32>} : memref<5x40x128xf32, #tpu.memory_space<vmem>>, vector<1x1x16xf32>,
    %swap3A_1704 = arith.constant 0 : i32
    %swap3A_1705 = arith.constant 26 : i32
    %swap3A_1706 = arith.index_cast %swap3A_1704 : i32 to index
    %swap3A_1707 = arith.index_cast %swap3A_1705 : i32 to index
    %swap3A_1708 = arith.constant 80 : index
    %swap3A_1709 = tpu.vector_load %arg6[%swap3A_1706, %swap3A_1707, %swap3A_1708] {strides = array<i32>} : memref<5x40x128xf32, #tpu.memory_space<vmem>>, vector<1x1x16xf32>,
    %swap3A_1710 = vector.shape_cast %swap3A_1709 : vector<1x1x16xf32> to vector<16xf32>
    %swap3A_1711 = vector.shape_cast %broadcast_in_dim3A_0 : vector<16xf32> to vector<1x1x16xf32>
    tpu.vector_store %arg6[%swap3A_1706, %swap3A_1707, %swap3A_1708], %swap3A_1711 {strides = array<i32>} : memref<5x40x128xf32, #tpu.memory_space<vmem>>, vector<1x1x16xf32>,
    %swap3A_1712 = arith.constant 0 : i32
    %swap3A_1713 = arith.constant 26 : i32
    %swap3A_1714 = arith.index_cast %swap3A_1712 : i32 to index
    %swap3A_1715 = arith.index_cast %swap3A_1713 : i32 to index
    %swap3A_1716 = arith.constant 96 : index
    %swap3A_1717 = tpu.vector_load %arg6[%swap3A_1714, %swap3A_1715, %swap3A_1716] {strides = array<i32>} : memref<5x40x128xf32, #tpu.memory_space<vmem>>, vector<1x1x16xf32>,
    %swap3A_1718 = vector.shape_cast %swap3A_1717 : vector<1x1x16xf32> to vector<16xf32>
    %swap3A_1719 = vector.shape_cast %broadcast_in_dim3A_0 : vector<16xf32> to vector<1x1x16xf32>
    tpu.vector_store %arg6[%swap3A_1714, %swap3A_1715, %swap3A_1716], %swap3A_1719 {strides = array<i32>} : memref<5x40x128xf32, #tpu.memory_space<vmem>>, vector<1x1x16xf32>,
    %swap3A_1720 = arith.constant 0 : i32
    %swap3A_1721 = arith.constant 26 : i32
    %swap3A_1722 = arith.index_cast %swap3A_1720 : i32 to index
    %swap3A_1723 = arith.index_cast %swap3A_1721 : i32 to index
    %swap3A_1724 = arith.constant 112 : index
    %swap3A_1725 = tpu.vector_load %arg6[%swap3A_1722, %swap3A_1723, %swap3A_1724] {strides = array<i32>} : memref<5x40x128xf32, #tpu.memory_space<vmem>>, vector<1x1x16xf32>,
    %swap3A_1726 = vector.shape_cast %swap3A_1725 : vector<1x1x16xf32> to vector<16xf32>
    %swap3A_1727 = vector.shape_cast %broadcast_in_dim3A_0 : vector<16xf32> to vector<1x1x16xf32>
    tpu.vector_store %arg6[%swap3A_1722, %swap3A_1723, %swap3A_1724], %swap3A_1727 {strides = array<i32>} : memref<5x40x128xf32, #tpu.memory_space<vmem>>, vector<1x1x16xf32>,
    %swap3A_1728 = arith.constant 0 : i32
    %swap3A_1729 = arith.constant 27 : i32
    %swap3A_1730 = arith.index_cast %swap3A_1728 : i32 to index
    %swap3A_1731 = arith.index_cast %swap3A_1729 : i32 to index
    %swap3A_1732 = arith.constant 0 : index
    %swap3A_1733 = tpu.vector_load %arg6[%swap3A_1730, %swap3A_1731, %swap3A_1732] {strides = array<i32>} : memref<5x40x128xf32, #tpu.memory_space<vmem>>, vector<1x1x16xf32>,
    %swap3A_1734 = vector.shape_cast %swap3A_1733 : vector<1x1x16xf32> to vector<16xf32>
    %swap3A_1735 = vector.shape_cast %broadcast_in_dim3A_0 : vector<16xf32> to vector<1x1x16xf32>
    tpu.vector_store %arg6[%swap3A_1730, %swap3A_1731, %swap3A_1732], %swap3A_1735 {strides = array<i32>} : memref<5x40x128xf32, #tpu.memory_space<vmem>>, vector<1x1x16xf32>,
    %swap3A_1736 = arith.constant 0 : i32
    %swap3A_1737 = arith.constant 27 : i32
    %swap3A_1738 = arith.index_cast %swap3A_1736 : i32 to index
    %swap3A_1739 = arith.index_cast %swap3A_1737 : i32 to index
    %swap3A_1740 = arith.constant 16 : index
    %swap3A_1741 = tpu.vector_load %arg6[%swap3A_1738, %swap3A_1739, %swap3A_1740] {strides = array<i32>} : memref<5x40x128xf32, #tpu.memory_space<vmem>>, vector<1x1x16xf32>,
    %swap3A_1742 = vector.shape_cast %swap3A_1741 : vector<1x1x16xf32> to vector<16xf32>
    %swap3A_1743 = vector.shape_cast %broadcast_in_dim3A_0 : vector<16xf32> to vector<1x1x16xf32>
    tpu.vector_store %arg6[%swap3A_1738, %swap3A_1739, %swap3A_1740], %swap3A_1743 {strides = array<i32>} : memref<5x40x128xf32, #tpu.memory_space<vmem>>, vector<1x1x16xf32>,
    %swap3A_1744 = arith.constant 0 : i32
    %swap3A_1745 = arith.constant 27 : i32
    %swap3A_1746 = arith.index_cast %swap3A_1744 : i32 to index
    %swap3A_1747 = arith.index_cast %swap3A_1745 : i32 to index
    %swap3A_1748 = arith.constant 32 : index
    %swap3A_1749 = tpu.vector_load %arg6[%swap3A_1746, %swap3A_1747, %swap3A_1748] {strides = array<i32>} : memref<5x40x128xf32, #tpu.memory_space<vmem>>, vector<1x1x16xf32>,
    %swap3A_1750 = vector.shape_cast %swap3A_1749 : vector<1x1x16xf32> to vector<16xf32>
    %swap3A_1751 = vector.shape_cast %broadcast_in_dim3A_0 : vector<16xf32> to vector<1x1x16xf32>
    tpu.vector_store %arg6[%swap3A_1746, %swap3A_1747, %swap3A_1748], %swap3A_1751 {strides = array<i32>} : memref<5x40x128xf32, #tpu.memory_space<vmem>>, vector<1x1x16xf32>,
    %swap3A_1752 = arith.constant 0 : i32
    %swap3A_1753 = arith.constant 27 : i32
    %swap3A_1754 = arith.index_cast %swap3A_1752 : i32 to index
    %swap3A_1755 = arith.index_cast %swap3A_1753 : i32 to index
    %swap3A_1756 = arith.constant 48 : index
    %swap3A_1757 = tpu.vector_load %arg6[%swap3A_1754, %swap3A_1755, %swap3A_1756] {strides = array<i32>} : memref<5x40x128xf32, #tpu.memory_space<vmem>>, vector<1x1x16xf32>,
    %swap3A_1758 = vector.shape_cast %swap3A_1757 : vector<1x1x16xf32> to vector<16xf32>
    %swap3A_1759 = vector.shape_cast %broadcast_in_dim3A_0 : vector<16xf32> to vector<1x1x16xf32>
    tpu.vector_store %arg6[%swap3A_1754, %swap3A_1755, %swap3A_1756], %swap3A_1759 {strides = array<i32>} : memref<5x40x128xf32, #tpu.memory_space<vmem>>, vector<1x1x16xf32>,
    %swap3A_1760 = arith.constant 0 : i32
    %swap3A_1761 = arith.constant 27 : i32
    %swap3A_1762 = arith.index_cast %swap3A_1760 : i32 to index
    %swap3A_1763 = arith.index_cast %swap3A_1761 : i32 to index
    %swap3A_1764 = arith.constant 64 : index
    %swap3A_1765 = tpu.vector_load %arg6[%swap3A_1762, %swap3A_1763, %swap3A_1764] {strides = array<i32>} : memref<5x40x128xf32, #tpu.memory_space<vmem>>, vector<1x1x16xf32>,
    %swap3A_1766 = vector.shape_cast %swap3A_1765 : vector<1x1x16xf32> to vector<16xf32>
    %swap3A_1767 = vector.shape_cast %broadcast_in_dim3A_0 : vector<16xf32> to vector<1x1x16xf32>
    tpu.vector_store %arg6[%swap3A_1762, %swap3A_1763, %swap3A_1764], %swap3A_1767 {strides = array<i32>} : memref<5x40x128xf32, #tpu.memory_space<vmem>>, vector<1x1x16xf32>,
    %swap3A_1768 = arith.constant 0 : i32
    %swap3A_1769 = arith.constant 27 : i32
    %swap3A_1770 = arith.index_cast %swap3A_1768 : i32 to index
    %swap3A_1771 = arith.index_cast %swap3A_1769 : i32 to index
    %swap3A_1772 = arith.constant 80 : index
    %swap3A_1773 = tpu.vector_load %arg6[%swap3A_1770, %swap3A_1771, %swap3A_1772] {strides = array<i32>} : memref<5x40x128xf32, #tpu.memory_space<vmem>>, vector<1x1x16xf32>,
    %swap3A_1774 = vector.shape_cast %swap3A_1773 : vector<1x1x16xf32> to vector<16xf32>
    %swap3A_1775 = vector.shape_cast %broadcast_in_dim3A_0 : vector<16xf32> to vector<1x1x16xf32>
    tpu.vector_store %arg6[%swap3A_1770, %swap3A_1771, %swap3A_1772], %swap3A_1775 {strides = array<i32>} : memref<5x40x128xf32, #tpu.memory_space<vmem>>, vector<1x1x16xf32>,
    %swap3A_1776 = arith.constant 0 : i32
    %swap3A_1777 = arith.constant 27 : i32
    %swap3A_1778 = arith.index_cast %swap3A_1776 : i32 to index
    %swap3A_1779 = arith.index_cast %swap3A_1777 : i32 to index
    %swap3A_1780 = arith.constant 96 : index
    %swap3A_1781 = tpu.vector_load %arg6[%swap3A_1778, %swap3A_1779, %swap3A_1780] {strides = array<i32>} : memref<5x40x128xf32, #tpu.memory_space<vmem>>, vector<1x1x16xf32>,
    %swap3A_1782 = vector.shape_cast %swap3A_1781 : vector<1x1x16xf32> to vector<16xf32>
    %swap3A_1783 = vector.shape_cast %broadcast_in_dim3A_0 : vector<16xf32> to vector<1x1x16xf32>
    tpu.vector_store %arg6[%swap3A_1778, %swap3A_1779, %swap3A_1780], %swap3A_1783 {strides = array<i32>} : memref<5x40x128xf32, #tpu.memory_space<vmem>>, vector<1x1x16xf32>,
    %swap3A_1784 = arith.constant 0 : i32
    %swap3A_1785 = arith.constant 27 : i32
    %swap3A_1786 = arith.index_cast %swap3A_1784 : i32 to index
    %swap3A_1787 = arith.index_cast %swap3A_1785 : i32 to index
    %swap3A_1788 = arith.constant 112 : index
    %swap3A_1789 = tpu.vector_load %arg6[%swap3A_1786, %swap3A_1787, %swap3A_1788] {strides = array<i32>} : memref<5x40x128xf32, #tpu.memory_space<vmem>>, vector<1x1x16xf32>,
    %swap3A_1790 = vector.shape_cast %swap3A_1789 : vector<1x1x16xf32> to vector<16xf32>
    %swap3A_1791 = vector.shape_cast %broadcast_in_dim3A_0 : vector<16xf32> to vector<1x1x16xf32>
    tpu.vector_store %arg6[%swap3A_1786, %swap3A_1787, %swap3A_1788], %swap3A_1791 {strides = array<i32>} : memref<5x40x128xf32, #tpu.memory_space<vmem>>, vector<1x1x16xf32>,
    %swap3A_1792 = arith.constant 0 : i32
    %swap3A_1793 = arith.constant 28 : i32
    %swap3A_1794 = arith.index_cast %swap3A_1792 : i32 to index
    %swap3A_1795 = arith.index_cast %swap3A_1793 : i32 to index
    %swap3A_1796 = arith.constant 0 : index
    %swap3A_1797 = tpu.vector_load %arg6[%swap3A_1794, %swap3A_1795, %swap3A_1796] {strides = array<i32>} : memref<5x40x128xf32, #tpu.memory_space<vmem>>, vector<1x1x16xf32>,
    %swap3A_1798 = vector.shape_cast %swap3A_1797 : vector<1x1x16xf32> to vector<16xf32>
    %swap3A_1799 = vector.shape_cast %broadcast_in_dim3A_0 : vector<16xf32> to vector<1x1x16xf32>
    tpu.vector_store %arg6[%swap3A_1794, %swap3A_1795, %swap3A_1796], %swap3A_1799 {strides = array<i32>} : memref<5x40x128xf32, #tpu.memory_space<vmem>>, vector<1x1x16xf32>,
    %swap3A_1800 = arith.constant 0 : i32
    %swap3A_1801 = arith.constant 28 : i32
    %swap3A_1802 = arith.index_cast %swap3A_1800 : i32 to index
    %swap3A_1803 = arith.index_cast %swap3A_1801 : i32 to index
    %swap3A_1804 = arith.constant 16 : index
    %swap3A_1805 = tpu.vector_load %arg6[%swap3A_1802, %swap3A_1803, %swap3A_1804] {strides = array<i32>} : memref<5x40x128xf32, #tpu.memory_space<vmem>>, vector<1x1x16xf32>,
    %swap3A_1806 = vector.shape_cast %swap3A_1805 : vector<1x1x16xf32> to vector<16xf32>
    %swap3A_1807 = vector.shape_cast %broadcast_in_dim3A_0 : vector<16xf32> to vector<1x1x16xf32>
    tpu.vector_store %arg6[%swap3A_1802, %swap3A_1803, %swap3A_1804], %swap3A_1807 {strides = array<i32>} : memref<5x40x128xf32, #tpu.memory_space<vmem>>, vector<1x1x16xf32>,
    %swap3A_1808 = arith.constant 0 : i32
    %swap3A_1809 = arith.constant 28 : i32
    %swap3A_1810 = arith.index_cast %swap3A_1808 : i32 to index
    %swap3A_1811 = arith.index_cast %swap3A_1809 : i32 to index
    %swap3A_1812 = arith.constant 32 : index
    %swap3A_1813 = tpu.vector_load %arg6[%swap3A_1810, %swap3A_1811, %swap3A_1812] {strides = array<i32>} : memref<5x40x128xf32, #tpu.memory_space<vmem>>, vector<1x1x16xf32>,
    %swap3A_1814 = vector.shape_cast %swap3A_1813 : vector<1x1x16xf32> to vector<16xf32>
    %swap3A_1815 = vector.shape_cast %broadcast_in_dim3A_0 : vector<16xf32> to vector<1x1x16xf32>
    tpu.vector_store %arg6[%swap3A_1810, %swap3A_1811, %swap3A_1812], %swap3A_1815 {strides = array<i32>} : memref<5x40x128xf32, #tpu.memory_space<vmem>>, vector<1x1x16xf32>,
    %swap3A_1816 = arith.constant 0 : i32
    %swap3A_1817 = arith.constant 28 : i32
    %swap3A_1818 = arith.index_cast %swap3A_1816 : i32 to index
    %swap3A_1819 = arith.index_cast %swap3A_1817 : i32 to index
    %swap3A_1820 = arith.constant 48 : index
    %swap3A_1821 = tpu.vector_load %arg6[%swap3A_1818, %swap3A_1819, %swap3A_1820] {strides = array<i32>} : memref<5x40x128xf32, #tpu.memory_space<vmem>>, vector<1x1x16xf32>,
    %swap3A_1822 = vector.shape_cast %swap3A_1821 : vector<1x1x16xf32> to vector<16xf32>
    %swap3A_1823 = vector.shape_cast %broadcast_in_dim3A_0 : vector<16xf32> to vector<1x1x16xf32>
    tpu.vector_store %arg6[%swap3A_1818, %swap3A_1819, %swap3A_1820], %swap3A_1823 {strides = array<i32>} : memref<5x40x128xf32, #tpu.memory_space<vmem>>, vector<1x1x16xf32>,
    %swap3A_1824 = arith.constant 0 : i32
    %swap3A_1825 = arith.constant 28 : i32
    %swap3A_1826 = arith.index_cast %swap3A_1824 : i32 to index
    %swap3A_1827 = arith.index_cast %swap3A_1825 : i32 to index
    %swap3A_1828 = arith.constant 64 : index
    %swap3A_1829 = tpu.vector_load %arg6[%swap3A_1826, %swap3A_1827, %swap3A_1828] {strides = array<i32>} : memref<5x40x128xf32, #tpu.memory_space<vmem>>, vector<1x1x16xf32>,
    %swap3A_1830 = vector.shape_cast %swap3A_1829 : vector<1x1x16xf32> to vector<16xf32>
    %swap3A_1831 = vector.shape_cast %broadcast_in_dim3A_0 : vector<16xf32> to vector<1x1x16xf32>
    tpu.vector_store %arg6[%swap3A_1826, %swap3A_1827, %swap3A_1828], %swap3A_1831 {strides = array<i32>} : memref<5x40x128xf32, #tpu.memory_space<vmem>>, vector<1x1x16xf32>,
    %swap3A_1832 = arith.constant 0 : i32
    %swap3A_1833 = arith.constant 28 : i32
    %swap3A_1834 = arith.index_cast %swap3A_1832 : i32 to index
    %swap3A_1835 = arith.index_cast %swap3A_1833 : i32 to index
    %swap3A_1836 = arith.constant 80 : index
    %swap3A_1837 = tpu.vector_load %arg6[%swap3A_1834, %swap3A_1835, %swap3A_1836] {strides = array<i32>} : memref<5x40x128xf32, #tpu.memory_space<vmem>>, vector<1x1x16xf32>,
    %swap3A_1838 = vector.shape_cast %swap3A_1837 : vector<1x1x16xf32> to vector<16xf32>
    %swap3A_1839 = vector.shape_cast %broadcast_in_dim3A_0 : vector<16xf32> to vector<1x1x16xf32>
    tpu.vector_store %arg6[%swap3A_1834, %swap3A_1835, %swap3A_1836], %swap3A_1839 {strides = array<i32>} : memref<5x40x128xf32, #tpu.memory_space<vmem>>, vector<1x1x16xf32>,
    %swap3A_1840 = arith.constant 0 : i32
    %swap3A_1841 = arith.constant 28 : i32
    %swap3A_1842 = arith.index_cast %swap3A_1840 : i32 to index
    %swap3A_1843 = arith.index_cast %swap3A_1841 : i32 to index
    %swap3A_1844 = arith.constant 96 : index
    %swap3A_1845 = tpu.vector_load %arg6[%swap3A_1842, %swap3A_1843, %swap3A_1844] {strides = array<i32>} : memref<5x40x128xf32, #tpu.memory_space<vmem>>, vector<1x1x16xf32>,
    %swap3A_1846 = vector.shape_cast %swap3A_1845 : vector<1x1x16xf32> to vector<16xf32>
    %swap3A_1847 = vector.shape_cast %broadcast_in_dim3A_0 : vector<16xf32> to vector<1x1x16xf32>
    tpu.vector_store %arg6[%swap3A_1842, %swap3A_1843, %swap3A_1844], %swap3A_1847 {strides = array<i32>} : memref<5x40x128xf32, #tpu.memory_space<vmem>>, vector<1x1x16xf32>,
    %swap3A_1848 = arith.constant 0 : i32
    %swap3A_1849 = arith.constant 28 : i32
    %swap3A_1850 = arith.index_cast %swap3A_1848 : i32 to index
    %swap3A_1851 = arith.index_cast %swap3A_1849 : i32 to index
    %swap3A_1852 = arith.constant 112 : index
    %swap3A_1853 = tpu.vector_load %arg6[%swap3A_1850, %swap3A_1851, %swap3A_1852] {strides = array<i32>} : memref<5x40x128xf32, #tpu.memory_space<vmem>>, vector<1x1x16xf32>,
    %swap3A_1854 = vector.shape_cast %swap3A_1853 : vector<1x1x16xf32> to vector<16xf32>
    %swap3A_1855 = vector.shape_cast %broadcast_in_dim3A_0 : vector<16xf32> to vector<1x1x16xf32>
    tpu.vector_store %arg6[%swap3A_1850, %swap3A_1851, %swap3A_1852], %swap3A_1855 {strides = array<i32>} : memref<5x40x128xf32, #tpu.memory_space<vmem>>, vector<1x1x16xf32>,
    %swap3A_1856 = arith.constant 0 : i32
    %swap3A_1857 = arith.constant 29 : i32
    %swap3A_1858 = arith.index_cast %swap3A_1856 : i32 to index
    %swap3A_1859 = arith.index_cast %swap3A_1857 : i32 to index
    %swap3A_1860 = arith.constant 0 : index
    %swap3A_1861 = tpu.vector_load %arg6[%swap3A_1858, %swap3A_1859, %swap3A_1860] {strides = array<i32>} : memref<5x40x128xf32, #tpu.memory_space<vmem>>, vector<1x1x16xf32>,
    %swap3A_1862 = vector.shape_cast %swap3A_1861 : vector<1x1x16xf32> to vector<16xf32>
    %swap3A_1863 = vector.shape_cast %broadcast_in_dim3A_0 : vector<16xf32> to vector<1x1x16xf32>
    tpu.vector_store %arg6[%swap3A_1858, %swap3A_1859, %swap3A_1860], %swap3A_1863 {strides = array<i32>} : memref<5x40x128xf32, #tpu.memory_space<vmem>>, vector<1x1x16xf32>,
    %swap3A_1864 = arith.constant 0 : i32
    %swap3A_1865 = arith.constant 29 : i32
    %swap3A_1866 = arith.index_cast %swap3A_1864 : i32 to index
    %swap3A_1867 = arith.index_cast %swap3A_1865 : i32 to index
    %swap3A_1868 = arith.constant 16 : index
    %swap3A_1869 = tpu.vector_load %arg6[%swap3A_1866, %swap3A_1867, %swap3A_1868] {strides = array<i32>} : memref<5x40x128xf32, #tpu.memory_space<vmem>>, vector<1x1x16xf32>,
    %swap3A_1870 = vector.shape_cast %swap3A_1869 : vector<1x1x16xf32> to vector<16xf32>
    %swap3A_1871 = vector.shape_cast %broadcast_in_dim3A_0 : vector<16xf32> to vector<1x1x16xf32>
    tpu.vector_store %arg6[%swap3A_1866, %swap3A_1867, %swap3A_1868], %swap3A_1871 {strides = array<i32>} : memref<5x40x128xf32, #tpu.memory_space<vmem>>, vector<1x1x16xf32>,
    %swap3A_1872 = arith.constant 0 : i32
    %swap3A_1873 = arith.constant 29 : i32
    %swap3A_1874 = arith.index_cast %swap3A_1872 : i32 to index
    %swap3A_1875 = arith.index_cast %swap3A_1873 : i32 to index
    %swap3A_1876 = arith.constant 32 : index
    %swap3A_1877 = tpu.vector_load %arg6[%swap3A_1874, %swap3A_1875, %swap3A_1876] {strides = array<i32>} : memref<5x40x128xf32, #tpu.memory_space<vmem>>, vector<1x1x16xf32>,
    %swap3A_1878 = vector.shape_cast %swap3A_1877 : vector<1x1x16xf32> to vector<16xf32>
    %swap3A_1879 = vector.shape_cast %broadcast_in_dim3A_0 : vector<16xf32> to vector<1x1x16xf32>
    tpu.vector_store %arg6[%swap3A_1874, %swap3A_1875, %swap3A_1876], %swap3A_1879 {strides = array<i32>} : memref<5x40x128xf32, #tpu.memory_space<vmem>>, vector<1x1x16xf32>,
    %swap3A_1880 = arith.constant 0 : i32
    %swap3A_1881 = arith.constant 29 : i32
    %swap3A_1882 = arith.index_cast %swap3A_1880 : i32 to index
    %swap3A_1883 = arith.index_cast %swap3A_1881 : i32 to index
    %swap3A_1884 = arith.constant 48 : index
    %swap3A_1885 = tpu.vector_load %arg6[%swap3A_1882, %swap3A_1883, %swap3A_1884] {strides = array<i32>} : memref<5x40x128xf32, #tpu.memory_space<vmem>>, vector<1x1x16xf32>,
    %swap3A_1886 = vector.shape_cast %swap3A_1885 : vector<1x1x16xf32> to vector<16xf32>
    %swap3A_1887 = vector.shape_cast %broadcast_in_dim3A_0 : vector<16xf32> to vector<1x1x16xf32>
    tpu.vector_store %arg6[%swap3A_1882, %swap3A_1883, %swap3A_1884], %swap3A_1887 {strides = array<i32>} : memref<5x40x128xf32, #tpu.memory_space<vmem>>, vector<1x1x16xf32>,
    %swap3A_1888 = arith.constant 0 : i32
    %swap3A_1889 = arith.constant 29 : i32
    %swap3A_1890 = arith.index_cast %swap3A_1888 : i32 to index
    %swap3A_1891 = arith.index_cast %swap3A_1889 : i32 to index
    %swap3A_1892 = arith.constant 64 : index
    %swap3A_1893 = tpu.vector_load %arg6[%swap3A_1890, %swap3A_1891, %swap3A_1892] {strides = array<i32>} : memref<5x40x128xf32, #tpu.memory_space<vmem>>, vector<1x1x16xf32>,
    %swap3A_1894 = vector.shape_cast %swap3A_1893 : vector<1x1x16xf32> to vector<16xf32>
    %swap3A_1895 = vector.shape_cast %broadcast_in_dim3A_0 : vector<16xf32> to vector<1x1x16xf32>
    tpu.vector_store %arg6[%swap3A_1890, %swap3A_1891, %swap3A_1892], %swap3A_1895 {strides = array<i32>} : memref<5x40x128xf32, #tpu.memory_space<vmem>>, vector<1x1x16xf32>,
    %swap3A_1896 = arith.constant 0 : i32
    %swap3A_1897 = arith.constant 29 : i32
    %swap3A_1898 = arith.index_cast %swap3A_1896 : i32 to index
    %swap3A_1899 = arith.index_cast %swap3A_1897 : i32 to index
    %swap3A_1900 = arith.constant 80 : index
    %swap3A_1901 = tpu.vector_load %arg6[%swap3A_1898, %swap3A_1899, %swap3A_1900] {strides = array<i32>} : memref<5x40x128xf32, #tpu.memory_space<vmem>>, vector<1x1x16xf32>,
    %swap3A_1902 = vector.shape_cast %swap3A_1901 : vector<1x1x16xf32> to vector<16xf32>
    %swap3A_1903 = vector.shape_cast %broadcast_in_dim3A_0 : vector<16xf32> to vector<1x1x16xf32>
    tpu.vector_store %arg6[%swap3A_1898, %swap3A_1899, %swap3A_1900], %swap3A_1903 {strides = array<i32>} : memref<5x40x128xf32, #tpu.memory_space<vmem>>, vector<1x1x16xf32>,
    %swap3A_1904 = arith.constant 0 : i32
    %swap3A_1905 = arith.constant 29 : i32
    %swap3A_1906 = arith.index_cast %swap3A_1904 : i32 to index
    %swap3A_1907 = arith.index_cast %swap3A_1905 : i32 to index
    %swap3A_1908 = arith.constant 96 : index
    %swap3A_1909 = tpu.vector_load %arg6[%swap3A_1906, %swap3A_1907, %swap3A_1908] {strides = array<i32>} : memref<5x40x128xf32, #tpu.memory_space<vmem>>, vector<1x1x16xf32>,
    %swap3A_1910 = vector.shape_cast %swap3A_1909 : vector<1x1x16xf32> to vector<16xf32>
    %swap3A_1911 = vector.shape_cast %broadcast_in_dim3A_0 : vector<16xf32> to vector<1x1x16xf32>
    tpu.vector_store %arg6[%swap3A_1906, %swap3A_1907, %swap3A_1908], %swap3A_1911 {strides = array<i32>} : memref<5x40x128xf32, #tpu.memory_space<vmem>>, vector<1x1x16xf32>,
    %swap3A_1912 = arith.constant 0 : i32
    %swap3A_1913 = arith.constant 29 : i32
    %swap3A_1914 = arith.index_cast %swap3A_1912 : i32 to index
    %swap3A_1915 = arith.index_cast %swap3A_1913 : i32 to index
    %swap3A_1916 = arith.constant 112 : index
    %swap3A_1917 = tpu.vector_load %arg6[%swap3A_1914, %swap3A_1915, %swap3A_1916] {strides = array<i32>} : memref<5x40x128xf32, #tpu.memory_space<vmem>>, vector<1x1x16xf32>,
    %swap3A_1918 = vector.shape_cast %swap3A_1917 : vector<1x1x16xf32> to vector<16xf32>
    %swap3A_1919 = vector.shape_cast %broadcast_in_dim3A_0 : vector<16xf32> to vector<1x1x16xf32>
    tpu.vector_store %arg6[%swap3A_1914, %swap3A_1915, %swap3A_1916], %swap3A_1919 {strides = array<i32>} : memref<5x40x128xf32, #tpu.memory_space<vmem>>, vector<1x1x16xf32>,
    %swap3A_1920 = arith.constant 0 : i32
    %swap3A_1921 = arith.constant 30 : i32
    %swap3A_1922 = arith.index_cast %swap3A_1920 : i32 to index
    %swap3A_1923 = arith.index_cast %swap3A_1921 : i32 to index
    %swap3A_1924 = arith.constant 0 : index
    %swap3A_1925 = tpu.vector_load %arg6[%swap3A_1922, %swap3A_1923, %swap3A_1924] {strides = array<i32>} : memref<5x40x128xf32, #tpu.memory_space<vmem>>, vector<1x1x16xf32>,
    %swap3A_1926 = vector.shape_cast %swap3A_1925 : vector<1x1x16xf32> to vector<16xf32>
    %swap3A_1927 = vector.shape_cast %broadcast_in_dim3A_0 : vector<16xf32> to vector<1x1x16xf32>
    tpu.vector_store %arg6[%swap3A_1922, %swap3A_1923, %swap3A_1924], %swap3A_1927 {strides = array<i32>} : memref<5x40x128xf32, #tpu.memory_space<vmem>>, vector<1x1x16xf32>,
    %swap3A_1928 = arith.constant 0 : i32
    %swap3A_1929 = arith.constant 30 : i32
    %swap3A_1930 = arith.index_cast %swap3A_1928 : i32 to index
    %swap3A_1931 = arith.index_cast %swap3A_1929 : i32 to index
    %swap3A_1932 = arith.constant 16 : index
    %swap3A_1933 = tpu.vector_load %arg6[%swap3A_1930, %swap3A_1931, %swap3A_1932] {strides = array<i32>} : memref<5x40x128xf32, #tpu.memory_space<vmem>>, vector<1x1x16xf32>,
    %swap3A_1934 = vector.shape_cast %swap3A_1933 : vector<1x1x16xf32> to vector<16xf32>
    %swap3A_1935 = vector.shape_cast %broadcast_in_dim3A_0 : vector<16xf32> to vector<1x1x16xf32>
    tpu.vector_store %arg6[%swap3A_1930, %swap3A_1931, %swap3A_1932], %swap3A_1935 {strides = array<i32>} : memref<5x40x128xf32, #tpu.memory_space<vmem>>, vector<1x1x16xf32>,
    %swap3A_1936 = arith.constant 0 : i32
    %swap3A_1937 = arith.constant 30 : i32
    %swap3A_1938 = arith.index_cast %swap3A_1936 : i32 to index
    %swap3A_1939 = arith.index_cast %swap3A_1937 : i32 to index
    %swap3A_1940 = arith.constant 32 : index
    %swap3A_1941 = tpu.vector_load %arg6[%swap3A_1938, %swap3A_1939, %swap3A_1940] {strides = array<i32>} : memref<5x40x128xf32, #tpu.memory_space<vmem>>, vector<1x1x16xf32>,
    %swap3A_1942 = vector.shape_cast %swap3A_1941 : vector<1x1x16xf32> to vector<16xf32>
    %swap3A_1943 = vector.shape_cast %broadcast_in_dim3A_0 : vector<16xf32> to vector<1x1x16xf32>
    tpu.vector_store %arg6[%swap3A_1938, %swap3A_1939, %swap3A_1940], %swap3A_1943 {strides = array<i32>} : memref<5x40x128xf32, #tpu.memory_space<vmem>>, vector<1x1x16xf32>,
    %swap3A_1944 = arith.constant 0 : i32
    %swap3A_1945 = arith.constant 30 : i32
    %swap3A_1946 = arith.index_cast %swap3A_1944 : i32 to index
    %swap3A_1947 = arith.index_cast %swap3A_1945 : i32 to index
    %swap3A_1948 = arith.constant 48 : index
    %swap3A_1949 = tpu.vector_load %arg6[%swap3A_1946, %swap3A_1947, %swap3A_1948] {strides = array<i32>} : memref<5x40x128xf32, #tpu.memory_space<vmem>>, vector<1x1x16xf32>,
    %swap3A_1950 = vector.shape_cast %swap3A_1949 : vector<1x1x16xf32> to vector<16xf32>
    %swap3A_1951 = vector.shape_cast %broadcast_in_dim3A_0 : vector<16xf32> to vector<1x1x16xf32>
    tpu.vector_store %arg6[%swap3A_1946, %swap3A_1947, %swap3A_1948], %swap3A_1951 {strides = array<i32>} : memref<5x40x128xf32, #tpu.memory_space<vmem>>, vector<1x1x16xf32>,
    %swap3A_1952 = arith.constant 0 : i32
    %swap3A_1953 = arith.constant 30 : i32
    %swap3A_1954 = arith.index_cast %swap3A_1952 : i32 to index
    %swap3A_1955 = arith.index_cast %swap3A_1953 : i32 to index
    %swap3A_1956 = arith.constant 64 : index
    %swap3A_1957 = tpu.vector_load %arg6[%swap3A_1954, %swap3A_1955, %swap3A_1956] {strides = array<i32>} : memref<5x40x128xf32, #tpu.memory_space<vmem>>, vector<1x1x16xf32>,
    %swap3A_1958 = vector.shape_cast %swap3A_1957 : vector<1x1x16xf32> to vector<16xf32>
    %swap3A_1959 = vector.shape_cast %broadcast_in_dim3A_0 : vector<16xf32> to vector<1x1x16xf32>
    tpu.vector_store %arg6[%swap3A_1954, %swap3A_1955, %swap3A_1956], %swap3A_1959 {strides = array<i32>} : memref<5x40x128xf32, #tpu.memory_space<vmem>>, vector<1x1x16xf32>,
    %swap3A_1960 = arith.constant 0 : i32
    %swap3A_1961 = arith.constant 30 : i32
    %swap3A_1962 = arith.index_cast %swap3A_1960 : i32 to index
    %swap3A_1963 = arith.index_cast %swap3A_1961 : i32 to index
    %swap3A_1964 = arith.constant 80 : index
    %swap3A_1965 = tpu.vector_load %arg6[%swap3A_1962, %swap3A_1963, %swap3A_1964] {strides = array<i32>} : memref<5x40x128xf32, #tpu.memory_space<vmem>>, vector<1x1x16xf32>,
    %swap3A_1966 = vector.shape_cast %swap3A_1965 : vector<1x1x16xf32> to vector<16xf32>
    %swap3A_1967 = vector.shape_cast %broadcast_in_dim3A_0 : vector<16xf32> to vector<1x1x16xf32>
    tpu.vector_store %arg6[%swap3A_1962, %swap3A_1963, %swap3A_1964], %swap3A_1967 {strides = array<i32>} : memref<5x40x128xf32, #tpu.memory_space<vmem>>, vector<1x1x16xf32>,
    %swap3A_1968 = arith.constant 0 : i32
    %swap3A_1969 = arith.constant 30 : i32
    %swap3A_1970 = arith.index_cast %swap3A_1968 : i32 to index
    %swap3A_1971 = arith.index_cast %swap3A_1969 : i32 to index
    %swap3A_1972 = arith.constant 96 : index
    %swap3A_1973 = tpu.vector_load %arg6[%swap3A_1970, %swap3A_1971, %swap3A_1972] {strides = array<i32>} : memref<5x40x128xf32, #tpu.memory_space<vmem>>, vector<1x1x16xf32>,
    %swap3A_1974 = vector.shape_cast %swap3A_1973 : vector<1x1x16xf32> to vector<16xf32>
    %swap3A_1975 = vector.shape_cast %broadcast_in_dim3A_0 : vector<16xf32> to vector<1x1x16xf32>
    tpu.vector_store %arg6[%swap3A_1970, %swap3A_1971, %swap3A_1972], %swap3A_1975 {strides = array<i32>} : memref<5x40x128xf32, #tpu.memory_space<vmem>>, vector<1x1x16xf32>,
    %swap3A_1976 = arith.constant 0 : i32
    %swap3A_1977 = arith.constant 30 : i32
    %swap3A_1978 = arith.index_cast %swap3A_1976 : i32 to index
    %swap3A_1979 = arith.index_cast %swap3A_1977 : i32 to index
    %swap3A_1980 = arith.constant 112 : index
    %swap3A_1981 = tpu.vector_load %arg6[%swap3A_1978, %swap3A_1979, %swap3A_1980] {strides = array<i32>} : memref<5x40x128xf32, #tpu.memory_space<vmem>>, vector<1x1x16xf32>,
    %swap3A_1982 = vector.shape_cast %swap3A_1981 : vector<1x1x16xf32> to vector<16xf32>
    %swap3A_1983 = vector.shape_cast %broadcast_in_dim3A_0 : vector<16xf32> to vector<1x1x16xf32>
    tpu.vector_store %arg6[%swap3A_1978, %swap3A_1979, %swap3A_1980], %swap3A_1983 {strides = array<i32>} : memref<5x40x128xf32, #tpu.memory_space<vmem>>, vector<1x1x16xf32>,
    %swap3A_1984 = arith.constant 0 : i32
    %swap3A_1985 = arith.constant 31 : i32
    %swap3A_1986 = arith.index_cast %swap3A_1984 : i32 to index
    %swap3A_1987 = arith.index_cast %swap3A_1985 : i32 to index
    %swap3A_1988 = arith.constant 0 : index
    %swap3A_1989 = tpu.vector_load %arg6[%swap3A_1986, %swap3A_1987, %swap3A_1988] {strides = array<i32>} : memref<5x40x128xf32, #tpu.memory_space<vmem>>, vector<1x1x16xf32>,
    %swap3A_1990 = vector.shape_cast %swap3A_1989 : vector<1x1x16xf32> to vector<16xf32>
    %swap3A_1991 = vector.shape_cast %broadcast_in_dim3A_0 : vector<16xf32> to vector<1x1x16xf32>
    tpu.vector_store %arg6[%swap3A_1986, %swap3A_1987, %swap3A_1988], %swap3A_1991 {strides = array<i32>} : memref<5x40x128xf32, #tpu.memory_space<vmem>>, vector<1x1x16xf32>,
    %swap3A_1992 = arith.constant 0 : i32
    %swap3A_1993 = arith.constant 31 : i32
    %swap3A_1994 = arith.index_cast %swap3A_1992 : i32 to index
    %swap3A_1995 = arith.index_cast %swap3A_1993 : i32 to index
    %swap3A_1996 = arith.constant 16 : index
    %swap3A_1997 = tpu.vector_load %arg6[%swap3A_1994, %swap3A_1995, %swap3A_1996] {strides = array<i32>} : memref<5x40x128xf32, #tpu.memory_space<vmem>>, vector<1x1x16xf32>,
    %swap3A_1998 = vector.shape_cast %swap3A_1997 : vector<1x1x16xf32> to vector<16xf32>
    %swap3A_1999 = vector.shape_cast %broadcast_in_dim3A_0 : vector<16xf32> to vector<1x1x16xf32>
    tpu.vector_store %arg6[%swap3A_1994, %swap3A_1995, %swap3A_1996], %swap3A_1999 {strides = array<i32>} : memref<5x40x128xf32, #tpu.memory_space<vmem>>, vector<1x1x16xf32>,
    %swap3A_2000 = arith.constant 0 : i32
    %swap3A_2001 = arith.constant 31 : i32
    %swap3A_2002 = arith.index_cast %swap3A_2000 : i32 to index
    %swap3A_2003 = arith.index_cast %swap3A_2001 : i32 to index
    %swap3A_2004 = arith.constant 32 : index
    %swap3A_2005 = tpu.vector_load %arg6[%swap3A_2002, %swap3A_2003, %swap3A_2004] {strides = array<i32>} : memref<5x40x128xf32, #tpu.memory_space<vmem>>, vector<1x1x16xf32>,
    %swap3A_2006 = vector.shape_cast %swap3A_2005 : vector<1x1x16xf32> to vector<16xf32>
    %swap3A_2007 = vector.shape_cast %broadcast_in_dim3A_0 : vector<16xf32> to vector<1x1x16xf32>
    tpu.vector_store %arg6[%swap3A_2002, %swap3A_2003, %swap3A_2004], %swap3A_2007 {strides = array<i32>} : memref<5x40x128xf32, #tpu.memory_space<vmem>>, vector<1x1x16xf32>,
    %swap3A_2008 = arith.constant 0 : i32
    %swap3A_2009 = arith.constant 31 : i32
    %swap3A_2010 = arith.index_cast %swap3A_2008 : i32 to index
    %swap3A_2011 = arith.index_cast %swap3A_2009 : i32 to index
    %swap3A_2012 = arith.constant 48 : index
    %swap3A_2013 = tpu.vector_load %arg6[%swap3A_2010, %swap3A_2011, %swap3A_2012] {strides = array<i32>} : memref<5x40x128xf32, #tpu.memory_space<vmem>>, vector<1x1x16xf32>,
    %swap3A_2014 = vector.shape_cast %swap3A_2013 : vector<1x1x16xf32> to vector<16xf32>
    %swap3A_2015 = vector.shape_cast %broadcast_in_dim3A_0 : vector<16xf32> to vector<1x1x16xf32>
    tpu.vector_store %arg6[%swap3A_2010, %swap3A_2011, %swap3A_2012], %swap3A_2015 {strides = array<i32>} : memref<5x40x128xf32, #tpu.memory_space<vmem>>, vector<1x1x16xf32>,
    %swap3A_2016 = arith.constant 0 : i32
    %swap3A_2017 = arith.constant 31 : i32
    %swap3A_2018 = arith.index_cast %swap3A_2016 : i32 to index
    %swap3A_2019 = arith.index_cast %swap3A_2017 : i32 to index
    %swap3A_2020 = arith.constant 64 : index
    %swap3A_2021 = tpu.vector_load %arg6[%swap3A_2018, %swap3A_2019, %swap3A_2020] {strides = array<i32>} : memref<5x40x128xf32, #tpu.memory_space<vmem>>, vector<1x1x16xf32>,
    %swap3A_2022 = vector.shape_cast %swap3A_2021 : vector<1x1x16xf32> to vector<16xf32>
    %swap3A_2023 = vector.shape_cast %broadcast_in_dim3A_0 : vector<16xf32> to vector<1x1x16xf32>
    tpu.vector_store %arg6[%swap3A_2018, %swap3A_2019, %swap3A_2020], %swap3A_2023 {strides = array<i32>} : memref<5x40x128xf32, #tpu.memory_space<vmem>>, vector<1x1x16xf32>,
    %swap3A_2024 = arith.constant 0 : i32
    %swap3A_2025 = arith.constant 31 : i32
    %swap3A_2026 = arith.index_cast %swap3A_2024 : i32 to index
    %swap3A_2027 = arith.index_cast %swap3A_2025 : i32 to index
    %swap3A_2028 = arith.constant 80 : index
    %swap3A_2029 = tpu.vector_load %arg6[%swap3A_2026, %swap3A_2027, %swap3A_2028] {strides = array<i32>} : memref<5x40x128xf32, #tpu.memory_space<vmem>>, vector<1x1x16xf32>,
    %swap3A_2030 = vector.shape_cast %swap3A_2029 : vector<1x1x16xf32> to vector<16xf32>
    %swap3A_2031 = vector.shape_cast %broadcast_in_dim3A_0 : vector<16xf32> to vector<1x1x16xf32>
    tpu.vector_store %arg6[%swap3A_2026, %swap3A_2027, %swap3A_2028], %swap3A_2031 {strides = array<i32>} : memref<5x40x128xf32, #tpu.memory_space<vmem>>, vector<1x1x16xf32>,
    %swap3A_2032 = arith.constant 0 : i32
    %swap3A_2033 = arith.constant 31 : i32
    %swap3A_2034 = arith.index_cast %swap3A_2032 : i32 to index
    %swap3A_2035 = arith.index_cast %swap3A_2033 : i32 to index
    %swap3A_2036 = arith.constant 96 : index
    %swap3A_2037 = tpu.vector_load %arg6[%swap3A_2034, %swap3A_2035, %swap3A_2036] {strides = array<i32>} : memref<5x40x128xf32, #tpu.memory_space<vmem>>, vector<1x1x16xf32>,
    %swap3A_2038 = vector.shape_cast %swap3A_2037 : vector<1x1x16xf32> to vector<16xf32>
    %swap3A_2039 = vector.shape_cast %broadcast_in_dim3A_0 : vector<16xf32> to vector<1x1x16xf32>
    tpu.vector_store %arg6[%swap3A_2034, %swap3A_2035, %swap3A_2036], %swap3A_2039 {strides = array<i32>} : memref<5x40x128xf32, #tpu.memory_space<vmem>>, vector<1x1x16xf32>,
    %swap3A_2040 = arith.constant 0 : i32
    %swap3A_2041 = arith.constant 31 : i32
    %swap3A_2042 = arith.index_cast %swap3A_2040 : i32 to index
    %swap3A_2043 = arith.index_cast %swap3A_2041 : i32 to index
    %swap3A_2044 = arith.constant 112 : index
    %swap3A_2045 = tpu.vector_load %arg6[%swap3A_2042, %swap3A_2043, %swap3A_2044] {strides = array<i32>} : memref<5x40x128xf32, #tpu.memory_space<vmem>>, vector<1x1x16xf32>,
    %swap3A_2046 = vector.shape_cast %swap3A_2045 : vector<1x1x16xf32> to vector<16xf32>
    %swap3A_2047 = vector.shape_cast %broadcast_in_dim3A_0 : vector<16xf32> to vector<1x1x16xf32>
    tpu.vector_store %arg6[%swap3A_2042, %swap3A_2043, %swap3A_2044], %swap3A_2047 {strides = array<i32>} : memref<5x40x128xf32, #tpu.memory_space<vmem>>, vector<1x1x16xf32>,
    %swap3A_2048 = arith.constant 0 : i32
    %swap3A_2049 = arith.constant 32 : i32
    %swap3A_2050 = arith.index_cast %swap3A_2048 : i32 to index
    %swap3A_2051 = arith.index_cast %swap3A_2049 : i32 to index
    %swap3A_2052 = arith.constant 0 : index
    %swap3A_2053 = tpu.vector_load %arg6[%swap3A_2050, %swap3A_2051, %swap3A_2052] {strides = array<i32>} : memref<5x40x128xf32, #tpu.memory_space<vmem>>, vector<1x1x16xf32>,
    %swap3A_2054 = vector.shape_cast %swap3A_2053 : vector<1x1x16xf32> to vector<16xf32>
    %swap3A_2055 = vector.shape_cast %broadcast_in_dim3A_0 : vector<16xf32> to vector<1x1x16xf32>
    tpu.vector_store %arg6[%swap3A_2050, %swap3A_2051, %swap3A_2052], %swap3A_2055 {strides = array<i32>} : memref<5x40x128xf32, #tpu.memory_space<vmem>>, vector<1x1x16xf32>,
    %swap3A_2056 = arith.constant 0 : i32
    %swap3A_2057 = arith.constant 32 : i32
    %swap3A_2058 = arith.index_cast %swap3A_2056 : i32 to index
    %swap3A_2059 = arith.index_cast %swap3A_2057 : i32 to index
    %swap3A_2060 = arith.constant 16 : index
    %swap3A_2061 = tpu.vector_load %arg6[%swap3A_2058, %swap3A_2059, %swap3A_2060] {strides = array<i32>} : memref<5x40x128xf32, #tpu.memory_space<vmem>>, vector<1x1x16xf32>,
    %swap3A_2062 = vector.shape_cast %swap3A_2061 : vector<1x1x16xf32> to vector<16xf32>
    %swap3A_2063 = vector.shape_cast %broadcast_in_dim3A_0 : vector<16xf32> to vector<1x1x16xf32>
    tpu.vector_store %arg6[%swap3A_2058, %swap3A_2059, %swap3A_2060], %swap3A_2063 {strides = array<i32>} : memref<5x40x128xf32, #tpu.memory_space<vmem>>, vector<1x1x16xf32>,
    %swap3A_2064 = arith.constant 0 : i32
    %swap3A_2065 = arith.constant 32 : i32
    %swap3A_2066 = arith.index_cast %swap3A_2064 : i32 to index
    %swap3A_2067 = arith.index_cast %swap3A_2065 : i32 to index
    %swap3A_2068 = arith.constant 32 : index
    %swap3A_2069 = tpu.vector_load %arg6[%swap3A_2066, %swap3A_2067, %swap3A_2068] {strides = array<i32>} : memref<5x40x128xf32, #tpu.memory_space<vmem>>, vector<1x1x16xf32>,
    %swap3A_2070 = vector.shape_cast %swap3A_2069 : vector<1x1x16xf32> to vector<16xf32>
    %swap3A_2071 = vector.shape_cast %broadcast_in_dim3A_0 : vector<16xf32> to vector<1x1x16xf32>
    tpu.vector_store %arg6[%swap3A_2066, %swap3A_2067, %swap3A_2068], %swap3A_2071 {strides = array<i32>} : memref<5x40x128xf32, #tpu.memory_space<vmem>>, vector<1x1x16xf32>,
    %swap3A_2072 = arith.constant 0 : i32
    %swap3A_2073 = arith.constant 32 : i32
    %swap3A_2074 = arith.index_cast %swap3A_2072 : i32 to index
    %swap3A_2075 = arith.index_cast %swap3A_2073 : i32 to index
    %swap3A_2076 = arith.constant 48 : index
    %swap3A_2077 = tpu.vector_load %arg6[%swap3A_2074, %swap3A_2075, %swap3A_2076] {strides = array<i32>} : memref<5x40x128xf32, #tpu.memory_space<vmem>>, vector<1x1x16xf32>,
    %swap3A_2078 = vector.shape_cast %swap3A_2077 : vector<1x1x16xf32> to vector<16xf32>
    %swap3A_2079 = vector.shape_cast %broadcast_in_dim3A_0 : vector<16xf32> to vector<1x1x16xf32>
    tpu.vector_store %arg6[%swap3A_2074, %swap3A_2075, %swap3A_2076], %swap3A_2079 {strides = array<i32>} : memref<5x40x128xf32, #tpu.memory_space<vmem>>, vector<1x1x16xf32>,
    %swap3A_2080 = arith.constant 0 : i32
    %swap3A_2081 = arith.constant 32 : i32
    %swap3A_2082 = arith.index_cast %swap3A_2080 : i32 to index
    %swap3A_2083 = arith.index_cast %swap3A_2081 : i32 to index
    %swap3A_2084 = arith.constant 64 : index
    %swap3A_2085 = tpu.vector_load %arg6[%swap3A_2082, %swap3A_2083, %swap3A_2084] {strides = array<i32>} : memref<5x40x128xf32, #tpu.memory_space<vmem>>, vector<1x1x16xf32>,
    %swap3A_2086 = vector.shape_cast %swap3A_2085 : vector<1x1x16xf32> to vector<16xf32>
    %swap3A_2087 = vector.shape_cast %broadcast_in_dim3A_0 : vector<16xf32> to vector<1x1x16xf32>
    tpu.vector_store %arg6[%swap3A_2082, %swap3A_2083, %swap3A_2084], %swap3A_2087 {strides = array<i32>} : memref<5x40x128xf32, #tpu.memory_space<vmem>>, vector<1x1x16xf32>,
    %swap3A_2088 = arith.constant 0 : i32
    %swap3A_2089 = arith.constant 32 : i32
    %swap3A_2090 = arith.index_cast %swap3A_2088 : i32 to index
    %swap3A_2091 = arith.index_cast %swap3A_2089 : i32 to index
    %swap3A_2092 = arith.constant 80 : index
    %swap3A_2093 = tpu.vector_load %arg6[%swap3A_2090, %swap3A_2091, %swap3A_2092] {strides = array<i32>} : memref<5x40x128xf32, #tpu.memory_space<vmem>>, vector<1x1x16xf32>,
    %swap3A_2094 = vector.shape_cast %swap3A_2093 : vector<1x1x16xf32> to vector<16xf32>
    %swap3A_2095 = vector.shape_cast %broadcast_in_dim3A_0 : vector<16xf32> to vector<1x1x16xf32>
    tpu.vector_store %arg6[%swap3A_2090, %swap3A_2091, %swap3A_2092], %swap3A_2095 {strides = array<i32>} : memref<5x40x128xf32, #tpu.memory_space<vmem>>, vector<1x1x16xf32>,
    %swap3A_2096 = arith.constant 0 : i32
    %swap3A_2097 = arith.constant 32 : i32
    %swap3A_2098 = arith.index_cast %swap3A_2096 : i32 to index
    %swap3A_2099 = arith.index_cast %swap3A_2097 : i32 to index
    %swap3A_2100 = arith.constant 96 : index
    %swap3A_2101 = tpu.vector_load %arg6[%swap3A_2098, %swap3A_2099, %swap3A_2100] {strides = array<i32>} : memref<5x40x128xf32, #tpu.memory_space<vmem>>, vector<1x1x16xf32>,
    %swap3A_2102 = vector.shape_cast %swap3A_2101 : vector<1x1x16xf32> to vector<16xf32>
    %swap3A_2103 = vector.shape_cast %broadcast_in_dim3A_0 : vector<16xf32> to vector<1x1x16xf32>
    tpu.vector_store %arg6[%swap3A_2098, %swap3A_2099, %swap3A_2100], %swap3A_2103 {strides = array<i32>} : memref<5x40x128xf32, #tpu.memory_space<vmem>>, vector<1x1x16xf32>,
    %swap3A_2104 = arith.constant 0 : i32
    %swap3A_2105 = arith.constant 32 : i32
    %swap3A_2106 = arith.index_cast %swap3A_2104 : i32 to index
    %swap3A_2107 = arith.index_cast %swap3A_2105 : i32 to index
    %swap3A_2108 = arith.constant 112 : index
    %swap3A_2109 = tpu.vector_load %arg6[%swap3A_2106, %swap3A_2107, %swap3A_2108] {strides = array<i32>} : memref<5x40x128xf32, #tpu.memory_space<vmem>>, vector<1x1x16xf32>,
    %swap3A_2110 = vector.shape_cast %swap3A_2109 : vector<1x1x16xf32> to vector<16xf32>
    %swap3A_2111 = vector.shape_cast %broadcast_in_dim3A_0 : vector<16xf32> to vector<1x1x16xf32>
    tpu.vector_store %arg6[%swap3A_2106, %swap3A_2107, %swap3A_2108], %swap3A_2111 {strides = array<i32>} : memref<5x40x128xf32, #tpu.memory_space<vmem>>, vector<1x1x16xf32>,
    %swap3A_2112 = arith.constant 0 : i32
    %swap3A_2113 = arith.constant 33 : i32
    %swap3A_2114 = arith.index_cast %swap3A_2112 : i32 to index
    %swap3A_2115 = arith.index_cast %swap3A_2113 : i32 to index
    %swap3A_2116 = arith.constant 0 : index
    %swap3A_2117 = tpu.vector_load %arg6[%swap3A_2114, %swap3A_2115, %swap3A_2116] {strides = array<i32>} : memref<5x40x128xf32, #tpu.memory_space<vmem>>, vector<1x1x16xf32>,
    %swap3A_2118 = vector.shape_cast %swap3A_2117 : vector<1x1x16xf32> to vector<16xf32>
    %swap3A_2119 = vector.shape_cast %broadcast_in_dim3A_0 : vector<16xf32> to vector<1x1x16xf32>
    tpu.vector_store %arg6[%swap3A_2114, %swap3A_2115, %swap3A_2116], %swap3A_2119 {strides = array<i32>} : memref<5x40x128xf32, #tpu.memory_space<vmem>>, vector<1x1x16xf32>,
    %swap3A_2120 = arith.constant 0 : i32
    %swap3A_2121 = arith.constant 33 : i32
    %swap3A_2122 = arith.index_cast %swap3A_2120 : i32 to index
    %swap3A_2123 = arith.index_cast %swap3A_2121 : i32 to index
    %swap3A_2124 = arith.constant 16 : index
    %swap3A_2125 = tpu.vector_load %arg6[%swap3A_2122, %swap3A_2123, %swap3A_2124] {strides = array<i32>} : memref<5x40x128xf32, #tpu.memory_space<vmem>>, vector<1x1x16xf32>,
    %swap3A_2126 = vector.shape_cast %swap3A_2125 : vector<1x1x16xf32> to vector<16xf32>
    %swap3A_2127 = vector.shape_cast %broadcast_in_dim3A_0 : vector<16xf32> to vector<1x1x16xf32>
    tpu.vector_store %arg6[%swap3A_2122, %swap3A_2123, %swap3A_2124], %swap3A_2127 {strides = array<i32>} : memref<5x40x128xf32, #tpu.memory_space<vmem>>, vector<1x1x16xf32>,
    %swap3A_2128 = arith.constant 0 : i32
    %swap3A_2129 = arith.constant 33 : i32
    %swap3A_2130 = arith.index_cast %swap3A_2128 : i32 to index
    %swap3A_2131 = arith.index_cast %swap3A_2129 : i32 to index
    %swap3A_2132 = arith.constant 32 : index
    %swap3A_2133 = tpu.vector_load %arg6[%swap3A_2130, %swap3A_2131, %swap3A_2132] {strides = array<i32>} : memref<5x40x128xf32, #tpu.memory_space<vmem>>, vector<1x1x16xf32>,
    %swap3A_2134 = vector.shape_cast %swap3A_2133 : vector<1x1x16xf32> to vector<16xf32>
    %swap3A_2135 = vector.shape_cast %broadcast_in_dim3A_0 : vector<16xf32> to vector<1x1x16xf32>
    tpu.vector_store %arg6[%swap3A_2130, %swap3A_2131, %swap3A_2132], %swap3A_2135 {strides = array<i32>} : memref<5x40x128xf32, #tpu.memory_space<vmem>>, vector<1x1x16xf32>,
    %swap3A_2136 = arith.constant 0 : i32
    %swap3A_2137 = arith.constant 33 : i32
    %swap3A_2138 = arith.index_cast %swap3A_2136 : i32 to index
    %swap3A_2139 = arith.index_cast %swap3A_2137 : i32 to index
    %swap3A_2140 = arith.constant 48 : index
    %swap3A_2141 = tpu.vector_load %arg6[%swap3A_2138, %swap3A_2139, %swap3A_2140] {strides = array<i32>} : memref<5x40x128xf32, #tpu.memory_space<vmem>>, vector<1x1x16xf32>,
    %swap3A_2142 = vector.shape_cast %swap3A_2141 : vector<1x1x16xf32> to vector<16xf32>
    %swap3A_2143 = vector.shape_cast %broadcast_in_dim3A_0 : vector<16xf32> to vector<1x1x16xf32>
    tpu.vector_store %arg6[%swap3A_2138, %swap3A_2139, %swap3A_2140], %swap3A_2143 {strides = array<i32>} : memref<5x40x128xf32, #tpu.memory_space<vmem>>, vector<1x1x16xf32>,
    %swap3A_2144 = arith.constant 0 : i32
    %swap3A_2145 = arith.constant 33 : i32
    %swap3A_2146 = arith.index_cast %swap3A_2144 : i32 to index
    %swap3A_2147 = arith.index_cast %swap3A_2145 : i32 to index
    %swap3A_2148 = arith.constant 64 : index
    %swap3A_2149 = tpu.vector_load %arg6[%swap3A_2146, %swap3A_2147, %swap3A_2148] {strides = array<i32>} : memref<5x40x128xf32, #tpu.memory_space<vmem>>, vector<1x1x16xf32>,
    %swap3A_2150 = vector.shape_cast %swap3A_2149 : vector<1x1x16xf32> to vector<16xf32>
    %swap3A_2151 = vector.shape_cast %broadcast_in_dim3A_0 : vector<16xf32> to vector<1x1x16xf32>
    tpu.vector_store %arg6[%swap3A_2146, %swap3A_2147, %swap3A_2148], %swap3A_2151 {strides = array<i32>} : memref<5x40x128xf32, #tpu.memory_space<vmem>>, vector<1x1x16xf32>,
    %swap3A_2152 = arith.constant 0 : i32
    %swap3A_2153 = arith.constant 33 : i32
    %swap3A_2154 = arith.index_cast %swap3A_2152 : i32 to index
    %swap3A_2155 = arith.index_cast %swap3A_2153 : i32 to index
    %swap3A_2156 = arith.constant 80 : index
    %swap3A_2157 = tpu.vector_load %arg6[%swap3A_2154, %swap3A_2155, %swap3A_2156] {strides = array<i32>} : memref<5x40x128xf32, #tpu.memory_space<vmem>>, vector<1x1x16xf32>,
    %swap3A_2158 = vector.shape_cast %swap3A_2157 : vector<1x1x16xf32> to vector<16xf32>
    %swap3A_2159 = vector.shape_cast %broadcast_in_dim3A_0 : vector<16xf32> to vector<1x1x16xf32>
    tpu.vector_store %arg6[%swap3A_2154, %swap3A_2155, %swap3A_2156], %swap3A_2159 {strides = array<i32>} : memref<5x40x128xf32, #tpu.memory_space<vmem>>, vector<1x1x16xf32>,
    %swap3A_2160 = arith.constant 0 : i32
    %swap3A_2161 = arith.constant 33 : i32
    %swap3A_2162 = arith.index_cast %swap3A_2160 : i32 to index
    %swap3A_2163 = arith.index_cast %swap3A_2161 : i32 to index
    %swap3A_2164 = arith.constant 96 : index
    %swap3A_2165 = tpu.vector_load %arg6[%swap3A_2162, %swap3A_2163, %swap3A_2164] {strides = array<i32>} : memref<5x40x128xf32, #tpu.memory_space<vmem>>, vector<1x1x16xf32>,
    %swap3A_2166 = vector.shape_cast %swap3A_2165 : vector<1x1x16xf32> to vector<16xf32>
    %swap3A_2167 = vector.shape_cast %broadcast_in_dim3A_0 : vector<16xf32> to vector<1x1x16xf32>
    tpu.vector_store %arg6[%swap3A_2162, %swap3A_2163, %swap3A_2164], %swap3A_2167 {strides = array<i32>} : memref<5x40x128xf32, #tpu.memory_space<vmem>>, vector<1x1x16xf32>,
    %swap3A_2168 = arith.constant 0 : i32
    %swap3A_2169 = arith.constant 33 : i32
    %swap3A_2170 = arith.index_cast %swap3A_2168 : i32 to index
    %swap3A_2171 = arith.index_cast %swap3A_2169 : i32 to index
    %swap3A_2172 = arith.constant 112 : index
    %swap3A_2173 = tpu.vector_load %arg6[%swap3A_2170, %swap3A_2171, %swap3A_2172] {strides = array<i32>} : memref<5x40x128xf32, #tpu.memory_space<vmem>>, vector<1x1x16xf32>,
    %swap3A_2174 = vector.shape_cast %swap3A_2173 : vector<1x1x16xf32> to vector<16xf32>
    %swap3A_2175 = vector.shape_cast %broadcast_in_dim3A_0 : vector<16xf32> to vector<1x1x16xf32>
    tpu.vector_store %arg6[%swap3A_2170, %swap3A_2171, %swap3A_2172], %swap3A_2175 {strides = array<i32>} : memref<5x40x128xf32, #tpu.memory_space<vmem>>, vector<1x1x16xf32>,
    %swap3A_2176 = arith.constant 0 : i32
    %swap3A_2177 = arith.constant 34 : i32
    %swap3A_2178 = arith.index_cast %swap3A_2176 : i32 to index
    %swap3A_2179 = arith.index_cast %swap3A_2177 : i32 to index
    %swap3A_2180 = arith.constant 0 : index
    %swap3A_2181 = tpu.vector_load %arg6[%swap3A_2178, %swap3A_2179, %swap3A_2180] {strides = array<i32>} : memref<5x40x128xf32, #tpu.memory_space<vmem>>, vector<1x1x16xf32>,
    %swap3A_2182 = vector.shape_cast %swap3A_2181 : vector<1x1x16xf32> to vector<16xf32>
    %swap3A_2183 = vector.shape_cast %broadcast_in_dim3A_0 : vector<16xf32> to vector<1x1x16xf32>
    tpu.vector_store %arg6[%swap3A_2178, %swap3A_2179, %swap3A_2180], %swap3A_2183 {strides = array<i32>} : memref<5x40x128xf32, #tpu.memory_space<vmem>>, vector<1x1x16xf32>,
    %swap3A_2184 = arith.constant 0 : i32
    %swap3A_2185 = arith.constant 34 : i32
    %swap3A_2186 = arith.index_cast %swap3A_2184 : i32 to index
    %swap3A_2187 = arith.index_cast %swap3A_2185 : i32 to index
    %swap3A_2188 = arith.constant 16 : index
    %swap3A_2189 = tpu.vector_load %arg6[%swap3A_2186, %swap3A_2187, %swap3A_2188] {strides = array<i32>} : memref<5x40x128xf32, #tpu.memory_space<vmem>>, vector<1x1x16xf32>,
    %swap3A_2190 = vector.shape_cast %swap3A_2189 : vector<1x1x16xf32> to vector<16xf32>
    %swap3A_2191 = vector.shape_cast %broadcast_in_dim3A_0 : vector<16xf32> to vector<1x1x16xf32>
    tpu.vector_store %arg6[%swap3A_2186, %swap3A_2187, %swap3A_2188], %swap3A_2191 {strides = array<i32>} : memref<5x40x128xf32, #tpu.memory_space<vmem>>, vector<1x1x16xf32>,
    %swap3A_2192 = arith.constant 0 : i32
    %swap3A_2193 = arith.constant 34 : i32
    %swap3A_2194 = arith.index_cast %swap3A_2192 : i32 to index
    %swap3A_2195 = arith.index_cast %swap3A_2193 : i32 to index
    %swap3A_2196 = arith.constant 32 : index
    %swap3A_2197 = tpu.vector_load %arg6[%swap3A_2194, %swap3A_2195, %swap3A_2196] {strides = array<i32>} : memref<5x40x128xf32, #tpu.memory_space<vmem>>, vector<1x1x16xf32>,
    %swap3A_2198 = vector.shape_cast %swap3A_2197 : vector<1x1x16xf32> to vector<16xf32>
    %swap3A_2199 = vector.shape_cast %broadcast_in_dim3A_0 : vector<16xf32> to vector<1x1x16xf32>
    tpu.vector_store %arg6[%swap3A_2194, %swap3A_2195, %swap3A_2196], %swap3A_2199 {strides = array<i32>} : memref<5x40x128xf32, #tpu.memory_space<vmem>>, vector<1x1x16xf32>,
    %swap3A_2200 = arith.constant 0 : i32
    %swap3A_2201 = arith.constant 34 : i32
    %swap3A_2202 = arith.index_cast %swap3A_2200 : i32 to index
    %swap3A_2203 = arith.index_cast %swap3A_2201 : i32 to index
    %swap3A_2204 = arith.constant 48 : index
    %swap3A_2205 = tpu.vector_load %arg6[%swap3A_2202, %swap3A_2203, %swap3A_2204] {strides = array<i32>} : memref<5x40x128xf32, #tpu.memory_space<vmem>>, vector<1x1x16xf32>,
    %swap3A_2206 = vector.shape_cast %swap3A_2205 : vector<1x1x16xf32> to vector<16xf32>
    %swap3A_2207 = vector.shape_cast %broadcast_in_dim3A_0 : vector<16xf32> to vector<1x1x16xf32>
    tpu.vector_store %arg6[%swap3A_2202, %swap3A_2203, %swap3A_2204], %swap3A_2207 {strides = array<i32>} : memref<5x40x128xf32, #tpu.memory_space<vmem>>, vector<1x1x16xf32>,
    %swap3A_2208 = arith.constant 0 : i32
    %swap3A_2209 = arith.constant 34 : i32
    %swap3A_2210 = arith.index_cast %swap3A_2208 : i32 to index
    %swap3A_2211 = arith.index_cast %swap3A_2209 : i32 to index
    %swap3A_2212 = arith.constant 64 : index
    %swap3A_2213 = tpu.vector_load %arg6[%swap3A_2210, %swap3A_2211, %swap3A_2212] {strides = array<i32>} : memref<5x40x128xf32, #tpu.memory_space<vmem>>, vector<1x1x16xf32>,
    %swap3A_2214 = vector.shape_cast %swap3A_2213 : vector<1x1x16xf32> to vector<16xf32>
    %swap3A_2215 = vector.shape_cast %broadcast_in_dim3A_0 : vector<16xf32> to vector<1x1x16xf32>
    tpu.vector_store %arg6[%swap3A_2210, %swap3A_2211, %swap3A_2212], %swap3A_2215 {strides = array<i32>} : memref<5x40x128xf32, #tpu.memory_space<vmem>>, vector<1x1x16xf32>,
    %swap3A_2216 = arith.constant 0 : i32
    %swap3A_2217 = arith.constant 34 : i32
    %swap3A_2218 = arith.index_cast %swap3A_2216 : i32 to index
    %swap3A_2219 = arith.index_cast %swap3A_2217 : i32 to index
    %swap3A_2220 = arith.constant 80 : index
    %swap3A_2221 = tpu.vector_load %arg6[%swap3A_2218, %swap3A_2219, %swap3A_2220] {strides = array<i32>} : memref<5x40x128xf32, #tpu.memory_space<vmem>>, vector<1x1x16xf32>,
    %swap3A_2222 = vector.shape_cast %swap3A_2221 : vector<1x1x16xf32> to vector<16xf32>
    %swap3A_2223 = vector.shape_cast %broadcast_in_dim3A_0 : vector<16xf32> to vector<1x1x16xf32>
    tpu.vector_store %arg6[%swap3A_2218, %swap3A_2219, %swap3A_2220], %swap3A_2223 {strides = array<i32>} : memref<5x40x128xf32, #tpu.memory_space<vmem>>, vector<1x1x16xf32>,
    %swap3A_2224 = arith.constant 0 : i32
    %swap3A_2225 = arith.constant 34 : i32
    %swap3A_2226 = arith.index_cast %swap3A_2224 : i32 to index
    %swap3A_2227 = arith.index_cast %swap3A_2225 : i32 to index
    %swap3A_2228 = arith.constant 96 : index
    %swap3A_2229 = tpu.vector_load %arg6[%swap3A_2226, %swap3A_2227, %swap3A_2228] {strides = array<i32>} : memref<5x40x128xf32, #tpu.memory_space<vmem>>, vector<1x1x16xf32>,
    %swap3A_2230 = vector.shape_cast %swap3A_2229 : vector<1x1x16xf32> to vector<16xf32>
    %swap3A_2231 = vector.shape_cast %broadcast_in_dim3A_0 : vector<16xf32> to vector<1x1x16xf32>
    tpu.vector_store %arg6[%swap3A_2226, %swap3A_2227, %swap3A_2228], %swap3A_2231 {strides = array<i32>} : memref<5x40x128xf32, #tpu.memory_space<vmem>>, vector<1x1x16xf32>,
    %swap3A_2232 = arith.constant 0 : i32
    %swap3A_2233 = arith.constant 34 : i32
    %swap3A_2234 = arith.index_cast %swap3A_2232 : i32 to index
    %swap3A_2235 = arith.index_cast %swap3A_2233 : i32 to index
    %swap3A_2236 = arith.constant 112 : index
    %swap3A_2237 = tpu.vector_load %arg6[%swap3A_2234, %swap3A_2235, %swap3A_2236] {strides = array<i32>} : memref<5x40x128xf32, #tpu.memory_space<vmem>>, vector<1x1x16xf32>,
    %swap3A_2238 = vector.shape_cast %swap3A_2237 : vector<1x1x16xf32> to vector<16xf32>
    %swap3A_2239 = vector.shape_cast %broadcast_in_dim3A_0 : vector<16xf32> to vector<1x1x16xf32>
    tpu.vector_store %arg6[%swap3A_2234, %swap3A_2235, %swap3A_2236], %swap3A_2239 {strides = array<i32>} : memref<5x40x128xf32, #tpu.memory_space<vmem>>, vector<1x1x16xf32>,
    %swap3A_2240 = arith.constant 0 : i32
    %swap3A_2241 = arith.constant 35 : i32
    %swap3A_2242 = arith.index_cast %swap3A_2240 : i32 to index
    %swap3A_2243 = arith.index_cast %swap3A_2241 : i32 to index
    %swap3A_2244 = arith.constant 0 : index
    %swap3A_2245 = tpu.vector_load %arg6[%swap3A_2242, %swap3A_2243, %swap3A_2244] {strides = array<i32>} : memref<5x40x128xf32, #tpu.memory_space<vmem>>, vector<1x1x16xf32>,
    %swap3A_2246 = vector.shape_cast %swap3A_2245 : vector<1x1x16xf32> to vector<16xf32>
    %swap3A_2247 = vector.shape_cast %broadcast_in_dim3A_0 : vector<16xf32> to vector<1x1x16xf32>
    tpu.vector_store %arg6[%swap3A_2242, %swap3A_2243, %swap3A_2244], %swap3A_2247 {strides = array<i32>} : memref<5x40x128xf32, #tpu.memory_space<vmem>>, vector<1x1x16xf32>,
    %swap3A_2248 = arith.constant 0 : i32
    %swap3A_2249 = arith.constant 35 : i32
    %swap3A_2250 = arith.index_cast %swap3A_2248 : i32 to index
    %swap3A_2251 = arith.index_cast %swap3A_2249 : i32 to index
    %swap3A_2252 = arith.constant 16 : index
    %swap3A_2253 = tpu.vector_load %arg6[%swap3A_2250, %swap3A_2251, %swap3A_2252] {strides = array<i32>} : memref<5x40x128xf32, #tpu.memory_space<vmem>>, vector<1x1x16xf32>,
    %swap3A_2254 = vector.shape_cast %swap3A_2253 : vector<1x1x16xf32> to vector<16xf32>
    %swap3A_2255 = vector.shape_cast %broadcast_in_dim3A_0 : vector<16xf32> to vector<1x1x16xf32>
    tpu.vector_store %arg6[%swap3A_2250, %swap3A_2251, %swap3A_2252], %swap3A_2255 {strides = array<i32>} : memref<5x40x128xf32, #tpu.memory_space<vmem>>, vector<1x1x16xf32>,
    %swap3A_2256 = arith.constant 0 : i32
    %swap3A_2257 = arith.constant 35 : i32
    %swap3A_2258 = arith.index_cast %swap3A_2256 : i32 to index
    %swap3A_2259 = arith.index_cast %swap3A_2257 : i32 to index
    %swap3A_2260 = arith.constant 32 : index
    %swap3A_2261 = tpu.vector_load %arg6[%swap3A_2258, %swap3A_2259, %swap3A_2260] {strides = array<i32>} : memref<5x40x128xf32, #tpu.memory_space<vmem>>, vector<1x1x16xf32>,
    %swap3A_2262 = vector.shape_cast %swap3A_2261 : vector<1x1x16xf32> to vector<16xf32>
    %swap3A_2263 = vector.shape_cast %broadcast_in_dim3A_0 : vector<16xf32> to vector<1x1x16xf32>
    tpu.vector_store %arg6[%swap3A_2258, %swap3A_2259, %swap3A_2260], %swap3A_2263 {strides = array<i32>} : memref<5x40x128xf32, #tpu.memory_space<vmem>>, vector<1x1x16xf32>,
    %swap3A_2264 = arith.constant 0 : i32
    %swap3A_2265 = arith.constant 35 : i32
    %swap3A_2266 = arith.index_cast %swap3A_2264 : i32 to index
    %swap3A_2267 = arith.index_cast %swap3A_2265 : i32 to index
    %swap3A_2268 = arith.constant 48 : index
    %swap3A_2269 = tpu.vector_load %arg6[%swap3A_2266, %swap3A_2267, %swap3A_2268] {strides = array<i32>} : memref<5x40x128xf32, #tpu.memory_space<vmem>>, vector<1x1x16xf32>,
    %swap3A_2270 = vector.shape_cast %swap3A_2269 : vector<1x1x16xf32> to vector<16xf32>
    %swap3A_2271 = vector.shape_cast %broadcast_in_dim3A_0 : vector<16xf32> to vector<1x1x16xf32>
    tpu.vector_store %arg6[%swap3A_2266, %swap3A_2267, %swap3A_2268], %swap3A_2271 {strides = array<i32>} : memref<5x40x128xf32, #tpu.memory_space<vmem>>, vector<1x1x16xf32>,
    %swap3A_2272 = arith.constant 0 : i32
    %swap3A_2273 = arith.constant 35 : i32
    %swap3A_2274 = arith.index_cast %swap3A_2272 : i32 to index
    %swap3A_2275 = arith.index_cast %swap3A_2273 : i32 to index
    %swap3A_2276 = arith.constant 64 : index
    %swap3A_2277 = tpu.vector_load %arg6[%swap3A_2274, %swap3A_2275, %swap3A_2276] {strides = array<i32>} : memref<5x40x128xf32, #tpu.memory_space<vmem>>, vector<1x1x16xf32>,
    %swap3A_2278 = vector.shape_cast %swap3A_2277 : vector<1x1x16xf32> to vector<16xf32>
    %swap3A_2279 = vector.shape_cast %broadcast_in_dim3A_0 : vector<16xf32> to vector<1x1x16xf32>
    tpu.vector_store %arg6[%swap3A_2274, %swap3A_2275, %swap3A_2276], %swap3A_2279 {strides = array<i32>} : memref<5x40x128xf32, #tpu.memory_space<vmem>>, vector<1x1x16xf32>,
    %swap3A_2280 = arith.constant 0 : i32
    %swap3A_2281 = arith.constant 35 : i32
    %swap3A_2282 = arith.index_cast %swap3A_2280 : i32 to index
    %swap3A_2283 = arith.index_cast %swap3A_2281 : i32 to index
    %swap3A_2284 = arith.constant 80 : index
    %swap3A_2285 = tpu.vector_load %arg6[%swap3A_2282, %swap3A_2283, %swap3A_2284] {strides = array<i32>} : memref<5x40x128xf32, #tpu.memory_space<vmem>>, vector<1x1x16xf32>,
    %swap3A_2286 = vector.shape_cast %swap3A_2285 : vector<1x1x16xf32> to vector<16xf32>
    %swap3A_2287 = vector.shape_cast %broadcast_in_dim3A_0 : vector<16xf32> to vector<1x1x16xf32>
    tpu.vector_store %arg6[%swap3A_2282, %swap3A_2283, %swap3A_2284], %swap3A_2287 {strides = array<i32>} : memref<5x40x128xf32, #tpu.memory_space<vmem>>, vector<1x1x16xf32>,
    %swap3A_2288 = arith.constant 0 : i32
    %swap3A_2289 = arith.constant 35 : i32
    %swap3A_2290 = arith.index_cast %swap3A_2288 : i32 to index
    %swap3A_2291 = arith.index_cast %swap3A_2289 : i32 to index
    %swap3A_2292 = arith.constant 96 : index
    %swap3A_2293 = tpu.vector_load %arg6[%swap3A_2290, %swap3A_2291, %swap3A_2292] {strides = array<i32>} : memref<5x40x128xf32, #tpu.memory_space<vmem>>, vector<1x1x16xf32>,
    %swap3A_2294 = vector.shape_cast %swap3A_2293 : vector<1x1x16xf32> to vector<16xf32>
    %swap3A_2295 = vector.shape_cast %broadcast_in_dim3A_0 : vector<16xf32> to vector<1x1x16xf32>
    tpu.vector_store %arg6[%swap3A_2290, %swap3A_2291, %swap3A_2292], %swap3A_2295 {strides = array<i32>} : memref<5x40x128xf32, #tpu.memory_space<vmem>>, vector<1x1x16xf32>,
    %swap3A_2296 = arith.constant 0 : i32
    %swap3A_2297 = arith.constant 35 : i32
    %swap3A_2298 = arith.index_cast %swap3A_2296 : i32 to index
    %swap3A_2299 = arith.index_cast %swap3A_2297 : i32 to index
    %swap3A_2300 = arith.constant 112 : index
    %swap3A_2301 = tpu.vector_load %arg6[%swap3A_2298, %swap3A_2299, %swap3A_2300] {strides = array<i32>} : memref<5x40x128xf32, #tpu.memory_space<vmem>>, vector<1x1x16xf32>,
    %swap3A_2302 = vector.shape_cast %swap3A_2301 : vector<1x1x16xf32> to vector<16xf32>
    %swap3A_2303 = vector.shape_cast %broadcast_in_dim3A_0 : vector<16xf32> to vector<1x1x16xf32>
    tpu.vector_store %arg6[%swap3A_2298, %swap3A_2299, %swap3A_2300], %swap3A_2303 {strides = array<i32>} : memref<5x40x128xf32, #tpu.memory_space<vmem>>, vector<1x1x16xf32>,
    %swap3A_2304 = arith.constant 0 : i32
    %swap3A_2305 = arith.constant 36 : i32
    %swap3A_2306 = arith.index_cast %swap3A_2304 : i32 to index
    %swap3A_2307 = arith.index_cast %swap3A_2305 : i32 to index
    %swap3A_2308 = arith.constant 0 : index
    %swap3A_2309 = tpu.vector_load %arg6[%swap3A_2306, %swap3A_2307, %swap3A_2308] {strides = array<i32>} : memref<5x40x128xf32, #tpu.memory_space<vmem>>, vector<1x1x16xf32>,
    %swap3A_2310 = vector.shape_cast %swap3A_2309 : vector<1x1x16xf32> to vector<16xf32>
    %swap3A_2311 = vector.shape_cast %broadcast_in_dim3A_0 : vector<16xf32> to vector<1x1x16xf32>
    tpu.vector_store %arg6[%swap3A_2306, %swap3A_2307, %swap3A_2308], %swap3A_2311 {strides = array<i32>} : memref<5x40x128xf32, #tpu.memory_space<vmem>>, vector<1x1x16xf32>,
    %swap3A_2312 = arith.constant 0 : i32
    %swap3A_2313 = arith.constant 36 : i32
    %swap3A_2314 = arith.index_cast %swap3A_2312 : i32 to index
    %swap3A_2315 = arith.index_cast %swap3A_2313 : i32 to index
    %swap3A_2316 = arith.constant 16 : index
    %swap3A_2317 = tpu.vector_load %arg6[%swap3A_2314, %swap3A_2315, %swap3A_2316] {strides = array<i32>} : memref<5x40x128xf32, #tpu.memory_space<vmem>>, vector<1x1x16xf32>,
    %swap3A_2318 = vector.shape_cast %swap3A_2317 : vector<1x1x16xf32> to vector<16xf32>
    %swap3A_2319 = vector.shape_cast %broadcast_in_dim3A_0 : vector<16xf32> to vector<1x1x16xf32>
    tpu.vector_store %arg6[%swap3A_2314, %swap3A_2315, %swap3A_2316], %swap3A_2319 {strides = array<i32>} : memref<5x40x128xf32, #tpu.memory_space<vmem>>, vector<1x1x16xf32>,
    %swap3A_2320 = arith.constant 0 : i32
    %swap3A_2321 = arith.constant 36 : i32
    %swap3A_2322 = arith.index_cast %swap3A_2320 : i32 to index
    %swap3A_2323 = arith.index_cast %swap3A_2321 : i32 to index
    %swap3A_2324 = arith.constant 32 : index
    %swap3A_2325 = tpu.vector_load %arg6[%swap3A_2322, %swap3A_2323, %swap3A_2324] {strides = array<i32>} : memref<5x40x128xf32, #tpu.memory_space<vmem>>, vector<1x1x16xf32>,
    %swap3A_2326 = vector.shape_cast %swap3A_2325 : vector<1x1x16xf32> to vector<16xf32>
    %swap3A_2327 = vector.shape_cast %broadcast_in_dim3A_0 : vector<16xf32> to vector<1x1x16xf32>
    tpu.vector_store %arg6[%swap3A_2322, %swap3A_2323, %swap3A_2324], %swap3A_2327 {strides = array<i32>} : memref<5x40x128xf32, #tpu.memory_space<vmem>>, vector<1x1x16xf32>,
    %swap3A_2328 = arith.constant 0 : i32
    %swap3A_2329 = arith.constant 36 : i32
    %swap3A_2330 = arith.index_cast %swap3A_2328 : i32 to index
    %swap3A_2331 = arith.index_cast %swap3A_2329 : i32 to index
    %swap3A_2332 = arith.constant 48 : index
    %swap3A_2333 = tpu.vector_load %arg6[%swap3A_2330, %swap3A_2331, %swap3A_2332] {strides = array<i32>} : memref<5x40x128xf32, #tpu.memory_space<vmem>>, vector<1x1x16xf32>,
    %swap3A_2334 = vector.shape_cast %swap3A_2333 : vector<1x1x16xf32> to vector<16xf32>
    %swap3A_2335 = vector.shape_cast %broadcast_in_dim3A_0 : vector<16xf32> to vector<1x1x16xf32>
    tpu.vector_store %arg6[%swap3A_2330, %swap3A_2331, %swap3A_2332], %swap3A_2335 {strides = array<i32>} : memref<5x40x128xf32, #tpu.memory_space<vmem>>, vector<1x1x16xf32>,
    %swap3A_2336 = arith.constant 0 : i32
    %swap3A_2337 = arith.constant 36 : i32
    %swap3A_2338 = arith.index_cast %swap3A_2336 : i32 to index
    %swap3A_2339 = arith.index_cast %swap3A_2337 : i32 to index
    %swap3A_2340 = arith.constant 64 : index
    %swap3A_2341 = tpu.vector_load %arg6[%swap3A_2338, %swap3A_2339, %swap3A_2340] {strides = array<i32>} : memref<5x40x128xf32, #tpu.memory_space<vmem>>, vector<1x1x16xf32>,
    %swap3A_2342 = vector.shape_cast %swap3A_2341 : vector<1x1x16xf32> to vector<16xf32>
    %swap3A_2343 = vector.shape_cast %broadcast_in_dim3A_0 : vector<16xf32> to vector<1x1x16xf32>
    tpu.vector_store %arg6[%swap3A_2338, %swap3A_2339, %swap3A_2340], %swap3A_2343 {strides = array<i32>} : memref<5x40x128xf32, #tpu.memory_space<vmem>>, vector<1x1x16xf32>,
    %swap3A_2344 = arith.constant 0 : i32
    %swap3A_2345 = arith.constant 36 : i32
    %swap3A_2346 = arith.index_cast %swap3A_2344 : i32 to index
    %swap3A_2347 = arith.index_cast %swap3A_2345 : i32 to index
    %swap3A_2348 = arith.constant 80 : index
    %swap3A_2349 = tpu.vector_load %arg6[%swap3A_2346, %swap3A_2347, %swap3A_2348] {strides = array<i32>} : memref<5x40x128xf32, #tpu.memory_space<vmem>>, vector<1x1x16xf32>,
    %swap3A_2350 = vector.shape_cast %swap3A_2349 : vector<1x1x16xf32> to vector<16xf32>
    %swap3A_2351 = vector.shape_cast %broadcast_in_dim3A_0 : vector<16xf32> to vector<1x1x16xf32>
    tpu.vector_store %arg6[%swap3A_2346, %swap3A_2347, %swap3A_2348], %swap3A_2351 {strides = array<i32>} : memref<5x40x128xf32, #tpu.memory_space<vmem>>, vector<1x1x16xf32>,
    %swap3A_2352 = arith.constant 0 : i32
    %swap3A_2353 = arith.constant 36 : i32
    %swap3A_2354 = arith.index_cast %swap3A_2352 : i32 to index
    %swap3A_2355 = arith.index_cast %swap3A_2353 : i32 to index
    %swap3A_2356 = arith.constant 96 : index
    %swap3A_2357 = tpu.vector_load %arg6[%swap3A_2354, %swap3A_2355, %swap3A_2356] {strides = array<i32>} : memref<5x40x128xf32, #tpu.memory_space<vmem>>, vector<1x1x16xf32>,
    %swap3A_2358 = vector.shape_cast %swap3A_2357 : vector<1x1x16xf32> to vector<16xf32>
    %swap3A_2359 = vector.shape_cast %broadcast_in_dim3A_0 : vector<16xf32> to vector<1x1x16xf32>
    tpu.vector_store %arg6[%swap3A_2354, %swap3A_2355, %swap3A_2356], %swap3A_2359 {strides = array<i32>} : memref<5x40x128xf32, #tpu.memory_space<vmem>>, vector<1x1x16xf32>,
    %swap3A_2360 = arith.constant 0 : i32
    %swap3A_2361 = arith.constant 36 : i32
    %swap3A_2362 = arith.index_cast %swap3A_2360 : i32 to index
    %swap3A_2363 = arith.index_cast %swap3A_2361 : i32 to index
    %swap3A_2364 = arith.constant 112 : index
    %swap3A_2365 = tpu.vector_load %arg6[%swap3A_2362, %swap3A_2363, %swap3A_2364] {strides = array<i32>} : memref<5x40x128xf32, #tpu.memory_space<vmem>>, vector<1x1x16xf32>,
    %swap3A_2366 = vector.shape_cast %swap3A_2365 : vector<1x1x16xf32> to vector<16xf32>
    %swap3A_2367 = vector.shape_cast %broadcast_in_dim3A_0 : vector<16xf32> to vector<1x1x16xf32>
    tpu.vector_store %arg6[%swap3A_2362, %swap3A_2363, %swap3A_2364], %swap3A_2367 {strides = array<i32>} : memref<5x40x128xf32, #tpu.memory_space<vmem>>, vector<1x1x16xf32>,
    %swap3A_2368 = arith.constant 0 : i32
    %swap3A_2369 = arith.constant 37 : i32
    %swap3A_2370 = arith.index_cast %swap3A_2368 : i32 to index
    %swap3A_2371 = arith.index_cast %swap3A_2369 : i32 to index
    %swap3A_2372 = arith.constant 0 : index
    %swap3A_2373 = tpu.vector_load %arg6[%swap3A_2370, %swap3A_2371, %swap3A_2372] {strides = array<i32>} : memref<5x40x128xf32, #tpu.memory_space<vmem>>, vector<1x1x16xf32>,
    %swap3A_2374 = vector.shape_cast %swap3A_2373 : vector<1x1x16xf32> to vector<16xf32>
    %swap3A_2375 = vector.shape_cast %broadcast_in_dim3A_0 : vector<16xf32> to vector<1x1x16xf32>
    tpu.vector_store %arg6[%swap3A_2370, %swap3A_2371, %swap3A_2372], %swap3A_2375 {strides = array<i32>} : memref<5x40x128xf32, #tpu.memory_space<vmem>>, vector<1x1x16xf32>,
    %swap3A_2376 = arith.constant 0 : i32
    %swap3A_2377 = arith.constant 37 : i32
    %swap3A_2378 = arith.index_cast %swap3A_2376 : i32 to index
    %swap3A_2379 = arith.index_cast %swap3A_2377 : i32 to index
    %swap3A_2380 = arith.constant 16 : index
    %swap3A_2381 = tpu.vector_load %arg6[%swap3A_2378, %swap3A_2379, %swap3A_2380] {strides = array<i32>} : memref<5x40x128xf32, #tpu.memory_space<vmem>>, vector<1x1x16xf32>,
    %swap3A_2382 = vector.shape_cast %swap3A_2381 : vector<1x1x16xf32> to vector<16xf32>
    %swap3A_2383 = vector.shape_cast %broadcast_in_dim3A_0 : vector<16xf32> to vector<1x1x16xf32>
    tpu.vector_store %arg6[%swap3A_2378, %swap3A_2379, %swap3A_2380], %swap3A_2383 {strides = array<i32>} : memref<5x40x128xf32, #tpu.memory_space<vmem>>, vector<1x1x16xf32>,
    %swap3A_2384 = arith.constant 0 : i32
    %swap3A_2385 = arith.constant 37 : i32
    %swap3A_2386 = arith.index_cast %swap3A_2384 : i32 to index
    %swap3A_2387 = arith.index_cast %swap3A_2385 : i32 to index
    %swap3A_2388 = arith.constant 32 : index
    %swap3A_2389 = tpu.vector_load %arg6[%swap3A_2386, %swap3A_2387, %swap3A_2388] {strides = array<i32>} : memref<5x40x128xf32, #tpu.memory_space<vmem>>, vector<1x1x16xf32>,
    %swap3A_2390 = vector.shape_cast %swap3A_2389 : vector<1x1x16xf32> to vector<16xf32>
    %swap3A_2391 = vector.shape_cast %broadcast_in_dim3A_0 : vector<16xf32> to vector<1x1x16xf32>
    tpu.vector_store %arg6[%swap3A_2386, %swap3A_2387, %swap3A_2388], %swap3A_2391 {strides = array<i32>} : memref<5x40x128xf32, #tpu.memory_space<vmem>>, vector<1x1x16xf32>,
    %swap3A_2392 = arith.constant 0 : i32
    %swap3A_2393 = arith.constant 37 : i32
    %swap3A_2394 = arith.index_cast %swap3A_2392 : i32 to index
    %swap3A_2395 = arith.index_cast %swap3A_2393 : i32 to index
    %swap3A_2396 = arith.constant 48 : index
    %swap3A_2397 = tpu.vector_load %arg6[%swap3A_2394, %swap3A_2395, %swap3A_2396] {strides = array<i32>} : memref<5x40x128xf32, #tpu.memory_space<vmem>>, vector<1x1x16xf32>,
    %swap3A_2398 = vector.shape_cast %swap3A_2397 : vector<1x1x16xf32> to vector<16xf32>
    %swap3A_2399 = vector.shape_cast %broadcast_in_dim3A_0 : vector<16xf32> to vector<1x1x16xf32>
    tpu.vector_store %arg6[%swap3A_2394, %swap3A_2395, %swap3A_2396], %swap3A_2399 {strides = array<i32>} : memref<5x40x128xf32, #tpu.memory_space<vmem>>, vector<1x1x16xf32>,
    %swap3A_2400 = arith.constant 0 : i32
    %swap3A_2401 = arith.constant 37 : i32
    %swap3A_2402 = arith.index_cast %swap3A_2400 : i32 to index
    %swap3A_2403 = arith.index_cast %swap3A_2401 : i32 to index
    %swap3A_2404 = arith.constant 64 : index
    %swap3A_2405 = tpu.vector_load %arg6[%swap3A_2402, %swap3A_2403, %swap3A_2404] {strides = array<i32>} : memref<5x40x128xf32, #tpu.memory_space<vmem>>, vector<1x1x16xf32>,
    %swap3A_2406 = vector.shape_cast %swap3A_2405 : vector<1x1x16xf32> to vector<16xf32>
    %swap3A_2407 = vector.shape_cast %broadcast_in_dim3A_0 : vector<16xf32> to vector<1x1x16xf32>
    tpu.vector_store %arg6[%swap3A_2402, %swap3A_2403, %swap3A_2404], %swap3A_2407 {strides = array<i32>} : memref<5x40x128xf32, #tpu.memory_space<vmem>>, vector<1x1x16xf32>,
    %swap3A_2408 = arith.constant 0 : i32
    %swap3A_2409 = arith.constant 37 : i32
    %swap3A_2410 = arith.index_cast %swap3A_2408 : i32 to index
    %swap3A_2411 = arith.index_cast %swap3A_2409 : i32 to index
    %swap3A_2412 = arith.constant 80 : index
    %swap3A_2413 = tpu.vector_load %arg6[%swap3A_2410, %swap3A_2411, %swap3A_2412] {strides = array<i32>} : memref<5x40x128xf32, #tpu.memory_space<vmem>>, vector<1x1x16xf32>,
    %swap3A_2414 = vector.shape_cast %swap3A_2413 : vector<1x1x16xf32> to vector<16xf32>
    %swap3A_2415 = vector.shape_cast %broadcast_in_dim3A_0 : vector<16xf32> to vector<1x1x16xf32>
    tpu.vector_store %arg6[%swap3A_2410, %swap3A_2411, %swap3A_2412], %swap3A_2415 {strides = array<i32>} : memref<5x40x128xf32, #tpu.memory_space<vmem>>, vector<1x1x16xf32>,
    %swap3A_2416 = arith.constant 0 : i32
    %swap3A_2417 = arith.constant 37 : i32
    %swap3A_2418 = arith.index_cast %swap3A_2416 : i32 to index
    %swap3A_2419 = arith.index_cast %swap3A_2417 : i32 to index
    %swap3A_2420 = arith.constant 96 : index
    %swap3A_2421 = tpu.vector_load %arg6[%swap3A_2418, %swap3A_2419, %swap3A_2420] {strides = array<i32>} : memref<5x40x128xf32, #tpu.memory_space<vmem>>, vector<1x1x16xf32>,
    %swap3A_2422 = vector.shape_cast %swap3A_2421 : vector<1x1x16xf32> to vector<16xf32>
    %swap3A_2423 = vector.shape_cast %broadcast_in_dim3A_0 : vector<16xf32> to vector<1x1x16xf32>
    tpu.vector_store %arg6[%swap3A_2418, %swap3A_2419, %swap3A_2420], %swap3A_2423 {strides = array<i32>} : memref<5x40x128xf32, #tpu.memory_space<vmem>>, vector<1x1x16xf32>,
    %swap3A_2424 = arith.constant 0 : i32
    %swap3A_2425 = arith.constant 37 : i32
    %swap3A_2426 = arith.index_cast %swap3A_2424 : i32 to index
    %swap3A_2427 = arith.index_cast %swap3A_2425 : i32 to index
    %swap3A_2428 = arith.constant 112 : index
    %swap3A_2429 = tpu.vector_load %arg6[%swap3A_2426, %swap3A_2427, %swap3A_2428] {strides = array<i32>} : memref<5x40x128xf32, #tpu.memory_space<vmem>>, vector<1x1x16xf32>,
    %swap3A_2430 = vector.shape_cast %swap3A_2429 : vector<1x1x16xf32> to vector<16xf32>
    %swap3A_2431 = vector.shape_cast %broadcast_in_dim3A_0 : vector<16xf32> to vector<1x1x16xf32>
    tpu.vector_store %arg6[%swap3A_2426, %swap3A_2427, %swap3A_2428], %swap3A_2431 {strides = array<i32>} : memref<5x40x128xf32, #tpu.memory_space<vmem>>, vector<1x1x16xf32>,
    %swap3A_2432 = arith.constant 0 : i32
    %swap3A_2433 = arith.constant 38 : i32
    %swap3A_2434 = arith.index_cast %swap3A_2432 : i32 to index
    %swap3A_2435 = arith.index_cast %swap3A_2433 : i32 to index
    %swap3A_2436 = arith.constant 0 : index
    %swap3A_2437 = tpu.vector_load %arg6[%swap3A_2434, %swap3A_2435, %swap3A_2436] {strides = array<i32>} : memref<5x40x128xf32, #tpu.memory_space<vmem>>, vector<1x1x16xf32>,
    %swap3A_2438 = vector.shape_cast %swap3A_2437 : vector<1x1x16xf32> to vector<16xf32>
    %swap3A_2439 = vector.shape_cast %broadcast_in_dim3A_0 : vector<16xf32> to vector<1x1x16xf32>
    tpu.vector_store %arg6[%swap3A_2434, %swap3A_2435, %swap3A_2436], %swap3A_2439 {strides = array<i32>} : memref<5x40x128xf32, #tpu.memory_space<vmem>>, vector<1x1x16xf32>,
    %swap3A_2440 = arith.constant 0 : i32
    %swap3A_2441 = arith.constant 38 : i32
    %swap3A_2442 = arith.index_cast %swap3A_2440 : i32 to index
    %swap3A_2443 = arith.index_cast %swap3A_2441 : i32 to index
    %swap3A_2444 = arith.constant 16 : index
    %swap3A_2445 = tpu.vector_load %arg6[%swap3A_2442, %swap3A_2443, %swap3A_2444] {strides = array<i32>} : memref<5x40x128xf32, #tpu.memory_space<vmem>>, vector<1x1x16xf32>,
    %swap3A_2446 = vector.shape_cast %swap3A_2445 : vector<1x1x16xf32> to vector<16xf32>
    %swap3A_2447 = vector.shape_cast %broadcast_in_dim3A_0 : vector<16xf32> to vector<1x1x16xf32>
    tpu.vector_store %arg6[%swap3A_2442, %swap3A_2443, %swap3A_2444], %swap3A_2447 {strides = array<i32>} : memref<5x40x128xf32, #tpu.memory_space<vmem>>, vector<1x1x16xf32>,
    %swap3A_2448 = arith.constant 0 : i32
    %swap3A_2449 = arith.constant 38 : i32
    %swap3A_2450 = arith.index_cast %swap3A_2448 : i32 to index
    %swap3A_2451 = arith.index_cast %swap3A_2449 : i32 to index
    %swap3A_2452 = arith.constant 32 : index
    %swap3A_2453 = tpu.vector_load %arg6[%swap3A_2450, %swap3A_2451, %swap3A_2452] {strides = array<i32>} : memref<5x40x128xf32, #tpu.memory_space<vmem>>, vector<1x1x16xf32>,
    %swap3A_2454 = vector.shape_cast %swap3A_2453 : vector<1x1x16xf32> to vector<16xf32>
    %swap3A_2455 = vector.shape_cast %broadcast_in_dim3A_0 : vector<16xf32> to vector<1x1x16xf32>
    tpu.vector_store %arg6[%swap3A_2450, %swap3A_2451, %swap3A_2452], %swap3A_2455 {strides = array<i32>} : memref<5x40x128xf32, #tpu.memory_space<vmem>>, vector<1x1x16xf32>,
    %swap3A_2456 = arith.constant 0 : i32
    %swap3A_2457 = arith.constant 38 : i32
    %swap3A_2458 = arith.index_cast %swap3A_2456 : i32 to index
    %swap3A_2459 = arith.index_cast %swap3A_2457 : i32 to index
    %swap3A_2460 = arith.constant 48 : index
    %swap3A_2461 = tpu.vector_load %arg6[%swap3A_2458, %swap3A_2459, %swap3A_2460] {strides = array<i32>} : memref<5x40x128xf32, #tpu.memory_space<vmem>>, vector<1x1x16xf32>,
    %swap3A_2462 = vector.shape_cast %swap3A_2461 : vector<1x1x16xf32> to vector<16xf32>
    %swap3A_2463 = vector.shape_cast %broadcast_in_dim3A_0 : vector<16xf32> to vector<1x1x16xf32>
    tpu.vector_store %arg6[%swap3A_2458, %swap3A_2459, %swap3A_2460], %swap3A_2463 {strides = array<i32>} : memref<5x40x128xf32, #tpu.memory_space<vmem>>, vector<1x1x16xf32>,
    %swap3A_2464 = arith.constant 0 : i32
    %swap3A_2465 = arith.constant 38 : i32
    %swap3A_2466 = arith.index_cast %swap3A_2464 : i32 to index
    %swap3A_2467 = arith.index_cast %swap3A_2465 : i32 to index
    %swap3A_2468 = arith.constant 64 : index
    %swap3A_2469 = tpu.vector_load %arg6[%swap3A_2466, %swap3A_2467, %swap3A_2468] {strides = array<i32>} : memref<5x40x128xf32, #tpu.memory_space<vmem>>, vector<1x1x16xf32>,
    %swap3A_2470 = vector.shape_cast %swap3A_2469 : vector<1x1x16xf32> to vector<16xf32>
    %swap3A_2471 = vector.shape_cast %broadcast_in_dim3A_0 : vector<16xf32> to vector<1x1x16xf32>
    tpu.vector_store %arg6[%swap3A_2466, %swap3A_2467, %swap3A_2468], %swap3A_2471 {strides = array<i32>} : memref<5x40x128xf32, #tpu.memory_space<vmem>>, vector<1x1x16xf32>,
    %swap3A_2472 = arith.constant 0 : i32
    %swap3A_2473 = arith.constant 38 : i32
    %swap3A_2474 = arith.index_cast %swap3A_2472 : i32 to index
    %swap3A_2475 = arith.index_cast %swap3A_2473 : i32 to index
    %swap3A_2476 = arith.constant 80 : index
    %swap3A_2477 = tpu.vector_load %arg6[%swap3A_2474, %swap3A_2475, %swap3A_2476] {strides = array<i32>} : memref<5x40x128xf32, #tpu.memory_space<vmem>>, vector<1x1x16xf32>,
    %swap3A_2478 = vector.shape_cast %swap3A_2477 : vector<1x1x16xf32> to vector<16xf32>
    %swap3A_2479 = vector.shape_cast %broadcast_in_dim3A_0 : vector<16xf32> to vector<1x1x16xf32>
    tpu.vector_store %arg6[%swap3A_2474, %swap3A_2475, %swap3A_2476], %swap3A_2479 {strides = array<i32>} : memref<5x40x128xf32, #tpu.memory_space<vmem>>, vector<1x1x16xf32>,
    %swap3A_2480 = arith.constant 0 : i32
    %swap3A_2481 = arith.constant 38 : i32
    %swap3A_2482 = arith.index_cast %swap3A_2480 : i32 to index
    %swap3A_2483 = arith.index_cast %swap3A_2481 : i32 to index
    %swap3A_2484 = arith.constant 96 : index
    %swap3A_2485 = tpu.vector_load %arg6[%swap3A_2482, %swap3A_2483, %swap3A_2484] {strides = array<i32>} : memref<5x40x128xf32, #tpu.memory_space<vmem>>, vector<1x1x16xf32>,
    %swap3A_2486 = vector.shape_cast %swap3A_2485 : vector<1x1x16xf32> to vector<16xf32>
    %swap3A_2487 = vector.shape_cast %broadcast_in_dim3A_0 : vector<16xf32> to vector<1x1x16xf32>
    tpu.vector_store %arg6[%swap3A_2482, %swap3A_2483, %swap3A_2484], %swap3A_2487 {strides = array<i32>} : memref<5x40x128xf32, #tpu.memory_space<vmem>>, vector<1x1x16xf32>,
    %swap3A_2488 = arith.constant 0 : i32
    %swap3A_2489 = arith.constant 38 : i32
    %swap3A_2490 = arith.index_cast %swap3A_2488 : i32 to index
    %swap3A_2491 = arith.index_cast %swap3A_2489 : i32 to index
    %swap3A_2492 = arith.constant 112 : index
    %swap3A_2493 = tpu.vector_load %arg6[%swap3A_2490, %swap3A_2491, %swap3A_2492] {strides = array<i32>} : memref<5x40x128xf32, #tpu.memory_space<vmem>>, vector<1x1x16xf32>,
    %swap3A_2494 = vector.shape_cast %swap3A_2493 : vector<1x1x16xf32> to vector<16xf32>
    %swap3A_2495 = vector.shape_cast %broadcast_in_dim3A_0 : vector<16xf32> to vector<1x1x16xf32>
    tpu.vector_store %arg6[%swap3A_2490, %swap3A_2491, %swap3A_2492], %swap3A_2495 {strides = array<i32>} : memref<5x40x128xf32, #tpu.memory_space<vmem>>, vector<1x1x16xf32>,
    %swap3A_2496 = arith.constant 0 : i32
    %swap3A_2497 = arith.constant 39 : i32
    %swap3A_2498 = arith.index_cast %swap3A_2496 : i32 to index
    %swap3A_2499 = arith.index_cast %swap3A_2497 : i32 to index
    %swap3A_2500 = arith.constant 0 : index
    %swap3A_2501 = tpu.vector_load %arg6[%swap3A_2498, %swap3A_2499, %swap3A_2500] {strides = array<i32>} : memref<5x40x128xf32, #tpu.memory_space<vmem>>, vector<1x1x16xf32>,
    %swap3A_2502 = vector.shape_cast %swap3A_2501 : vector<1x1x16xf32> to vector<16xf32>
    %swap3A_2503 = vector.shape_cast %broadcast_in_dim3A_0 : vector<16xf32> to vector<1x1x16xf32>
    tpu.vector_store %arg6[%swap3A_2498, %swap3A_2499, %swap3A_2500], %swap3A_2503 {strides = array<i32>} : memref<5x40x128xf32, #tpu.memory_space<vmem>>, vector<1x1x16xf32>,
    %swap3A_2504 = arith.constant 0 : i32
    %swap3A_2505 = arith.constant 39 : i32
    %swap3A_2506 = arith.index_cast %swap3A_2504 : i32 to index
    %swap3A_2507 = arith.index_cast %swap3A_2505 : i32 to index
    %swap3A_2508 = arith.constant 16 : index
    %swap3A_2509 = tpu.vector_load %arg6[%swap3A_2506, %swap3A_2507, %swap3A_2508] {strides = array<i32>} : memref<5x40x128xf32, #tpu.memory_space<vmem>>, vector<1x1x16xf32>,
    %swap3A_2510 = vector.shape_cast %swap3A_2509 : vector<1x1x16xf32> to vector<16xf32>
    %swap3A_2511 = vector.shape_cast %broadcast_in_dim3A_0 : vector<16xf32> to vector<1x1x16xf32>
    tpu.vector_store %arg6[%swap3A_2506, %swap3A_2507, %swap3A_2508], %swap3A_2511 {strides = array<i32>} : memref<5x40x128xf32, #tpu.memory_space<vmem>>, vector<1x1x16xf32>,
    %swap3A_2512 = arith.constant 0 : i32
    %swap3A_2513 = arith.constant 39 : i32
    %swap3A_2514 = arith.index_cast %swap3A_2512 : i32 to index
    %swap3A_2515 = arith.index_cast %swap3A_2513 : i32 to index
    %swap3A_2516 = arith.constant 32 : index
    %swap3A_2517 = tpu.vector_load %arg6[%swap3A_2514, %swap3A_2515, %swap3A_2516] {strides = array<i32>} : memref<5x40x128xf32, #tpu.memory_space<vmem>>, vector<1x1x16xf32>,
    %swap3A_2518 = vector.shape_cast %swap3A_2517 : vector<1x1x16xf32> to vector<16xf32>
    %swap3A_2519 = vector.shape_cast %broadcast_in_dim3A_0 : vector<16xf32> to vector<1x1x16xf32>
    tpu.vector_store %arg6[%swap3A_2514, %swap3A_2515, %swap3A_2516], %swap3A_2519 {strides = array<i32>} : memref<5x40x128xf32, #tpu.memory_space<vmem>>, vector<1x1x16xf32>,
    %swap3A_2520 = arith.constant 0 : i32
    %swap3A_2521 = arith.constant 39 : i32
    %swap3A_2522 = arith.index_cast %swap3A_2520 : i32 to index
    %swap3A_2523 = arith.index_cast %swap3A_2521 : i32 to index
    %swap3A_2524 = arith.constant 48 : index
    %swap3A_2525 = tpu.vector_load %arg6[%swap3A_2522, %swap3A_2523, %swap3A_2524] {strides = array<i32>} : memref<5x40x128xf32, #tpu.memory_space<vmem>>, vector<1x1x16xf32>,
    %swap3A_2526 = vector.shape_cast %swap3A_2525 : vector<1x1x16xf32> to vector<16xf32>
    %swap3A_2527 = vector.shape_cast %broadcast_in_dim3A_0 : vector<16xf32> to vector<1x1x16xf32>
    tpu.vector_store %arg6[%swap3A_2522, %swap3A_2523, %swap3A_2524], %swap3A_2527 {strides = array<i32>} : memref<5x40x128xf32, #tpu.memory_space<vmem>>, vector<1x1x16xf32>,
    %swap3A_2528 = arith.constant 0 : i32
    %swap3A_2529 = arith.constant 39 : i32
    %swap3A_2530 = arith.index_cast %swap3A_2528 : i32 to index
    %swap3A_2531 = arith.index_cast %swap3A_2529 : i32 to index
    %swap3A_2532 = arith.constant 64 : index
    %swap3A_2533 = tpu.vector_load %arg6[%swap3A_2530, %swap3A_2531, %swap3A_2532] {strides = array<i32>} : memref<5x40x128xf32, #tpu.memory_space<vmem>>, vector<1x1x16xf32>,
    %swap3A_2534 = vector.shape_cast %swap3A_2533 : vector<1x1x16xf32> to vector<16xf32>
    %swap3A_2535 = vector.shape_cast %broadcast_in_dim3A_0 : vector<16xf32> to vector<1x1x16xf32>
    tpu.vector_store %arg6[%swap3A_2530, %swap3A_2531, %swap3A_2532], %swap3A_2535 {strides = array<i32>} : memref<5x40x128xf32, #tpu.memory_space<vmem>>, vector<1x1x16xf32>,
    %swap3A_2536 = arith.constant 0 : i32
    %swap3A_2537 = arith.constant 39 : i32
    %swap3A_2538 = arith.index_cast %swap3A_2536 : i32 to index
    %swap3A_2539 = arith.index_cast %swap3A_2537 : i32 to index
    %swap3A_2540 = arith.constant 80 : index
    %swap3A_2541 = tpu.vector_load %arg6[%swap3A_2538, %swap3A_2539, %swap3A_2540] {strides = array<i32>} : memref<5x40x128xf32, #tpu.memory_space<vmem>>, vector<1x1x16xf32>,
    %swap3A_2542 = vector.shape_cast %swap3A_2541 : vector<1x1x16xf32> to vector<16xf32>
    %swap3A_2543 = vector.shape_cast %broadcast_in_dim3A_0 : vector<16xf32> to vector<1x1x16xf32>
    tpu.vector_store %arg6[%swap3A_2538, %swap3A_2539, %swap3A_2540], %swap3A_2543 {strides = array<i32>} : memref<5x40x128xf32, #tpu.memory_space<vmem>>, vector<1x1x16xf32>,
    %swap3A_2544 = arith.constant 0 : i32
    %swap3A_2545 = arith.constant 39 : i32
    %swap3A_2546 = arith.index_cast %swap3A_2544 : i32 to index
    %swap3A_2547 = arith.index_cast %swap3A_2545 : i32 to index
    %swap3A_2548 = arith.constant 96 : index
    %swap3A_2549 = tpu.vector_load %arg6[%swap3A_2546, %swap3A_2547, %swap3A_2548] {strides = array<i32>} : memref<5x40x128xf32, #tpu.memory_space<vmem>>, vector<1x1x16xf32>,
    %swap3A_2550 = vector.shape_cast %swap3A_2549 : vector<1x1x16xf32> to vector<16xf32>
    %swap3A_2551 = vector.shape_cast %broadcast_in_dim3A_0 : vector<16xf32> to vector<1x1x16xf32>
    tpu.vector_store %arg6[%swap3A_2546, %swap3A_2547, %swap3A_2548], %swap3A_2551 {strides = array<i32>} : memref<5x40x128xf32, #tpu.memory_space<vmem>>, vector<1x1x16xf32>,
    %swap3A_2552 = arith.constant 0 : i32
    %swap3A_2553 = arith.constant 39 : i32
    %swap3A_2554 = arith.index_cast %swap3A_2552 : i32 to index
    %swap3A_2555 = arith.index_cast %swap3A_2553 : i32 to index
    %swap3A_2556 = arith.constant 112 : index
    %swap3A_2557 = tpu.vector_load %arg6[%swap3A_2554, %swap3A_2555, %swap3A_2556] {strides = array<i32>} : memref<5x40x128xf32, #tpu.memory_space<vmem>>, vector<1x1x16xf32>,
    %swap3A_2558 = vector.shape_cast %swap3A_2557 : vector<1x1x16xf32> to vector<16xf32>
    %swap3A_2559 = vector.shape_cast %broadcast_in_dim3A_0 : vector<16xf32> to vector<1x1x16xf32>
    tpu.vector_store %arg6[%swap3A_2554, %swap3A_2555, %swap3A_2556], %swap3A_2559 {strides = array<i32>} : memref<5x40x128xf32, #tpu.memory_space<vmem>>, vector<1x1x16xf32>,
    %mul3A = arith.constant 640 : i32
    %mul3A_2560 = arith.muli %arg1, %mul3A : i32
    %add3A = arith.constant 0 : i32
    %add3A_2561 = arith.addi %mul3A_2560, %add3A : i32
    %dma_start3A = arith.constant 0 : i32
    %dma_start3A_2562 = arith.constant 0 : i32
    %dma_start3A_2563 = arith.constant 0 : i32
    %dma_start3A_2564 = arith.constant 0 : i32
    %dma_start3A_2565 = tpu.memref_slice %arg6[%dma_start3A, %dma_start3A_2563, %dma_start3A_2564] : memref<5x40x128xf32, #tpu.memory_space<vmem>> -> memref<1x40x128xf32, #tpu.memory_space<vmem>>
    %dma_start3A_2566 = tpu.memref_squeeze %dma_start3A_2565 : memref<1x40x128xf32, #tpu.memory_space<vmem>> -> memref<40x128xf32, #tpu.memory_space<vmem>>
    %dma_start3A_2567 = arith.constant 0 : i32
    %dma_start3A_2568 = tpu.memref_slice %arg7[%add3A_2561, %dma_start3A_2567] : memref<10240x128xf32, #tpu.memory_space<vmem_shared>> -> memref<40x128xf32, #tpu.memory_space<vmem_shared>>
    %dma_start3A_2569 = tpu.memref_slice %arg8[%dma_start3A_2562] : memref<5x!tpu.dma_semaphore, #tpu.memory_space<semaphore_mem>> -> memref<1x!tpu.dma_semaphore, #tpu.memory_space<semaphore_mem>>
    %dma_start3A_2570 = tpu.memref_squeeze %dma_start3A_2569 : memref<1x!tpu.dma_semaphore, #tpu.memory_space<semaphore_mem>> -> memref<!tpu.dma_semaphore, #tpu.memory_space<semaphore_mem>>
    %dma_start3A_2571 = arith.constant 0 : i32
    %dma_start3A_2572 = tpu.memref_slice %arg7[%add3A_2561, %dma_start3A_2571] : memref<10240x128xf32, #tpu.memory_space<vmem_shared>> -> memref<40x128xf32, #tpu.memory_space<vmem_shared>>
    %dma_start3A_2573 = arith.constant 0 : i32
    %dma_start3A_2574 = arith.constant 0 : i32
    %dma_start3A_2575 = tpu.memref_slice %arg6[%dma_start3A, %dma_start3A_2573, %dma_start3A_2574] : memref<5x40x128xf32, #tpu.memory_space<vmem>> -> memref<1x40x128xf32, #tpu.memory_space<vmem>>
    %dma_start3A_2576 = tpu.memref_squeeze %dma_start3A_2575 : memref<1x40x128xf32, #tpu.memory_space<vmem>> -> memref<40x128xf32, #tpu.memory_space<vmem>>
    tpu.enqueue_dma source(%dma_start3A_2576 : memref<40x128xf32, #tpu.memory_space<vmem>>) target(%dma_start3A_2572 : memref<40x128xf32, #tpu.memory_space<vmem_shared>>) target_semaphore(%dma_start3A_2570 : memref<!tpu.dma_semaphore, #tpu.memory_space<semaphore_mem>>)
    %mul3A_2577 = arith.constant 640 : i32
    %mul3A_2578 = arith.muli %arg1, %mul3A_2577 : i32
    %add3A_2579 = arith.constant 40 : i32
    %add3A_2580 = arith.addi %mul3A_2578, %add3A_2579 : i32
    %dma_start3A_2581 = arith.constant 0 : i32
    %dma_start3A_2582 = arith.constant 0 : i32
    %dma_start3A_2583 = arith.constant 0 : i32
    %dma_start3A_2584 = arith.constant 0 : i32
    %dma_start3A_2585 = tpu.memref_slice %arg6[%dma_start3A_2581, %dma_start3A_2583, %dma_start3A_2584] : memref<5x40x128xf32, #tpu.memory_space<vmem>> -> memref<1x40x128xf32, #tpu.memory_space<vmem>>
    %dma_start3A_2586 = tpu.memref_squeeze %dma_start3A_2585 : memref<1x40x128xf32, #tpu.memory_space<vmem>> -> memref<40x128xf32, #tpu.memory_space<vmem>>
    %dma_start3A_2587 = arith.constant 0 : i32
    %dma_start3A_2588 = tpu.memref_slice %arg7[%add3A_2580, %dma_start3A_2587] : memref<10240x128xf32, #tpu.memory_space<vmem_shared>> -> memref<40x128xf32, #tpu.memory_space<vmem_shared>>
    %dma_start3A_2589 = tpu.memref_slice %arg8[%dma_start3A_2582] : memref<5x!tpu.dma_semaphore, #tpu.memory_space<semaphore_mem>> -> memref<1x!tpu.dma_semaphore, #tpu.memory_space<semaphore_mem>>
    %dma_start3A_2590 = tpu.memref_squeeze %dma_start3A_2589 : memref<1x!tpu.dma_semaphore, #tpu.memory_space<semaphore_mem>> -> memref<!tpu.dma_semaphore, #tpu.memory_space<semaphore_mem>>
    %dma_start3A_2591 = arith.constant 0 : i32
    %dma_start3A_2592 = tpu.memref_slice %arg7[%add3A_2580, %dma_start3A_2591] : memref<10240x128xf32, #tpu.memory_space<vmem_shared>> -> memref<40x128xf32, #tpu.memory_space<vmem_shared>>
    %dma_start3A_2593 = arith.constant 0 : i32
    %dma_start3A_2594 = arith.constant 0 : i32
    %dma_start3A_2595 = tpu.memref_slice %arg6[%dma_start3A_2581, %dma_start3A_2593, %dma_start3A_2594] : memref<5x40x128xf32, #tpu.memory_space<vmem>> -> memref<1x40x128xf32, #tpu.memory_space<vmem>>
    %dma_start3A_2596 = tpu.memref_squeeze %dma_start3A_2595 : memref<1x40x128xf32, #tpu.memory_space<vmem>> -> memref<40x128xf32, #tpu.memory_space<vmem>>
    tpu.enqueue_dma source(%dma_start3A_2596 : memref<40x128xf32, #tpu.memory_space<vmem>>) target(%dma_start3A_2592 : memref<40x128xf32, #tpu.memory_space<vmem_shared>>) target_semaphore(%dma_start3A_2590 : memref<!tpu.dma_semaphore, #tpu.memory_space<semaphore_mem>>)
    %mul3A_2597 = arith.constant 640 : i32
    %mul3A_2598 = arith.muli %arg1, %mul3A_2597 : i32
    %add3A_2599 = arith.constant 80 : i32
    %add3A_2600 = arith.addi %mul3A_2598, %add3A_2599 : i32
    %dma_start3A_2601 = arith.constant 0 : i32
    %dma_start3A_2602 = arith.constant 0 : i32
    %dma_start3A_2603 = arith.constant 0 : i32
    %dma_start3A_2604 = arith.constant 0 : i32
    %dma_start3A_2605 = tpu.memref_slice %arg6[%dma_start3A_2601, %dma_start3A_2603, %dma_start3A_2604] : memref<5x40x128xf32, #tpu.memory_space<vmem>> -> memref<1x40x128xf32, #tpu.memory_space<vmem>>
    %dma_start3A_2606 = tpu.memref_squeeze %dma_start3A_2605 : memref<1x40x128xf32, #tpu.memory_space<vmem>> -> memref<40x128xf32, #tpu.memory_space<vmem>>
    %dma_start3A_2607 = arith.constant 0 : i32
    %dma_start3A_2608 = tpu.memref_slice %arg7[%add3A_2600, %dma_start3A_2607] : memref<10240x128xf32, #tpu.memory_space<vmem_shared>> -> memref<40x128xf32, #tpu.memory_space<vmem_shared>>
    %dma_start3A_2609 = tpu.memref_slice %arg8[%dma_start3A_2602] : memref<5x!tpu.dma_semaphore, #tpu.memory_space<semaphore_mem>> -> memref<1x!tpu.dma_semaphore, #tpu.memory_space<semaphore_mem>>
    %dma_start3A_2610 = tpu.memref_squeeze %dma_start3A_2609 : memref<1x!tpu.dma_semaphore, #tpu.memory_space<semaphore_mem>> -> memref<!tpu.dma_semaphore, #tpu.memory_space<semaphore_mem>>
    %dma_start3A_2611 = arith.constant 0 : i32
    %dma_start3A_2612 = tpu.memref_slice %arg7[%add3A_2600, %dma_start3A_2611] : memref<10240x128xf32, #tpu.memory_space<vmem_shared>> -> memref<40x128xf32, #tpu.memory_space<vmem_shared>>
    %dma_start3A_2613 = arith.constant 0 : i32
    %dma_start3A_2614 = arith.constant 0 : i32
    %dma_start3A_2615 = tpu.memref_slice %arg6[%dma_start3A_2601, %dma_start3A_2613, %dma_start3A_2614] : memref<5x40x128xf32, #tpu.memory_space<vmem>> -> memref<1x40x128xf32, #tpu.memory_space<vmem>>
    %dma_start3A_2616 = tpu.memref_squeeze %dma_start3A_2615 : memref<1x40x128xf32, #tpu.memory_space<vmem>> -> memref<40x128xf32, #tpu.memory_space<vmem>>
    tpu.enqueue_dma source(%dma_start3A_2616 : memref<40x128xf32, #tpu.memory_space<vmem>>) target(%dma_start3A_2612 : memref<40x128xf32, #tpu.memory_space<vmem_shared>>) target_semaphore(%dma_start3A_2610 : memref<!tpu.dma_semaphore, #tpu.memory_space<semaphore_mem>>)
    %mul3A_2617 = arith.constant 640 : i32
    %mul3A_2618 = arith.muli %arg1, %mul3A_2617 : i32
    %add3A_2619 = arith.constant 120 : i32
    %add3A_2620 = arith.addi %mul3A_2618, %add3A_2619 : i32
    %dma_start3A_2621 = arith.constant 0 : i32
    %dma_start3A_2622 = arith.constant 0 : i32
    %dma_start3A_2623 = arith.constant 0 : i32
    %dma_start3A_2624 = arith.constant 0 : i32
    %dma_start3A_2625 = tpu.memref_slice %arg6[%dma_start3A_2621, %dma_start3A_2623, %dma_start3A_2624] : memref<5x40x128xf32, #tpu.memory_space<vmem>> -> memref<1x40x128xf32, #tpu.memory_space<vmem>>
    %dma_start3A_2626 = tpu.memref_squeeze %dma_start3A_2625 : memref<1x40x128xf32, #tpu.memory_space<vmem>> -> memref<40x128xf32, #tpu.memory_space<vmem>>
    %dma_start3A_2627 = arith.constant 0 : i32
    %dma_start3A_2628 = tpu.memref_slice %arg7[%add3A_2620, %dma_start3A_2627] : memref<10240x128xf32, #tpu.memory_space<vmem_shared>> -> memref<40x128xf32, #tpu.memory_space<vmem_shared>>
    %dma_start3A_2629 = tpu.memref_slice %arg8[%dma_start3A_2622] : memref<5x!tpu.dma_semaphore, #tpu.memory_space<semaphore_mem>> -> memref<1x!tpu.dma_semaphore, #tpu.memory_space<semaphore_mem>>
    %dma_start3A_2630 = tpu.memref_squeeze %dma_start3A_2629 : memref<1x!tpu.dma_semaphore, #tpu.memory_space<semaphore_mem>> -> memref<!tpu.dma_semaphore, #tpu.memory_space<semaphore_mem>>
    %dma_start3A_2631 = arith.constant 0 : i32
    %dma_start3A_2632 = tpu.memref_slice %arg7[%add3A_2620, %dma_start3A_2631] : memref<10240x128xf32, #tpu.memory_space<vmem_shared>> -> memref<40x128xf32, #tpu.memory_space<vmem_shared>>
    %dma_start3A_2633 = arith.constant 0 : i32
    %dma_start3A_2634 = arith.constant 0 : i32
    %dma_start3A_2635 = tpu.memref_slice %arg6[%dma_start3A_2621, %dma_start3A_2633, %dma_start3A_2634] : memref<5x40x128xf32, #tpu.memory_space<vmem>> -> memref<1x40x128xf32, #tpu.memory_space<vmem>>
    %dma_start3A_2636 = tpu.memref_squeeze %dma_start3A_2635 : memref<1x40x128xf32, #tpu.memory_space<vmem>> -> memref<40x128xf32, #tpu.memory_space<vmem>>
    tpu.enqueue_dma source(%dma_start3A_2636 : memref<40x128xf32, #tpu.memory_space<vmem>>) target(%dma_start3A_2632 : memref<40x128xf32, #tpu.memory_space<vmem_shared>>) target_semaphore(%dma_start3A_2630 : memref<!tpu.dma_semaphore, #tpu.memory_space<semaphore_mem>>)
    %mul3A_2637 = arith.constant 640 : i32
    %mul3A_2638 = arith.muli %arg1, %mul3A_2637 : i32
    %add3A_2639 = arith.constant 160 : i32
    %add3A_2640 = arith.addi %mul3A_2638, %add3A_2639 : i32
    %dma_start3A_2641 = arith.constant 0 : i32
    %dma_start3A_2642 = arith.constant 0 : i32
    %dma_start3A_2643 = arith.constant 0 : i32
    %dma_start3A_2644 = arith.constant 0 : i32
    %dma_start3A_2645 = tpu.memref_slice %arg6[%dma_start3A_2641, %dma_start3A_2643, %dma_start3A_2644] : memref<5x40x128xf32, #tpu.memory_space<vmem>> -> memref<1x40x128xf32, #tpu.memory_space<vmem>>
    %dma_start3A_2646 = tpu.memref_squeeze %dma_start3A_2645 : memref<1x40x128xf32, #tpu.memory_space<vmem>> -> memref<40x128xf32, #tpu.memory_space<vmem>>
    %dma_start3A_2647 = arith.constant 0 : i32
    %dma_start3A_2648 = tpu.memref_slice %arg7[%add3A_2640, %dma_start3A_2647] : memref<10240x128xf32, #tpu.memory_space<vmem_shared>> -> memref<40x128xf32, #tpu.memory_space<vmem_shared>>
    %dma_start3A_2649 = tpu.memref_slice %arg8[%dma_start3A_2642] : memref<5x!tpu.dma_semaphore, #tpu.memory_space<semaphore_mem>> -> memref<1x!tpu.dma_semaphore, #tpu.memory_space<semaphore_mem>>
    %dma_start3A_2650 = tpu.memref_squeeze %dma_start3A_2649 : memref<1x!tpu.dma_semaphore, #tpu.memory_space<semaphore_mem>> -> memref<!tpu.dma_semaphore, #tpu.memory_space<semaphore_mem>>
    %dma_start3A_2651 = arith.constant 0 : i32
    %dma_start3A_2652 = tpu.memref_slice %arg7[%add3A_2640, %dma_start3A_2651] : memref<10240x128xf32, #tpu.memory_space<vmem_shared>> -> memref<40x128xf32, #tpu.memory_space<vmem_shared>>
    %dma_start3A_2653 = arith.constant 0 : i32
    %dma_start3A_2654 = arith.constant 0 : i32
    %dma_start3A_2655 = tpu.memref_slice %arg6[%dma_start3A_2641, %dma_start3A_2653, %dma_start3A_2654] : memref<5x40x128xf32, #tpu.memory_space<vmem>> -> memref<1x40x128xf32, #tpu.memory_space<vmem>>
    %dma_start3A_2656 = tpu.memref_squeeze %dma_start3A_2655 : memref<1x40x128xf32, #tpu.memory_space<vmem>> -> memref<40x128xf32, #tpu.memory_space<vmem>>
    tpu.enqueue_dma source(%dma_start3A_2656 : memref<40x128xf32, #tpu.memory_space<vmem>>) target(%dma_start3A_2652 : memref<40x128xf32, #tpu.memory_space<vmem_shared>>) target_semaphore(%dma_start3A_2650 : memref<!tpu.dma_semaphore, #tpu.memory_space<semaphore_mem>>)
    %mul3A_2657 = arith.constant 640 : i32
    %mul3A_2658 = arith.muli %arg1, %mul3A_2657 : i32
    %add3A_2659 = arith.constant 200 : i32
    %add3A_2660 = arith.addi %mul3A_2658, %add3A_2659 : i32
    %dma_start3A_2661 = arith.constant 0 : i32
    %dma_start3A_2662 = arith.constant 0 : i32
    %dma_start3A_2663 = arith.constant 0 : i32
    %dma_start3A_2664 = arith.constant 0 : i32
    %dma_start3A_2665 = tpu.memref_slice %arg6[%dma_start3A_2661, %dma_start3A_2663, %dma_start3A_2664] : memref<5x40x128xf32, #tpu.memory_space<vmem>> -> memref<1x40x128xf32, #tpu.memory_space<vmem>>
    %dma_start3A_2666 = tpu.memref_squeeze %dma_start3A_2665 : memref<1x40x128xf32, #tpu.memory_space<vmem>> -> memref<40x128xf32, #tpu.memory_space<vmem>>
    %dma_start3A_2667 = arith.constant 0 : i32
    %dma_start3A_2668 = tpu.memref_slice %arg7[%add3A_2660, %dma_start3A_2667] : memref<10240x128xf32, #tpu.memory_space<vmem_shared>> -> memref<40x128xf32, #tpu.memory_space<vmem_shared>>
    %dma_start3A_2669 = tpu.memref_slice %arg8[%dma_start3A_2662] : memref<5x!tpu.dma_semaphore, #tpu.memory_space<semaphore_mem>> -> memref<1x!tpu.dma_semaphore, #tpu.memory_space<semaphore_mem>>
    %dma_start3A_2670 = tpu.memref_squeeze %dma_start3A_2669 : memref<1x!tpu.dma_semaphore, #tpu.memory_space<semaphore_mem>> -> memref<!tpu.dma_semaphore, #tpu.memory_space<semaphore_mem>>
    %dma_start3A_2671 = arith.constant 0 : i32
    %dma_start3A_2672 = tpu.memref_slice %arg7[%add3A_2660, %dma_start3A_2671] : memref<10240x128xf32, #tpu.memory_space<vmem_shared>> -> memref<40x128xf32, #tpu.memory_space<vmem_shared>>
    %dma_start3A_2673 = arith.constant 0 : i32
    %dma_start3A_2674 = arith.constant 0 : i32
    %dma_start3A_2675 = tpu.memref_slice %arg6[%dma_start3A_2661, %dma_start3A_2673, %dma_start3A_2674] : memref<5x40x128xf32, #tpu.memory_space<vmem>> -> memref<1x40x128xf32, #tpu.memory_space<vmem>>
    %dma_start3A_2676 = tpu.memref_squeeze %dma_start3A_2675 : memref<1x40x128xf32, #tpu.memory_space<vmem>> -> memref<40x128xf32, #tpu.memory_space<vmem>>
    tpu.enqueue_dma source(%dma_start3A_2676 : memref<40x128xf32, #tpu.memory_space<vmem>>) target(%dma_start3A_2672 : memref<40x128xf32, #tpu.memory_space<vmem_shared>>) target_semaphore(%dma_start3A_2670 : memref<!tpu.dma_semaphore, #tpu.memory_space<semaphore_mem>>)
    %mul3A_2677 = arith.constant 640 : i32
    %mul3A_2678 = arith.muli %arg1, %mul3A_2677 : i32
    %add3A_2679 = arith.constant 240 : i32
    %add3A_2680 = arith.addi %mul3A_2678, %add3A_2679 : i32
    %dma_start3A_2681 = arith.constant 0 : i32
    %dma_start3A_2682 = arith.constant 0 : i32
    %dma_start3A_2683 = arith.constant 0 : i32
    %dma_start3A_2684 = arith.constant 0 : i32
    %dma_start3A_2685 = tpu.memref_slice %arg6[%dma_start3A_2681, %dma_start3A_2683, %dma_start3A_2684] : memref<5x40x128xf32, #tpu.memory_space<vmem>> -> memref<1x40x128xf32, #tpu.memory_space<vmem>>
    %dma_start3A_2686 = tpu.memref_squeeze %dma_start3A_2685 : memref<1x40x128xf32, #tpu.memory_space<vmem>> -> memref<40x128xf32, #tpu.memory_space<vmem>>
    %dma_start3A_2687 = arith.constant 0 : i32
    %dma_start3A_2688 = tpu.memref_slice %arg7[%add3A_2680, %dma_start3A_2687] : memref<10240x128xf32, #tpu.memory_space<vmem_shared>> -> memref<40x128xf32, #tpu.memory_space<vmem_shared>>
    %dma_start3A_2689 = tpu.memref_slice %arg8[%dma_start3A_2682] : memref<5x!tpu.dma_semaphore, #tpu.memory_space<semaphore_mem>> -> memref<1x!tpu.dma_semaphore, #tpu.memory_space<semaphore_mem>>
    %dma_start3A_2690 = tpu.memref_squeeze %dma_start3A_2689 : memref<1x!tpu.dma_semaphore, #tpu.memory_space<semaphore_mem>> -> memref<!tpu.dma_semaphore, #tpu.memory_space<semaphore_mem>>
    %dma_start3A_2691 = arith.constant 0 : i32
    %dma_start3A_2692 = tpu.memref_slice %arg7[%add3A_2680, %dma_start3A_2691] : memref<10240x128xf32, #tpu.memory_space<vmem_shared>> -> memref<40x128xf32, #tpu.memory_space<vmem_shared>>
    %dma_start3A_2693 = arith.constant 0 : i32
    %dma_start3A_2694 = arith.constant 0 : i32
    %dma_start3A_2695 = tpu.memref_slice %arg6[%dma_start3A_2681, %dma_start3A_2693, %dma_start3A_2694] : memref<5x40x128xf32, #tpu.memory_space<vmem>> -> memref<1x40x128xf32, #tpu.memory_space<vmem>>
    %dma_start3A_2696 = tpu.memref_squeeze %dma_start3A_2695 : memref<1x40x128xf32, #tpu.memory_space<vmem>> -> memref<40x128xf32, #tpu.memory_space<vmem>>
    tpu.enqueue_dma source(%dma_start3A_2696 : memref<40x128xf32, #tpu.memory_space<vmem>>) target(%dma_start3A_2692 : memref<40x128xf32, #tpu.memory_space<vmem_shared>>) target_semaphore(%dma_start3A_2690 : memref<!tpu.dma_semaphore, #tpu.memory_space<semaphore_mem>>)
    %mul3A_2697 = arith.constant 640 : i32
    %mul3A_2698 = arith.muli %arg1, %mul3A_2697 : i32
    %add3A_2699 = arith.constant 280 : i32
    %add3A_2700 = arith.addi %mul3A_2698, %add3A_2699 : i32
    %dma_start3A_2701 = arith.constant 0 : i32
    %dma_start3A_2702 = arith.constant 0 : i32
    %dma_start3A_2703 = arith.constant 0 : i32
    %dma_start3A_2704 = arith.constant 0 : i32
    %dma_start3A_2705 = tpu.memref_slice %arg6[%dma_start3A_2701, %dma_start3A_2703, %dma_start3A_2704] : memref<5x40x128xf32, #tpu.memory_space<vmem>> -> memref<1x40x128xf32, #tpu.memory_space<vmem>>
    %dma_start3A_2706 = tpu.memref_squeeze %dma_start3A_2705 : memref<1x40x128xf32, #tpu.memory_space<vmem>> -> memref<40x128xf32, #tpu.memory_space<vmem>>
    %dma_start3A_2707 = arith.constant 0 : i32
    %dma_start3A_2708 = tpu.memref_slice %arg7[%add3A_2700, %dma_start3A_2707] : memref<10240x128xf32, #tpu.memory_space<vmem_shared>> -> memref<40x128xf32, #tpu.memory_space<vmem_shared>>
    %dma_start3A_2709 = tpu.memref_slice %arg8[%dma_start3A_2702] : memref<5x!tpu.dma_semaphore, #tpu.memory_space<semaphore_mem>> -> memref<1x!tpu.dma_semaphore, #tpu.memory_space<semaphore_mem>>
    %dma_start3A_2710 = tpu.memref_squeeze %dma_start3A_2709 : memref<1x!tpu.dma_semaphore, #tpu.memory_space<semaphore_mem>> -> memref<!tpu.dma_semaphore, #tpu.memory_space<semaphore_mem>>
    %dma_start3A_2711 = arith.constant 0 : i32
    %dma_start3A_2712 = tpu.memref_slice %arg7[%add3A_2700, %dma_start3A_2711] : memref<10240x128xf32, #tpu.memory_space<vmem_shared>> -> memref<40x128xf32, #tpu.memory_space<vmem_shared>>
    %dma_start3A_2713 = arith.constant 0 : i32
    %dma_start3A_2714 = arith.constant 0 : i32
    %dma_start3A_2715 = tpu.memref_slice %arg6[%dma_start3A_2701, %dma_start3A_2713, %dma_start3A_2714] : memref<5x40x128xf32, #tpu.memory_space<vmem>> -> memref<1x40x128xf32, #tpu.memory_space<vmem>>
    %dma_start3A_2716 = tpu.memref_squeeze %dma_start3A_2715 : memref<1x40x128xf32, #tpu.memory_space<vmem>> -> memref<40x128xf32, #tpu.memory_space<vmem>>
    tpu.enqueue_dma source(%dma_start3A_2716 : memref<40x128xf32, #tpu.memory_space<vmem>>) target(%dma_start3A_2712 : memref<40x128xf32, #tpu.memory_space<vmem_shared>>) target_semaphore(%dma_start3A_2710 : memref<!tpu.dma_semaphore, #tpu.memory_space<semaphore_mem>>)
    %mul3A_2717 = arith.constant 640 : i32
    %mul3A_2718 = arith.muli %arg1, %mul3A_2717 : i32
    %add3A_2719 = arith.constant 320 : i32
    %add3A_2720 = arith.addi %mul3A_2718, %add3A_2719 : i32
    %dma_start3A_2721 = arith.constant 0 : i32
    %dma_start3A_2722 = arith.constant 0 : i32
    %dma_start3A_2723 = arith.constant 0 : i32
    %dma_start3A_2724 = arith.constant 0 : i32
    %dma_start3A_2725 = tpu.memref_slice %arg6[%dma_start3A_2721, %dma_start3A_2723, %dma_start3A_2724] : memref<5x40x128xf32, #tpu.memory_space<vmem>> -> memref<1x40x128xf32, #tpu.memory_space<vmem>>
    %dma_start3A_2726 = tpu.memref_squeeze %dma_start3A_2725 : memref<1x40x128xf32, #tpu.memory_space<vmem>> -> memref<40x128xf32, #tpu.memory_space<vmem>>
    %dma_start3A_2727 = arith.constant 0 : i32
    %dma_start3A_2728 = tpu.memref_slice %arg7[%add3A_2720, %dma_start3A_2727] : memref<10240x128xf32, #tpu.memory_space<vmem_shared>> -> memref<40x128xf32, #tpu.memory_space<vmem_shared>>
    %dma_start3A_2729 = tpu.memref_slice %arg8[%dma_start3A_2722] : memref<5x!tpu.dma_semaphore, #tpu.memory_space<semaphore_mem>> -> memref<1x!tpu.dma_semaphore, #tpu.memory_space<semaphore_mem>>
    %dma_start3A_2730 = tpu.memref_squeeze %dma_start3A_2729 : memref<1x!tpu.dma_semaphore, #tpu.memory_space<semaphore_mem>> -> memref<!tpu.dma_semaphore, #tpu.memory_space<semaphore_mem>>
    %dma_start3A_2731 = arith.constant 0 : i32
    %dma_start3A_2732 = tpu.memref_slice %arg7[%add3A_2720, %dma_start3A_2731] : memref<10240x128xf32, #tpu.memory_space<vmem_shared>> -> memref<40x128xf32, #tpu.memory_space<vmem_shared>>
    %dma_start3A_2733 = arith.constant 0 : i32
    %dma_start3A_2734 = arith.constant 0 : i32
    %dma_start3A_2735 = tpu.memref_slice %arg6[%dma_start3A_2721, %dma_start3A_2733, %dma_start3A_2734] : memref<5x40x128xf32, #tpu.memory_space<vmem>> -> memref<1x40x128xf32, #tpu.memory_space<vmem>>
    %dma_start3A_2736 = tpu.memref_squeeze %dma_start3A_2735 : memref<1x40x128xf32, #tpu.memory_space<vmem>> -> memref<40x128xf32, #tpu.memory_space<vmem>>
    tpu.enqueue_dma source(%dma_start3A_2736 : memref<40x128xf32, #tpu.memory_space<vmem>>) target(%dma_start3A_2732 : memref<40x128xf32, #tpu.memory_space<vmem_shared>>) target_semaphore(%dma_start3A_2730 : memref<!tpu.dma_semaphore, #tpu.memory_space<semaphore_mem>>)
    %mul3A_2737 = arith.constant 640 : i32
    %mul3A_2738 = arith.muli %arg1, %mul3A_2737 : i32
    %add3A_2739 = arith.constant 360 : i32
    %add3A_2740 = arith.addi %mul3A_2738, %add3A_2739 : i32
    %dma_start3A_2741 = arith.constant 0 : i32
    %dma_start3A_2742 = arith.constant 0 : i32
    %dma_start3A_2743 = arith.constant 0 : i32
    %dma_start3A_2744 = arith.constant 0 : i32
    %dma_start3A_2745 = tpu.memref_slice %arg6[%dma_start3A_2741, %dma_start3A_2743, %dma_start3A_2744] : memref<5x40x128xf32, #tpu.memory_space<vmem>> -> memref<1x40x128xf32, #tpu.memory_space<vmem>>
    %dma_start3A_2746 = tpu.memref_squeeze %dma_start3A_2745 : memref<1x40x128xf32, #tpu.memory_space<vmem>> -> memref<40x128xf32, #tpu.memory_space<vmem>>
    %dma_start3A_2747 = arith.constant 0 : i32
    %dma_start3A_2748 = tpu.memref_slice %arg7[%add3A_2740, %dma_start3A_2747] : memref<10240x128xf32, #tpu.memory_space<vmem_shared>> -> memref<40x128xf32, #tpu.memory_space<vmem_shared>>
    %dma_start3A_2749 = tpu.memref_slice %arg8[%dma_start3A_2742] : memref<5x!tpu.dma_semaphore, #tpu.memory_space<semaphore_mem>> -> memref<1x!tpu.dma_semaphore, #tpu.memory_space<semaphore_mem>>
    %dma_start3A_2750 = tpu.memref_squeeze %dma_start3A_2749 : memref<1x!tpu.dma_semaphore, #tpu.memory_space<semaphore_mem>> -> memref<!tpu.dma_semaphore, #tpu.memory_space<semaphore_mem>>
    %dma_start3A_2751 = arith.constant 0 : i32
    %dma_start3A_2752 = tpu.memref_slice %arg7[%add3A_2740, %dma_start3A_2751] : memref<10240x128xf32, #tpu.memory_space<vmem_shared>> -> memref<40x128xf32, #tpu.memory_space<vmem_shared>>
    %dma_start3A_2753 = arith.constant 0 : i32
    %dma_start3A_2754 = arith.constant 0 : i32
    %dma_start3A_2755 = tpu.memref_slice %arg6[%dma_start3A_2741, %dma_start3A_2753, %dma_start3A_2754] : memref<5x40x128xf32, #tpu.memory_space<vmem>> -> memref<1x40x128xf32, #tpu.memory_space<vmem>>
    %dma_start3A_2756 = tpu.memref_squeeze %dma_start3A_2755 : memref<1x40x128xf32, #tpu.memory_space<vmem>> -> memref<40x128xf32, #tpu.memory_space<vmem>>
    tpu.enqueue_dma source(%dma_start3A_2756 : memref<40x128xf32, #tpu.memory_space<vmem>>) target(%dma_start3A_2752 : memref<40x128xf32, #tpu.memory_space<vmem_shared>>) target_semaphore(%dma_start3A_2750 : memref<!tpu.dma_semaphore, #tpu.memory_space<semaphore_mem>>)
    %mul3A_2757 = arith.constant 640 : i32
    %mul3A_2758 = arith.muli %arg1, %mul3A_2757 : i32
    %add3A_2759 = arith.constant 400 : i32
    %add3A_2760 = arith.addi %mul3A_2758, %add3A_2759 : i32
    %dma_start3A_2761 = arith.constant 0 : i32
    %dma_start3A_2762 = arith.constant 0 : i32
    %dma_start3A_2763 = arith.constant 0 : i32
    %dma_start3A_2764 = arith.constant 0 : i32
    %dma_start3A_2765 = tpu.memref_slice %arg6[%dma_start3A_2761, %dma_start3A_2763, %dma_start3A_2764] : memref<5x40x128xf32, #tpu.memory_space<vmem>> -> memref<1x40x128xf32, #tpu.memory_space<vmem>>
    %dma_start3A_2766 = tpu.memref_squeeze %dma_start3A_2765 : memref<1x40x128xf32, #tpu.memory_space<vmem>> -> memref<40x128xf32, #tpu.memory_space<vmem>>
    %dma_start3A_2767 = arith.constant 0 : i32
    %dma_start3A_2768 = tpu.memref_slice %arg7[%add3A_2760, %dma_start3A_2767] : memref<10240x128xf32, #tpu.memory_space<vmem_shared>> -> memref<40x128xf32, #tpu.memory_space<vmem_shared>>
    %dma_start3A_2769 = tpu.memref_slice %arg8[%dma_start3A_2762] : memref<5x!tpu.dma_semaphore, #tpu.memory_space<semaphore_mem>> -> memref<1x!tpu.dma_semaphore, #tpu.memory_space<semaphore_mem>>
    %dma_start3A_2770 = tpu.memref_squeeze %dma_start3A_2769 : memref<1x!tpu.dma_semaphore, #tpu.memory_space<semaphore_mem>> -> memref<!tpu.dma_semaphore, #tpu.memory_space<semaphore_mem>>
    %dma_start3A_2771 = arith.constant 0 : i32
    %dma_start3A_2772 = tpu.memref_slice %arg7[%add3A_2760, %dma_start3A_2771] : memref<10240x128xf32, #tpu.memory_space<vmem_shared>> -> memref<40x128xf32, #tpu.memory_space<vmem_shared>>
    %dma_start3A_2773 = arith.constant 0 : i32
    %dma_start3A_2774 = arith.constant 0 : i32
    %dma_start3A_2775 = tpu.memref_slice %arg6[%dma_start3A_2761, %dma_start3A_2773, %dma_start3A_2774] : memref<5x40x128xf32, #tpu.memory_space<vmem>> -> memref<1x40x128xf32, #tpu.memory_space<vmem>>
    %dma_start3A_2776 = tpu.memref_squeeze %dma_start3A_2775 : memref<1x40x128xf32, #tpu.memory_space<vmem>> -> memref<40x128xf32, #tpu.memory_space<vmem>>
    tpu.enqueue_dma source(%dma_start3A_2776 : memref<40x128xf32, #tpu.memory_space<vmem>>) target(%dma_start3A_2772 : memref<40x128xf32, #tpu.memory_space<vmem_shared>>) target_semaphore(%dma_start3A_2770 : memref<!tpu.dma_semaphore, #tpu.memory_space<semaphore_mem>>)
    %mul3A_2777 = arith.constant 640 : i32
    %mul3A_2778 = arith.muli %arg1, %mul3A_2777 : i32
    %add3A_2779 = arith.constant 440 : i32
    %add3A_2780 = arith.addi %mul3A_2778, %add3A_2779 : i32
    %dma_start3A_2781 = arith.constant 0 : i32
    %dma_start3A_2782 = arith.constant 0 : i32
    %dma_start3A_2783 = arith.constant 0 : i32
    %dma_start3A_2784 = arith.constant 0 : i32
    %dma_start3A_2785 = tpu.memref_slice %arg6[%dma_start3A_2781, %dma_start3A_2783, %dma_start3A_2784] : memref<5x40x128xf32, #tpu.memory_space<vmem>> -> memref<1x40x128xf32, #tpu.memory_space<vmem>>
    %dma_start3A_2786 = tpu.memref_squeeze %dma_start3A_2785 : memref<1x40x128xf32, #tpu.memory_space<vmem>> -> memref<40x128xf32, #tpu.memory_space<vmem>>
    %dma_start3A_2787 = arith.constant 0 : i32
    %dma_start3A_2788 = tpu.memref_slice %arg7[%add3A_2780, %dma_start3A_2787] : memref<10240x128xf32, #tpu.memory_space<vmem_shared>> -> memref<40x128xf32, #tpu.memory_space<vmem_shared>>
    %dma_start3A_2789 = tpu.memref_slice %arg8[%dma_start3A_2782] : memref<5x!tpu.dma_semaphore, #tpu.memory_space<semaphore_mem>> -> memref<1x!tpu.dma_semaphore, #tpu.memory_space<semaphore_mem>>
    %dma_start3A_2790 = tpu.memref_squeeze %dma_start3A_2789 : memref<1x!tpu.dma_semaphore, #tpu.memory_space<semaphore_mem>> -> memref<!tpu.dma_semaphore, #tpu.memory_space<semaphore_mem>>
    %dma_start3A_2791 = arith.constant 0 : i32
    %dma_start3A_2792 = tpu.memref_slice %arg7[%add3A_2780, %dma_start3A_2791] : memref<10240x128xf32, #tpu.memory_space<vmem_shared>> -> memref<40x128xf32, #tpu.memory_space<vmem_shared>>
    %dma_start3A_2793 = arith.constant 0 : i32
    %dma_start3A_2794 = arith.constant 0 : i32
    %dma_start3A_2795 = tpu.memref_slice %arg6[%dma_start3A_2781, %dma_start3A_2793, %dma_start3A_2794] : memref<5x40x128xf32, #tpu.memory_space<vmem>> -> memref<1x40x128xf32, #tpu.memory_space<vmem>>
    %dma_start3A_2796 = tpu.memref_squeeze %dma_start3A_2795 : memref<1x40x128xf32, #tpu.memory_space<vmem>> -> memref<40x128xf32, #tpu.memory_space<vmem>>
    tpu.enqueue_dma source(%dma_start3A_2796 : memref<40x128xf32, #tpu.memory_space<vmem>>) target(%dma_start3A_2792 : memref<40x128xf32, #tpu.memory_space<vmem_shared>>) target_semaphore(%dma_start3A_2790 : memref<!tpu.dma_semaphore, #tpu.memory_space<semaphore_mem>>)
    %mul3A_2797 = arith.constant 640 : i32
    %mul3A_2798 = arith.muli %arg1, %mul3A_2797 : i32
    %add3A_2799 = arith.constant 480 : i32
    %add3A_2800 = arith.addi %mul3A_2798, %add3A_2799 : i32
    %dma_start3A_2801 = arith.constant 0 : i32
    %dma_start3A_2802 = arith.constant 0 : i32
    %dma_start3A_2803 = arith.constant 0 : i32
    %dma_start3A_2804 = arith.constant 0 : i32
    %dma_start3A_2805 = tpu.memref_slice %arg6[%dma_start3A_2801, %dma_start3A_2803, %dma_start3A_2804] : memref<5x40x128xf32, #tpu.memory_space<vmem>> -> memref<1x40x128xf32, #tpu.memory_space<vmem>>
    %dma_start3A_2806 = tpu.memref_squeeze %dma_start3A_2805 : memref<1x40x128xf32, #tpu.memory_space<vmem>> -> memref<40x128xf32, #tpu.memory_space<vmem>>
    %dma_start3A_2807 = arith.constant 0 : i32
    %dma_start3A_2808 = tpu.memref_slice %arg7[%add3A_2800, %dma_start3A_2807] : memref<10240x128xf32, #tpu.memory_space<vmem_shared>> -> memref<40x128xf32, #tpu.memory_space<vmem_shared>>
    %dma_start3A_2809 = tpu.memref_slice %arg8[%dma_start3A_2802] : memref<5x!tpu.dma_semaphore, #tpu.memory_space<semaphore_mem>> -> memref<1x!tpu.dma_semaphore, #tpu.memory_space<semaphore_mem>>
    %dma_start3A_2810 = tpu.memref_squeeze %dma_start3A_2809 : memref<1x!tpu.dma_semaphore, #tpu.memory_space<semaphore_mem>> -> memref<!tpu.dma_semaphore, #tpu.memory_space<semaphore_mem>>
    %dma_start3A_2811 = arith.constant 0 : i32
    %dma_start3A_2812 = tpu.memref_slice %arg7[%add3A_2800, %dma_start3A_2811] : memref<10240x128xf32, #tpu.memory_space<vmem_shared>> -> memref<40x128xf32, #tpu.memory_space<vmem_shared>>
    %dma_start3A_2813 = arith.constant 0 : i32
    %dma_start3A_2814 = arith.constant 0 : i32
    %dma_start3A_2815 = tpu.memref_slice %arg6[%dma_start3A_2801, %dma_start3A_2813, %dma_start3A_2814] : memref<5x40x128xf32, #tpu.memory_space<vmem>> -> memref<1x40x128xf32, #tpu.memory_space<vmem>>
    %dma_start3A_2816 = tpu.memref_squeeze %dma_start3A_2815 : memref<1x40x128xf32, #tpu.memory_space<vmem>> -> memref<40x128xf32, #tpu.memory_space<vmem>>
    tpu.enqueue_dma source(%dma_start3A_2816 : memref<40x128xf32, #tpu.memory_space<vmem>>) target(%dma_start3A_2812 : memref<40x128xf32, #tpu.memory_space<vmem_shared>>) target_semaphore(%dma_start3A_2810 : memref<!tpu.dma_semaphore, #tpu.memory_space<semaphore_mem>>)
    %mul3A_2817 = arith.constant 640 : i32
    %mul3A_2818 = arith.muli %arg1, %mul3A_2817 : i32
    %add3A_2819 = arith.constant 520 : i32
    %add3A_2820 = arith.addi %mul3A_2818, %add3A_2819 : i32
    %dma_start3A_2821 = arith.constant 0 : i32
    %dma_start3A_2822 = arith.constant 0 : i32
    %dma_start3A_2823 = arith.constant 0 : i32
    %dma_start3A_2824 = arith.constant 0 : i32
    %dma_start3A_2825 = tpu.memref_slice %arg6[%dma_start3A_2821, %dma_start3A_2823, %dma_start3A_2824] : memref<5x40x128xf32, #tpu.memory_space<vmem>> -> memref<1x40x128xf32, #tpu.memory_space<vmem>>
    %dma_start3A_2826 = tpu.memref_squeeze %dma_start3A_2825 : memref<1x40x128xf32, #tpu.memory_space<vmem>> -> memref<40x128xf32, #tpu.memory_space<vmem>>
    %dma_start3A_2827 = arith.constant 0 : i32
    %dma_start3A_2828 = tpu.memref_slice %arg7[%add3A_2820, %dma_start3A_2827] : memref<10240x128xf32, #tpu.memory_space<vmem_shared>> -> memref<40x128xf32, #tpu.memory_space<vmem_shared>>
    %dma_start3A_2829 = tpu.memref_slice %arg8[%dma_start3A_2822] : memref<5x!tpu.dma_semaphore, #tpu.memory_space<semaphore_mem>> -> memref<1x!tpu.dma_semaphore, #tpu.memory_space<semaphore_mem>>
    %dma_start3A_2830 = tpu.memref_squeeze %dma_start3A_2829 : memref<1x!tpu.dma_semaphore, #tpu.memory_space<semaphore_mem>> -> memref<!tpu.dma_semaphore, #tpu.memory_space<semaphore_mem>>
    %dma_start3A_2831 = arith.constant 0 : i32
    %dma_start3A_2832 = tpu.memref_slice %arg7[%add3A_2820, %dma_start3A_2831] : memref<10240x128xf32, #tpu.memory_space<vmem_shared>> -> memref<40x128xf32, #tpu.memory_space<vmem_shared>>
    %dma_start3A_2833 = arith.constant 0 : i32
    %dma_start3A_2834 = arith.constant 0 : i32
    %dma_start3A_2835 = tpu.memref_slice %arg6[%dma_start3A_2821, %dma_start3A_2833, %dma_start3A_2834] : memref<5x40x128xf32, #tpu.memory_space<vmem>> -> memref<1x40x128xf32, #tpu.memory_space<vmem>>
    %dma_start3A_2836 = tpu.memref_squeeze %dma_start3A_2835 : memref<1x40x128xf32, #tpu.memory_space<vmem>> -> memref<40x128xf32, #tpu.memory_space<vmem>>
    tpu.enqueue_dma source(%dma_start3A_2836 : memref<40x128xf32, #tpu.memory_space<vmem>>) target(%dma_start3A_2832 : memref<40x128xf32, #tpu.memory_space<vmem_shared>>) target_semaphore(%dma_start3A_2830 : memref<!tpu.dma_semaphore, #tpu.memory_space<semaphore_mem>>)
    %mul3A_2837 = arith.constant 640 : i32
    %mul3A_2838 = arith.muli %arg1, %mul3A_2837 : i32
    %add3A_2839 = arith.constant 560 : i32
    %add3A_2840 = arith.addi %mul3A_2838, %add3A_2839 : i32
    %dma_start3A_2841 = arith.constant 0 : i32
    %dma_start3A_2842 = arith.constant 0 : i32
    %dma_start3A_2843 = arith.constant 0 : i32
    %dma_start3A_2844 = arith.constant 0 : i32
    %dma_start3A_2845 = tpu.memref_slice %arg6[%dma_start3A_2841, %dma_start3A_2843, %dma_start3A_2844] : memref<5x40x128xf32, #tpu.memory_space<vmem>> -> memref<1x40x128xf32, #tpu.memory_space<vmem>>
    %dma_start3A_2846 = tpu.memref_squeeze %dma_start3A_2845 : memref<1x40x128xf32, #tpu.memory_space<vmem>> -> memref<40x128xf32, #tpu.memory_space<vmem>>
    %dma_start3A_2847 = arith.constant 0 : i32
    %dma_start3A_2848 = tpu.memref_slice %arg7[%add3A_2840, %dma_start3A_2847] : memref<10240x128xf32, #tpu.memory_space<vmem_shared>> -> memref<40x128xf32, #tpu.memory_space<vmem_shared>>
    %dma_start3A_2849 = tpu.memref_slice %arg8[%dma_start3A_2842] : memref<5x!tpu.dma_semaphore, #tpu.memory_space<semaphore_mem>> -> memref<1x!tpu.dma_semaphore, #tpu.memory_space<semaphore_mem>>
    %dma_start3A_2850 = tpu.memref_squeeze %dma_start3A_2849 : memref<1x!tpu.dma_semaphore, #tpu.memory_space<semaphore_mem>> -> memref<!tpu.dma_semaphore, #tpu.memory_space<semaphore_mem>>
    %dma_start3A_2851 = arith.constant 0 : i32
    %dma_start3A_2852 = tpu.memref_slice %arg7[%add3A_2840, %dma_start3A_2851] : memref<10240x128xf32, #tpu.memory_space<vmem_shared>> -> memref<40x128xf32, #tpu.memory_space<vmem_shared>>
    %dma_start3A_2853 = arith.constant 0 : i32
    %dma_start3A_2854 = arith.constant 0 : i32
    %dma_start3A_2855 = tpu.memref_slice %arg6[%dma_start3A_2841, %dma_start3A_2853, %dma_start3A_2854] : memref<5x40x128xf32, #tpu.memory_space<vmem>> -> memref<1x40x128xf32, #tpu.memory_space<vmem>>
    %dma_start3A_2856 = tpu.memref_squeeze %dma_start3A_2855 : memref<1x40x128xf32, #tpu.memory_space<vmem>> -> memref<40x128xf32, #tpu.memory_space<vmem>>
    tpu.enqueue_dma source(%dma_start3A_2856 : memref<40x128xf32, #tpu.memory_space<vmem>>) target(%dma_start3A_2852 : memref<40x128xf32, #tpu.memory_space<vmem_shared>>) target_semaphore(%dma_start3A_2850 : memref<!tpu.dma_semaphore, #tpu.memory_space<semaphore_mem>>)
    %mul3A_2857 = arith.constant 640 : i32
    %mul3A_2858 = arith.muli %arg1, %mul3A_2857 : i32
    %add3A_2859 = arith.constant 600 : i32
    %add3A_2860 = arith.addi %mul3A_2858, %add3A_2859 : i32
    %dma_start3A_2861 = arith.constant 0 : i32
    %dma_start3A_2862 = arith.constant 0 : i32
    %dma_start3A_2863 = arith.constant 0 : i32
    %dma_start3A_2864 = arith.constant 0 : i32
    %dma_start3A_2865 = tpu.memref_slice %arg6[%dma_start3A_2861, %dma_start3A_2863, %dma_start3A_2864] : memref<5x40x128xf32, #tpu.memory_space<vmem>> -> memref<1x40x128xf32, #tpu.memory_space<vmem>>
    %dma_start3A_2866 = tpu.memref_squeeze %dma_start3A_2865 : memref<1x40x128xf32, #tpu.memory_space<vmem>> -> memref<40x128xf32, #tpu.memory_space<vmem>>
    %dma_start3A_2867 = arith.constant 0 : i32
    %dma_start3A_2868 = tpu.memref_slice %arg7[%add3A_2860, %dma_start3A_2867] : memref<10240x128xf32, #tpu.memory_space<vmem_shared>> -> memref<40x128xf32, #tpu.memory_space<vmem_shared>>
    %dma_start3A_2869 = tpu.memref_slice %arg8[%dma_start3A_2862] : memref<5x!tpu.dma_semaphore, #tpu.memory_space<semaphore_mem>> -> memref<1x!tpu.dma_semaphore, #tpu.memory_space<semaphore_mem>>
    %dma_start3A_2870 = tpu.memref_squeeze %dma_start3A_2869 : memref<1x!tpu.dma_semaphore, #tpu.memory_space<semaphore_mem>> -> memref<!tpu.dma_semaphore, #tpu.memory_space<semaphore_mem>>
    %dma_start3A_2871 = arith.constant 0 : i32
    %dma_start3A_2872 = tpu.memref_slice %arg7[%add3A_2860, %dma_start3A_2871] : memref<10240x128xf32, #tpu.memory_space<vmem_shared>> -> memref<40x128xf32, #tpu.memory_space<vmem_shared>>
    %dma_start3A_2873 = arith.constant 0 : i32
    %dma_start3A_2874 = arith.constant 0 : i32
    %dma_start3A_2875 = tpu.memref_slice %arg6[%dma_start3A_2861, %dma_start3A_2873, %dma_start3A_2874] : memref<5x40x128xf32, #tpu.memory_space<vmem>> -> memref<1x40x128xf32, #tpu.memory_space<vmem>>
    %dma_start3A_2876 = tpu.memref_squeeze %dma_start3A_2875 : memref<1x40x128xf32, #tpu.memory_space<vmem>> -> memref<40x128xf32, #tpu.memory_space<vmem>>
    tpu.enqueue_dma source(%dma_start3A_2876 : memref<40x128xf32, #tpu.memory_space<vmem>>) target(%dma_start3A_2872 : memref<40x128xf32, #tpu.memory_space<vmem_shared>>) target_semaphore(%dma_start3A_2870 : memref<!tpu.dma_semaphore, #tpu.memory_space<semaphore_mem>>)
    %mul3A_2877 = arith.constant 640 : i32
    %mul3A_2878 = arith.muli %arg1, %mul3A_2877 : i32
    %add3A_2879 = arith.constant 0 : i32
    %add3A_2880 = arith.addi %mul3A_2878, %add3A_2879 : i32
    %dma_wait3A = arith.constant 0 : i32
    %dma_wait3A_2881 = arith.constant 0 : i32
    %dma_wait3A_2882 = arith.constant 0 : i32
    %dma_wait3A_2883 = arith.constant 0 : i32
    %dma_wait3A_2884 = tpu.memref_slice %arg6[%dma_wait3A, %dma_wait3A_2882, %dma_wait3A_2883] : memref<5x40x128xf32, #tpu.memory_space<vmem>> -> memref<1x40x128xf32, #tpu.memory_space<vmem>>
    %dma_wait3A_2885 = tpu.memref_squeeze %dma_wait3A_2884 : memref<1x40x128xf32, #tpu.memory_space<vmem>> -> memref<40x128xf32, #tpu.memory_space<vmem>>
    %dma_wait3A_2886 = arith.constant 0 : i32
    %dma_wait3A_2887 = tpu.memref_slice %arg7[%add3A_2880, %dma_wait3A_2886] : memref<10240x128xf32, #tpu.memory_space<vmem_shared>> -> memref<40x128xf32, #tpu.memory_space<vmem_shared>>
    %dma_wait3A_2888 = tpu.memref_slice %arg8[%dma_wait3A_2881] : memref<5x!tpu.dma_semaphore, #tpu.memory_space<semaphore_mem>> -> memref<1x!tpu.dma_semaphore, #tpu.memory_space<semaphore_mem>>
    %dma_wait3A_2889 = tpu.memref_squeeze %dma_wait3A_2888 : memref<1x!tpu.dma_semaphore, #tpu.memory_space<semaphore_mem>> -> memref<!tpu.dma_semaphore, #tpu.memory_space<semaphore_mem>>
    %dma_wait3A_2890 = arith.constant 0 : i32
    %dma_wait3A_2891 = tpu.memref_slice %arg7[%add3A_2880, %dma_wait3A_2890] : memref<10240x128xf32, #tpu.memory_space<vmem_shared>> -> memref<40x128xf32, #tpu.memory_space<vmem_shared>>
    %dma_wait3A_2892 = arith.constant 0 : i32
    %dma_wait3A_2893 = arith.constant 0 : i32
    %dma_wait3A_2894 = tpu.memref_slice %arg6[%dma_wait3A, %dma_wait3A_2892, %dma_wait3A_2893] : memref<5x40x128xf32, #tpu.memory_space<vmem>> -> memref<1x40x128xf32, #tpu.memory_space<vmem>>
    %dma_wait3A_2895 = tpu.memref_squeeze %dma_wait3A_2894 : memref<1x40x128xf32, #tpu.memory_space<vmem>> -> memref<40x128xf32, #tpu.memory_space<vmem>>
    tpu.wait_dma2 semaphore(%dma_wait3A_2889 : memref<!tpu.dma_semaphore, #tpu.memory_space<semaphore_mem>>) src(%dma_wait3A_2895 : memref<40x128xf32, #tpu.memory_space<vmem>>) dst(%dma_wait3A_2891 : memref<40x128xf32, #tpu.memory_space<vmem_shared>>)
    %mul3A_2896 = arith.constant 640 : i32
    %mul3A_2897 = arith.muli %arg1, %mul3A_2896 : i32
    %add3A_2898 = arith.constant 40 : i32
    %add3A_2899 = arith.addi %mul3A_2897, %add3A_2898 : i32
    %dma_wait3A_2900 = arith.constant 0 : i32
    %dma_wait3A_2901 = arith.constant 0 : i32
    %dma_wait3A_2902 = arith.constant 0 : i32
    %dma_wait3A_2903 = arith.constant 0 : i32
    %dma_wait3A_2904 = tpu.memref_slice %arg6[%dma_wait3A_2900, %dma_wait3A_2902, %dma_wait3A_2903] : memref<5x40x128xf32, #tpu.memory_space<vmem>> -> memref<1x40x128xf32, #tpu.memory_space<vmem>>
    %dma_wait3A_2905 = tpu.memref_squeeze %dma_wait3A_2904 : memref<1x40x128xf32, #tpu.memory_space<vmem>> -> memref<40x128xf32, #tpu.memory_space<vmem>>
    %dma_wait3A_2906 = arith.constant 0 : i32
    %dma_wait3A_2907 = tpu.memref_slice %arg7[%add3A_2899, %dma_wait3A_2906] : memref<10240x128xf32, #tpu.memory_space<vmem_shared>> -> memref<40x128xf32, #tpu.memory_space<vmem_shared>>
    %dma_wait3A_2908 = tpu.memref_slice %arg8[%dma_wait3A_2901] : memref<5x!tpu.dma_semaphore, #tpu.memory_space<semaphore_mem>> -> memref<1x!tpu.dma_semaphore, #tpu.memory_space<semaphore_mem>>
    %dma_wait3A_2909 = tpu.memref_squeeze %dma_wait3A_2908 : memref<1x!tpu.dma_semaphore, #tpu.memory_space<semaphore_mem>> -> memref<!tpu.dma_semaphore, #tpu.memory_space<semaphore_mem>>
    %dma_wait3A_2910 = arith.constant 0 : i32
    %dma_wait3A_2911 = tpu.memref_slice %arg7[%add3A_2899, %dma_wait3A_2910] : memref<10240x128xf32, #tpu.memory_space<vmem_shared>> -> memref<40x128xf32, #tpu.memory_space<vmem_shared>>
    %dma_wait3A_2912 = arith.constant 0 : i32
    %dma_wait3A_2913 = arith.constant 0 : i32
    %dma_wait3A_2914 = tpu.memref_slice %arg6[%dma_wait3A_2900, %dma_wait3A_2912, %dma_wait3A_2913] : memref<5x40x128xf32, #tpu.memory_space<vmem>> -> memref<1x40x128xf32, #tpu.memory_space<vmem>>
    %dma_wait3A_2915 = tpu.memref_squeeze %dma_wait3A_2914 : memref<1x40x128xf32, #tpu.memory_space<vmem>> -> memref<40x128xf32, #tpu.memory_space<vmem>>
    tpu.wait_dma2 semaphore(%dma_wait3A_2909 : memref<!tpu.dma_semaphore, #tpu.memory_space<semaphore_mem>>) src(%dma_wait3A_2915 : memref<40x128xf32, #tpu.memory_space<vmem>>) dst(%dma_wait3A_2911 : memref<40x128xf32, #tpu.memory_space<vmem_shared>>)
    %mul3A_2916 = arith.constant 640 : i32
    %mul3A_2917 = arith.muli %arg1, %mul3A_2916 : i32
    %add3A_2918 = arith.constant 80 : i32
    %add3A_2919 = arith.addi %mul3A_2917, %add3A_2918 : i32
    %dma_wait3A_2920 = arith.constant 0 : i32
    %dma_wait3A_2921 = arith.constant 0 : i32
    %dma_wait3A_2922 = arith.constant 0 : i32
    %dma_wait3A_2923 = arith.constant 0 : i32
    %dma_wait3A_2924 = tpu.memref_slice %arg6[%dma_wait3A_2920, %dma_wait3A_2922, %dma_wait3A_2923] : memref<5x40x128xf32, #tpu.memory_space<vmem>> -> memref<1x40x128xf32, #tpu.memory_space<vmem>>
    %dma_wait3A_2925 = tpu.memref_squeeze %dma_wait3A_2924 : memref<1x40x128xf32, #tpu.memory_space<vmem>> -> memref<40x128xf32, #tpu.memory_space<vmem>>
    %dma_wait3A_2926 = arith.constant 0 : i32
    %dma_wait3A_2927 = tpu.memref_slice %arg7[%add3A_2919, %dma_wait3A_2926] : memref<10240x128xf32, #tpu.memory_space<vmem_shared>> -> memref<40x128xf32, #tpu.memory_space<vmem_shared>>
    %dma_wait3A_2928 = tpu.memref_slice %arg8[%dma_wait3A_2921] : memref<5x!tpu.dma_semaphore, #tpu.memory_space<semaphore_mem>> -> memref<1x!tpu.dma_semaphore, #tpu.memory_space<semaphore_mem>>
    %dma_wait3A_2929 = tpu.memref_squeeze %dma_wait3A_2928 : memref<1x!tpu.dma_semaphore, #tpu.memory_space<semaphore_mem>> -> memref<!tpu.dma_semaphore, #tpu.memory_space<semaphore_mem>>
    %dma_wait3A_2930 = arith.constant 0 : i32
    %dma_wait3A_2931 = tpu.memref_slice %arg7[%add3A_2919, %dma_wait3A_2930] : memref<10240x128xf32, #tpu.memory_space<vmem_shared>> -> memref<40x128xf32, #tpu.memory_space<vmem_shared>>
    %dma_wait3A_2932 = arith.constant 0 : i32
    %dma_wait3A_2933 = arith.constant 0 : i32
    %dma_wait3A_2934 = tpu.memref_slice %arg6[%dma_wait3A_2920, %dma_wait3A_2932, %dma_wait3A_2933] : memref<5x40x128xf32, #tpu.memory_space<vmem>> -> memref<1x40x128xf32, #tpu.memory_space<vmem>>
    %dma_wait3A_2935 = tpu.memref_squeeze %dma_wait3A_2934 : memref<1x40x128xf32, #tpu.memory_space<vmem>> -> memref<40x128xf32, #tpu.memory_space<vmem>>
    tpu.wait_dma2 semaphore(%dma_wait3A_2929 : memref<!tpu.dma_semaphore, #tpu.memory_space<semaphore_mem>>) src(%dma_wait3A_2935 : memref<40x128xf32, #tpu.memory_space<vmem>>) dst(%dma_wait3A_2931 : memref<40x128xf32, #tpu.memory_space<vmem_shared>>)
    %mul3A_2936 = arith.constant 640 : i32
    %mul3A_2937 = arith.muli %arg1, %mul3A_2936 : i32
    %add3A_2938 = arith.constant 120 : i32
    %add3A_2939 = arith.addi %mul3A_2937, %add3A_2938 : i32
    %dma_wait3A_2940 = arith.constant 0 : i32
    %dma_wait3A_2941 = arith.constant 0 : i32
    %dma_wait3A_2942 = arith.constant 0 : i32
    %dma_wait3A_2943 = arith.constant 0 : i32
    %dma_wait3A_2944 = tpu.memref_slice %arg6[%dma_wait3A_2940, %dma_wait3A_2942, %dma_wait3A_2943] : memref<5x40x128xf32, #tpu.memory_space<vmem>> -> memref<1x40x128xf32, #tpu.memory_space<vmem>>
    %dma_wait3A_2945 = tpu.memref_squeeze %dma_wait3A_2944 : memref<1x40x128xf32, #tpu.memory_space<vmem>> -> memref<40x128xf32, #tpu.memory_space<vmem>>
    %dma_wait3A_2946 = arith.constant 0 : i32
    %dma_wait3A_2947 = tpu.memref_slice %arg7[%add3A_2939, %dma_wait3A_2946] : memref<10240x128xf32, #tpu.memory_space<vmem_shared>> -> memref<40x128xf32, #tpu.memory_space<vmem_shared>>
    %dma_wait3A_2948 = tpu.memref_slice %arg8[%dma_wait3A_2941] : memref<5x!tpu.dma_semaphore, #tpu.memory_space<semaphore_mem>> -> memref<1x!tpu.dma_semaphore, #tpu.memory_space<semaphore_mem>>
    %dma_wait3A_2949 = tpu.memref_squeeze %dma_wait3A_2948 : memref<1x!tpu.dma_semaphore, #tpu.memory_space<semaphore_mem>> -> memref<!tpu.dma_semaphore, #tpu.memory_space<semaphore_mem>>
    %dma_wait3A_2950 = arith.constant 0 : i32
    %dma_wait3A_2951 = tpu.memref_slice %arg7[%add3A_2939, %dma_wait3A_2950] : memref<10240x128xf32, #tpu.memory_space<vmem_shared>> -> memref<40x128xf32, #tpu.memory_space<vmem_shared>>
    %dma_wait3A_2952 = arith.constant 0 : i32
    %dma_wait3A_2953 = arith.constant 0 : i32
    %dma_wait3A_2954 = tpu.memref_slice %arg6[%dma_wait3A_2940, %dma_wait3A_2952, %dma_wait3A_2953] : memref<5x40x128xf32, #tpu.memory_space<vmem>> -> memref<1x40x128xf32, #tpu.memory_space<vmem>>
    %dma_wait3A_2955 = tpu.memref_squeeze %dma_wait3A_2954 : memref<1x40x128xf32, #tpu.memory_space<vmem>> -> memref<40x128xf32, #tpu.memory_space<vmem>>
    tpu.wait_dma2 semaphore(%dma_wait3A_2949 : memref<!tpu.dma_semaphore, #tpu.memory_space<semaphore_mem>>) src(%dma_wait3A_2955 : memref<40x128xf32, #tpu.memory_space<vmem>>) dst(%dma_wait3A_2951 : memref<40x128xf32, #tpu.memory_space<vmem_shared>>)
    %mul3A_2956 = arith.constant 640 : i32
    %mul3A_2957 = arith.muli %arg1, %mul3A_2956 : i32
    %add3A_2958 = arith.constant 160 : i32
    %add3A_2959 = arith.addi %mul3A_2957, %add3A_2958 : i32
    %dma_wait3A_2960 = arith.constant 0 : i32
    %dma_wait3A_2961 = arith.constant 0 : i32
    %dma_wait3A_2962 = arith.constant 0 : i32
    %dma_wait3A_2963 = arith.constant 0 : i32
    %dma_wait3A_2964 = tpu.memref_slice %arg6[%dma_wait3A_2960, %dma_wait3A_2962, %dma_wait3A_2963] : memref<5x40x128xf32, #tpu.memory_space<vmem>> -> memref<1x40x128xf32, #tpu.memory_space<vmem>>
    %dma_wait3A_2965 = tpu.memref_squeeze %dma_wait3A_2964 : memref<1x40x128xf32, #tpu.memory_space<vmem>> -> memref<40x128xf32, #tpu.memory_space<vmem>>
    %dma_wait3A_2966 = arith.constant 0 : i32
    %dma_wait3A_2967 = tpu.memref_slice %arg7[%add3A_2959, %dma_wait3A_2966] : memref<10240x128xf32, #tpu.memory_space<vmem_shared>> -> memref<40x128xf32, #tpu.memory_space<vmem_shared>>
    %dma_wait3A_2968 = tpu.memref_slice %arg8[%dma_wait3A_2961] : memref<5x!tpu.dma_semaphore, #tpu.memory_space<semaphore_mem>> -> memref<1x!tpu.dma_semaphore, #tpu.memory_space<semaphore_mem>>
    %dma_wait3A_2969 = tpu.memref_squeeze %dma_wait3A_2968 : memref<1x!tpu.dma_semaphore, #tpu.memory_space<semaphore_mem>> -> memref<!tpu.dma_semaphore, #tpu.memory_space<semaphore_mem>>
    %dma_wait3A_2970 = arith.constant 0 : i32
    %dma_wait3A_2971 = tpu.memref_slice %arg7[%add3A_2959, %dma_wait3A_2970] : memref<10240x128xf32, #tpu.memory_space<vmem_shared>> -> memref<40x128xf32, #tpu.memory_space<vmem_shared>>
    %dma_wait3A_2972 = arith.constant 0 : i32
    %dma_wait3A_2973 = arith.constant 0 : i32
    %dma_wait3A_2974 = tpu.memref_slice %arg6[%dma_wait3A_2960, %dma_wait3A_2972, %dma_wait3A_2973] : memref<5x40x128xf32, #tpu.memory_space<vmem>> -> memref<1x40x128xf32, #tpu.memory_space<vmem>>
    %dma_wait3A_2975 = tpu.memref_squeeze %dma_wait3A_2974 : memref<1x40x128xf32, #tpu.memory_space<vmem>> -> memref<40x128xf32, #tpu.memory_space<vmem>>
    tpu.wait_dma2 semaphore(%dma_wait3A_2969 : memref<!tpu.dma_semaphore, #tpu.memory_space<semaphore_mem>>) src(%dma_wait3A_2975 : memref<40x128xf32, #tpu.memory_space<vmem>>) dst(%dma_wait3A_2971 : memref<40x128xf32, #tpu.memory_space<vmem_shared>>)
    %mul3A_2976 = arith.constant 640 : i32
    %mul3A_2977 = arith.muli %arg1, %mul3A_2976 : i32
    %add3A_2978 = arith.constant 200 : i32
    %add3A_2979 = arith.addi %mul3A_2977, %add3A_2978 : i32
    %dma_wait3A_2980 = arith.constant 0 : i32
    %dma_wait3A_2981 = arith.constant 0 : i32
    %dma_wait3A_2982 = arith.constant 0 : i32
    %dma_wait3A_2983 = arith.constant 0 : i32
    %dma_wait3A_2984 = tpu.memref_slice %arg6[%dma_wait3A_2980, %dma_wait3A_2982, %dma_wait3A_2983] : memref<5x40x128xf32, #tpu.memory_space<vmem>> -> memref<1x40x128xf32, #tpu.memory_space<vmem>>
    %dma_wait3A_2985 = tpu.memref_squeeze %dma_wait3A_2984 : memref<1x40x128xf32, #tpu.memory_space<vmem>> -> memref<40x128xf32, #tpu.memory_space<vmem>>
    %dma_wait3A_2986 = arith.constant 0 : i32
    %dma_wait3A_2987 = tpu.memref_slice %arg7[%add3A_2979, %dma_wait3A_2986] : memref<10240x128xf32, #tpu.memory_space<vmem_shared>> -> memref<40x128xf32, #tpu.memory_space<vmem_shared>>
    %dma_wait3A_2988 = tpu.memref_slice %arg8[%dma_wait3A_2981] : memref<5x!tpu.dma_semaphore, #tpu.memory_space<semaphore_mem>> -> memref<1x!tpu.dma_semaphore, #tpu.memory_space<semaphore_mem>>
    %dma_wait3A_2989 = tpu.memref_squeeze %dma_wait3A_2988 : memref<1x!tpu.dma_semaphore, #tpu.memory_space<semaphore_mem>> -> memref<!tpu.dma_semaphore, #tpu.memory_space<semaphore_mem>>
    %dma_wait3A_2990 = arith.constant 0 : i32
    %dma_wait3A_2991 = tpu.memref_slice %arg7[%add3A_2979, %dma_wait3A_2990] : memref<10240x128xf32, #tpu.memory_space<vmem_shared>> -> memref<40x128xf32, #tpu.memory_space<vmem_shared>>
    %dma_wait3A_2992 = arith.constant 0 : i32
    %dma_wait3A_2993 = arith.constant 0 : i32
    %dma_wait3A_2994 = tpu.memref_slice %arg6[%dma_wait3A_2980, %dma_wait3A_2992, %dma_wait3A_2993] : memref<5x40x128xf32, #tpu.memory_space<vmem>> -> memref<1x40x128xf32, #tpu.memory_space<vmem>>
    %dma_wait3A_2995 = tpu.memref_squeeze %dma_wait3A_2994 : memref<1x40x128xf32, #tpu.memory_space<vmem>> -> memref<40x128xf32, #tpu.memory_space<vmem>>
    tpu.wait_dma2 semaphore(%dma_wait3A_2989 : memref<!tpu.dma_semaphore, #tpu.memory_space<semaphore_mem>>) src(%dma_wait3A_2995 : memref<40x128xf32, #tpu.memory_space<vmem>>) dst(%dma_wait3A_2991 : memref<40x128xf32, #tpu.memory_space<vmem_shared>>)
    %mul3A_2996 = arith.constant 640 : i32
    %mul3A_2997 = arith.muli %arg1, %mul3A_2996 : i32
    %add3A_2998 = arith.constant 240 : i32
    %add3A_2999 = arith.addi %mul3A_2997, %add3A_2998 : i32
    %dma_wait3A_3000 = arith.constant 0 : i32
    %dma_wait3A_3001 = arith.constant 0 : i32
    %dma_wait3A_3002 = arith.constant 0 : i32
    %dma_wait3A_3003 = arith.constant 0 : i32
    %dma_wait3A_3004 = tpu.memref_slice %arg6[%dma_wait3A_3000, %dma_wait3A_3002, %dma_wait3A_3003] : memref<5x40x128xf32, #tpu.memory_space<vmem>> -> memref<1x40x128xf32, #tpu.memory_space<vmem>>
    %dma_wait3A_3005 = tpu.memref_squeeze %dma_wait3A_3004 : memref<1x40x128xf32, #tpu.memory_space<vmem>> -> memref<40x128xf32, #tpu.memory_space<vmem>>
    %dma_wait3A_3006 = arith.constant 0 : i32
    %dma_wait3A_3007 = tpu.memref_slice %arg7[%add3A_2999, %dma_wait3A_3006] : memref<10240x128xf32, #tpu.memory_space<vmem_shared>> -> memref<40x128xf32, #tpu.memory_space<vmem_shared>>
    %dma_wait3A_3008 = tpu.memref_slice %arg8[%dma_wait3A_3001] : memref<5x!tpu.dma_semaphore, #tpu.memory_space<semaphore_mem>> -> memref<1x!tpu.dma_semaphore, #tpu.memory_space<semaphore_mem>>
    %dma_wait3A_3009 = tpu.memref_squeeze %dma_wait3A_3008 : memref<1x!tpu.dma_semaphore, #tpu.memory_space<semaphore_mem>> -> memref<!tpu.dma_semaphore, #tpu.memory_space<semaphore_mem>>
    %dma_wait3A_3010 = arith.constant 0 : i32
    %dma_wait3A_3011 = tpu.memref_slice %arg7[%add3A_2999, %dma_wait3A_3010] : memref<10240x128xf32, #tpu.memory_space<vmem_shared>> -> memref<40x128xf32, #tpu.memory_space<vmem_shared>>
    %dma_wait3A_3012 = arith.constant 0 : i32
    %dma_wait3A_3013 = arith.constant 0 : i32
    %dma_wait3A_3014 = tpu.memref_slice %arg6[%dma_wait3A_3000, %dma_wait3A_3012, %dma_wait3A_3013] : memref<5x40x128xf32, #tpu.memory_space<vmem>> -> memref<1x40x128xf32, #tpu.memory_space<vmem>>
    %dma_wait3A_3015 = tpu.memref_squeeze %dma_wait3A_3014 : memref<1x40x128xf32, #tpu.memory_space<vmem>> -> memref<40x128xf32, #tpu.memory_space<vmem>>
    tpu.wait_dma2 semaphore(%dma_wait3A_3009 : memref<!tpu.dma_semaphore, #tpu.memory_space<semaphore_mem>>) src(%dma_wait3A_3015 : memref<40x128xf32, #tpu.memory_space<vmem>>) dst(%dma_wait3A_3011 : memref<40x128xf32, #tpu.memory_space<vmem_shared>>)
    %mul3A_3016 = arith.constant 640 : i32
    %mul3A_3017 = arith.muli %arg1, %mul3A_3016 : i32
    %add3A_3018 = arith.constant 280 : i32
    %add3A_3019 = arith.addi %mul3A_3017, %add3A_3018 : i32
    %dma_wait3A_3020 = arith.constant 0 : i32
    %dma_wait3A_3021 = arith.constant 0 : i32
    %dma_wait3A_3022 = arith.constant 0 : i32
    %dma_wait3A_3023 = arith.constant 0 : i32
    %dma_wait3A_3024 = tpu.memref_slice %arg6[%dma_wait3A_3020, %dma_wait3A_3022, %dma_wait3A_3023] : memref<5x40x128xf32, #tpu.memory_space<vmem>> -> memref<1x40x128xf32, #tpu.memory_space<vmem>>
    %dma_wait3A_3025 = tpu.memref_squeeze %dma_wait3A_3024 : memref<1x40x128xf32, #tpu.memory_space<vmem>> -> memref<40x128xf32, #tpu.memory_space<vmem>>
    %dma_wait3A_3026 = arith.constant 0 : i32
    %dma_wait3A_3027 = tpu.memref_slice %arg7[%add3A_3019, %dma_wait3A_3026] : memref<10240x128xf32, #tpu.memory_space<vmem_shared>> -> memref<40x128xf32, #tpu.memory_space<vmem_shared>>
    %dma_wait3A_3028 = tpu.memref_slice %arg8[%dma_wait3A_3021] : memref<5x!tpu.dma_semaphore, #tpu.memory_space<semaphore_mem>> -> memref<1x!tpu.dma_semaphore, #tpu.memory_space<semaphore_mem>>
    %dma_wait3A_3029 = tpu.memref_squeeze %dma_wait3A_3028 : memref<1x!tpu.dma_semaphore, #tpu.memory_space<semaphore_mem>> -> memref<!tpu.dma_semaphore, #tpu.memory_space<semaphore_mem>>
    %dma_wait3A_3030 = arith.constant 0 : i32
    %dma_wait3A_3031 = tpu.memref_slice %arg7[%add3A_3019, %dma_wait3A_3030] : memref<10240x128xf32, #tpu.memory_space<vmem_shared>> -> memref<40x128xf32, #tpu.memory_space<vmem_shared>>
    %dma_wait3A_3032 = arith.constant 0 : i32
    %dma_wait3A_3033 = arith.constant 0 : i32
    %dma_wait3A_3034 = tpu.memref_slice %arg6[%dma_wait3A_3020, %dma_wait3A_3032, %dma_wait3A_3033] : memref<5x40x128xf32, #tpu.memory_space<vmem>> -> memref<1x40x128xf32, #tpu.memory_space<vmem>>
    %dma_wait3A_3035 = tpu.memref_squeeze %dma_wait3A_3034 : memref<1x40x128xf32, #tpu.memory_space<vmem>> -> memref<40x128xf32, #tpu.memory_space<vmem>>
    tpu.wait_dma2 semaphore(%dma_wait3A_3029 : memref<!tpu.dma_semaphore, #tpu.memory_space<semaphore_mem>>) src(%dma_wait3A_3035 : memref<40x128xf32, #tpu.memory_space<vmem>>) dst(%dma_wait3A_3031 : memref<40x128xf32, #tpu.memory_space<vmem_shared>>)
    %mul3A_3036 = arith.constant 640 : i32
    %mul3A_3037 = arith.muli %arg1, %mul3A_3036 : i32
    %add3A_3038 = arith.constant 320 : i32
    %add3A_3039 = arith.addi %mul3A_3037, %add3A_3038 : i32
    %dma_wait3A_3040 = arith.constant 0 : i32
    %dma_wait3A_3041 = arith.constant 0 : i32
    %dma_wait3A_3042 = arith.constant 0 : i32
    %dma_wait3A_3043 = arith.constant 0 : i32
    %dma_wait3A_3044 = tpu.memref_slice %arg6[%dma_wait3A_3040, %dma_wait3A_3042, %dma_wait3A_3043] : memref<5x40x128xf32, #tpu.memory_space<vmem>> -> memref<1x40x128xf32, #tpu.memory_space<vmem>>
    %dma_wait3A_3045 = tpu.memref_squeeze %dma_wait3A_3044 : memref<1x40x128xf32, #tpu.memory_space<vmem>> -> memref<40x128xf32, #tpu.memory_space<vmem>>
    %dma_wait3A_3046 = arith.constant 0 : i32
    %dma_wait3A_3047 = tpu.memref_slice %arg7[%add3A_3039, %dma_wait3A_3046] : memref<10240x128xf32, #tpu.memory_space<vmem_shared>> -> memref<40x128xf32, #tpu.memory_space<vmem_shared>>
    %dma_wait3A_3048 = tpu.memref_slice %arg8[%dma_wait3A_3041] : memref<5x!tpu.dma_semaphore, #tpu.memory_space<semaphore_mem>> -> memref<1x!tpu.dma_semaphore, #tpu.memory_space<semaphore_mem>>
    %dma_wait3A_3049 = tpu.memref_squeeze %dma_wait3A_3048 : memref<1x!tpu.dma_semaphore, #tpu.memory_space<semaphore_mem>> -> memref<!tpu.dma_semaphore, #tpu.memory_space<semaphore_mem>>
    %dma_wait3A_3050 = arith.constant 0 : i32
    %dma_wait3A_3051 = tpu.memref_slice %arg7[%add3A_3039, %dma_wait3A_3050] : memref<10240x128xf32, #tpu.memory_space<vmem_shared>> -> memref<40x128xf32, #tpu.memory_space<vmem_shared>>
    %dma_wait3A_3052 = arith.constant 0 : i32
    %dma_wait3A_3053 = arith.constant 0 : i32
    %dma_wait3A_3054 = tpu.memref_slice %arg6[%dma_wait3A_3040, %dma_wait3A_3052, %dma_wait3A_3053] : memref<5x40x128xf32, #tpu.memory_space<vmem>> -> memref<1x40x128xf32, #tpu.memory_space<vmem>>
    %dma_wait3A_3055 = tpu.memref_squeeze %dma_wait3A_3054 : memref<1x40x128xf32, #tpu.memory_space<vmem>> -> memref<40x128xf32, #tpu.memory_space<vmem>>
    tpu.wait_dma2 semaphore(%dma_wait3A_3049 : memref<!tpu.dma_semaphore, #tpu.memory_space<semaphore_mem>>) src(%dma_wait3A_3055 : memref<40x128xf32, #tpu.memory_space<vmem>>) dst(%dma_wait3A_3051 : memref<40x128xf32, #tpu.memory_space<vmem_shared>>)
    %mul3A_3056 = arith.constant 640 : i32
    %mul3A_3057 = arith.muli %arg1, %mul3A_3056 : i32
    %add3A_3058 = arith.constant 360 : i32
    %add3A_3059 = arith.addi %mul3A_3057, %add3A_3058 : i32
    %dma_wait3A_3060 = arith.constant 0 : i32
    %dma_wait3A_3061 = arith.constant 0 : i32
    %dma_wait3A_3062 = arith.constant 0 : i32
    %dma_wait3A_3063 = arith.constant 0 : i32
    %dma_wait3A_3064 = tpu.memref_slice %arg6[%dma_wait3A_3060, %dma_wait3A_3062, %dma_wait3A_3063] : memref<5x40x128xf32, #tpu.memory_space<vmem>> -> memref<1x40x128xf32, #tpu.memory_space<vmem>>
    %dma_wait3A_3065 = tpu.memref_squeeze %dma_wait3A_3064 : memref<1x40x128xf32, #tpu.memory_space<vmem>> -> memref<40x128xf32, #tpu.memory_space<vmem>>
    %dma_wait3A_3066 = arith.constant 0 : i32
    %dma_wait3A_3067 = tpu.memref_slice %arg7[%add3A_3059, %dma_wait3A_3066] : memref<10240x128xf32, #tpu.memory_space<vmem_shared>> -> memref<40x128xf32, #tpu.memory_space<vmem_shared>>
    %dma_wait3A_3068 = tpu.memref_slice %arg8[%dma_wait3A_3061] : memref<5x!tpu.dma_semaphore, #tpu.memory_space<semaphore_mem>> -> memref<1x!tpu.dma_semaphore, #tpu.memory_space<semaphore_mem>>
    %dma_wait3A_3069 = tpu.memref_squeeze %dma_wait3A_3068 : memref<1x!tpu.dma_semaphore, #tpu.memory_space<semaphore_mem>> -> memref<!tpu.dma_semaphore, #tpu.memory_space<semaphore_mem>>
    %dma_wait3A_3070 = arith.constant 0 : i32
    %dma_wait3A_3071 = tpu.memref_slice %arg7[%add3A_3059, %dma_wait3A_3070] : memref<10240x128xf32, #tpu.memory_space<vmem_shared>> -> memref<40x128xf32, #tpu.memory_space<vmem_shared>>
    %dma_wait3A_3072 = arith.constant 0 : i32
    %dma_wait3A_3073 = arith.constant 0 : i32
    %dma_wait3A_3074 = tpu.memref_slice %arg6[%dma_wait3A_3060, %dma_wait3A_3072, %dma_wait3A_3073] : memref<5x40x128xf32, #tpu.memory_space<vmem>> -> memref<1x40x128xf32, #tpu.memory_space<vmem>>
    %dma_wait3A_3075 = tpu.memref_squeeze %dma_wait3A_3074 : memref<1x40x128xf32, #tpu.memory_space<vmem>> -> memref<40x128xf32, #tpu.memory_space<vmem>>
    tpu.wait_dma2 semaphore(%dma_wait3A_3069 : memref<!tpu.dma_semaphore, #tpu.memory_space<semaphore_mem>>) src(%dma_wait3A_3075 : memref<40x128xf32, #tpu.memory_space<vmem>>) dst(%dma_wait3A_3071 : memref<40x128xf32, #tpu.memory_space<vmem_shared>>)
    %mul3A_3076 = arith.constant 640 : i32
    %mul3A_3077 = arith.muli %arg1, %mul3A_3076 : i32
    %add3A_3078 = arith.constant 400 : i32
    %add3A_3079 = arith.addi %mul3A_3077, %add3A_3078 : i32
    %dma_wait3A_3080 = arith.constant 0 : i32
    %dma_wait3A_3081 = arith.constant 0 : i32
    %dma_wait3A_3082 = arith.constant 0 : i32
    %dma_wait3A_3083 = arith.constant 0 : i32
    %dma_wait3A_3084 = tpu.memref_slice %arg6[%dma_wait3A_3080, %dma_wait3A_3082, %dma_wait3A_3083] : memref<5x40x128xf32, #tpu.memory_space<vmem>> -> memref<1x40x128xf32, #tpu.memory_space<vmem>>
    %dma_wait3A_3085 = tpu.memref_squeeze %dma_wait3A_3084 : memref<1x40x128xf32, #tpu.memory_space<vmem>> -> memref<40x128xf32, #tpu.memory_space<vmem>>
    %dma_wait3A_3086 = arith.constant 0 : i32
    %dma_wait3A_3087 = tpu.memref_slice %arg7[%add3A_3079, %dma_wait3A_3086] : memref<10240x128xf32, #tpu.memory_space<vmem_shared>> -> memref<40x128xf32, #tpu.memory_space<vmem_shared>>
    %dma_wait3A_3088 = tpu.memref_slice %arg8[%dma_wait3A_3081] : memref<5x!tpu.dma_semaphore, #tpu.memory_space<semaphore_mem>> -> memref<1x!tpu.dma_semaphore, #tpu.memory_space<semaphore_mem>>
    %dma_wait3A_3089 = tpu.memref_squeeze %dma_wait3A_3088 : memref<1x!tpu.dma_semaphore, #tpu.memory_space<semaphore_mem>> -> memref<!tpu.dma_semaphore, #tpu.memory_space<semaphore_mem>>
    %dma_wait3A_3090 = arith.constant 0 : i32
    %dma_wait3A_3091 = tpu.memref_slice %arg7[%add3A_3079, %dma_wait3A_3090] : memref<10240x128xf32, #tpu.memory_space<vmem_shared>> -> memref<40x128xf32, #tpu.memory_space<vmem_shared>>
    %dma_wait3A_3092 = arith.constant 0 : i32
    %dma_wait3A_3093 = arith.constant 0 : i32
    %dma_wait3A_3094 = tpu.memref_slice %arg6[%dma_wait3A_3080, %dma_wait3A_3092, %dma_wait3A_3093] : memref<5x40x128xf32, #tpu.memory_space<vmem>> -> memref<1x40x128xf32, #tpu.memory_space<vmem>>
    %dma_wait3A_3095 = tpu.memref_squeeze %dma_wait3A_3094 : memref<1x40x128xf32, #tpu.memory_space<vmem>> -> memref<40x128xf32, #tpu.memory_space<vmem>>
    tpu.wait_dma2 semaphore(%dma_wait3A_3089 : memref<!tpu.dma_semaphore, #tpu.memory_space<semaphore_mem>>) src(%dma_wait3A_3095 : memref<40x128xf32, #tpu.memory_space<vmem>>) dst(%dma_wait3A_3091 : memref<40x128xf32, #tpu.memory_space<vmem_shared>>)
    %mul3A_3096 = arith.constant 640 : i32
    %mul3A_3097 = arith.muli %arg1, %mul3A_3096 : i32
    %add3A_3098 = arith.constant 440 : i32
    %add3A_3099 = arith.addi %mul3A_3097, %add3A_3098 : i32
    %dma_wait3A_3100 = arith.constant 0 : i32
    %dma_wait3A_3101 = arith.constant 0 : i32
    %dma_wait3A_3102 = arith.constant 0 : i32
    %dma_wait3A_3103 = arith.constant 0 : i32
    %dma_wait3A_3104 = tpu.memref_slice %arg6[%dma_wait3A_3100, %dma_wait3A_3102, %dma_wait3A_3103] : memref<5x40x128xf32, #tpu.memory_space<vmem>> -> memref<1x40x128xf32, #tpu.memory_space<vmem>>
    %dma_wait3A_3105 = tpu.memref_squeeze %dma_wait3A_3104 : memref<1x40x128xf32, #tpu.memory_space<vmem>> -> memref<40x128xf32, #tpu.memory_space<vmem>>
    %dma_wait3A_3106 = arith.constant 0 : i32
    %dma_wait3A_3107 = tpu.memref_slice %arg7[%add3A_3099, %dma_wait3A_3106] : memref<10240x128xf32, #tpu.memory_space<vmem_shared>> -> memref<40x128xf32, #tpu.memory_space<vmem_shared>>
    %dma_wait3A_3108 = tpu.memref_slice %arg8[%dma_wait3A_3101] : memref<5x!tpu.dma_semaphore, #tpu.memory_space<semaphore_mem>> -> memref<1x!tpu.dma_semaphore, #tpu.memory_space<semaphore_mem>>
    %dma_wait3A_3109 = tpu.memref_squeeze %dma_wait3A_3108 : memref<1x!tpu.dma_semaphore, #tpu.memory_space<semaphore_mem>> -> memref<!tpu.dma_semaphore, #tpu.memory_space<semaphore_mem>>
    %dma_wait3A_3110 = arith.constant 0 : i32
    %dma_wait3A_3111 = tpu.memref_slice %arg7[%add3A_3099, %dma_wait3A_3110] : memref<10240x128xf32, #tpu.memory_space<vmem_shared>> -> memref<40x128xf32, #tpu.memory_space<vmem_shared>>
    %dma_wait3A_3112 = arith.constant 0 : i32
    %dma_wait3A_3113 = arith.constant 0 : i32
    %dma_wait3A_3114 = tpu.memref_slice %arg6[%dma_wait3A_3100, %dma_wait3A_3112, %dma_wait3A_3113] : memref<5x40x128xf32, #tpu.memory_space<vmem>> -> memref<1x40x128xf32, #tpu.memory_space<vmem>>
    %dma_wait3A_3115 = tpu.memref_squeeze %dma_wait3A_3114 : memref<1x40x128xf32, #tpu.memory_space<vmem>> -> memref<40x128xf32, #tpu.memory_space<vmem>>
    tpu.wait_dma2 semaphore(%dma_wait3A_3109 : memref<!tpu.dma_semaphore, #tpu.memory_space<semaphore_mem>>) src(%dma_wait3A_3115 : memref<40x128xf32, #tpu.memory_space<vmem>>) dst(%dma_wait3A_3111 : memref<40x128xf32, #tpu.memory_space<vmem_shared>>)
    %mul3A_3116 = arith.constant 640 : i32
    %mul3A_3117 = arith.muli %arg1, %mul3A_3116 : i32
    %add3A_3118 = arith.constant 480 : i32
    %add3A_3119 = arith.addi %mul3A_3117, %add3A_3118 : i32
    %dma_wait3A_3120 = arith.constant 0 : i32
    %dma_wait3A_3121 = arith.constant 0 : i32
    %dma_wait3A_3122 = arith.constant 0 : i32
    %dma_wait3A_3123 = arith.constant 0 : i32
    %dma_wait3A_3124 = tpu.memref_slice %arg6[%dma_wait3A_3120, %dma_wait3A_3122, %dma_wait3A_3123] : memref<5x40x128xf32, #tpu.memory_space<vmem>> -> memref<1x40x128xf32, #tpu.memory_space<vmem>>
    %dma_wait3A_3125 = tpu.memref_squeeze %dma_wait3A_3124 : memref<1x40x128xf32, #tpu.memory_space<vmem>> -> memref<40x128xf32, #tpu.memory_space<vmem>>
    %dma_wait3A_3126 = arith.constant 0 : i32
    %dma_wait3A_3127 = tpu.memref_slice %arg7[%add3A_3119, %dma_wait3A_3126] : memref<10240x128xf32, #tpu.memory_space<vmem_shared>> -> memref<40x128xf32, #tpu.memory_space<vmem_shared>>
    %dma_wait3A_3128 = tpu.memref_slice %arg8[%dma_wait3A_3121] : memref<5x!tpu.dma_semaphore, #tpu.memory_space<semaphore_mem>> -> memref<1x!tpu.dma_semaphore, #tpu.memory_space<semaphore_mem>>
    %dma_wait3A_3129 = tpu.memref_squeeze %dma_wait3A_3128 : memref<1x!tpu.dma_semaphore, #tpu.memory_space<semaphore_mem>> -> memref<!tpu.dma_semaphore, #tpu.memory_space<semaphore_mem>>
    %dma_wait3A_3130 = arith.constant 0 : i32
    %dma_wait3A_3131 = tpu.memref_slice %arg7[%add3A_3119, %dma_wait3A_3130] : memref<10240x128xf32, #tpu.memory_space<vmem_shared>> -> memref<40x128xf32, #tpu.memory_space<vmem_shared>>
    %dma_wait3A_3132 = arith.constant 0 : i32
    %dma_wait3A_3133 = arith.constant 0 : i32
    %dma_wait3A_3134 = tpu.memref_slice %arg6[%dma_wait3A_3120, %dma_wait3A_3132, %dma_wait3A_3133] : memref<5x40x128xf32, #tpu.memory_space<vmem>> -> memref<1x40x128xf32, #tpu.memory_space<vmem>>
    %dma_wait3A_3135 = tpu.memref_squeeze %dma_wait3A_3134 : memref<1x40x128xf32, #tpu.memory_space<vmem>> -> memref<40x128xf32, #tpu.memory_space<vmem>>
    tpu.wait_dma2 semaphore(%dma_wait3A_3129 : memref<!tpu.dma_semaphore, #tpu.memory_space<semaphore_mem>>) src(%dma_wait3A_3135 : memref<40x128xf32, #tpu.memory_space<vmem>>) dst(%dma_wait3A_3131 : memref<40x128xf32, #tpu.memory_space<vmem_shared>>)
    %mul3A_3136 = arith.constant 640 : i32
    %mul3A_3137 = arith.muli %arg1, %mul3A_3136 : i32
    %add3A_3138 = arith.constant 520 : i32
    %add3A_3139 = arith.addi %mul3A_3137, %add3A_3138 : i32
    %dma_wait3A_3140 = arith.constant 0 : i32
    %dma_wait3A_3141 = arith.constant 0 : i32
    %dma_wait3A_3142 = arith.constant 0 : i32
    %dma_wait3A_3143 = arith.constant 0 : i32
    %dma_wait3A_3144 = tpu.memref_slice %arg6[%dma_wait3A_3140, %dma_wait3A_3142, %dma_wait3A_3143] : memref<5x40x128xf32, #tpu.memory_space<vmem>> -> memref<1x40x128xf32, #tpu.memory_space<vmem>>
    %dma_wait3A_3145 = tpu.memref_squeeze %dma_wait3A_3144 : memref<1x40x128xf32, #tpu.memory_space<vmem>> -> memref<40x128xf32, #tpu.memory_space<vmem>>
    %dma_wait3A_3146 = arith.constant 0 : i32
    %dma_wait3A_3147 = tpu.memref_slice %arg7[%add3A_3139, %dma_wait3A_3146] : memref<10240x128xf32, #tpu.memory_space<vmem_shared>> -> memref<40x128xf32, #tpu.memory_space<vmem_shared>>
    %dma_wait3A_3148 = tpu.memref_slice %arg8[%dma_wait3A_3141] : memref<5x!tpu.dma_semaphore, #tpu.memory_space<semaphore_mem>> -> memref<1x!tpu.dma_semaphore, #tpu.memory_space<semaphore_mem>>
    %dma_wait3A_3149 = tpu.memref_squeeze %dma_wait3A_3148 : memref<1x!tpu.dma_semaphore, #tpu.memory_space<semaphore_mem>> -> memref<!tpu.dma_semaphore, #tpu.memory_space<semaphore_mem>>
    %dma_wait3A_3150 = arith.constant 0 : i32
    %dma_wait3A_3151 = tpu.memref_slice %arg7[%add3A_3139, %dma_wait3A_3150] : memref<10240x128xf32, #tpu.memory_space<vmem_shared>> -> memref<40x128xf32, #tpu.memory_space<vmem_shared>>
    %dma_wait3A_3152 = arith.constant 0 : i32
    %dma_wait3A_3153 = arith.constant 0 : i32
    %dma_wait3A_3154 = tpu.memref_slice %arg6[%dma_wait3A_3140, %dma_wait3A_3152, %dma_wait3A_3153] : memref<5x40x128xf32, #tpu.memory_space<vmem>> -> memref<1x40x128xf32, #tpu.memory_space<vmem>>
    %dma_wait3A_3155 = tpu.memref_squeeze %dma_wait3A_3154 : memref<1x40x128xf32, #tpu.memory_space<vmem>> -> memref<40x128xf32, #tpu.memory_space<vmem>>
    tpu.wait_dma2 semaphore(%dma_wait3A_3149 : memref<!tpu.dma_semaphore, #tpu.memory_space<semaphore_mem>>) src(%dma_wait3A_3155 : memref<40x128xf32, #tpu.memory_space<vmem>>) dst(%dma_wait3A_3151 : memref<40x128xf32, #tpu.memory_space<vmem_shared>>)
    %mul3A_3156 = arith.constant 640 : i32
    %mul3A_3157 = arith.muli %arg1, %mul3A_3156 : i32
    %add3A_3158 = arith.constant 560 : i32
    %add3A_3159 = arith.addi %mul3A_3157, %add3A_3158 : i32
    %dma_wait3A_3160 = arith.constant 0 : i32
    %dma_wait3A_3161 = arith.constant 0 : i32
    %dma_wait3A_3162 = arith.constant 0 : i32
    %dma_wait3A_3163 = arith.constant 0 : i32
    %dma_wait3A_3164 = tpu.memref_slice %arg6[%dma_wait3A_3160, %dma_wait3A_3162, %dma_wait3A_3163] : memref<5x40x128xf32, #tpu.memory_space<vmem>> -> memref<1x40x128xf32, #tpu.memory_space<vmem>>
    %dma_wait3A_3165 = tpu.memref_squeeze %dma_wait3A_3164 : memref<1x40x128xf32, #tpu.memory_space<vmem>> -> memref<40x128xf32, #tpu.memory_space<vmem>>
    %dma_wait3A_3166 = arith.constant 0 : i32
    %dma_wait3A_3167 = tpu.memref_slice %arg7[%add3A_3159, %dma_wait3A_3166] : memref<10240x128xf32, #tpu.memory_space<vmem_shared>> -> memref<40x128xf32, #tpu.memory_space<vmem_shared>>
    %dma_wait3A_3168 = tpu.memref_slice %arg8[%dma_wait3A_3161] : memref<5x!tpu.dma_semaphore, #tpu.memory_space<semaphore_mem>> -> memref<1x!tpu.dma_semaphore, #tpu.memory_space<semaphore_mem>>
    %dma_wait3A_3169 = tpu.memref_squeeze %dma_wait3A_3168 : memref<1x!tpu.dma_semaphore, #tpu.memory_space<semaphore_mem>> -> memref<!tpu.dma_semaphore, #tpu.memory_space<semaphore_mem>>
    %dma_wait3A_3170 = arith.constant 0 : i32
    %dma_wait3A_3171 = tpu.memref_slice %arg7[%add3A_3159, %dma_wait3A_3170] : memref<10240x128xf32, #tpu.memory_space<vmem_shared>> -> memref<40x128xf32, #tpu.memory_space<vmem_shared>>
    %dma_wait3A_3172 = arith.constant 0 : i32
    %dma_wait3A_3173 = arith.constant 0 : i32
    %dma_wait3A_3174 = tpu.memref_slice %arg6[%dma_wait3A_3160, %dma_wait3A_3172, %dma_wait3A_3173] : memref<5x40x128xf32, #tpu.memory_space<vmem>> -> memref<1x40x128xf32, #tpu.memory_space<vmem>>
    %dma_wait3A_3175 = tpu.memref_squeeze %dma_wait3A_3174 : memref<1x40x128xf32, #tpu.memory_space<vmem>> -> memref<40x128xf32, #tpu.memory_space<vmem>>
    tpu.wait_dma2 semaphore(%dma_wait3A_3169 : memref<!tpu.dma_semaphore, #tpu.memory_space<semaphore_mem>>) src(%dma_wait3A_3175 : memref<40x128xf32, #tpu.memory_space<vmem>>) dst(%dma_wait3A_3171 : memref<40x128xf32, #tpu.memory_space<vmem_shared>>)
    %mul3A_3176 = arith.constant 640 : i32
    %mul3A_3177 = arith.muli %arg1, %mul3A_3176 : i32
    %add3A_3178 = arith.constant 600 : i32
    %add3A_3179 = arith.addi %mul3A_3177, %add3A_3178 : i32
    %dma_wait3A_3180 = arith.constant 0 : i32
    %dma_wait3A_3181 = arith.constant 0 : i32
    %dma_wait3A_3182 = arith.constant 0 : i32
    %dma_wait3A_3183 = arith.constant 0 : i32
    %dma_wait3A_3184 = tpu.memref_slice %arg6[%dma_wait3A_3180, %dma_wait3A_3182, %dma_wait3A_3183] : memref<5x40x128xf32, #tpu.memory_space<vmem>> -> memref<1x40x128xf32, #tpu.memory_space<vmem>>
    %dma_wait3A_3185 = tpu.memref_squeeze %dma_wait3A_3184 : memref<1x40x128xf32, #tpu.memory_space<vmem>> -> memref<40x128xf32, #tpu.memory_space<vmem>>
    %dma_wait3A_3186 = arith.constant 0 : i32
    %dma_wait3A_3187 = tpu.memref_slice %arg7[%add3A_3179, %dma_wait3A_3186] : memref<10240x128xf32, #tpu.memory_space<vmem_shared>> -> memref<40x128xf32, #tpu.memory_space<vmem_shared>>
    %dma_wait3A_3188 = tpu.memref_slice %arg8[%dma_wait3A_3181] : memref<5x!tpu.dma_semaphore, #tpu.memory_space<semaphore_mem>> -> memref<1x!tpu.dma_semaphore, #tpu.memory_space<semaphore_mem>>
    %dma_wait3A_3189 = tpu.memref_squeeze %dma_wait3A_3188 : memref<1x!tpu.dma_semaphore, #tpu.memory_space<semaphore_mem>> -> memref<!tpu.dma_semaphore, #tpu.memory_space<semaphore_mem>>
    %dma_wait3A_3190 = arith.constant 0 : i32
    %dma_wait3A_3191 = tpu.memref_slice %arg7[%add3A_3179, %dma_wait3A_3190] : memref<10240x128xf32, #tpu.memory_space<vmem_shared>> -> memref<40x128xf32, #tpu.memory_space<vmem_shared>>
    %dma_wait3A_3192 = arith.constant 0 : i32
    %dma_wait3A_3193 = arith.constant 0 : i32
    %dma_wait3A_3194 = tpu.memref_slice %arg6[%dma_wait3A_3180, %dma_wait3A_3192, %dma_wait3A_3193] : memref<5x40x128xf32, #tpu.memory_space<vmem>> -> memref<1x40x128xf32, #tpu.memory_space<vmem>>
    %dma_wait3A_3195 = tpu.memref_squeeze %dma_wait3A_3194 : memref<1x40x128xf32, #tpu.memory_space<vmem>> -> memref<40x128xf32, #tpu.memory_space<vmem>>
    tpu.wait_dma2 semaphore(%dma_wait3A_3189 : memref<!tpu.dma_semaphore, #tpu.memory_space<semaphore_mem>>) src(%dma_wait3A_3195 : memref<40x128xf32, #tpu.memory_space<vmem>>) dst(%dma_wait3A_3191 : memref<40x128xf32, #tpu.memory_space<vmem_shared>>)
    %barrier3A = arith.constant 0 : index
    tpu.barrier barrier_id(%barrier3A)
    %mul3A_3196 = arith.constant 16 : i32
    %mul3A_3197 = arith.muli %arg0, %mul3A_3196 : i32
    %add3A_3198 = arith.addi %mul3A_3197, %arg1 : i32
    %mul3A_3199 = arith.constant 10000 : i32
    %mul3A_3200 = arith.muli %add3A_3198, %mul3A_3199 : i32
    %add3A_3201 = arith.constant 320000 : i32
    %add3A_3202 = arith.addi %add3A_3201, %mul3A_3200 : i32
    %add3A_3203 = arith.constant 0 : i32
    %add3A_3204 = arith.addi %add3A_3202, %add3A_3203 : i32
    %dma_start3A_3205 = arith.constant 0 : i32
    %dma_start3A_3206 = arith.constant 0 : i32
    %dma_start3A_3207 = arith.constant 0 : i32
    %dma_start3A_3208 = tpu.memref_slice %arg5[%dma_start3A_3205, %dma_start3A_3207] : memref<5x40xi32, #tpu.memory_space<vmem>> -> memref<1x40xi32, #tpu.memory_space<vmem>>
    %dma_start3A_3209 = tpu.memref_squeeze %dma_start3A_3208 : memref<1x40xi32, #tpu.memory_space<vmem>> -> memref<40xi32, #tpu.memory_space<vmem>>
    %dma_start3A_3210 = tpu.memref_slice %arg2[%add3A_3204] : memref<640000xi32, #tpu.memory_space<hbm>> -> memref<40xi32, #tpu.memory_space<hbm>>
    %dma_start3A_3211 = tpu.memref_slice %arg8[%dma_start3A_3206] : memref<5x!tpu.dma_semaphore, #tpu.memory_space<semaphore_mem>> -> memref<1x!tpu.dma_semaphore, #tpu.memory_space<semaphore_mem>>
    %dma_start3A_3212 = tpu.memref_squeeze %dma_start3A_3211 : memref<1x!tpu.dma_semaphore, #tpu.memory_space<semaphore_mem>> -> memref<!tpu.dma_semaphore, #tpu.memory_space<semaphore_mem>>
    %dma_start3A_3213 = arith.constant 0 : i32
    %dma_start3A_3214 = tpu.memref_slice %arg5[%dma_start3A_3205, %dma_start3A_3213] : memref<5x40xi32, #tpu.memory_space<vmem>> -> memref<1x40xi32, #tpu.memory_space<vmem>>
    %dma_start3A_3215 = tpu.memref_squeeze %dma_start3A_3214 : memref<1x40xi32, #tpu.memory_space<vmem>> -> memref<40xi32, #tpu.memory_space<vmem>>
    %dma_start3A_3216 = tpu.memref_slice %arg2[%add3A_3204] : memref<640000xi32, #tpu.memory_space<hbm>> -> memref<40xi32, #tpu.memory_space<hbm>>
    tpu.enqueue_dma source(%dma_start3A_3216 : memref<40xi32, #tpu.memory_space<hbm>>) target(%dma_start3A_3215 : memref<40xi32, #tpu.memory_space<vmem>>) target_semaphore(%dma_start3A_3212 : memref<!tpu.dma_semaphore, #tpu.memory_space<semaphore_mem>>)
    %add3A_3217 = arith.constant 0 : i32
    %add3A_3218 = arith.addi %mul3A_3200, %add3A_3217 : i32
    %dma_start3A_3219 = arith.constant 0 : i32
    %dma_start3A_3220 = arith.constant 0 : i32
    %dma_start3A_3221 = arith.constant 0 : i32
    %dma_start3A_3222 = arith.constant 0 : i32
    %dma_start3A_3223 = tpu.memref_slice %arg6[%dma_start3A_3219, %dma_start3A_3221, %dma_start3A_3222] : memref<5x40x128xf32, #tpu.memory_space<vmem>> -> memref<1x40x128xf32, #tpu.memory_space<vmem>>
    %dma_start3A_3224 = tpu.memref_squeeze %dma_start3A_3223 : memref<1x40x128xf32, #tpu.memory_space<vmem>> -> memref<40x128xf32, #tpu.memory_space<vmem>>
    %dma_start3A_3225 = arith.constant 0 : i32
    %dma_start3A_3226 = tpu.memref_slice %arg3[%add3A_3218, %dma_start3A_3225] : memref<320000x128xf32, #tpu.memory_space<hbm>> -> memref<40x128xf32, #tpu.memory_space<hbm>>
    %dma_start3A_3227 = tpu.memref_slice %arg9[%dma_start3A_3220] : memref<5x!tpu.dma_semaphore, #tpu.memory_space<semaphore_mem>> -> memref<1x!tpu.dma_semaphore, #tpu.memory_space<semaphore_mem>>
    %dma_start3A_3228 = tpu.memref_squeeze %dma_start3A_3227 : memref<1x!tpu.dma_semaphore, #tpu.memory_space<semaphore_mem>> -> memref<!tpu.dma_semaphore, #tpu.memory_space<semaphore_mem>>
    %dma_start3A_3229 = arith.constant 0 : i32
    %dma_start3A_3230 = arith.constant 0 : i32
    %dma_start3A_3231 = tpu.memref_slice %arg6[%dma_start3A_3219, %dma_start3A_3229, %dma_start3A_3230] : memref<5x40x128xf32, #tpu.memory_space<vmem>> -> memref<1x40x128xf32, #tpu.memory_space<vmem>>
    %dma_start3A_3232 = tpu.memref_squeeze %dma_start3A_3231 : memref<1x40x128xf32, #tpu.memory_space<vmem>> -> memref<40x128xf32, #tpu.memory_space<vmem>>
    %dma_start3A_3233 = arith.constant 0 : i32
    %dma_start3A_3234 = tpu.memref_slice %arg3[%add3A_3218, %dma_start3A_3233] : memref<320000x128xf32, #tpu.memory_space<hbm>> -> memref<40x128xf32, #tpu.memory_space<hbm>>
    tpu.enqueue_dma source(%dma_start3A_3234 : memref<40x128xf32, #tpu.memory_space<hbm>>) target(%dma_start3A_3232 : memref<40x128xf32, #tpu.memory_space<vmem>>) target_semaphore(%dma_start3A_3228 : memref<!tpu.dma_semaphore, #tpu.memory_space<semaphore_mem>>)
    %add3A_3235 = arith.constant 40 : i32
    %add3A_3236 = arith.addi %add3A_3202, %add3A_3235 : i32
    %dma_start3A_3237 = arith.constant 1 : i32
    %dma_start3A_3238 = arith.constant 1 : i32
    %dma_start3A_3239 = arith.constant 0 : i32
    %dma_start3A_3240 = tpu.memref_slice %arg5[%dma_start3A_3237, %dma_start3A_3239] : memref<5x40xi32, #tpu.memory_space<vmem>> -> memref<1x40xi32, #tpu.memory_space<vmem>>
    %dma_start3A_3241 = tpu.memref_squeeze %dma_start3A_3240 : memref<1x40xi32, #tpu.memory_space<vmem>> -> memref<40xi32, #tpu.memory_space<vmem>>
    %dma_start3A_3242 = tpu.memref_slice %arg2[%add3A_3236] : memref<640000xi32, #tpu.memory_space<hbm>> -> memref<40xi32, #tpu.memory_space<hbm>>
    %dma_start3A_3243 = tpu.memref_slice %arg8[%dma_start3A_3238] : memref<5x!tpu.dma_semaphore, #tpu.memory_space<semaphore_mem>> -> memref<1x!tpu.dma_semaphore, #tpu.memory_space<semaphore_mem>>
    %dma_start3A_3244 = tpu.memref_squeeze %dma_start3A_3243 : memref<1x!tpu.dma_semaphore, #tpu.memory_space<semaphore_mem>> -> memref<!tpu.dma_semaphore, #tpu.memory_space<semaphore_mem>>
    %dma_start3A_3245 = arith.constant 0 : i32
    %dma_start3A_3246 = tpu.memref_slice %arg5[%dma_start3A_3237, %dma_start3A_3245] : memref<5x40xi32, #tpu.memory_space<vmem>> -> memref<1x40xi32, #tpu.memory_space<vmem>>
    %dma_start3A_3247 = tpu.memref_squeeze %dma_start3A_3246 : memref<1x40xi32, #tpu.memory_space<vmem>> -> memref<40xi32, #tpu.memory_space<vmem>>
    %dma_start3A_3248 = tpu.memref_slice %arg2[%add3A_3236] : memref<640000xi32, #tpu.memory_space<hbm>> -> memref<40xi32, #tpu.memory_space<hbm>>
    tpu.enqueue_dma source(%dma_start3A_3248 : memref<40xi32, #tpu.memory_space<hbm>>) target(%dma_start3A_3247 : memref<40xi32, #tpu.memory_space<vmem>>) target_semaphore(%dma_start3A_3244 : memref<!tpu.dma_semaphore, #tpu.memory_space<semaphore_mem>>)
    %add3A_3249 = arith.constant 40 : i32
    %add3A_3250 = arith.addi %mul3A_3200, %add3A_3249 : i32
    %dma_start3A_3251 = arith.constant 1 : i32
    %dma_start3A_3252 = arith.constant 1 : i32
    %dma_start3A_3253 = arith.constant 0 : i32
    %dma_start3A_3254 = arith.constant 0 : i32
    %dma_start3A_3255 = tpu.memref_slice %arg6[%dma_start3A_3251, %dma_start3A_3253, %dma_start3A_3254] : memref<5x40x128xf32, #tpu.memory_space<vmem>> -> memref<1x40x128xf32, #tpu.memory_space<vmem>>
    %dma_start3A_3256 = tpu.memref_squeeze %dma_start3A_3255 : memref<1x40x128xf32, #tpu.memory_space<vmem>> -> memref<40x128xf32, #tpu.memory_space<vmem>>
    %dma_start3A_3257 = arith.constant 0 : i32
    %dma_start3A_3258 = tpu.memref_slice %arg3[%add3A_3250, %dma_start3A_3257] : memref<320000x128xf32, #tpu.memory_space<hbm>> -> memref<40x128xf32, #tpu.memory_space<hbm>>
    %dma_start3A_3259 = tpu.memref_slice %arg9[%dma_start3A_3252] : memref<5x!tpu.dma_semaphore, #tpu.memory_space<semaphore_mem>> -> memref<1x!tpu.dma_semaphore, #tpu.memory_space<semaphore_mem>>
    %dma_start3A_3260 = tpu.memref_squeeze %dma_start3A_3259 : memref<1x!tpu.dma_semaphore, #tpu.memory_space<semaphore_mem>> -> memref<!tpu.dma_semaphore, #tpu.memory_space<semaphore_mem>>
    %dma_start3A_3261 = arith.constant 0 : i32
    %dma_start3A_3262 = arith.constant 0 : i32
    %dma_start3A_3263 = tpu.memref_slice %arg6[%dma_start3A_3251, %dma_start3A_3261, %dma_start3A_3262] : memref<5x40x128xf32, #tpu.memory_space<vmem>> -> memref<1x40x128xf32, #tpu.memory_space<vmem>>
    %dma_start3A_3264 = tpu.memref_squeeze %dma_start3A_3263 : memref<1x40x128xf32, #tpu.memory_space<vmem>> -> memref<40x128xf32, #tpu.memory_space<vmem>>
    %dma_start3A_3265 = arith.constant 0 : i32
    %dma_start3A_3266 = tpu.memref_slice %arg3[%add3A_3250, %dma_start3A_3265] : memref<320000x128xf32, #tpu.memory_space<hbm>> -> memref<40x128xf32, #tpu.memory_space<hbm>>
    tpu.enqueue_dma source(%dma_start3A_3266 : memref<40x128xf32, #tpu.memory_space<hbm>>) target(%dma_start3A_3264 : memref<40x128xf32, #tpu.memory_space<vmem>>) target_semaphore(%dma_start3A_3260 : memref<!tpu.dma_semaphore, #tpu.memory_space<semaphore_mem>>)
    %add3A_3267 = arith.constant 80 : i32
    %add3A_3268 = arith.addi %add3A_3202, %add3A_3267 : i32
    %dma_start3A_3269 = arith.constant 2 : i32
    %dma_start3A_3270 = arith.constant 2 : i32
    %dma_start3A_3271 = arith.constant 0 : i32
    %dma_start3A_3272 = tpu.memref_slice %arg5[%dma_start3A_3269, %dma_start3A_3271] : memref<5x40xi32, #tpu.memory_space<vmem>> -> memref<1x40xi32, #tpu.memory_space<vmem>>
    %dma_start3A_3273 = tpu.memref_squeeze %dma_start3A_3272 : memref<1x40xi32, #tpu.memory_space<vmem>> -> memref<40xi32, #tpu.memory_space<vmem>>
    %dma_start3A_3274 = tpu.memref_slice %arg2[%add3A_3268] : memref<640000xi32, #tpu.memory_space<hbm>> -> memref<40xi32, #tpu.memory_space<hbm>>
    %dma_start3A_3275 = tpu.memref_slice %arg8[%dma_start3A_3270] : memref<5x!tpu.dma_semaphore, #tpu.memory_space<semaphore_mem>> -> memref<1x!tpu.dma_semaphore, #tpu.memory_space<semaphore_mem>>
    %dma_start3A_3276 = tpu.memref_squeeze %dma_start3A_3275 : memref<1x!tpu.dma_semaphore, #tpu.memory_space<semaphore_mem>> -> memref<!tpu.dma_semaphore, #tpu.memory_space<semaphore_mem>>
    %dma_start3A_3277 = arith.constant 0 : i32
    %dma_start3A_3278 = tpu.memref_slice %arg5[%dma_start3A_3269, %dma_start3A_3277] : memref<5x40xi32, #tpu.memory_space<vmem>> -> memref<1x40xi32, #tpu.memory_space<vmem>>
    %dma_start3A_3279 = tpu.memref_squeeze %dma_start3A_3278 : memref<1x40xi32, #tpu.memory_space<vmem>> -> memref<40xi32, #tpu.memory_space<vmem>>
    %dma_start3A_3280 = tpu.memref_slice %arg2[%add3A_3268] : memref<640000xi32, #tpu.memory_space<hbm>> -> memref<40xi32, #tpu.memory_space<hbm>>
    tpu.enqueue_dma source(%dma_start3A_3280 : memref<40xi32, #tpu.memory_space<hbm>>) target(%dma_start3A_3279 : memref<40xi32, #tpu.memory_space<vmem>>) target_semaphore(%dma_start3A_3276 : memref<!tpu.dma_semaphore, #tpu.memory_space<semaphore_mem>>)
    %add3A_3281 = arith.constant 80 : i32
    %add3A_3282 = arith.addi %mul3A_3200, %add3A_3281 : i32
    %dma_start3A_3283 = arith.constant 2 : i32
    %dma_start3A_3284 = arith.constant 2 : i32
    %dma_start3A_3285 = arith.constant 0 : i32
    %dma_start3A_3286 = arith.constant 0 : i32
    %dma_start3A_3287 = tpu.memref_slice %arg6[%dma_start3A_3283, %dma_start3A_3285, %dma_start3A_3286] : memref<5x40x128xf32, #tpu.memory_space<vmem>> -> memref<1x40x128xf32, #tpu.memory_space<vmem>>
    %dma_start3A_3288 = tpu.memref_squeeze %dma_start3A_3287 : memref<1x40x128xf32, #tpu.memory_space<vmem>> -> memref<40x128xf32, #tpu.memory_space<vmem>>
    %dma_start3A_3289 = arith.constant 0 : i32
    %dma_start3A_3290 = tpu.memref_slice %arg3[%add3A_3282, %dma_start3A_3289] : memref<320000x128xf32, #tpu.memory_space<hbm>> -> memref<40x128xf32, #tpu.memory_space<hbm>>
    %dma_start3A_3291 = tpu.memref_slice %arg9[%dma_start3A_3284] : memref<5x!tpu.dma_semaphore, #tpu.memory_space<semaphore_mem>> -> memref<1x!tpu.dma_semaphore, #tpu.memory_space<semaphore_mem>>
    %dma_start3A_3292 = tpu.memref_squeeze %dma_start3A_3291 : memref<1x!tpu.dma_semaphore, #tpu.memory_space<semaphore_mem>> -> memref<!tpu.dma_semaphore, #tpu.memory_space<semaphore_mem>>
    %dma_start3A_3293 = arith.constant 0 : i32
    %dma_start3A_3294 = arith.constant 0 : i32
    %dma_start3A_3295 = tpu.memref_slice %arg6[%dma_start3A_3283, %dma_start3A_3293, %dma_start3A_3294] : memref<5x40x128xf32, #tpu.memory_space<vmem>> -> memref<1x40x128xf32, #tpu.memory_space<vmem>>
    %dma_start3A_3296 = tpu.memref_squeeze %dma_start3A_3295 : memref<1x40x128xf32, #tpu.memory_space<vmem>> -> memref<40x128xf32, #tpu.memory_space<vmem>>
    %dma_start3A_3297 = arith.constant 0 : i32
    %dma_start3A_3298 = tpu.memref_slice %arg3[%add3A_3282, %dma_start3A_3297] : memref<320000x128xf32, #tpu.memory_space<hbm>> -> memref<40x128xf32, #tpu.memory_space<hbm>>
    tpu.enqueue_dma source(%dma_start3A_3298 : memref<40x128xf32, #tpu.memory_space<hbm>>) target(%dma_start3A_3296 : memref<40x128xf32, #tpu.memory_space<vmem>>) target_semaphore(%dma_start3A_3292 : memref<!tpu.dma_semaphore, #tpu.memory_space<semaphore_mem>>)
    %add3A_3299 = arith.constant 120 : i32
    %add3A_3300 = arith.addi %add3A_3202, %add3A_3299 : i32
    %dma_start3A_3301 = arith.constant 3 : i32
    %dma_start3A_3302 = arith.constant 3 : i32
    %dma_start3A_3303 = arith.constant 0 : i32
    %dma_start3A_3304 = tpu.memref_slice %arg5[%dma_start3A_3301, %dma_start3A_3303] : memref<5x40xi32, #tpu.memory_space<vmem>> -> memref<1x40xi32, #tpu.memory_space<vmem>>
    %dma_start3A_3305 = tpu.memref_squeeze %dma_start3A_3304 : memref<1x40xi32, #tpu.memory_space<vmem>> -> memref<40xi32, #tpu.memory_space<vmem>>
    %dma_start3A_3306 = tpu.memref_slice %arg2[%add3A_3300] : memref<640000xi32, #tpu.memory_space<hbm>> -> memref<40xi32, #tpu.memory_space<hbm>>
    %dma_start3A_3307 = tpu.memref_slice %arg8[%dma_start3A_3302] : memref<5x!tpu.dma_semaphore, #tpu.memory_space<semaphore_mem>> -> memref<1x!tpu.dma_semaphore, #tpu.memory_space<semaphore_mem>>
    %dma_start3A_3308 = tpu.memref_squeeze %dma_start3A_3307 : memref<1x!tpu.dma_semaphore, #tpu.memory_space<semaphore_mem>> -> memref<!tpu.dma_semaphore, #tpu.memory_space<semaphore_mem>>
    %dma_start3A_3309 = arith.constant 0 : i32
    %dma_start3A_3310 = tpu.memref_slice %arg5[%dma_start3A_3301, %dma_start3A_3309] : memref<5x40xi32, #tpu.memory_space<vmem>> -> memref<1x40xi32, #tpu.memory_space<vmem>>
    %dma_start3A_3311 = tpu.memref_squeeze %dma_start3A_3310 : memref<1x40xi32, #tpu.memory_space<vmem>> -> memref<40xi32, #tpu.memory_space<vmem>>
    %dma_start3A_3312 = tpu.memref_slice %arg2[%add3A_3300] : memref<640000xi32, #tpu.memory_space<hbm>> -> memref<40xi32, #tpu.memory_space<hbm>>
    tpu.enqueue_dma source(%dma_start3A_3312 : memref<40xi32, #tpu.memory_space<hbm>>) target(%dma_start3A_3311 : memref<40xi32, #tpu.memory_space<vmem>>) target_semaphore(%dma_start3A_3308 : memref<!tpu.dma_semaphore, #tpu.memory_space<semaphore_mem>>)
    %add3A_3313 = arith.constant 120 : i32
    %add3A_3314 = arith.addi %mul3A_3200, %add3A_3313 : i32
    %dma_start3A_3315 = arith.constant 3 : i32
    %dma_start3A_3316 = arith.constant 3 : i32
    %dma_start3A_3317 = arith.constant 0 : i32
    %dma_start3A_3318 = arith.constant 0 : i32
    %dma_start3A_3319 = tpu.memref_slice %arg6[%dma_start3A_3315, %dma_start3A_3317, %dma_start3A_3318] : memref<5x40x128xf32, #tpu.memory_space<vmem>> -> memref<1x40x128xf32, #tpu.memory_space<vmem>>
    %dma_start3A_3320 = tpu.memref_squeeze %dma_start3A_3319 : memref<1x40x128xf32, #tpu.memory_space<vmem>> -> memref<40x128xf32, #tpu.memory_space<vmem>>
    %dma_start3A_3321 = arith.constant 0 : i32
    %dma_start3A_3322 = tpu.memref_slice %arg3[%add3A_3314, %dma_start3A_3321] : memref<320000x128xf32, #tpu.memory_space<hbm>> -> memref<40x128xf32, #tpu.memory_space<hbm>>
    %dma_start3A_3323 = tpu.memref_slice %arg9[%dma_start3A_3316] : memref<5x!tpu.dma_semaphore, #tpu.memory_space<semaphore_mem>> -> memref<1x!tpu.dma_semaphore, #tpu.memory_space<semaphore_mem>>
    %dma_start3A_3324 = tpu.memref_squeeze %dma_start3A_3323 : memref<1x!tpu.dma_semaphore, #tpu.memory_space<semaphore_mem>> -> memref<!tpu.dma_semaphore, #tpu.memory_space<semaphore_mem>>
    %dma_start3A_3325 = arith.constant 0 : i32
    %dma_start3A_3326 = arith.constant 0 : i32
    %dma_start3A_3327 = tpu.memref_slice %arg6[%dma_start3A_3315, %dma_start3A_3325, %dma_start3A_3326] : memref<5x40x128xf32, #tpu.memory_space<vmem>> -> memref<1x40x128xf32, #tpu.memory_space<vmem>>
    %dma_start3A_3328 = tpu.memref_squeeze %dma_start3A_3327 : memref<1x40x128xf32, #tpu.memory_space<vmem>> -> memref<40x128xf32, #tpu.memory_space<vmem>>
    %dma_start3A_3329 = arith.constant 0 : i32
    %dma_start3A_3330 = tpu.memref_slice %arg3[%add3A_3314, %dma_start3A_3329] : memref<320000x128xf32, #tpu.memory_space<hbm>> -> memref<40x128xf32, #tpu.memory_space<hbm>>
    tpu.enqueue_dma source(%dma_start3A_3330 : memref<40x128xf32, #tpu.memory_space<hbm>>) target(%dma_start3A_3328 : memref<40x128xf32, #tpu.memory_space<vmem>>) target_semaphore(%dma_start3A_3324 : memref<!tpu.dma_semaphore, #tpu.memory_space<semaphore_mem>>)
    %add3A_3331 = arith.constant 160 : i32
    %add3A_3332 = arith.addi %add3A_3202, %add3A_3331 : i32
    %dma_start3A_3333 = arith.constant 4 : i32
    %dma_start3A_3334 = arith.constant 4 : i32
    %dma_start3A_3335 = arith.constant 0 : i32
    %dma_start3A_3336 = tpu.memref_slice %arg5[%dma_start3A_3333, %dma_start3A_3335] : memref<5x40xi32, #tpu.memory_space<vmem>> -> memref<1x40xi32, #tpu.memory_space<vmem>>
    %dma_start3A_3337 = tpu.memref_squeeze %dma_start3A_3336 : memref<1x40xi32, #tpu.memory_space<vmem>> -> memref<40xi32, #tpu.memory_space<vmem>>
    %dma_start3A_3338 = tpu.memref_slice %arg2[%add3A_3332] : memref<640000xi32, #tpu.memory_space<hbm>> -> memref<40xi32, #tpu.memory_space<hbm>>
    %dma_start3A_3339 = tpu.memref_slice %arg8[%dma_start3A_3334] : memref<5x!tpu.dma_semaphore, #tpu.memory_space<semaphore_mem>> -> memref<1x!tpu.dma_semaphore, #tpu.memory_space<semaphore_mem>>
    %dma_start3A_3340 = tpu.memref_squeeze %dma_start3A_3339 : memref<1x!tpu.dma_semaphore, #tpu.memory_space<semaphore_mem>> -> memref<!tpu.dma_semaphore, #tpu.memory_space<semaphore_mem>>
    %dma_start3A_3341 = arith.constant 0 : i32
    %dma_start3A_3342 = tpu.memref_slice %arg5[%dma_start3A_3333, %dma_start3A_3341] : memref<5x40xi32, #tpu.memory_space<vmem>> -> memref<1x40xi32, #tpu.memory_space<vmem>>
    %dma_start3A_3343 = tpu.memref_squeeze %dma_start3A_3342 : memref<1x40xi32, #tpu.memory_space<vmem>> -> memref<40xi32, #tpu.memory_space<vmem>>
    %dma_start3A_3344 = tpu.memref_slice %arg2[%add3A_3332] : memref<640000xi32, #tpu.memory_space<hbm>> -> memref<40xi32, #tpu.memory_space<hbm>>
    tpu.enqueue_dma source(%dma_start3A_3344 : memref<40xi32, #tpu.memory_space<hbm>>) target(%dma_start3A_3343 : memref<40xi32, #tpu.memory_space<vmem>>) target_semaphore(%dma_start3A_3340 : memref<!tpu.dma_semaphore, #tpu.memory_space<semaphore_mem>>)
    %add3A_3345 = arith.constant 160 : i32
    %add3A_3346 = arith.addi %mul3A_3200, %add3A_3345 : i32
    %dma_start3A_3347 = arith.constant 4 : i32
    %dma_start3A_3348 = arith.constant 4 : i32
    %dma_start3A_3349 = arith.constant 0 : i32
    %dma_start3A_3350 = arith.constant 0 : i32
    %dma_start3A_3351 = tpu.memref_slice %arg6[%dma_start3A_3347, %dma_start3A_3349, %dma_start3A_3350] : memref<5x40x128xf32, #tpu.memory_space<vmem>> -> memref<1x40x128xf32, #tpu.memory_space<vmem>>
    %dma_start3A_3352 = tpu.memref_squeeze %dma_start3A_3351 : memref<1x40x128xf32, #tpu.memory_space<vmem>> -> memref<40x128xf32, #tpu.memory_space<vmem>>
    %dma_start3A_3353 = arith.constant 0 : i32
    %dma_start3A_3354 = tpu.memref_slice %arg3[%add3A_3346, %dma_start3A_3353] : memref<320000x128xf32, #tpu.memory_space<hbm>> -> memref<40x128xf32, #tpu.memory_space<hbm>>
    %dma_start3A_3355 = tpu.memref_slice %arg9[%dma_start3A_3348] : memref<5x!tpu.dma_semaphore, #tpu.memory_space<semaphore_mem>> -> memref<1x!tpu.dma_semaphore, #tpu.memory_space<semaphore_mem>>
    %dma_start3A_3356 = tpu.memref_squeeze %dma_start3A_3355 : memref<1x!tpu.dma_semaphore, #tpu.memory_space<semaphore_mem>> -> memref<!tpu.dma_semaphore, #tpu.memory_space<semaphore_mem>>
    %dma_start3A_3357 = arith.constant 0 : i32
    %dma_start3A_3358 = arith.constant 0 : i32
    %dma_start3A_3359 = tpu.memref_slice %arg6[%dma_start3A_3347, %dma_start3A_3357, %dma_start3A_3358] : memref<5x40x128xf32, #tpu.memory_space<vmem>> -> memref<1x40x128xf32, #tpu.memory_space<vmem>>
    %dma_start3A_3360 = tpu.memref_squeeze %dma_start3A_3359 : memref<1x40x128xf32, #tpu.memory_space<vmem>> -> memref<40x128xf32, #tpu.memory_space<vmem>>
    %dma_start3A_3361 = arith.constant 0 : i32
    %dma_start3A_3362 = tpu.memref_slice %arg3[%add3A_3346, %dma_start3A_3361] : memref<320000x128xf32, #tpu.memory_space<hbm>> -> memref<40x128xf32, #tpu.memory_space<hbm>>
    tpu.enqueue_dma source(%dma_start3A_3362 : memref<40x128xf32, #tpu.memory_space<hbm>>) target(%dma_start3A_3360 : memref<40x128xf32, #tpu.memory_space<vmem>>) target_semaphore(%dma_start3A_3356 : memref<!tpu.dma_semaphore, #tpu.memory_space<semaphore_mem>>)
    %scan3A = arith.constant 0 : i32
    %scan3A_3363 = arith.constant 0 : i32
    %scan3A_3364 = arith.constant 50 : i32
    %scan3A_3365 = arith.addi %scan3A_3363, %scan3A_3364 : i32
    %scan3A_3366 = arith.constant 1 : i32
    scf.for %scan3A_3376 = %scan3A_3363 to %scan3A_3365 step %scan3A_3366  : i32 {
      %mul3A_3377 = arith.constant 5 : i32
      %mul3A_3378 = arith.muli %scan3A_3376, %mul3A_3377 : i32
      %add3A_3379 = arith.constant 0 : i32
      %add3A_3380 = arith.addi %mul3A_3378, %add3A_3379 : i32
      %mul3A_3381 = arith.constant 40 : i32
      %mul3A_3382 = arith.muli %add3A_3380, %mul3A_3381 : i32
      %add3A_3383 = arith.addi %add3A_3202, %mul3A_3382 : i32
      %dma_wait3A_3384 = arith.constant 0 : i32
      %dma_wait3A_3385 = arith.constant 0 : i32
      %dma_wait3A_3386 = arith.constant 0 : i32
      %dma_wait3A_3387 = tpu.memref_slice %arg5[%dma_wait3A_3384, %dma_wait3A_3386] : memref<5x40xi32, #tpu.memory_space<vmem>> -> memref<1x40xi32, #tpu.memory_space<vmem>>
      %dma_wait3A_3388 = tpu.memref_squeeze %dma_wait3A_3387 : memref<1x40xi32, #tpu.memory_space<vmem>> -> memref<40xi32, #tpu.memory_space<vmem>>
      %dma_wait3A_3389 = tpu.memref_slice %arg2[%add3A_3383] : memref<640000xi32, #tpu.memory_space<hbm>> -> memref<40xi32, #tpu.memory_space<hbm>>
      %dma_wait3A_3390 = tpu.memref_slice %arg8[%dma_wait3A_3385] : memref<5x!tpu.dma_semaphore, #tpu.memory_space<semaphore_mem>> -> memref<1x!tpu.dma_semaphore, #tpu.memory_space<semaphore_mem>>
      %dma_wait3A_3391 = tpu.memref_squeeze %dma_wait3A_3390 : memref<1x!tpu.dma_semaphore, #tpu.memory_space<semaphore_mem>> -> memref<!tpu.dma_semaphore, #tpu.memory_space<semaphore_mem>>
      %dma_wait3A_3392 = arith.constant 0 : i32
      %dma_wait3A_3393 = tpu.memref_slice %arg5[%dma_wait3A_3384, %dma_wait3A_3392] : memref<5x40xi32, #tpu.memory_space<vmem>> -> memref<1x40xi32, #tpu.memory_space<vmem>>
      %dma_wait3A_3394 = tpu.memref_squeeze %dma_wait3A_3393 : memref<1x40xi32, #tpu.memory_space<vmem>> -> memref<40xi32, #tpu.memory_space<vmem>>
      %dma_wait3A_3395 = tpu.memref_slice %arg2[%add3A_3383] : memref<640000xi32, #tpu.memory_space<hbm>> -> memref<40xi32, #tpu.memory_space<hbm>>
      tpu.wait_dma2 semaphore(%dma_wait3A_3391 : memref<!tpu.dma_semaphore, #tpu.memory_space<semaphore_mem>>) src(%dma_wait3A_3395 : memref<40xi32, #tpu.memory_space<hbm>>) dst(%dma_wait3A_3394 : memref<40xi32, #tpu.memory_space<vmem>>)
      %add3A_3396 = arith.addi %mul3A_3200, %mul3A_3382 : i32
      %dma_wait3A_3397 = arith.constant 0 : i32
      %dma_wait3A_3398 = arith.constant 0 : i32
      %dma_wait3A_3399 = arith.constant 0 : i32
      %dma_wait3A_3400 = arith.constant 0 : i32
      %dma_wait3A_3401 = tpu.memref_slice %arg6[%dma_wait3A_3397, %dma_wait3A_3399, %dma_wait3A_3400] : memref<5x40x128xf32, #tpu.memory_space<vmem>> -> memref<1x40x128xf32, #tpu.memory_space<vmem>>
      %dma_wait3A_3402 = tpu.memref_squeeze %dma_wait3A_3401 : memref<1x40x128xf32, #tpu.memory_space<vmem>> -> memref<40x128xf32, #tpu.memory_space<vmem>>
      %dma_wait3A_3403 = arith.constant 0 : i32
      %dma_wait3A_3404 = tpu.memref_slice %arg3[%add3A_3396, %dma_wait3A_3403] : memref<320000x128xf32, #tpu.memory_space<hbm>> -> memref<40x128xf32, #tpu.memory_space<hbm>>
      %dma_wait3A_3405 = tpu.memref_slice %arg9[%dma_wait3A_3398] : memref<5x!tpu.dma_semaphore, #tpu.memory_space<semaphore_mem>> -> memref<1x!tpu.dma_semaphore, #tpu.memory_space<semaphore_mem>>
      %dma_wait3A_3406 = tpu.memref_squeeze %dma_wait3A_3405 : memref<1x!tpu.dma_semaphore, #tpu.memory_space<semaphore_mem>> -> memref<!tpu.dma_semaphore, #tpu.memory_space<semaphore_mem>>
      %dma_wait3A_3407 = arith.constant 0 : i32
      %dma_wait3A_3408 = arith.constant 0 : i32
      %dma_wait3A_3409 = tpu.memref_slice %arg6[%dma_wait3A_3397, %dma_wait3A_3407, %dma_wait3A_3408] : memref<5x40x128xf32, #tpu.memory_space<vmem>> -> memref<1x40x128xf32, #tpu.memory_space<vmem>>
      %dma_wait3A_3410 = tpu.memref_squeeze %dma_wait3A_3409 : memref<1x40x128xf32, #tpu.memory_space<vmem>> -> memref<40x128xf32, #tpu.memory_space<vmem>>
      %dma_wait3A_3411 = arith.constant 0 : i32
      %dma_wait3A_3412 = tpu.memref_slice %arg3[%add3A_3396, %dma_wait3A_3411] : memref<320000x128xf32, #tpu.memory_space<hbm>> -> memref<40x128xf32, #tpu.memory_space<hbm>>
      tpu.wait_dma2 semaphore(%dma_wait3A_3406 : memref<!tpu.dma_semaphore, #tpu.memory_space<semaphore_mem>>) src(%dma_wait3A_3412 : memref<40x128xf32, #tpu.memory_space<hbm>>) dst(%dma_wait3A_3410 : memref<40x128xf32, #tpu.memory_space<vmem>>)
      %run_scoped3A = arith.constant 0 : i32
      %run_scoped3A_3413 = arith.constant 0 : i32
      "tpu.region"() ({
        %run_scoped3A_3588 = tpu.sem_alloc : memref<!tpu.dma_semaphore, #tpu.memory_space<semaphore_mem>>
        %dma_start3A_3589 = arith.constant 0 : i32
        %dma_start3A_3590 = arith.constant 0 : i32
        %dma_start3A_3591 = tpu.memref_slice %arg6[%run_scoped3A, %dma_start3A_3589, %dma_start3A_3590] : memref<5x40x128xf32, #tpu.memory_space<vmem>> -> memref<1x40x128xf32, #tpu.memory_space<vmem>>
        %dma_start3A_3592 = tpu.memref_squeeze %dma_start3A_3591 : memref<1x40x128xf32, #tpu.memory_space<vmem>> -> memref<40x128xf32, #tpu.memory_space<vmem>>
        %dma_start3A_3593 = arith.constant 0 : i32
        %dma_start3A_3594 = tpu.memref_slice %arg5[%run_scoped3A_3413, %dma_start3A_3593] : memref<5x40xi32, #tpu.memory_space<vmem>> -> memref<1x40xi32, #tpu.memory_space<vmem>>
        %dma_start3A_3595 = tpu.memref_squeeze %dma_start3A_3594 : memref<1x40xi32, #tpu.memory_space<vmem>> -> memref<40xi32, #tpu.memory_space<vmem>>
        %dma_start3A_3596 = arith.constant 0 : i32
        %dma_start3A_3597 = arith.constant 0 : i32
        %dma_start3A_3598 = tpu.memref_slice %arg7[%dma_start3A_3596, %dma_start3A_3597] : memref<10240x128xf32, #tpu.memory_space<vmem_shared>> -> memref<10240x128xf32, #tpu.memory_space<vmem_shared>>
        tpu.enqueue_indirect_dma source(%dma_start3A_3592 : memref<40x128xf32, #tpu.memory_space<vmem>>) target(%dma_start3A_3598 : memref<10240x128xf32, #tpu.memory_space<vmem_shared>>) offsets(%dma_start3A_3595 : memref<40xi32, #tpu.memory_space<vmem>>) semaphore(%run_scoped3A_3588 : memref<!tpu.dma_semaphore, #tpu.memory_space<semaphore_mem>>) {add = true}
        %dma_wait3A_3599 = arith.constant 0 : i32
        %dma_wait3A_3600 = arith.constant 0 : i32
        %dma_wait3A_3601 = tpu.memref_slice %arg6[%run_scoped3A, %dma_wait3A_3599, %dma_wait3A_3600] : memref<5x40x128xf32, #tpu.memory_space<vmem>> -> memref<1x40x128xf32, #tpu.memory_space<vmem>>
        %dma_wait3A_3602 = tpu.memref_squeeze %dma_wait3A_3601 : memref<1x40x128xf32, #tpu.memory_space<vmem>> -> memref<40x128xf32, #tpu.memory_space<vmem>>
        %dma_wait3A_3603 = arith.constant 0 : i32
        %dma_wait3A_3604 = tpu.memref_slice %arg5[%run_scoped3A_3413, %dma_wait3A_3603] : memref<5x40xi32, #tpu.memory_space<vmem>> -> memref<1x40xi32, #tpu.memory_space<vmem>>
        %dma_wait3A_3605 = tpu.memref_squeeze %dma_wait3A_3604 : memref<1x40xi32, #tpu.memory_space<vmem>> -> memref<40xi32, #tpu.memory_space<vmem>>
        %dma_wait3A_3606 = arith.constant 0 : i32
        %dma_wait3A_3607 = arith.constant 0 : i32
        %dma_wait3A_3608 = tpu.memref_slice %arg7[%dma_wait3A_3606, %dma_wait3A_3607] : memref<10240x128xf32, #tpu.memory_space<vmem_shared>> -> memref<10240x128xf32, #tpu.memory_space<vmem_shared>>
        tpu.wait_indirect_dma semaphore(%run_scoped3A_3588 : memref<!tpu.dma_semaphore, #tpu.memory_space<semaphore_mem>>) src(%dma_wait3A_3602 : memref<40x128xf32, #tpu.memory_space<vmem>>) dst(%dma_wait3A_3608 : memref<10240x128xf32, #tpu.memory_space<vmem_shared>>)
        tpu.yield
      }) : () -> ()
      %lt3A = arith.constant 49 : i32
      %lt3A_3414 = arith.cmpi slt, %scan3A_3376, %lt3A : i32
      %convert_element_type3A = arith.extui %lt3A_3414 : i1 to i32
      %cond3A = arith.constant 0 : i32
      %cond3A_3415 = arith.cmpi ne, %convert_element_type3A, %cond3A : i32
      scf.if %cond3A_3415 {
        %add3A_3588 = arith.constant 200 : i32
        %add3A_3589 = arith.addi %mul3A_3382, %add3A_3588 : i32
        %add3A_3590 = arith.addi %add3A_3202, %add3A_3589 : i32
        %dma_start3A_3591 = arith.constant 0 : i32
        %dma_start3A_3592 = arith.constant 0 : i32
        %dma_start3A_3593 = arith.constant 0 : i32
        %dma_start3A_3594 = tpu.memref_slice %arg5[%dma_start3A_3591, %dma_start3A_3593] : memref<5x40xi32, #tpu.memory_space<vmem>> -> memref<1x40xi32, #tpu.memory_space<vmem>>
        %dma_start3A_3595 = tpu.memref_squeeze %dma_start3A_3594 : memref<1x40xi32, #tpu.memory_space<vmem>> -> memref<40xi32, #tpu.memory_space<vmem>>
        %dma_start3A_3596 = tpu.memref_slice %arg2[%add3A_3590] : memref<640000xi32, #tpu.memory_space<hbm>> -> memref<40xi32, #tpu.memory_space<hbm>>
        %dma_start3A_3597 = tpu.memref_slice %arg8[%dma_start3A_3592] : memref<5x!tpu.dma_semaphore, #tpu.memory_space<semaphore_mem>> -> memref<1x!tpu.dma_semaphore, #tpu.memory_space<semaphore_mem>>
        %dma_start3A_3598 = tpu.memref_squeeze %dma_start3A_3597 : memref<1x!tpu.dma_semaphore, #tpu.memory_space<semaphore_mem>> -> memref<!tpu.dma_semaphore, #tpu.memory_space<semaphore_mem>>
        %dma_start3A_3599 = arith.constant 0 : i32
        %dma_start3A_3600 = tpu.memref_slice %arg5[%dma_start3A_3591, %dma_start3A_3599] : memref<5x40xi32, #tpu.memory_space<vmem>> -> memref<1x40xi32, #tpu.memory_space<vmem>>
        %dma_start3A_3601 = tpu.memref_squeeze %dma_start3A_3600 : memref<1x40xi32, #tpu.memory_space<vmem>> -> memref<40xi32, #tpu.memory_space<vmem>>
        %dma_start3A_3602 = tpu.memref_slice %arg2[%add3A_3590] : memref<640000xi32, #tpu.memory_space<hbm>> -> memref<40xi32, #tpu.memory_space<hbm>>
        tpu.enqueue_dma source(%dma_start3A_3602 : memref<40xi32, #tpu.memory_space<hbm>>) target(%dma_start3A_3601 : memref<40xi32, #tpu.memory_space<vmem>>) target_semaphore(%dma_start3A_3598 : memref<!tpu.dma_semaphore, #tpu.memory_space<semaphore_mem>>)
        %add3A_3603 = arith.addi %mul3A_3200, %add3A_3589 : i32
        %dma_start3A_3604 = arith.constant 0 : i32
        %dma_start3A_3605 = arith.constant 0 : i32
        %dma_start3A_3606 = arith.constant 0 : i32
        %dma_start3A_3607 = arith.constant 0 : i32
        %dma_start3A_3608 = tpu.memref_slice %arg6[%dma_start3A_3604, %dma_start3A_3606, %dma_start3A_3607] : memref<5x40x128xf32, #tpu.memory_space<vmem>> -> memref<1x40x128xf32, #tpu.memory_space<vmem>>
        %dma_start3A_3609 = tpu.memref_squeeze %dma_start3A_3608 : memref<1x40x128xf32, #tpu.memory_space<vmem>> -> memref<40x128xf32, #tpu.memory_space<vmem>>
        %dma_start3A_3610 = arith.constant 0 : i32
        %dma_start3A_3611 = tpu.memref_slice %arg3[%add3A_3603, %dma_start3A_3610] : memref<320000x128xf32, #tpu.memory_space<hbm>> -> memref<40x128xf32, #tpu.memory_space<hbm>>
        %dma_start3A_3612 = tpu.memref_slice %arg9[%dma_start3A_3605] : memref<5x!tpu.dma_semaphore, #tpu.memory_space<semaphore_mem>> -> memref<1x!tpu.dma_semaphore, #tpu.memory_space<semaphore_mem>>
        %dma_start3A_3613 = tpu.memref_squeeze %dma_start3A_3612 : memref<1x!tpu.dma_semaphore, #tpu.memory_space<semaphore_mem>> -> memref<!tpu.dma_semaphore, #tpu.memory_space<semaphore_mem>>
        %dma_start3A_3614 = arith.constant 0 : i32
        %dma_start3A_3615 = arith.constant 0 : i32
        %dma_start3A_3616 = tpu.memref_slice %arg6[%dma_start3A_3604, %dma_start3A_3614, %dma_start3A_3615] : memref<5x40x128xf32, #tpu.memory_space<vmem>> -> memref<1x40x128xf32, #tpu.memory_space<vmem>>
        %dma_start3A_3617 = tpu.memref_squeeze %dma_start3A_3616 : memref<1x40x128xf32, #tpu.memory_space<vmem>> -> memref<40x128xf32, #tpu.memory_space<vmem>>
        %dma_start3A_3618 = arith.constant 0 : i32
        %dma_start3A_3619 = tpu.memref_slice %arg3[%add3A_3603, %dma_start3A_3618] : memref<320000x128xf32, #tpu.memory_space<hbm>> -> memref<40x128xf32, #tpu.memory_space<hbm>>
        tpu.enqueue_dma source(%dma_start3A_3619 : memref<40x128xf32, #tpu.memory_space<hbm>>) target(%dma_start3A_3617 : memref<40x128xf32, #tpu.memory_space<vmem>>) target_semaphore(%dma_start3A_3613 : memref<!tpu.dma_semaphore, #tpu.memory_space<semaphore_mem>>)
      } else {
      }
      %mul3A_3416 = arith.constant 5 : i32
      %mul3A_3417 = arith.muli %scan3A_3376, %mul3A_3416 : i32
      %add3A_3418 = arith.constant 1 : i32
      %add3A_3419 = arith.addi %mul3A_3417, %add3A_3418 : i32
      %mul3A_3420 = arith.constant 40 : i32
      %mul3A_3421 = arith.muli %add3A_3419, %mul3A_3420 : i32
      %add3A_3422 = arith.addi %add3A_3202, %mul3A_3421 : i32
      %dma_wait3A_3423 = arith.constant 1 : i32
      %dma_wait3A_3424 = arith.constant 1 : i32
      %dma_wait3A_3425 = arith.constant 0 : i32
      %dma_wait3A_3426 = tpu.memref_slice %arg5[%dma_wait3A_3423, %dma_wait3A_3425] : memref<5x40xi32, #tpu.memory_space<vmem>> -> memref<1x40xi32, #tpu.memory_space<vmem>>
      %dma_wait3A_3427 = tpu.memref_squeeze %dma_wait3A_3426 : memref<1x40xi32, #tpu.memory_space<vmem>> -> memref<40xi32, #tpu.memory_space<vmem>>
      %dma_wait3A_3428 = tpu.memref_slice %arg2[%add3A_3422] : memref<640000xi32, #tpu.memory_space<hbm>> -> memref<40xi32, #tpu.memory_space<hbm>>
      %dma_wait3A_3429 = tpu.memref_slice %arg8[%dma_wait3A_3424] : memref<5x!tpu.dma_semaphore, #tpu.memory_space<semaphore_mem>> -> memref<1x!tpu.dma_semaphore, #tpu.memory_space<semaphore_mem>>
      %dma_wait3A_3430 = tpu.memref_squeeze %dma_wait3A_3429 : memref<1x!tpu.dma_semaphore, #tpu.memory_space<semaphore_mem>> -> memref<!tpu.dma_semaphore, #tpu.memory_space<semaphore_mem>>
      %dma_wait3A_3431 = arith.constant 0 : i32
      %dma_wait3A_3432 = tpu.memref_slice %arg5[%dma_wait3A_3423, %dma_wait3A_3431] : memref<5x40xi32, #tpu.memory_space<vmem>> -> memref<1x40xi32, #tpu.memory_space<vmem>>
      %dma_wait3A_3433 = tpu.memref_squeeze %dma_wait3A_3432 : memref<1x40xi32, #tpu.memory_space<vmem>> -> memref<40xi32, #tpu.memory_space<vmem>>
      %dma_wait3A_3434 = tpu.memref_slice %arg2[%add3A_3422] : memref<640000xi32, #tpu.memory_space<hbm>> -> memref<40xi32, #tpu.memory_space<hbm>>
      tpu.wait_dma2 semaphore(%dma_wait3A_3430 : memref<!tpu.dma_semaphore, #tpu.memory_space<semaphore_mem>>) src(%dma_wait3A_3434 : memref<40xi32, #tpu.memory_space<hbm>>) dst(%dma_wait3A_3433 : memref<40xi32, #tpu.memory_space<vmem>>)
      %add3A_3435 = arith.addi %mul3A_3200, %mul3A_3421 : i32
      %dma_wait3A_3436 = arith.constant 1 : i32
      %dma_wait3A_3437 = arith.constant 1 : i32
      %dma_wait3A_3438 = arith.constant 0 : i32
      %dma_wait3A_3439 = arith.constant 0 : i32
      %dma_wait3A_3440 = tpu.memref_slice %arg6[%dma_wait3A_3436, %dma_wait3A_3438, %dma_wait3A_3439] : memref<5x40x128xf32, #tpu.memory_space<vmem>> -> memref<1x40x128xf32, #tpu.memory_space<vmem>>
      %dma_wait3A_3441 = tpu.memref_squeeze %dma_wait3A_3440 : memref<1x40x128xf32, #tpu.memory_space<vmem>> -> memref<40x128xf32, #tpu.memory_space<vmem>>
      %dma_wait3A_3442 = arith.constant 0 : i32
      %dma_wait3A_3443 = tpu.memref_slice %arg3[%add3A_3435, %dma_wait3A_3442] : memref<320000x128xf32, #tpu.memory_space<hbm>> -> memref<40x128xf32, #tpu.memory_space<hbm>>
      %dma_wait3A_3444 = tpu.memref_slice %arg9[%dma_wait3A_3437] : memref<5x!tpu.dma_semaphore, #tpu.memory_space<semaphore_mem>> -> memref<1x!tpu.dma_semaphore, #tpu.memory_space<semaphore_mem>>
      %dma_wait3A_3445 = tpu.memref_squeeze %dma_wait3A_3444 : memref<1x!tpu.dma_semaphore, #tpu.memory_space<semaphore_mem>> -> memref<!tpu.dma_semaphore, #tpu.memory_space<semaphore_mem>>
      %dma_wait3A_3446 = arith.constant 0 : i32
      %dma_wait3A_3447 = arith.constant 0 : i32
      %dma_wait3A_3448 = tpu.memref_slice %arg6[%dma_wait3A_3436, %dma_wait3A_3446, %dma_wait3A_3447] : memref<5x40x128xf32, #tpu.memory_space<vmem>> -> memref<1x40x128xf32, #tpu.memory_space<vmem>>
      %dma_wait3A_3449 = tpu.memref_squeeze %dma_wait3A_3448 : memref<1x40x128xf32, #tpu.memory_space<vmem>> -> memref<40x128xf32, #tpu.memory_space<vmem>>
      %dma_wait3A_3450 = arith.constant 0 : i32
      %dma_wait3A_3451 = tpu.memref_slice %arg3[%add3A_3435, %dma_wait3A_3450] : memref<320000x128xf32, #tpu.memory_space<hbm>> -> memref<40x128xf32, #tpu.memory_space<hbm>>
      tpu.wait_dma2 semaphore(%dma_wait3A_3445 : memref<!tpu.dma_semaphore, #tpu.memory_space<semaphore_mem>>) src(%dma_wait3A_3451 : memref<40x128xf32, #tpu.memory_space<hbm>>) dst(%dma_wait3A_3449 : memref<40x128xf32, #tpu.memory_space<vmem>>)
      %run_scoped3A_3452 = arith.constant 1 : i32
      %run_scoped3A_3453 = arith.constant 1 : i32
      "tpu.region"() ({
        %run_scoped3A_3588 = tpu.sem_alloc : memref<!tpu.dma_semaphore, #tpu.memory_space<semaphore_mem>>
        %dma_start3A_3589 = arith.constant 0 : i32
        %dma_start3A_3590 = arith.constant 0 : i32
        %dma_start3A_3591 = tpu.memref_slice %arg6[%run_scoped3A_3452, %dma_start3A_3589, %dma_start3A_3590] : memref<5x40x128xf32, #tpu.memory_space<vmem>> -> memref<1x40x128xf32, #tpu.memory_space<vmem>>
        %dma_start3A_3592 = tpu.memref_squeeze %dma_start3A_3591 : memref<1x40x128xf32, #tpu.memory_space<vmem>> -> memref<40x128xf32, #tpu.memory_space<vmem>>
        %dma_start3A_3593 = arith.constant 0 : i32
        %dma_start3A_3594 = tpu.memref_slice %arg5[%run_scoped3A_3453, %dma_start3A_3593] : memref<5x40xi32, #tpu.memory_space<vmem>> -> memref<1x40xi32, #tpu.memory_space<vmem>>
        %dma_start3A_3595 = tpu.memref_squeeze %dma_start3A_3594 : memref<1x40xi32, #tpu.memory_space<vmem>> -> memref<40xi32, #tpu.memory_space<vmem>>
        %dma_start3A_3596 = arith.constant 0 : i32
        %dma_start3A_3597 = arith.constant 0 : i32
        %dma_start3A_3598 = tpu.memref_slice %arg7[%dma_start3A_3596, %dma_start3A_3597] : memref<10240x128xf32, #tpu.memory_space<vmem_shared>> -> memref<10240x128xf32, #tpu.memory_space<vmem_shared>>
        tpu.enqueue_indirect_dma source(%dma_start3A_3592 : memref<40x128xf32, #tpu.memory_space<vmem>>) target(%dma_start3A_3598 : memref<10240x128xf32, #tpu.memory_space<vmem_shared>>) offsets(%dma_start3A_3595 : memref<40xi32, #tpu.memory_space<vmem>>) semaphore(%run_scoped3A_3588 : memref<!tpu.dma_semaphore, #tpu.memory_space<semaphore_mem>>) {add = true}
        %dma_wait3A_3599 = arith.constant 0 : i32
        %dma_wait3A_3600 = arith.constant 0 : i32
        %dma_wait3A_3601 = tpu.memref_slice %arg6[%run_scoped3A_3452, %dma_wait3A_3599, %dma_wait3A_3600] : memref<5x40x128xf32, #tpu.memory_space<vmem>> -> memref<1x40x128xf32, #tpu.memory_space<vmem>>
        %dma_wait3A_3602 = tpu.memref_squeeze %dma_wait3A_3601 : memref<1x40x128xf32, #tpu.memory_space<vmem>> -> memref<40x128xf32, #tpu.memory_space<vmem>>
        %dma_wait3A_3603 = arith.constant 0 : i32
        %dma_wait3A_3604 = tpu.memref_slice %arg5[%run_scoped3A_3453, %dma_wait3A_3603] : memref<5x40xi32, #tpu.memory_space<vmem>> -> memref<1x40xi32, #tpu.memory_space<vmem>>
        %dma_wait3A_3605 = tpu.memref_squeeze %dma_wait3A_3604 : memref<1x40xi32, #tpu.memory_space<vmem>> -> memref<40xi32, #tpu.memory_space<vmem>>
        %dma_wait3A_3606 = arith.constant 0 : i32
        %dma_wait3A_3607 = arith.constant 0 : i32
        %dma_wait3A_3608 = tpu.memref_slice %arg7[%dma_wait3A_3606, %dma_wait3A_3607] : memref<10240x128xf32, #tpu.memory_space<vmem_shared>> -> memref<10240x128xf32, #tpu.memory_space<vmem_shared>>
        tpu.wait_indirect_dma semaphore(%run_scoped3A_3588 : memref<!tpu.dma_semaphore, #tpu.memory_space<semaphore_mem>>) src(%dma_wait3A_3602 : memref<40x128xf32, #tpu.memory_space<vmem>>) dst(%dma_wait3A_3608 : memref<10240x128xf32, #tpu.memory_space<vmem_shared>>)
        tpu.yield
      }) : () -> ()
      %lt3A_3454 = arith.constant 49 : i32
      %lt3A_3455 = arith.cmpi slt, %scan3A_3376, %lt3A_3454 : i32
      %convert_element_type3A_3456 = arith.extui %lt3A_3455 : i1 to i32
      %cond3A_3457 = arith.constant 0 : i32
      %cond3A_3458 = arith.cmpi ne, %convert_element_type3A_3456, %cond3A_3457 : i32
      scf.if %cond3A_3458 {
        %add3A_3588 = arith.constant 200 : i32
        %add3A_3589 = arith.addi %mul3A_3421, %add3A_3588 : i32
        %add3A_3590 = arith.addi %add3A_3202, %add3A_3589 : i32
        %dma_start3A_3591 = arith.constant 1 : i32
        %dma_start3A_3592 = arith.constant 1 : i32
        %dma_start3A_3593 = arith.constant 0 : i32
        %dma_start3A_3594 = tpu.memref_slice %arg5[%dma_start3A_3591, %dma_start3A_3593] : memref<5x40xi32, #tpu.memory_space<vmem>> -> memref<1x40xi32, #tpu.memory_space<vmem>>
        %dma_start3A_3595 = tpu.memref_squeeze %dma_start3A_3594 : memref<1x40xi32, #tpu.memory_space<vmem>> -> memref<40xi32, #tpu.memory_space<vmem>>
        %dma_start3A_3596 = tpu.memref_slice %arg2[%add3A_3590] : memref<640000xi32, #tpu.memory_space<hbm>> -> memref<40xi32, #tpu.memory_space<hbm>>
        %dma_start3A_3597 = tpu.memref_slice %arg8[%dma_start3A_3592] : memref<5x!tpu.dma_semaphore, #tpu.memory_space<semaphore_mem>> -> memref<1x!tpu.dma_semaphore, #tpu.memory_space<semaphore_mem>>
        %dma_start3A_3598 = tpu.memref_squeeze %dma_start3A_3597 : memref<1x!tpu.dma_semaphore, #tpu.memory_space<semaphore_mem>> -> memref<!tpu.dma_semaphore, #tpu.memory_space<semaphore_mem>>
        %dma_start3A_3599 = arith.constant 0 : i32
        %dma_start3A_3600 = tpu.memref_slice %arg5[%dma_start3A_3591, %dma_start3A_3599] : memref<5x40xi32, #tpu.memory_space<vmem>> -> memref<1x40xi32, #tpu.memory_space<vmem>>
        %dma_start3A_3601 = tpu.memref_squeeze %dma_start3A_3600 : memref<1x40xi32, #tpu.memory_space<vmem>> -> memref<40xi32, #tpu.memory_space<vmem>>
        %dma_start3A_3602 = tpu.memref_slice %arg2[%add3A_3590] : memref<640000xi32, #tpu.memory_space<hbm>> -> memref<40xi32, #tpu.memory_space<hbm>>
        tpu.enqueue_dma source(%dma_start3A_3602 : memref<40xi32, #tpu.memory_space<hbm>>) target(%dma_start3A_3601 : memref<40xi32, #tpu.memory_space<vmem>>) target_semaphore(%dma_start3A_3598 : memref<!tpu.dma_semaphore, #tpu.memory_space<semaphore_mem>>)
        %add3A_3603 = arith.addi %mul3A_3200, %add3A_3589 : i32
        %dma_start3A_3604 = arith.constant 1 : i32
        %dma_start3A_3605 = arith.constant 1 : i32
        %dma_start3A_3606 = arith.constant 0 : i32
        %dma_start3A_3607 = arith.constant 0 : i32
        %dma_start3A_3608 = tpu.memref_slice %arg6[%dma_start3A_3604, %dma_start3A_3606, %dma_start3A_3607] : memref<5x40x128xf32, #tpu.memory_space<vmem>> -> memref<1x40x128xf32, #tpu.memory_space<vmem>>
        %dma_start3A_3609 = tpu.memref_squeeze %dma_start3A_3608 : memref<1x40x128xf32, #tpu.memory_space<vmem>> -> memref<40x128xf32, #tpu.memory_space<vmem>>
        %dma_start3A_3610 = arith.constant 0 : i32
        %dma_start3A_3611 = tpu.memref_slice %arg3[%add3A_3603, %dma_start3A_3610] : memref<320000x128xf32, #tpu.memory_space<hbm>> -> memref<40x128xf32, #tpu.memory_space<hbm>>
        %dma_start3A_3612 = tpu.memref_slice %arg9[%dma_start3A_3605] : memref<5x!tpu.dma_semaphore, #tpu.memory_space<semaphore_mem>> -> memref<1x!tpu.dma_semaphore, #tpu.memory_space<semaphore_mem>>
        %dma_start3A_3613 = tpu.memref_squeeze %dma_start3A_3612 : memref<1x!tpu.dma_semaphore, #tpu.memory_space<semaphore_mem>> -> memref<!tpu.dma_semaphore, #tpu.memory_space<semaphore_mem>>
        %dma_start3A_3614 = arith.constant 0 : i32
        %dma_start3A_3615 = arith.constant 0 : i32
        %dma_start3A_3616 = tpu.memref_slice %arg6[%dma_start3A_3604, %dma_start3A_3614, %dma_start3A_3615] : memref<5x40x128xf32, #tpu.memory_space<vmem>> -> memref<1x40x128xf32, #tpu.memory_space<vmem>>
        %dma_start3A_3617 = tpu.memref_squeeze %dma_start3A_3616 : memref<1x40x128xf32, #tpu.memory_space<vmem>> -> memref<40x128xf32, #tpu.memory_space<vmem>>
        %dma_start3A_3618 = arith.constant 0 : i32
        %dma_start3A_3619 = tpu.memref_slice %arg3[%add3A_3603, %dma_start3A_3618] : memref<320000x128xf32, #tpu.memory_space<hbm>> -> memref<40x128xf32, #tpu.memory_space<hbm>>
        tpu.enqueue_dma source(%dma_start3A_3619 : memref<40x128xf32, #tpu.memory_space<hbm>>) target(%dma_start3A_3617 : memref<40x128xf32, #tpu.memory_space<vmem>>) target_semaphore(%dma_start3A_3613 : memref<!tpu.dma_semaphore, #tpu.memory_space<semaphore_mem>>)
      } else {
      }
      %mul3A_3459 = arith.constant 5 : i32
      %mul3A_3460 = arith.muli %scan3A_3376, %mul3A_3459 : i32
      %add3A_3461 = arith.constant 2 : i32
      %add3A_3462 = arith.addi %mul3A_3460, %add3A_3461 : i32
      %mul3A_3463 = arith.constant 40 : i32
      %mul3A_3464 = arith.muli %add3A_3462, %mul3A_3463 : i32
      %add3A_3465 = arith.addi %add3A_3202, %mul3A_3464 : i32
      %dma_wait3A_3466 = arith.constant 2 : i32
      %dma_wait3A_3467 = arith.constant 2 : i32
      %dma_wait3A_3468 = arith.constant 0 : i32
      %dma_wait3A_3469 = tpu.memref_slice %arg5[%dma_wait3A_3466, %dma_wait3A_3468] : memref<5x40xi32, #tpu.memory_space<vmem>> -> memref<1x40xi32, #tpu.memory_space<vmem>>
      %dma_wait3A_3470 = tpu.memref_squeeze %dma_wait3A_3469 : memref<1x40xi32, #tpu.memory_space<vmem>> -> memref<40xi32, #tpu.memory_space<vmem>>
      %dma_wait3A_3471 = tpu.memref_slice %arg2[%add3A_3465] : memref<640000xi32, #tpu.memory_space<hbm>> -> memref<40xi32, #tpu.memory_space<hbm>>
      %dma_wait3A_3472 = tpu.memref_slice %arg8[%dma_wait3A_3467] : memref<5x!tpu.dma_semaphore, #tpu.memory_space<semaphore_mem>> -> memref<1x!tpu.dma_semaphore, #tpu.memory_space<semaphore_mem>>
      %dma_wait3A_3473 = tpu.memref_squeeze %dma_wait3A_3472 : memref<1x!tpu.dma_semaphore, #tpu.memory_space<semaphore_mem>> -> memref<!tpu.dma_semaphore, #tpu.memory_space<semaphore_mem>>
      %dma_wait3A_3474 = arith.constant 0 : i32
      %dma_wait3A_3475 = tpu.memref_slice %arg5[%dma_wait3A_3466, %dma_wait3A_3474] : memref<5x40xi32, #tpu.memory_space<vmem>> -> memref<1x40xi32, #tpu.memory_space<vmem>>
      %dma_wait3A_3476 = tpu.memref_squeeze %dma_wait3A_3475 : memref<1x40xi32, #tpu.memory_space<vmem>> -> memref<40xi32, #tpu.memory_space<vmem>>
      %dma_wait3A_3477 = tpu.memref_slice %arg2[%add3A_3465] : memref<640000xi32, #tpu.memory_space<hbm>> -> memref<40xi32, #tpu.memory_space<hbm>>
      tpu.wait_dma2 semaphore(%dma_wait3A_3473 : memref<!tpu.dma_semaphore, #tpu.memory_space<semaphore_mem>>) src(%dma_wait3A_3477 : memref<40xi32, #tpu.memory_space<hbm>>) dst(%dma_wait3A_3476 : memref<40xi32, #tpu.memory_space<vmem>>)
      %add3A_3478 = arith.addi %mul3A_3200, %mul3A_3464 : i32
      %dma_wait3A_3479 = arith.constant 2 : i32
      %dma_wait3A_3480 = arith.constant 2 : i32
      %dma_wait3A_3481 = arith.constant 0 : i32
      %dma_wait3A_3482 = arith.constant 0 : i32
      %dma_wait3A_3483 = tpu.memref_slice %arg6[%dma_wait3A_3479, %dma_wait3A_3481, %dma_wait3A_3482] : memref<5x40x128xf32, #tpu.memory_space<vmem>> -> memref<1x40x128xf32, #tpu.memory_space<vmem>>
      %dma_wait3A_3484 = tpu.memref_squeeze %dma_wait3A_3483 : memref<1x40x128xf32, #tpu.memory_space<vmem>> -> memref<40x128xf32, #tpu.memory_space<vmem>>
      %dma_wait3A_3485 = arith.constant 0 : i32
      %dma_wait3A_3486 = tpu.memref_slice %arg3[%add3A_3478, %dma_wait3A_3485] : memref<320000x128xf32, #tpu.memory_space<hbm>> -> memref<40x128xf32, #tpu.memory_space<hbm>>
      %dma_wait3A_3487 = tpu.memref_slice %arg9[%dma_wait3A_3480] : memref<5x!tpu.dma_semaphore, #tpu.memory_space<semaphore_mem>> -> memref<1x!tpu.dma_semaphore, #tpu.memory_space<semaphore_mem>>
      %dma_wait3A_3488 = tpu.memref_squeeze %dma_wait3A_3487 : memref<1x!tpu.dma_semaphore, #tpu.memory_space<semaphore_mem>> -> memref<!tpu.dma_semaphore, #tpu.memory_space<semaphore_mem>>
      %dma_wait3A_3489 = arith.constant 0 : i32
      %dma_wait3A_3490 = arith.constant 0 : i32
      %dma_wait3A_3491 = tpu.memref_slice %arg6[%dma_wait3A_3479, %dma_wait3A_3489, %dma_wait3A_3490] : memref<5x40x128xf32, #tpu.memory_space<vmem>> -> memref<1x40x128xf32, #tpu.memory_space<vmem>>
      %dma_wait3A_3492 = tpu.memref_squeeze %dma_wait3A_3491 : memref<1x40x128xf32, #tpu.memory_space<vmem>> -> memref<40x128xf32, #tpu.memory_space<vmem>>
      %dma_wait3A_3493 = arith.constant 0 : i32
      %dma_wait3A_3494 = tpu.memref_slice %arg3[%add3A_3478, %dma_wait3A_3493] : memref<320000x128xf32, #tpu.memory_space<hbm>> -> memref<40x128xf32, #tpu.memory_space<hbm>>
      tpu.wait_dma2 semaphore(%dma_wait3A_3488 : memref<!tpu.dma_semaphore, #tpu.memory_space<semaphore_mem>>) src(%dma_wait3A_3494 : memref<40x128xf32, #tpu.memory_space<hbm>>) dst(%dma_wait3A_3492 : memref<40x128xf32, #tpu.memory_space<vmem>>)
      %run_scoped3A_3495 = arith.constant 2 : i32
      %run_scoped3A_3496 = arith.constant 2 : i32
      "tpu.region"() ({
        %run_scoped3A_3588 = tpu.sem_alloc : memref<!tpu.dma_semaphore, #tpu.memory_space<semaphore_mem>>
        %dma_start3A_3589 = arith.constant 0 : i32
        %dma_start3A_3590 = arith.constant 0 : i32
        %dma_start3A_3591 = tpu.memref_slice %arg6[%run_scoped3A_3495, %dma_start3A_3589, %dma_start3A_3590] : memref<5x40x128xf32, #tpu.memory_space<vmem>> -> memref<1x40x128xf32, #tpu.memory_space<vmem>>
        %dma_start3A_3592 = tpu.memref_squeeze %dma_start3A_3591 : memref<1x40x128xf32, #tpu.memory_space<vmem>> -> memref<40x128xf32, #tpu.memory_space<vmem>>
        %dma_start3A_3593 = arith.constant 0 : i32
        %dma_start3A_3594 = tpu.memref_slice %arg5[%run_scoped3A_3496, %dma_start3A_3593] : memref<5x40xi32, #tpu.memory_space<vmem>> -> memref<1x40xi32, #tpu.memory_space<vmem>>
        %dma_start3A_3595 = tpu.memref_squeeze %dma_start3A_3594 : memref<1x40xi32, #tpu.memory_space<vmem>> -> memref<40xi32, #tpu.memory_space<vmem>>
        %dma_start3A_3596 = arith.constant 0 : i32
        %dma_start3A_3597 = arith.constant 0 : i32
        %dma_start3A_3598 = tpu.memref_slice %arg7[%dma_start3A_3596, %dma_start3A_3597] : memref<10240x128xf32, #tpu.memory_space<vmem_shared>> -> memref<10240x128xf32, #tpu.memory_space<vmem_shared>>
        tpu.enqueue_indirect_dma source(%dma_start3A_3592 : memref<40x128xf32, #tpu.memory_space<vmem>>) target(%dma_start3A_3598 : memref<10240x128xf32, #tpu.memory_space<vmem_shared>>) offsets(%dma_start3A_3595 : memref<40xi32, #tpu.memory_space<vmem>>) semaphore(%run_scoped3A_3588 : memref<!tpu.dma_semaphore, #tpu.memory_space<semaphore_mem>>) {add = true}
        %dma_wait3A_3599 = arith.constant 0 : i32
        %dma_wait3A_3600 = arith.constant 0 : i32
        %dma_wait3A_3601 = tpu.memref_slice %arg6[%run_scoped3A_3495, %dma_wait3A_3599, %dma_wait3A_3600] : memref<5x40x128xf32, #tpu.memory_space<vmem>> -> memref<1x40x128xf32, #tpu.memory_space<vmem>>
        %dma_wait3A_3602 = tpu.memref_squeeze %dma_wait3A_3601 : memref<1x40x128xf32, #tpu.memory_space<vmem>> -> memref<40x128xf32, #tpu.memory_space<vmem>>
        %dma_wait3A_3603 = arith.constant 0 : i32
        %dma_wait3A_3604 = tpu.memref_slice %arg5[%run_scoped3A_3496, %dma_wait3A_3603] : memref<5x40xi32, #tpu.memory_space<vmem>> -> memref<1x40xi32, #tpu.memory_space<vmem>>
        %dma_wait3A_3605 = tpu.memref_squeeze %dma_wait3A_3604 : memref<1x40xi32, #tpu.memory_space<vmem>> -> memref<40xi32, #tpu.memory_space<vmem>>
        %dma_wait3A_3606 = arith.constant 0 : i32
        %dma_wait3A_3607 = arith.constant 0 : i32
        %dma_wait3A_3608 = tpu.memref_slice %arg7[%dma_wait3A_3606, %dma_wait3A_3607] : memref<10240x128xf32, #tpu.memory_space<vmem_shared>> -> memref<10240x128xf32, #tpu.memory_space<vmem_shared>>
        tpu.wait_indirect_dma semaphore(%run_scoped3A_3588 : memref<!tpu.dma_semaphore, #tpu.memory_space<semaphore_mem>>) src(%dma_wait3A_3602 : memref<40x128xf32, #tpu.memory_space<vmem>>) dst(%dma_wait3A_3608 : memref<10240x128xf32, #tpu.memory_space<vmem_shared>>)
        tpu.yield
      }) : () -> ()
      %lt3A_3497 = arith.constant 49 : i32
      %lt3A_3498 = arith.cmpi slt, %scan3A_3376, %lt3A_3497 : i32
      %convert_element_type3A_3499 = arith.extui %lt3A_3498 : i1 to i32
      %cond3A_3500 = arith.constant 0 : i32
      %cond3A_3501 = arith.cmpi ne, %convert_element_type3A_3499, %cond3A_3500 : i32
      scf.if %cond3A_3501 {
        %add3A_3588 = arith.constant 200 : i32
        %add3A_3589 = arith.addi %mul3A_3464, %add3A_3588 : i32
        %add3A_3590 = arith.addi %add3A_3202, %add3A_3589 : i32
        %dma_start3A_3591 = arith.constant 2 : i32
        %dma_start3A_3592 = arith.constant 2 : i32
        %dma_start3A_3593 = arith.constant 0 : i32
        %dma_start3A_3594 = tpu.memref_slice %arg5[%dma_start3A_3591, %dma_start3A_3593] : memref<5x40xi32, #tpu.memory_space<vmem>> -> memref<1x40xi32, #tpu.memory_space<vmem>>
        %dma_start3A_3595 = tpu.memref_squeeze %dma_start3A_3594 : memref<1x40xi32, #tpu.memory_space<vmem>> -> memref<40xi32, #tpu.memory_space<vmem>>
        %dma_start3A_3596 = tpu.memref_slice %arg2[%add3A_3590] : memref<640000xi32, #tpu.memory_space<hbm>> -> memref<40xi32, #tpu.memory_space<hbm>>
        %dma_start3A_3597 = tpu.memref_slice %arg8[%dma_start3A_3592] : memref<5x!tpu.dma_semaphore, #tpu.memory_space<semaphore_mem>> -> memref<1x!tpu.dma_semaphore, #tpu.memory_space<semaphore_mem>>
        %dma_start3A_3598 = tpu.memref_squeeze %dma_start3A_3597 : memref<1x!tpu.dma_semaphore, #tpu.memory_space<semaphore_mem>> -> memref<!tpu.dma_semaphore, #tpu.memory_space<semaphore_mem>>
        %dma_start3A_3599 = arith.constant 0 : i32
        %dma_start3A_3600 = tpu.memref_slice %arg5[%dma_start3A_3591, %dma_start3A_3599] : memref<5x40xi32, #tpu.memory_space<vmem>> -> memref<1x40xi32, #tpu.memory_space<vmem>>
        %dma_start3A_3601 = tpu.memref_squeeze %dma_start3A_3600 : memref<1x40xi32, #tpu.memory_space<vmem>> -> memref<40xi32, #tpu.memory_space<vmem>>
        %dma_start3A_3602 = tpu.memref_slice %arg2[%add3A_3590] : memref<640000xi32, #tpu.memory_space<hbm>> -> memref<40xi32, #tpu.memory_space<hbm>>
        tpu.enqueue_dma source(%dma_start3A_3602 : memref<40xi32, #tpu.memory_space<hbm>>) target(%dma_start3A_3601 : memref<40xi32, #tpu.memory_space<vmem>>) target_semaphore(%dma_start3A_3598 : memref<!tpu.dma_semaphore, #tpu.memory_space<semaphore_mem>>)
        %add3A_3603 = arith.addi %mul3A_3200, %add3A_3589 : i32
        %dma_start3A_3604 = arith.constant 2 : i32
        %dma_start3A_3605 = arith.constant 2 : i32
        %dma_start3A_3606 = arith.constant 0 : i32
        %dma_start3A_3607 = arith.constant 0 : i32
        %dma_start3A_3608 = tpu.memref_slice %arg6[%dma_start3A_3604, %dma_start3A_3606, %dma_start3A_3607] : memref<5x40x128xf32, #tpu.memory_space<vmem>> -> memref<1x40x128xf32, #tpu.memory_space<vmem>>
        %dma_start3A_3609 = tpu.memref_squeeze %dma_start3A_3608 : memref<1x40x128xf32, #tpu.memory_space<vmem>> -> memref<40x128xf32, #tpu.memory_space<vmem>>
        %dma_start3A_3610 = arith.constant 0 : i32
        %dma_start3A_3611 = tpu.memref_slice %arg3[%add3A_3603, %dma_start3A_3610] : memref<320000x128xf32, #tpu.memory_space<hbm>> -> memref<40x128xf32, #tpu.memory_space<hbm>>
        %dma_start3A_3612 = tpu.memref_slice %arg9[%dma_start3A_3605] : memref<5x!tpu.dma_semaphore, #tpu.memory_space<semaphore_mem>> -> memref<1x!tpu.dma_semaphore, #tpu.memory_space<semaphore_mem>>
        %dma_start3A_3613 = tpu.memref_squeeze %dma_start3A_3612 : memref<1x!tpu.dma_semaphore, #tpu.memory_space<semaphore_mem>> -> memref<!tpu.dma_semaphore, #tpu.memory_space<semaphore_mem>>
        %dma_start3A_3614 = arith.constant 0 : i32
        %dma_start3A_3615 = arith.constant 0 : i32
        %dma_start3A_3616 = tpu.memref_slice %arg6[%dma_start3A_3604, %dma_start3A_3614, %dma_start3A_3615] : memref<5x40x128xf32, #tpu.memory_space<vmem>> -> memref<1x40x128xf32, #tpu.memory_space<vmem>>
        %dma_start3A_3617 = tpu.memref_squeeze %dma_start3A_3616 : memref<1x40x128xf32, #tpu.memory_space<vmem>> -> memref<40x128xf32, #tpu.memory_space<vmem>>
        %dma_start3A_3618 = arith.constant 0 : i32
        %dma_start3A_3619 = tpu.memref_slice %arg3[%add3A_3603, %dma_start3A_3618] : memref<320000x128xf32, #tpu.memory_space<hbm>> -> memref<40x128xf32, #tpu.memory_space<hbm>>
        tpu.enqueue_dma source(%dma_start3A_3619 : memref<40x128xf32, #tpu.memory_space<hbm>>) target(%dma_start3A_3617 : memref<40x128xf32, #tpu.memory_space<vmem>>) target_semaphore(%dma_start3A_3613 : memref<!tpu.dma_semaphore, #tpu.memory_space<semaphore_mem>>)
      } else {
      }
      %mul3A_3502 = arith.constant 5 : i32
      %mul3A_3503 = arith.muli %scan3A_3376, %mul3A_3502 : i32
      %add3A_3504 = arith.constant 3 : i32
      %add3A_3505 = arith.addi %mul3A_3503, %add3A_3504 : i32
      %mul3A_3506 = arith.constant 40 : i32
      %mul3A_3507 = arith.muli %add3A_3505, %mul3A_3506 : i32
      %add3A_3508 = arith.addi %add3A_3202, %mul3A_3507 : i32
      %dma_wait3A_3509 = arith.constant 3 : i32
      %dma_wait3A_3510 = arith.constant 3 : i32
      %dma_wait3A_3511 = arith.constant 0 : i32
      %dma_wait3A_3512 = tpu.memref_slice %arg5[%dma_wait3A_3509, %dma_wait3A_3511] : memref<5x40xi32, #tpu.memory_space<vmem>> -> memref<1x40xi32, #tpu.memory_space<vmem>>
      %dma_wait3A_3513 = tpu.memref_squeeze %dma_wait3A_3512 : memref<1x40xi32, #tpu.memory_space<vmem>> -> memref<40xi32, #tpu.memory_space<vmem>>
      %dma_wait3A_3514 = tpu.memref_slice %arg2[%add3A_3508] : memref<640000xi32, #tpu.memory_space<hbm>> -> memref<40xi32, #tpu.memory_space<hbm>>
      %dma_wait3A_3515 = tpu.memref_slice %arg8[%dma_wait3A_3510] : memref<5x!tpu.dma_semaphore, #tpu.memory_space<semaphore_mem>> -> memref<1x!tpu.dma_semaphore, #tpu.memory_space<semaphore_mem>>
      %dma_wait3A_3516 = tpu.memref_squeeze %dma_wait3A_3515 : memref<1x!tpu.dma_semaphore, #tpu.memory_space<semaphore_mem>> -> memref<!tpu.dma_semaphore, #tpu.memory_space<semaphore_mem>>
      %dma_wait3A_3517 = arith.constant 0 : i32
      %dma_wait3A_3518 = tpu.memref_slice %arg5[%dma_wait3A_3509, %dma_wait3A_3517] : memref<5x40xi32, #tpu.memory_space<vmem>> -> memref<1x40xi32, #tpu.memory_space<vmem>>
      %dma_wait3A_3519 = tpu.memref_squeeze %dma_wait3A_3518 : memref<1x40xi32, #tpu.memory_space<vmem>> -> memref<40xi32, #tpu.memory_space<vmem>>
      %dma_wait3A_3520 = tpu.memref_slice %arg2[%add3A_3508] : memref<640000xi32, #tpu.memory_space<hbm>> -> memref<40xi32, #tpu.memory_space<hbm>>
      tpu.wait_dma2 semaphore(%dma_wait3A_3516 : memref<!tpu.dma_semaphore, #tpu.memory_space<semaphore_mem>>) src(%dma_wait3A_3520 : memref<40xi32, #tpu.memory_space<hbm>>) dst(%dma_wait3A_3519 : memref<40xi32, #tpu.memory_space<vmem>>)
      %add3A_3521 = arith.addi %mul3A_3200, %mul3A_3507 : i32
      %dma_wait3A_3522 = arith.constant 3 : i32
      %dma_wait3A_3523 = arith.constant 3 : i32
      %dma_wait3A_3524 = arith.constant 0 : i32
      %dma_wait3A_3525 = arith.constant 0 : i32
      %dma_wait3A_3526 = tpu.memref_slice %arg6[%dma_wait3A_3522, %dma_wait3A_3524, %dma_wait3A_3525] : memref<5x40x128xf32, #tpu.memory_space<vmem>> -> memref<1x40x128xf32, #tpu.memory_space<vmem>>
      %dma_wait3A_3527 = tpu.memref_squeeze %dma_wait3A_3526 : memref<1x40x128xf32, #tpu.memory_space<vmem>> -> memref<40x128xf32, #tpu.memory_space<vmem>>
      %dma_wait3A_3528 = arith.constant 0 : i32
      %dma_wait3A_3529 = tpu.memref_slice %arg3[%add3A_3521, %dma_wait3A_3528] : memref<320000x128xf32, #tpu.memory_space<hbm>> -> memref<40x128xf32, #tpu.memory_space<hbm>>
      %dma_wait3A_3530 = tpu.memref_slice %arg9[%dma_wait3A_3523] : memref<5x!tpu.dma_semaphore, #tpu.memory_space<semaphore_mem>> -> memref<1x!tpu.dma_semaphore, #tpu.memory_space<semaphore_mem>>
      %dma_wait3A_3531 = tpu.memref_squeeze %dma_wait3A_3530 : memref<1x!tpu.dma_semaphore, #tpu.memory_space<semaphore_mem>> -> memref<!tpu.dma_semaphore, #tpu.memory_space<semaphore_mem>>
      %dma_wait3A_3532 = arith.constant 0 : i32
      %dma_wait3A_3533 = arith.constant 0 : i32
      %dma_wait3A_3534 = tpu.memref_slice %arg6[%dma_wait3A_3522, %dma_wait3A_3532, %dma_wait3A_3533] : memref<5x40x128xf32, #tpu.memory_space<vmem>> -> memref<1x40x128xf32, #tpu.memory_space<vmem>>
      %dma_wait3A_3535 = tpu.memref_squeeze %dma_wait3A_3534 : memref<1x40x128xf32, #tpu.memory_space<vmem>> -> memref<40x128xf32, #tpu.memory_space<vmem>>
      %dma_wait3A_3536 = arith.constant 0 : i32
      %dma_wait3A_3537 = tpu.memref_slice %arg3[%add3A_3521, %dma_wait3A_3536] : memref<320000x128xf32, #tpu.memory_space<hbm>> -> memref<40x128xf32, #tpu.memory_space<hbm>>
      tpu.wait_dma2 semaphore(%dma_wait3A_3531 : memref<!tpu.dma_semaphore, #tpu.memory_space<semaphore_mem>>) src(%dma_wait3A_3537 : memref<40x128xf32, #tpu.memory_space<hbm>>) dst(%dma_wait3A_3535 : memref<40x128xf32, #tpu.memory_space<vmem>>)
      %run_scoped3A_3538 = arith.constant 3 : i32
      %run_scoped3A_3539 = arith.constant 3 : i32
      "tpu.region"() ({
        %run_scoped3A_3588 = tpu.sem_alloc : memref<!tpu.dma_semaphore, #tpu.memory_space<semaphore_mem>>
        %dma_start3A_3589 = arith.constant 0 : i32
        %dma_start3A_3590 = arith.constant 0 : i32
        %dma_start3A_3591 = tpu.memref_slice %arg6[%run_scoped3A_3538, %dma_start3A_3589, %dma_start3A_3590] : memref<5x40x128xf32, #tpu.memory_space<vmem>> -> memref<1x40x128xf32, #tpu.memory_space<vmem>>
        %dma_start3A_3592 = tpu.memref_squeeze %dma_start3A_3591 : memref<1x40x128xf32, #tpu.memory_space<vmem>> -> memref<40x128xf32, #tpu.memory_space<vmem>>
        %dma_start3A_3593 = arith.constant 0 : i32
        %dma_start3A_3594 = tpu.memref_slice %arg5[%run_scoped3A_3539, %dma_start3A_3593] : memref<5x40xi32, #tpu.memory_space<vmem>> -> memref<1x40xi32, #tpu.memory_space<vmem>>
        %dma_start3A_3595 = tpu.memref_squeeze %dma_start3A_3594 : memref<1x40xi32, #tpu.memory_space<vmem>> -> memref<40xi32, #tpu.memory_space<vmem>>
        %dma_start3A_3596 = arith.constant 0 : i32
        %dma_start3A_3597 = arith.constant 0 : i32
        %dma_start3A_3598 = tpu.memref_slice %arg7[%dma_start3A_3596, %dma_start3A_3597] : memref<10240x128xf32, #tpu.memory_space<vmem_shared>> -> memref<10240x128xf32, #tpu.memory_space<vmem_shared>>
        tpu.enqueue_indirect_dma source(%dma_start3A_3592 : memref<40x128xf32, #tpu.memory_space<vmem>>) target(%dma_start3A_3598 : memref<10240x128xf32, #tpu.memory_space<vmem_shared>>) offsets(%dma_start3A_3595 : memref<40xi32, #tpu.memory_space<vmem>>) semaphore(%run_scoped3A_3588 : memref<!tpu.dma_semaphore, #tpu.memory_space<semaphore_mem>>) {add = true}
        %dma_wait3A_3599 = arith.constant 0 : i32
        %dma_wait3A_3600 = arith.constant 0 : i32
        %dma_wait3A_3601 = tpu.memref_slice %arg6[%run_scoped3A_3538, %dma_wait3A_3599, %dma_wait3A_3600] : memref<5x40x128xf32, #tpu.memory_space<vmem>> -> memref<1x40x128xf32, #tpu.memory_space<vmem>>
        %dma_wait3A_3602 = tpu.memref_squeeze %dma_wait3A_3601 : memref<1x40x128xf32, #tpu.memory_space<vmem>> -> memref<40x128xf32, #tpu.memory_space<vmem>>
        %dma_wait3A_3603 = arith.constant 0 : i32
        %dma_wait3A_3604 = tpu.memref_slice %arg5[%run_scoped3A_3539, %dma_wait3A_3603] : memref<5x40xi32, #tpu.memory_space<vmem>> -> memref<1x40xi32, #tpu.memory_space<vmem>>
        %dma_wait3A_3605 = tpu.memref_squeeze %dma_wait3A_3604 : memref<1x40xi32, #tpu.memory_space<vmem>> -> memref<40xi32, #tpu.memory_space<vmem>>
        %dma_wait3A_3606 = arith.constant 0 : i32
        %dma_wait3A_3607 = arith.constant 0 : i32
        %dma_wait3A_3608 = tpu.memref_slice %arg7[%dma_wait3A_3606, %dma_wait3A_3607] : memref<10240x128xf32, #tpu.memory_space<vmem_shared>> -> memref<10240x128xf32, #tpu.memory_space<vmem_shared>>
        tpu.wait_indirect_dma semaphore(%run_scoped3A_3588 : memref<!tpu.dma_semaphore, #tpu.memory_space<semaphore_mem>>) src(%dma_wait3A_3602 : memref<40x128xf32, #tpu.memory_space<vmem>>) dst(%dma_wait3A_3608 : memref<10240x128xf32, #tpu.memory_space<vmem_shared>>)
        tpu.yield
      }) : () -> ()
      %lt3A_3540 = arith.constant 49 : i32
      %lt3A_3541 = arith.cmpi slt, %scan3A_3376, %lt3A_3540 : i32
      %convert_element_type3A_3542 = arith.extui %lt3A_3541 : i1 to i32
      %cond3A_3543 = arith.constant 0 : i32
      %cond3A_3544 = arith.cmpi ne, %convert_element_type3A_3542, %cond3A_3543 : i32
      scf.if %cond3A_3544 {
        %add3A_3588 = arith.constant 200 : i32
        %add3A_3589 = arith.addi %mul3A_3507, %add3A_3588 : i32
        %add3A_3590 = arith.addi %add3A_3202, %add3A_3589 : i32
        %dma_start3A_3591 = arith.constant 3 : i32
        %dma_start3A_3592 = arith.constant 3 : i32
        %dma_start3A_3593 = arith.constant 0 : i32
        %dma_start3A_3594 = tpu.memref_slice %arg5[%dma_start3A_3591, %dma_start3A_3593] : memref<5x40xi32, #tpu.memory_space<vmem>> -> memref<1x40xi32, #tpu.memory_space<vmem>>
        %dma_start3A_3595 = tpu.memref_squeeze %dma_start3A_3594 : memref<1x40xi32, #tpu.memory_space<vmem>> -> memref<40xi32, #tpu.memory_space<vmem>>
        %dma_start3A_3596 = tpu.memref_slice %arg2[%add3A_3590] : memref<640000xi32, #tpu.memory_space<hbm>> -> memref<40xi32, #tpu.memory_space<hbm>>
        %dma_start3A_3597 = tpu.memref_slice %arg8[%dma_start3A_3592] : memref<5x!tpu.dma_semaphore, #tpu.memory_space<semaphore_mem>> -> memref<1x!tpu.dma_semaphore, #tpu.memory_space<semaphore_mem>>
        %dma_start3A_3598 = tpu.memref_squeeze %dma_start3A_3597 : memref<1x!tpu.dma_semaphore, #tpu.memory_space<semaphore_mem>> -> memref<!tpu.dma_semaphore, #tpu.memory_space<semaphore_mem>>
        %dma_start3A_3599 = arith.constant 0 : i32
        %dma_start3A_3600 = tpu.memref_slice %arg5[%dma_start3A_3591, %dma_start3A_3599] : memref<5x40xi32, #tpu.memory_space<vmem>> -> memref<1x40xi32, #tpu.memory_space<vmem>>
        %dma_start3A_3601 = tpu.memref_squeeze %dma_start3A_3600 : memref<1x40xi32, #tpu.memory_space<vmem>> -> memref<40xi32, #tpu.memory_space<vmem>>
        %dma_start3A_3602 = tpu.memref_slice %arg2[%add3A_3590] : memref<640000xi32, #tpu.memory_space<hbm>> -> memref<40xi32, #tpu.memory_space<hbm>>
        tpu.enqueue_dma source(%dma_start3A_3602 : memref<40xi32, #tpu.memory_space<hbm>>) target(%dma_start3A_3601 : memref<40xi32, #tpu.memory_space<vmem>>) target_semaphore(%dma_start3A_3598 : memref<!tpu.dma_semaphore, #tpu.memory_space<semaphore_mem>>)
        %add3A_3603 = arith.addi %mul3A_3200, %add3A_3589 : i32
        %dma_start3A_3604 = arith.constant 3 : i32
        %dma_start3A_3605 = arith.constant 3 : i32
        %dma_start3A_3606 = arith.constant 0 : i32
        %dma_start3A_3607 = arith.constant 0 : i32
        %dma_start3A_3608 = tpu.memref_slice %arg6[%dma_start3A_3604, %dma_start3A_3606, %dma_start3A_3607] : memref<5x40x128xf32, #tpu.memory_space<vmem>> -> memref<1x40x128xf32, #tpu.memory_space<vmem>>
        %dma_start3A_3609 = tpu.memref_squeeze %dma_start3A_3608 : memref<1x40x128xf32, #tpu.memory_space<vmem>> -> memref<40x128xf32, #tpu.memory_space<vmem>>
        %dma_start3A_3610 = arith.constant 0 : i32
        %dma_start3A_3611 = tpu.memref_slice %arg3[%add3A_3603, %dma_start3A_3610] : memref<320000x128xf32, #tpu.memory_space<hbm>> -> memref<40x128xf32, #tpu.memory_space<hbm>>
        %dma_start3A_3612 = tpu.memref_slice %arg9[%dma_start3A_3605] : memref<5x!tpu.dma_semaphore, #tpu.memory_space<semaphore_mem>> -> memref<1x!tpu.dma_semaphore, #tpu.memory_space<semaphore_mem>>
        %dma_start3A_3613 = tpu.memref_squeeze %dma_start3A_3612 : memref<1x!tpu.dma_semaphore, #tpu.memory_space<semaphore_mem>> -> memref<!tpu.dma_semaphore, #tpu.memory_space<semaphore_mem>>
        %dma_start3A_3614 = arith.constant 0 : i32
        %dma_start3A_3615 = arith.constant 0 : i32
        %dma_start3A_3616 = tpu.memref_slice %arg6[%dma_start3A_3604, %dma_start3A_3614, %dma_start3A_3615] : memref<5x40x128xf32, #tpu.memory_space<vmem>> -> memref<1x40x128xf32, #tpu.memory_space<vmem>>
        %dma_start3A_3617 = tpu.memref_squeeze %dma_start3A_3616 : memref<1x40x128xf32, #tpu.memory_space<vmem>> -> memref<40x128xf32, #tpu.memory_space<vmem>>
        %dma_start3A_3618 = arith.constant 0 : i32
        %dma_start3A_3619 = tpu.memref_slice %arg3[%add3A_3603, %dma_start3A_3618] : memref<320000x128xf32, #tpu.memory_space<hbm>> -> memref<40x128xf32, #tpu.memory_space<hbm>>
        tpu.enqueue_dma source(%dma_start3A_3619 : memref<40x128xf32, #tpu.memory_space<hbm>>) target(%dma_start3A_3617 : memref<40x128xf32, #tpu.memory_space<vmem>>) target_semaphore(%dma_start3A_3613 : memref<!tpu.dma_semaphore, #tpu.memory_space<semaphore_mem>>)
      } else {
      }
      %mul3A_3545 = arith.constant 5 : i32
      %mul3A_3546 = arith.muli %scan3A_3376, %mul3A_3545 : i32
      %add3A_3547 = arith.constant 4 : i32
      %add3A_3548 = arith.addi %mul3A_3546, %add3A_3547 : i32
      %mul3A_3549 = arith.constant 40 : i32
      %mul3A_3550 = arith.muli %add3A_3548, %mul3A_3549 : i32
      %add3A_3551 = arith.addi %add3A_3202, %mul3A_3550 : i32
      %dma_wait3A_3552 = arith.constant 4 : i32
      %dma_wait3A_3553 = arith.constant 4 : i32
      %dma_wait3A_3554 = arith.constant 0 : i32
      %dma_wait3A_3555 = tpu.memref_slice %arg5[%dma_wait3A_3552, %dma_wait3A_3554] : memref<5x40xi32, #tpu.memory_space<vmem>> -> memref<1x40xi32, #tpu.memory_space<vmem>>
      %dma_wait3A_3556 = tpu.memref_squeeze %dma_wait3A_3555 : memref<1x40xi32, #tpu.memory_space<vmem>> -> memref<40xi32, #tpu.memory_space<vmem>>
      %dma_wait3A_3557 = tpu.memref_slice %arg2[%add3A_3551] : memref<640000xi32, #tpu.memory_space<hbm>> -> memref<40xi32, #tpu.memory_space<hbm>>
      %dma_wait3A_3558 = tpu.memref_slice %arg8[%dma_wait3A_3553] : memref<5x!tpu.dma_semaphore, #tpu.memory_space<semaphore_mem>> -> memref<1x!tpu.dma_semaphore, #tpu.memory_space<semaphore_mem>>
      %dma_wait3A_3559 = tpu.memref_squeeze %dma_wait3A_3558 : memref<1x!tpu.dma_semaphore, #tpu.memory_space<semaphore_mem>> -> memref<!tpu.dma_semaphore, #tpu.memory_space<semaphore_mem>>
      %dma_wait3A_3560 = arith.constant 0 : i32
      %dma_wait3A_3561 = tpu.memref_slice %arg5[%dma_wait3A_3552, %dma_wait3A_3560] : memref<5x40xi32, #tpu.memory_space<vmem>> -> memref<1x40xi32, #tpu.memory_space<vmem>>
      %dma_wait3A_3562 = tpu.memref_squeeze %dma_wait3A_3561 : memref<1x40xi32, #tpu.memory_space<vmem>> -> memref<40xi32, #tpu.memory_space<vmem>>
      %dma_wait3A_3563 = tpu.memref_slice %arg2[%add3A_3551] : memref<640000xi32, #tpu.memory_space<hbm>> -> memref<40xi32, #tpu.memory_space<hbm>>
      tpu.wait_dma2 semaphore(%dma_wait3A_3559 : memref<!tpu.dma_semaphore, #tpu.memory_space<semaphore_mem>>) src(%dma_wait3A_3563 : memref<40xi32, #tpu.memory_space<hbm>>) dst(%dma_wait3A_3562 : memref<40xi32, #tpu.memory_space<vmem>>)
      %add3A_3564 = arith.addi %mul3A_3200, %mul3A_3550 : i32
      %dma_wait3A_3565 = arith.constant 4 : i32
      %dma_wait3A_3566 = arith.constant 4 : i32
      %dma_wait3A_3567 = arith.constant 0 : i32
      %dma_wait3A_3568 = arith.constant 0 : i32
      %dma_wait3A_3569 = tpu.memref_slice %arg6[%dma_wait3A_3565, %dma_wait3A_3567, %dma_wait3A_3568] : memref<5x40x128xf32, #tpu.memory_space<vmem>> -> memref<1x40x128xf32, #tpu.memory_space<vmem>>
      %dma_wait3A_3570 = tpu.memref_squeeze %dma_wait3A_3569 : memref<1x40x128xf32, #tpu.memory_space<vmem>> -> memref<40x128xf32, #tpu.memory_space<vmem>>
      %dma_wait3A_3571 = arith.constant 0 : i32
      %dma_wait3A_3572 = tpu.memref_slice %arg3[%add3A_3564, %dma_wait3A_3571] : memref<320000x128xf32, #tpu.memory_space<hbm>> -> memref<40x128xf32, #tpu.memory_space<hbm>>
      %dma_wait3A_3573 = tpu.memref_slice %arg9[%dma_wait3A_3566] : memref<5x!tpu.dma_semaphore, #tpu.memory_space<semaphore_mem>> -> memref<1x!tpu.dma_semaphore, #tpu.memory_space<semaphore_mem>>
      %dma_wait3A_3574 = tpu.memref_squeeze %dma_wait3A_3573 : memref<1x!tpu.dma_semaphore, #tpu.memory_space<semaphore_mem>> -> memref<!tpu.dma_semaphore, #tpu.memory_space<semaphore_mem>>
      %dma_wait3A_3575 = arith.constant 0 : i32
      %dma_wait3A_3576 = arith.constant 0 : i32
      %dma_wait3A_3577 = tpu.memref_slice %arg6[%dma_wait3A_3565, %dma_wait3A_3575, %dma_wait3A_3576] : memref<5x40x128xf32, #tpu.memory_space<vmem>> -> memref<1x40x128xf32, #tpu.memory_space<vmem>>
      %dma_wait3A_3578 = tpu.memref_squeeze %dma_wait3A_3577 : memref<1x40x128xf32, #tpu.memory_space<vmem>> -> memref<40x128xf32, #tpu.memory_space<vmem>>
      %dma_wait3A_3579 = arith.constant 0 : i32
      %dma_wait3A_3580 = tpu.memref_slice %arg3[%add3A_3564, %dma_wait3A_3579] : memref<320000x128xf32, #tpu.memory_space<hbm>> -> memref<40x128xf32, #tpu.memory_space<hbm>>
      tpu.wait_dma2 semaphore(%dma_wait3A_3574 : memref<!tpu.dma_semaphore, #tpu.memory_space<semaphore_mem>>) src(%dma_wait3A_3580 : memref<40x128xf32, #tpu.memory_space<hbm>>) dst(%dma_wait3A_3578 : memref<40x128xf32, #tpu.memory_space<vmem>>)
      %run_scoped3A_3581 = arith.constant 4 : i32
      %run_scoped3A_3582 = arith.constant 4 : i32
      "tpu.region"() ({
        %run_scoped3A_3588 = tpu.sem_alloc : memref<!tpu.dma_semaphore, #tpu.memory_space<semaphore_mem>>
        %dma_start3A_3589 = arith.constant 0 : i32
        %dma_start3A_3590 = arith.constant 0 : i32
        %dma_start3A_3591 = tpu.memref_slice %arg6[%run_scoped3A_3581, %dma_start3A_3589, %dma_start3A_3590] : memref<5x40x128xf32, #tpu.memory_space<vmem>> -> memref<1x40x128xf32, #tpu.memory_space<vmem>>
        %dma_start3A_3592 = tpu.memref_squeeze %dma_start3A_3591 : memref<1x40x128xf32, #tpu.memory_space<vmem>> -> memref<40x128xf32, #tpu.memory_space<vmem>>
        %dma_start3A_3593 = arith.constant 0 : i32
        %dma_start3A_3594 = tpu.memref_slice %arg5[%run_scoped3A_3582, %dma_start3A_3593] : memref<5x40xi32, #tpu.memory_space<vmem>> -> memref<1x40xi32, #tpu.memory_space<vmem>>
        %dma_start3A_3595 = tpu.memref_squeeze %dma_start3A_3594 : memref<1x40xi32, #tpu.memory_space<vmem>> -> memref<40xi32, #tpu.memory_space<vmem>>
        %dma_start3A_3596 = arith.constant 0 : i32
        %dma_start3A_3597 = arith.constant 0 : i32
        %dma_start3A_3598 = tpu.memref_slice %arg7[%dma_start3A_3596, %dma_start3A_3597] : memref<10240x128xf32, #tpu.memory_space<vmem_shared>> -> memref<10240x128xf32, #tpu.memory_space<vmem_shared>>
        tpu.enqueue_indirect_dma source(%dma_start3A_3592 : memref<40x128xf32, #tpu.memory_space<vmem>>) target(%dma_start3A_3598 : memref<10240x128xf32, #tpu.memory_space<vmem_shared>>) offsets(%dma_start3A_3595 : memref<40xi32, #tpu.memory_space<vmem>>) semaphore(%run_scoped3A_3588 : memref<!tpu.dma_semaphore, #tpu.memory_space<semaphore_mem>>) {add = true}
        %dma_wait3A_3599 = arith.constant 0 : i32
        %dma_wait3A_3600 = arith.constant 0 : i32
        %dma_wait3A_3601 = tpu.memref_slice %arg6[%run_scoped3A_3581, %dma_wait3A_3599, %dma_wait3A_3600] : memref<5x40x128xf32, #tpu.memory_space<vmem>> -> memref<1x40x128xf32, #tpu.memory_space<vmem>>
        %dma_wait3A_3602 = tpu.memref_squeeze %dma_wait3A_3601 : memref<1x40x128xf32, #tpu.memory_space<vmem>> -> memref<40x128xf32, #tpu.memory_space<vmem>>
        %dma_wait3A_3603 = arith.constant 0 : i32
        %dma_wait3A_3604 = tpu.memref_slice %arg5[%run_scoped3A_3582, %dma_wait3A_3603] : memref<5x40xi32, #tpu.memory_space<vmem>> -> memref<1x40xi32, #tpu.memory_space<vmem>>
        %dma_wait3A_3605 = tpu.memref_squeeze %dma_wait3A_3604 : memref<1x40xi32, #tpu.memory_space<vmem>> -> memref<40xi32, #tpu.memory_space<vmem>>
        %dma_wait3A_3606 = arith.constant 0 : i32
        %dma_wait3A_3607 = arith.constant 0 : i32
        %dma_wait3A_3608 = tpu.memref_slice %arg7[%dma_wait3A_3606, %dma_wait3A_3607] : memref<10240x128xf32, #tpu.memory_space<vmem_shared>> -> memref<10240x128xf32, #tpu.memory_space<vmem_shared>>
        tpu.wait_indirect_dma semaphore(%run_scoped3A_3588 : memref<!tpu.dma_semaphore, #tpu.memory_space<semaphore_mem>>) src(%dma_wait3A_3602 : memref<40x128xf32, #tpu.memory_space<vmem>>) dst(%dma_wait3A_3608 : memref<10240x128xf32, #tpu.memory_space<vmem_shared>>)
        tpu.yield
      }) : () -> ()
      %lt3A_3583 = arith.constant 49 : i32
      %lt3A_3584 = arith.cmpi slt, %scan3A_3376, %lt3A_3583 : i32
      %convert_element_type3A_3585 = arith.extui %lt3A_3584 : i1 to i32
      %cond3A_3586 = arith.constant 0 : i32
      %cond3A_3587 = arith.cmpi ne, %convert_element_type3A_3585, %cond3A_3586 : i32
      scf.if %cond3A_3587 {
        %add3A_3588 = arith.constant 200 : i32
        %add3A_3589 = arith.addi %mul3A_3550, %add3A_3588 : i32
        %add3A_3590 = arith.addi %add3A_3202, %add3A_3589 : i32
        %dma_start3A_3591 = arith.constant 4 : i32
        %dma_start3A_3592 = arith.constant 4 : i32
        %dma_start3A_3593 = arith.constant 0 : i32
        %dma_start3A_3594 = tpu.memref_slice %arg5[%dma_start3A_3591, %dma_start3A_3593] : memref<5x40xi32, #tpu.memory_space<vmem>> -> memref<1x40xi32, #tpu.memory_space<vmem>>
        %dma_start3A_3595 = tpu.memref_squeeze %dma_start3A_3594 : memref<1x40xi32, #tpu.memory_space<vmem>> -> memref<40xi32, #tpu.memory_space<vmem>>
        %dma_start3A_3596 = tpu.memref_slice %arg2[%add3A_3590] : memref<640000xi32, #tpu.memory_space<hbm>> -> memref<40xi32, #tpu.memory_space<hbm>>
        %dma_start3A_3597 = tpu.memref_slice %arg8[%dma_start3A_3592] : memref<5x!tpu.dma_semaphore, #tpu.memory_space<semaphore_mem>> -> memref<1x!tpu.dma_semaphore, #tpu.memory_space<semaphore_mem>>
        %dma_start3A_3598 = tpu.memref_squeeze %dma_start3A_3597 : memref<1x!tpu.dma_semaphore, #tpu.memory_space<semaphore_mem>> -> memref<!tpu.dma_semaphore, #tpu.memory_space<semaphore_mem>>
        %dma_start3A_3599 = arith.constant 0 : i32
        %dma_start3A_3600 = tpu.memref_slice %arg5[%dma_start3A_3591, %dma_start3A_3599] : memref<5x40xi32, #tpu.memory_space<vmem>> -> memref<1x40xi32, #tpu.memory_space<vmem>>
        %dma_start3A_3601 = tpu.memref_squeeze %dma_start3A_3600 : memref<1x40xi32, #tpu.memory_space<vmem>> -> memref<40xi32, #tpu.memory_space<vmem>>
        %dma_start3A_3602 = tpu.memref_slice %arg2[%add3A_3590] : memref<640000xi32, #tpu.memory_space<hbm>> -> memref<40xi32, #tpu.memory_space<hbm>>
        tpu.enqueue_dma source(%dma_start3A_3602 : memref<40xi32, #tpu.memory_space<hbm>>) target(%dma_start3A_3601 : memref<40xi32, #tpu.memory_space<vmem>>) target_semaphore(%dma_start3A_3598 : memref<!tpu.dma_semaphore, #tpu.memory_space<semaphore_mem>>)
        %add3A_3603 = arith.addi %mul3A_3200, %add3A_3589 : i32
        %dma_start3A_3604 = arith.constant 4 : i32
        %dma_start3A_3605 = arith.constant 4 : i32
        %dma_start3A_3606 = arith.constant 0 : i32
        %dma_start3A_3607 = arith.constant 0 : i32
        %dma_start3A_3608 = tpu.memref_slice %arg6[%dma_start3A_3604, %dma_start3A_3606, %dma_start3A_3607] : memref<5x40x128xf32, #tpu.memory_space<vmem>> -> memref<1x40x128xf32, #tpu.memory_space<vmem>>
        %dma_start3A_3609 = tpu.memref_squeeze %dma_start3A_3608 : memref<1x40x128xf32, #tpu.memory_space<vmem>> -> memref<40x128xf32, #tpu.memory_space<vmem>>
        %dma_start3A_3610 = arith.constant 0 : i32
        %dma_start3A_3611 = tpu.memref_slice %arg3[%add3A_3603, %dma_start3A_3610] : memref<320000x128xf32, #tpu.memory_space<hbm>> -> memref<40x128xf32, #tpu.memory_space<hbm>>
        %dma_start3A_3612 = tpu.memref_slice %arg9[%dma_start3A_3605] : memref<5x!tpu.dma_semaphore, #tpu.memory_space<semaphore_mem>> -> memref<1x!tpu.dma_semaphore, #tpu.memory_space<semaphore_mem>>
        %dma_start3A_3613 = tpu.memref_squeeze %dma_start3A_3612 : memref<1x!tpu.dma_semaphore, #tpu.memory_space<semaphore_mem>> -> memref<!tpu.dma_semaphore, #tpu.memory_space<semaphore_mem>>
        %dma_start3A_3614 = arith.constant 0 : i32
        %dma_start3A_3615 = arith.constant 0 : i32
        %dma_start3A_3616 = tpu.memref_slice %arg6[%dma_start3A_3604, %dma_start3A_3614, %dma_start3A_3615] : memref<5x40x128xf32, #tpu.memory_space<vmem>> -> memref<1x40x128xf32, #tpu.memory_space<vmem>>
        %dma_start3A_3617 = tpu.memref_squeeze %dma_start3A_3616 : memref<1x40x128xf32, #tpu.memory_space<vmem>> -> memref<40x128xf32, #tpu.memory_space<vmem>>
        %dma_start3A_3618 = arith.constant 0 : i32
        %dma_start3A_3619 = tpu.memref_slice %arg3[%add3A_3603, %dma_start3A_3618] : memref<320000x128xf32, #tpu.memory_space<hbm>> -> memref<40x128xf32, #tpu.memory_space<hbm>>
        tpu.enqueue_dma source(%dma_start3A_3619 : memref<40x128xf32, #tpu.memory_space<hbm>>) target(%dma_start3A_3617 : memref<40x128xf32, #tpu.memory_space<vmem>>) target_semaphore(%dma_start3A_3613 : memref<!tpu.dma_semaphore, #tpu.memory_space<semaphore_mem>>)
      } else {
      }
    }
    %scan3A_3367 = arith.constant 50 : i32
    %barrier3A_3368 = arith.constant 0 : index
    tpu.barrier barrier_id(%barrier3A_3368)
    %mul3A_3369 = arith.constant 10240 : i32
    %mul3A_3370 = arith.muli %arg0, %mul3A_3369 : i32
    %mul3A_3371 = arith.constant 640 : i32
    %mul3A_3372 = arith.muli %arg1, %mul3A_3371 : i32
    %add3A_3373 = arith.addi %mul3A_3370, %mul3A_3372 : i32
    %mul3A_3374 = arith.constant 640 : i32
    %mul3A_3375 = arith.muli %arg1, %mul3A_3374 : i32
    "tpu.region"() ({
      %run_scoped3A = tpu.sem_alloc : memref<!tpu.dma_semaphore, #tpu.memory_space<semaphore_mem>>
      %dma_start3A_3376 = arith.constant 0 : i32
      %dma_start3A_3377 = tpu.memref_slice %arg4[%add3A_3373, %dma_start3A_3376] : memref<20480x128xf32, #tpu.memory_space<hbm>> -> memref<640x128xf32, #tpu.memory_space<hbm>>
      %dma_start3A_3378 = arith.constant 0 : i32
      %dma_start3A_3379 = tpu.memref_slice %arg7[%mul3A_3375, %dma_start3A_3378] : memref<10240x128xf32, #tpu.memory_space<vmem_shared>> -> memref<640x128xf32, #tpu.memory_space<vmem_shared>>
      tpu.enqueue_dma source(%dma_start3A_3379 : memref<640x128xf32, #tpu.memory_space<vmem_shared>>) target(%dma_start3A_3377 : memref<640x128xf32, #tpu.memory_space<hbm>>) target_semaphore(%run_scoped3A : memref<!tpu.dma_semaphore, #tpu.memory_space<semaphore_mem>>)
      %dma_wait3A_3380 = arith.constant 0 : i32
      %dma_wait3A_3381 = tpu.memref_slice %arg4[%add3A_3373, %dma_wait3A_3380] : memref<20480x128xf32, #tpu.memory_space<hbm>> -> memref<640x128xf32, #tpu.memory_space<hbm>>
      %dma_wait3A_3382 = arith.constant 0 : i32
      %dma_wait3A_3383 = tpu.memref_slice %arg7[%mul3A_3375, %dma_wait3A_3382] : memref<10240x128xf32, #tpu.memory_space<vmem_shared>> -> memref<640x128xf32, #tpu.memory_space<vmem_shared>>
      tpu.wait_dma2 semaphore(%run_scoped3A : memref<!tpu.dma_semaphore, #tpu.memory_space<semaphore_mem>>) src(%dma_wait3A_3383 : memref<640x128xf32, #tpu.memory_space<vmem_shared>>) dst(%dma_wait3A_3381 : memref<640x128xf32, #tpu.memory_space<hbm>>)
      tpu.yield
    }) : () -> ()
    return
  }
}

module attributes {stable_mosaic.version = 14 : i64} {
  func.func @_mlp1_body(%arg0: i32, %arg1: memref<1280x128xf32, #tpu.memory_space<vmem>>, %arg2: memref<128x256xf32, #tpu.memory_space<vmem>>, %arg3: memref<1x256xf32, #tpu.memory_space<vmem>>, %arg4: memref<1280x256xf32, #tpu.memory_space<vmem>>) attributes {dimension_semantics = [#tpu.dimension_semantics<arbitrary>], iteration_bounds = array<i64: 8>, scalar_prefetch = 0 : i64, scratch_operands = 0 : i64, tpu.core_type = #tpu.core_type<tc>, window_params = [{transform_indices = @transform_0, window_bounds = array<i64: 1280, 128>}, {pipeline_mode = #tpu.pipeline_mode<synchronous>, transform_indices = @transform_1, window_bounds = array<i64: 128, 256>}, {pipeline_mode = #tpu.pipeline_mode<synchronous>, transform_indices = @transform_2, window_bounds = array<i64: 1, 256>}, {transform_indices = @transform_3, window_bounds = array<i64: 1280, 256>}]} {
    %get3A = arith.constant 0 : index
    %get3A_0 = arith.constant 0 : index
    %get3A_1 = vector.load %arg1[%get3A, %get3A_0] : memref<1280x128xf32, #tpu.memory_space<vmem>>, vector<1280x128xf32>
    %get3A_2 = arith.constant 0 : index
    %get3A_3 = arith.constant 0 : index
    %get3A_4 = vector.load %arg2[%get3A_2, %get3A_3] : memref<128x256xf32, #tpu.memory_space<vmem>>, vector<128x256xf32>
    %dot_general3A = arith.constant dense<0.000000e+00> : vector<1280x256xf32>
    %dot_general3A_5 = tpu.matmul %get3A_1, %get3A_4, %dot_general3A {dimension_numbers = #tpu.dot_dimension_numbers<[1], [0], [0], [1], [0, 0, 1, 1], [], []>, transpose_lhs_hint = false} : vector<1280x128xf32>, vector<128x256xf32>, vector<1280x256xf32> -> vector<1280x256xf32>
    %get3A_6 = arith.constant 0 : index
    %get3A_7 = arith.constant 0 : index
    %get3A_8 = vector.load %arg3[%get3A_6, %get3A_7] : memref<1x256xf32, #tpu.memory_space<vmem>>, vector<1x256xf32>
    %add3A = vector.broadcast %get3A_8 : vector<1x256xf32> to vector<1280x256xf32>
    %add3A_9 = arith.addf %dot_general3A_5, %add3A : vector<1280x256xf32>
    %swap3A = arith.constant 0 : index
    %swap3A_10 = arith.constant 0 : index
    %swap3A_11 = vector.load %arg4[%swap3A, %swap3A_10] : memref<1280x256xf32, #tpu.memory_space<vmem>>, vector<1280x256xf32>
    tpu.vector_store %arg4[%swap3A, %swap3A_10], %add3A_9 {strides = array<i32>} : memref<1280x256xf32, #tpu.memory_space<vmem>>, vector<1280x256xf32>,
    return
  }
  func.func @transform_0(%arg0: i32) -> (i32, i32) {
    %c0_i32 = arith.constant 0 : i32
    %c0_i32_0 = arith.constant 0 : i32
    return %arg0, %c0_i32 : i32, i32
  }
  func.func @transform_1(%arg0: i32) -> (i32, i32) {
    %c0_i32 = arith.constant 0 : i32
    %c0_i32_0 = arith.constant 0 : i32
    %c0_i32_1 = arith.constant 0 : i32
    return %c0_i32, %c0_i32_0 : i32, i32
  }
  func.func @transform_2(%arg0: i32) -> (i32, i32) {
    %c0_i32 = arith.constant 0 : i32
    %c0_i32_0 = arith.constant 0 : i32
    %c0_i32_1 = arith.constant 0 : i32
    return %c0_i32, %c0_i32_0 : i32, i32
  }
  func.func @transform_3(%arg0: i32) -> (i32, i32) {
    %c0_i32 = arith.constant 0 : i32
    %c0_i32_0 = arith.constant 0 : i32
    return %arg0, %c0_i32 : i32, i32
  }
}

module attributes {stable_mosaic.version = 14 : i64} {
  func.func @_mlp2_body(%arg0: i32, %arg1: memref<1280x128xf32, #tpu.memory_space<vmem>>, %arg2: memref<1280x256xf32, #tpu.memory_space<vmem>>, %arg3: memref<1280x128xf32, #tpu.memory_space<vmem>>, %arg4: memref<1280x128xf32, #tpu.memory_space<vmem>>, %arg5: memref<128x256xf32, #tpu.memory_space<vmem>>, %arg6: memref<256x128xf32, #tpu.memory_space<vmem>>, %arg7: memref<1x128xf32, #tpu.memory_space<vmem>>, %arg8: memref<1x128xf32, #tpu.memory_space<vmem>>, %arg9: memref<1x128xf32, #tpu.memory_space<vmem>>, %arg10: memref<1280x128xf32, #tpu.memory_space<vmem>>) attributes {dimension_semantics = [#tpu.dimension_semantics<arbitrary>], iteration_bounds = array<i64: 8>, scalar_prefetch = 0 : i64, scratch_operands = 0 : i64, tpu.core_type = #tpu.core_type<tc>, window_params = [{transform_indices = @transform_0, window_bounds = array<i64: 1280, 128>}, {transform_indices = @transform_1, window_bounds = array<i64: 1280, 256>}, {transform_indices = @transform_2, window_bounds = array<i64: 1280, 128>}, {transform_indices = @transform_3, window_bounds = array<i64: 1280, 128>}, {pipeline_mode = #tpu.pipeline_mode<synchronous>, transform_indices = @transform_4, window_bounds = array<i64: 128, 256>}, {pipeline_mode = #tpu.pipeline_mode<synchronous>, transform_indices = @transform_5, window_bounds = array<i64: 256, 128>}, {pipeline_mode = #tpu.pipeline_mode<synchronous>, transform_indices = @transform_6, window_bounds = array<i64: 1, 128>}, {pipeline_mode = #tpu.pipeline_mode<synchronous>, transform_indices = @transform_7, window_bounds = array<i64: 1, 128>}, {pipeline_mode = #tpu.pipeline_mode<synchronous>, transform_indices = @transform_8, window_bounds = array<i64: 1, 128>}, {transform_indices = @transform_9, window_bounds = array<i64: 1280, 128>}]} {
    %get3A = arith.constant 0 : index
    %get3A_0 = arith.constant 0 : index
    %get3A_1 = vector.load %arg3[%get3A, %get3A_0] : memref<1280x128xf32, #tpu.memory_space<vmem>>, vector<1280x128xf32>
    %get3A_2 = arith.constant 0 : index
    %get3A_3 = arith.constant 0 : index
    %get3A_4 = vector.load %arg4[%get3A_2, %get3A_3] : memref<1280x128xf32, #tpu.memory_space<vmem>>, vector<1280x128xf32>
    %add3A = arith.addf %get3A_1, %get3A_4 : vector<1280x128xf32>
    %get3A_5 = arith.constant 0 : index
    %get3A_6 = arith.constant 0 : index
    %get3A_7 = vector.load %arg2[%get3A_5, %get3A_6] : memref<1280x256xf32, #tpu.memory_space<vmem>>, vector<1280x256xf32>
    %get3A_8 = arith.constant 0 : index
    %get3A_9 = arith.constant 0 : index
    %get3A_10 = vector.load %arg5[%get3A_8, %get3A_9] : memref<128x256xf32, #tpu.memory_space<vmem>>, vector<128x256xf32>
    %dot_general3A = arith.constant dense<0.000000e+00> : vector<1280x256xf32>
    %dot_general3A_11 = tpu.matmul %add3A, %get3A_10, %dot_general3A {dimension_numbers = #tpu.dot_dimension_numbers<[1], [0], [0], [1], [0, 0, 1, 1], [], []>, transpose_lhs_hint = false} : vector<1280x128xf32>, vector<128x256xf32>, vector<1280x256xf32> -> vector<1280x256xf32>
    %add3A_12 = arith.addf %get3A_7, %dot_general3A_11 : vector<1280x256xf32>
    %logistic3A = arith.negf %add3A_12 : vector<1280x256xf32>
    %logistic3A_13 = math.exp %logistic3A : vector<1280x256xf32>
    %logistic3A_14 = arith.constant 1.000000e+00 : f32
    %logistic3A_15 = vector.broadcast %logistic3A_14 : f32 to vector<1280x256xf32>
    %logistic3A_16 = arith.addf %logistic3A_15, %logistic3A_13 : vector<1280x256xf32>
    %logistic3A_17 = arith.divf %logistic3A_15, %logistic3A_16 : vector<1280x256xf32>
    %mul3A = arith.mulf %add3A_12, %logistic3A_17 : vector<1280x256xf32>
    %get3A_18 = arith.constant 0 : index
    %get3A_19 = arith.constant 0 : index
    %get3A_20 = vector.load %arg6[%get3A_18, %get3A_19] : memref<256x128xf32, #tpu.memory_space<vmem>>, vector<256x128xf32>
    %dot_general3A_21 = arith.constant dense<0.000000e+00> : vector<1280x128xf32>
    %dot_general3A_22 = tpu.matmul %mul3A, %get3A_20, %dot_general3A_21 {dimension_numbers = #tpu.dot_dimension_numbers<[1], [0], [0], [1], [0, 0, 1, 1], [], []>, transpose_lhs_hint = false} : vector<1280x256xf32>, vector<256x128xf32>, vector<1280x128xf32> -> vector<1280x128xf32>
    %get3A_23 = arith.constant 0 : index
    %get3A_24 = arith.constant 0 : index
    %get3A_25 = vector.load %arg7[%get3A_23, %get3A_24] : memref<1x128xf32, #tpu.memory_space<vmem>>, vector<1x128xf32>
    %add3A_26 = vector.broadcast %get3A_25 : vector<1x128xf32> to vector<1280x128xf32>
    %add3A_27 = arith.addf %dot_general3A_22, %add3A_26 : vector<1280x128xf32>
    %reduce_sum3A = arith.constant dense<0.000000e+00> : vector<1280xf32>
    %reduce_sum3A_28 = vector.multi_reduction <add>, %add3A_27, %reduce_sum3A [1] : vector<1280x128xf32> to vector<1280xf32>
    %broadcast_in_dim3A = vector.shape_cast %reduce_sum3A_28 : vector<1280xf32> to vector<1280x1xf32>
    %div3A = arith.constant 1.280000e+02 : f32
    %div3A_29 = vector.broadcast %div3A : f32 to vector<1280x1xf32>
    %div3A_30 = arith.divf %broadcast_in_dim3A, %div3A_29 : vector<1280x1xf32>
    %sub3A = vector.broadcast %div3A_30 : vector<1280x1xf32> to vector<1280x128xf32>
    %sub3A_31 = arith.subf %add3A_27, %sub3A : vector<1280x128xf32>
    %mul3A_32 = arith.mulf %sub3A_31, %sub3A_31 : vector<1280x128xf32>
    %reduce_sum3A_33 = arith.constant dense<0.000000e+00> : vector<1280xf32>
    %reduce_sum3A_34 = vector.multi_reduction <add>, %mul3A_32, %reduce_sum3A_33 [1] : vector<1280x128xf32> to vector<1280xf32>
    %broadcast_in_dim3A_35 = vector.shape_cast %reduce_sum3A_34 : vector<1280xf32> to vector<1280x1xf32>
    %div3A_36 = arith.constant 1.280000e+02 : f32
    %div3A_37 = vector.broadcast %div3A_36 : f32 to vector<1280x1xf32>
    %div3A_38 = arith.divf %broadcast_in_dim3A_35, %div3A_37 : vector<1280x1xf32>
    %get3A_39 = arith.constant 0 : index
    %get3A_40 = arith.constant 0 : index
    %get3A_41 = vector.load %arg1[%get3A_39, %get3A_40] : memref<1280x128xf32, #tpu.memory_space<vmem>>, vector<1280x128xf32>
    %add3A_42 = arith.constant 9.99999974E-6 : f32
    %add3A_43 = vector.broadcast %add3A_42 : f32 to vector<1280x1xf32>
    %add3A_44 = arith.addf %div3A_38, %add3A_43 : vector<1280x1xf32>
    %rsqrt3A = math.rsqrt %add3A_44 : vector<1280x1xf32>
    %mul3A_45 = vector.broadcast %rsqrt3A : vector<1280x1xf32> to vector<1280x128xf32>
    %mul3A_46 = arith.mulf %sub3A_31, %mul3A_45 : vector<1280x128xf32>
    %get3A_47 = arith.constant 0 : index
    %get3A_48 = arith.constant 0 : index
    %get3A_49 = vector.load %arg8[%get3A_47, %get3A_48] : memref<1x128xf32, #tpu.memory_space<vmem>>, vector<1x128xf32>
    %mul3A_50 = vector.broadcast %get3A_49 : vector<1x128xf32> to vector<1280x128xf32>
    %mul3A_51 = arith.mulf %mul3A_46, %mul3A_50 : vector<1280x128xf32>
    %add3A_52 = arith.addf %get3A_41, %mul3A_51 : vector<1280x128xf32>
    %get3A_53 = arith.constant 0 : index
    %get3A_54 = arith.constant 0 : index
    %get3A_55 = vector.load %arg9[%get3A_53, %get3A_54] : memref<1x128xf32, #tpu.memory_space<vmem>>, vector<1x128xf32>
    %add3A_56 = vector.broadcast %get3A_55 : vector<1x128xf32> to vector<1280x128xf32>
    %add3A_57 = arith.addf %add3A_52, %add3A_56 : vector<1280x128xf32>
    %swap3A = arith.constant 0 : index
    %swap3A_58 = arith.constant 0 : index
    %swap3A_59 = vector.load %arg10[%swap3A, %swap3A_58] : memref<1280x128xf32, #tpu.memory_space<vmem>>, vector<1280x128xf32>
    tpu.vector_store %arg10[%swap3A, %swap3A_58], %add3A_57 {strides = array<i32>} : memref<1280x128xf32, #tpu.memory_space<vmem>>, vector<1280x128xf32>,
    return
  }
  func.func @transform_0(%arg0: i32) -> (i32, i32) {
    %c0_i32 = arith.constant 0 : i32
    %c0_i32_0 = arith.constant 0 : i32
    return %arg0, %c0_i32 : i32, i32
  }
  func.func @transform_1(%arg0: i32) -> (i32, i32) {
    %c0_i32 = arith.constant 0 : i32
    %c0_i32_0 = arith.constant 0 : i32
    return %arg0, %c0_i32 : i32, i32
  }
  func.func @transform_2(%arg0: i32) -> (i32, i32) {
    %c0_i32 = arith.constant 0 : i32
    %c0_i32_0 = arith.constant 0 : i32
    return %arg0, %c0_i32 : i32, i32
  }
  func.func @transform_3(%arg0: i32) -> (i32, i32) {
    %add3A = arith.constant 8 : i32
    %add3A_0 = arith.addi %add3A, %arg0 : i32
    %c0_i32 = arith.constant 0 : i32
    %c0_i32_1 = arith.constant 0 : i32
    return %add3A_0, %c0_i32 : i32, i32
  }
  func.func @transform_4(%arg0: i32) -> (i32, i32) {
    %c0_i32 = arith.constant 0 : i32
    %c0_i32_0 = arith.constant 0 : i32
    %c0_i32_1 = arith.constant 0 : i32
    return %c0_i32, %c0_i32_0 : i32, i32
  }
  func.func @transform_5(%arg0: i32) -> (i32, i32) {
    %c0_i32 = arith.constant 0 : i32
    %c0_i32_0 = arith.constant 0 : i32
    %c0_i32_1 = arith.constant 0 : i32
    return %c0_i32, %c0_i32_0 : i32, i32
  }
  func.func @transform_6(%arg0: i32) -> (i32, i32) {
    %c0_i32 = arith.constant 0 : i32
    %c0_i32_0 = arith.constant 0 : i32
    %c0_i32_1 = arith.constant 0 : i32
    return %c0_i32, %c0_i32_0 : i32, i32
  }
  func.func @transform_7(%arg0: i32) -> (i32, i32) {
    %c0_i32 = arith.constant 0 : i32
    %c0_i32_0 = arith.constant 0 : i32
    %c0_i32_1 = arith.constant 0 : i32
    return %c0_i32, %c0_i32_0 : i32, i32
  }
  func.func @transform_8(%arg0: i32) -> (i32, i32) {
    %c0_i32 = arith.constant 0 : i32
    %c0_i32_0 = arith.constant 0 : i32
    %c0_i32_1 = arith.constant 0 : i32
    return %c0_i32, %c0_i32_0 : i32, i32
  }
  func.func @transform_9(%arg0: i32) -> (i32, i32) {
    %c0_i32 = arith.constant 0 : i32
    %c0_i32_0 = arith.constant 0 : i32
    return %arg0, %c0_i32 : i32, i32
  }
}

</mosaic_0001>

<sc_bundles>
// kernel: kernel.5.cloned.1.call-start
scs
__scs_entry_jumppad:
0x0: {  	(pc) =	sbr.rel $0x88, $3  }
0x1: {  	(tag) =	ssettag $0x0;
	lr =	simm.s32 $0x1  }
0x2: {  	[smem:$0x3F98] =	sst lr;
	_ =	strace $0xD0000000  }
0x3: {  	_ = 	snop  }
0x4: {  	_ = 	snop  }
0x5: {  	_ = 	snop  }
0x6: {  	_ = 	snop  }
0x7: {  	_ = 	snop  }
__scs_overlays_trampoline_lowered:
0x8: {  	[smem:$0x3FA7] =	sst s0  }
0x9: {  	[smem:$0x3FA8] =	sst s1  }
0xa: {  	[smem:$0x3FA9] =	sst s2  }
0xb: {  	[smem:$0x3FAA] =	sst s3  }
0xc: {  	[smem:$0x3FAB] =	sst s4  }
0xd: {  	[smem:$0x3FAC] =	sst s5  }
0xe: {  	[smem:$0x3FAD] =	sst s6  }
0xf: {  	[smem:$0x3FAE] =	sst s7  }
0x10: {  	[smem:$0x3FAF] =	sst s8  }
0x11: {  	[smem:$0x3FB0] =	sst s9;
	s0 =	simm.s32 @!p0 $0x0  }
0x12: {  	s1 =	sld [smem:$0x3F96];
	s0 =	simm.s32 @p0 $0x1  }
0x13: {  	[smem:$0x3FB1] =	sst s0;
	s0 =	simm.s32 @!p1 $0x0  }
0x14: {  	s2 =	sld [smem:$0x3F95];
	s0 =	simm.s32 @p1 $0x1  }
0x15: {  	[smem:$0x3FB2] =	sst s0;
	s0 =	simm.s32 @!p2 $0x0  }
0x16: {  	s3 =	sld [smem:$0x3FDB];
	s0 =	simm.s32 @p2 $0x1  }
0x17: {  	s4 =	simm.s32 $0x1BF5;
	[smem:$0x3FB4] =	sst s0  }
0x18: {  	s0 =	sld [smem:$0x3F97];
	_ =	swait.ge [sflag:s4], $0x0  }
0x19: {  	s7 =	sld [smem:$0x3F98]  }
0x1a: {  	s8 =	sadd.s32 $0xFFFFE003, lr  }
0x1b: {  	s9 =	sadd.s32 $0xFFFFFEF7, lr;
	s5 =	simm.s32 $0xFFFFFFFF;
	p2 =	slt.u32 s8, $0xFFFFF086  }
0x1c: {  	p1 =	slt.u32 s9, $0xF7A;
	s5 =	simm.s32 @!p2 $0x0  }
0x1d: {  	s5 =	simm.s32 @p1 $0x1;
	p0 =	seq.s32 s7, s2  }
0x1e: {  	s7 =	smul.u32 @!p0 $0xF7A, s2;
	p2 =	seq.s32 @!p0 s5, $0x0  }
0x1f: {  	s9 =	smul.u32 $0xF7A, s1;
	s8 =	simm.s32 @!p0 $0x1BF5;
	p2 =	por !p2, p0  }
0x20: {  	[sflag:s8] =	ssyncset.s32 @!p0 $0xFFFFF086;
	s6 =	sadd.s32 @!p0 s3, s7;
	s7 =	simm.s32 @!p0 $0x108  }
0x21: {  	s3 =	sadd.s32 s3, s9;
	s6 =	sadd.s32 @!p0 $0x88, s6;
	s7 =	simm.s32 @p2 $0x1082  }
0x22: {  	[simem:s7], [sflag:s8] =	dma.local @!p0 [hbm:s6], $0xF7A  }
0x23: {  	s9 =	sor.u32 $0xD0000000, s2;
	s6 =	simm.s32 $0x108;
	_ =	swait.ge @!p0 [sflag:s8], $0x0  }
0x24: {  	s3 =	sadd.s32 $0x88, s3;
	s6 =	simm.s32 @!p1 $0x1082;
	[sflag:s4] =	ssyncset.s32 $0xFFFFF086  }
0x25: {  	[simem:s6], [sflag:s4] =	dma.local [hbm:s3], $0xF7A  }
0x26: {  	[smem:$0x3F98] =	sst s1;
	(tag) =	ssettag s2;
	_ =	strace s9  }
0x27: {  	s1 =	sld [smem:$0x3FA8]  }
0x28: {  	s2 =	sld [smem:$0x3FA9]  }
0x29: {  	s4 =	sld [smem:$0x3FAB]  }
0x2a: {  	p0 =	seq.s32 s5, $0x0;
	s5 =	sld [smem:$0x3FAC]  }
0x2b: {  	s6 =	sld [smem:$0x3FAD]  }
0x2c: {  	s7 =	sld [smem:$0x3FAE]  }
0x2d: {  	s3 =	simm.s32 $0x108;
	s8 =	sld [smem:$0x3FAF]  }
0x2e: {  	s3 =	simm.s32 @!p0 $0x1082;
	s9 =	sld [smem:$0x3FB0]  }
0x2f: {  	lr =	sadd.s32 s0, s3;
	s0 =	sld [smem:$0x3FA7]  }
0x30: {  	s3 =	sld [smem:$0x3FAA]  }
0x31: {  	[smem:$0x3FB3] =	sst s10  }
0x32: {  	s10 =	sld [smem:$0x3FB1];
	_ =	sdelay $0x3  }
0x33: {  	p0 =	seq.s32 s10, $0x1;
	s10 =	sld [smem:$0x3FB3];
	_ =	sdelay $0x3  }
0x34: {  	[smem:$0x3FB3] =	sst s10  }
0x35: {  	s10 =	sld [smem:$0x3FB2];
	_ =	sdelay $0x3  }
0x36: {  	p1 =	seq.s32 s10, $0x1;
	s10 =	sld [smem:$0x3FB3];
	_ =	sdelay $0x3  }
0x37: {  	[smem:$0x3FB3] =	sst s10  }
0x38: {  	s10 =	sld [smem:$0x3FB4]  }
0x39: {  	_ = 	snop;
	(pc) =	sbr.ind lr, $3  }
0x3a: {  	_ = 	snop  }
0x3b: {  	_ = 	snop  }
0x3c: {  	p2 =	seq.s32 s10, $0x1;
	s10 =	sld [smem:$0x3FB3]  }
0x3d: {  	_ =	shalt  }
0x3e: {  	_ =	shalt  }
0x3f: {  	_ =	shalt  }
0x40: {  	_ =	shalt  }
0x41: {  	_ =	shalt  }
0x42: {  	_ =	shalt  }
0x43: {  	_ =	shalt  }
0x44: {  	_ =	shalt  }
0x45: {  	_ =	shalt  }
0x46: {  	_ =	shalt  }
0x47: {  	_ =	shalt  }
0x48: {  	_ =	shalt  }
0x49: {  	_ =	shalt  }
0x4a: {  	_ =	shalt  }
0x4b: {  	_ =	shalt  }
0x4c: {  	_ =	shalt  }
0x4d: {  	_ =	shalt  }
0x4e: {  	_ =	shalt  }
0x4f: {  	_ =	shalt  }
0x50: {  	_ =	shalt  }
0x51: {  	_ =	shalt  }
0x52: {  	_ =	shalt  }
0x53: {  	_ =	shalt  }
0x54: {  	_ =	shalt  }
0x55: {  	_ =	shalt  }
0x56: {  	_ =	shalt  }
0x57: {  	_ =	shalt  }
0x58: {  	_ =	shalt  }
0x59: {  	_ =	shalt  }
0x5a: {  	_ =	shalt  }
0x5b: {  	_ =	shalt  }
0x5c: {  	_ =	shalt  }
0x5d: {  	_ =	shalt  }
0x5e: {  	_ =	shalt  }
0x5f: {  	_ =	shalt  }
0x60: {  	_ =	shalt  }
0x61: {  	_ =	shalt  }
0x62: {  	_ =	shalt  }
0x63: {  	_ =	shalt  }
0x64: {  	_ =	shalt  }
0x65: {  	_ =	shalt  }
0x66: {  	_ =	shalt  }
0x67: {  	_ =	shalt  }
0x68: {  	_ =	shalt  }
0x69: {  	_ =	shalt  }
0x6a: {  	_ =	shalt  }
0x6b: {  	_ =	shalt  }
0x6c: {  	_ =	shalt  }
0x6d: {  	_ =	shalt  }
0x6e: {  	_ =	shalt  }
0x6f: {  	_ =	shalt  }
0x70: {  	_ =	shalt  }
0x71: {  	_ =	shalt  }
0x72: {  	_ =	shalt  }
0x73: {  	_ =	shalt  }
0x74: {  	_ =	shalt  }
0x75: {  	_ =	shalt  }
0x76: {  	_ =	shalt  }
0x77: {  	_ =	shalt  }
0x78: {  	_ =	shalt  }
0x79: {  	_ =	shalt  }
0x7a: {  	_ =	shalt  }
0x7b: {  	_ =	shalt  }
0x7c: {  	_ =	shalt  }
0x7d: {  	_ =	shalt  }
0x7e: {  	_ =	shalt  }
0x7f: {  	_ =	shalt  }
0x80: {  	_ =	shalt  }
0x81: {  	_ =	shalt  }
0x82: {  	_ =	shalt  }
0x83: {  	_ =	shalt  }
0x84: {  	_ =	shalt  }
0x85: {  	_ =	shalt  }
0x86: {  	_ =	shalt  }
0x87: {  	_ =	shalt  }
.Lfunc_end0:
.L_simem_size_0:
called_computation_lowered:
.L_overlay_start_0:
0x88: {  	s2 =	sld [smem:$0x3FD9]  }
0x89: {  	s3 =	sld [smem:$0x3FFE];
	_ =	sdelay $0x1  }
0x8a: {  	s1 =	srdreg.scid  }
0x8b: {  	s0 =	sand.u32 $0x1, s1  }
0x8c: {  	s17 =	sshll.u32 s0, $0xA;
	s2 =	sadd.s32 s3, s2  }
0x8d: {  	s2 =	sadd.s32 s2, s17  }
0x8e: {  	[smem:$0x3FBF] =	sst s2  }
0x8f: {  	_ = 	snop  }
0x90: {  	s2 =	sld [smem:$0x3FC7]  }
0x91: {  	s18 =	sld [smem:$0x3FD0];
	(tm) =	ssettm $0x1  }
0x92: {  	s4 =	sld [smem:$0x3FFB];
	_ =	sdelay $0x3  }
0x93: {  	_ =	strace s4  }
0x94: {  	s4 =	sld [smem:$0x3FFC];
	_ =	sdelay $0x3  }
0x95: {  	_ =	strace s4  }
0x96: {  	s4 =	sld [smem:$0x3FFD];
	_ =	sdelay $0x3  }
0x97: {  	_ =	strace s4  }
0x98: {  	_ =	strace $0x8FFFFFFF  }
0x99: {  	s19 =	sld [smem:$0x3FDB];
	_ =	sdelay $0x1  }
0x9a: {  	s5 =	simm.s32 $_scs_section_size  }
0x9b: {  	s6 =	simm.s32 $_size__tile_overlayer_lowered;
	s7 =	simm.s32 $_tile_overlayer_lowered  }
0x9c: {  	s22 =	simm.s32 $0x1BFF;
	s21 =	sshll.u32 s7, $0x1;
	s4 =	sadd.s32 s5, s19  }
0x9d: {  	s8 =	simm.s32 $0x0;
	s20 =	sshll.u32 s6, $0x1;
	s6 =	sadd.s32 s21, s4  }
0x9e: {  	[timem:s8], [sflag:s22] =	dma.local [hbm:s6], s20  }
0x9f: {  	_ =	swait.ge [sflag:s22], s20  }
0xa0: {  	s5 =	ssub.s32 $0x0, s20;
	[sflag:s22] =	ssyncset.done $0x0  }
0xa1: {  	[sflag:s22] =	ssyncadd.s32 s5;
	_ =	sdelay $0x1  }
0xa2: {  	s23 =	simm.s32 $0x1B8B  }
0xa3: {  	_ =	swait.ge [sflag:s23], $0x1  }
0xa4: {  	[sflag:s23] =	ssyncset.done $0x0  }
0xa5: {  	s25 =	simm.s32 $0x1B8E;
	s24 =	sld [smem:$0x3FFE];
	[sflag:s23] =	ssyncadd.s32 $0xFFFFFFFF  }
0xa6: {  	s26 =	simm.s32 $execute0_lowered;
	[smem:$0x3FD2] =	sst s25  }
0xa7: {  	s6 =	sshll.u32 s26, $0x1;
	_ =	strace $0x80000046;
	[dreg:$0x1] =	wrdreg $0xFFFFFFFF  }
0xa8: {  	s28 =	simm.s32 $_size_execute0_lowered;
	s4 =	sadd.s32 s4, s6;
	[dreg:$0x0] =	wrdreg $0x0  }
0xa9: {  	s6 =	sshll.u32 s28, $0x1;
	[dreg:$0x2] =	wrdreg s4  }
0xaa: {  	[dreg:$0x3] =	wrdreg s6  }
0xab: {  	[dreg:$0x4] =	wrdreg $0xC0  }
0xac: {  	_ =	task [dreg:s8], $0x5FFFF  }
0xad: {  	[dreg:$0x1] =	wrdreg $0xFFFFFFFF  }
0xae: {  	[dreg:$0x0] =	wrdreg $0x60  }
0xaf: {  	[dreg:$0x2] =	wrdreg s18  }
0xb0: {  	[dreg:$0x3] =	wrdreg s2  }
0xb1: {  	[dreg:$0x4] =	wrdreg s24  }
0xb2: {  	[dreg:$0x5] =	wrdreg $0x68000  }
0xb3: {  	[dreg:$0x6] =	wrdreg $0x9  }
0xb4: {  	_ =	task.clear_ibuf [dreg:s8], $0x7FFFF;
	_ =	strace $0x90000046  }
0xb5: {  	s29 =	simm.s32 $0x9;
	_ =	strace $0x80000048  }
0xb6: {  	_ =	swait.ge [sflag:s29], $0x1  }
0xb7: {  	[sflag:s29] =	ssyncadd.s32 $0xFFFFFFFF  }
0xb8: {  	_ =	strace $0x90000048  }
0xb9: {  	_ =	sfence  }
0xba: {  	s30 =	sld [smem:$0x0];
	_ =	sdelay $0x2  }
0xbb: {  	s31 =	sshll.u32 s1, $0xD;
	s1 =	sshrl.u32 s1, $0x2  }
0xbc: {  	s3 =	sand.u32 $0x4000, s31;
	s1 =	sadd.s32 s1, s30  }
0xbd: {  	s0 =	sor.u32 s3, s0;
	s1 =	sshll.u32 s1, $0x11  }
0xbe: {  	s0 =	sor.u32 s1, s0  }
0xbf: {  	s0 =	sadd.s32 $0x8F2B, s0  }
0xc0: {  	[sflag:s0] =	ssyncadd.remote.s32 $0x1  }
0xc1: {  	_ =	sfence.sel $0xFFFF  }
0xc2: {  	[dreg:$0x0] =	wrdreg $0xFFFFFFFF;
	(pc) =	sbr.abs _section_cstart, $3  }
0xc3: {  	[dreg:$0x1] =	wrdreg $0xFFFFFFFF  }
0xc4: {  	_ =	task.clear_ibuf [dreg:s8], $0x2FFFF;
	_ =	strace $0x9FFFFFFF  }
0xc5: {  	(tm) =	ssettm $0x7FFFFFFF  }
tec
execute0_lowered:
.L_overlay_start_1:
0x0: {  	(tag) =	ssettag $0x1  }
0x1: {  	s0 =	rddreg [dreg:$0x0];
	s13 =	stileid.u32  }
0x2: {  	s1 =	rddreg [dreg:$0x1];
	s6 =	smul.u32 $0x2800, s13  }
0x3: {  	s4 =	rddreg [dreg:$0x2];
	s10 =	smul.u32 $0x50000, s13  }
0x4: {  	s5 =	srdreg.scid;
	s22 =	smul.u32 $0x2710, s13  }
0x5: {  	s3 =	simm.s32 $0x0;
	s5 =	sand.u32 $0x1, s5;
	s24 =	smul.u32 $0x27100, s13  }
0x6: {  	[smem:$0x7FF] =	sst s3;
	s7 =	smul.u32 $0x28000, s5  }
0x7: {  	s2 =	rddreg [dreg:$0x3];
	_ =	strace $0x80000047;
	s20 =	smul.u32 $0x27100, s5  }
0x8: {  	s8 =	sshll.u32 s5, $0x4;
	s9 =	ssub.s32 $0x2, s5;
	s5 =	smul.u32 $0x271000, s5  }
0x9: {  	s8 =	sor.u32 s13, s8;
	s31 =	sshrl.u32 s9, $0x1;
	s12 =	sshrl.u32 s10, $0x2  }
0xa: {  	s6 =	sadd.s32 s6, s7;
	s11 =	smul.u32 $0x2710, s8;
	s7 =	ssub.s32 s9, s31  }
0xb: {  	s15 =	smul.u32 $0x27100, s8;
	s6 =	sadd.s32 s6, s4;
	s4 =	sadd.s32 s12, s2  }
0xc: {  	s8 =	smul.u32 $0x138800, s8;
	s12 =	sadd.s32 $0x1400, s4;
	[dreg:$0x5] =	wrdreg s4  }
0xd: {  	s14 =	sshrl.u32 s11, $0x3;
	s16 =	sadd.s32 $0x2800, s4;
	[dreg:$0x6] =	wrdreg s12  }
0xe: {  	s17 =	sadd.s32 $0x3C00, s4;
	s10 =	sadd.s32 s1, s15;
	[dreg:$0x7] =	wrdreg s16  }
0xf: {  	s19 =	sadd.s32 $0x4E228, s11;
	s8 =	sshrl.u32 s8, $0x3;
	[dreg:$0x8] =	wrdreg s17  }
0x10: {  	s9 =	sadd.s32 s0, s14;
	[dreg:$0xa] =	wrdreg s10;
	s17 =	sadd.s32 $0x1400, s6  }
0x11: {  	s10 =	sshrl.u32 s19, $0x3;
	s19 =	sadd.s32 $0x5000, s4;
	[dreg:$0x18] =	wrdreg s17  }
0x12: {  	s11 =	sadd.s32 $0x4E278, s11;
	s18 =	sadd.s32 $0x9C40, s9;
	[dreg:$0x1a] =	wrdreg s19  }
0x13: {  	s8 =	sadd.s32 s1, s8;
	s10 =	sadd.s32 s0, s10;
	[dreg:$0x9] =	wrdreg s18  }
0x14: {  	s11 =	sshrl.u32 s11, $0x3;
	s21 =	sadd.s32 $0x280, s8;
	[dreg:$0xb] =	wrdreg s10  }
0x15: {  	s1 =	sadd.s32 s5, s1;
	s14 =	sadd.s32 $0x9C4A, s9;
	[dreg:$0xc] =	wrdreg s21  }
0x16: {  	s23 =	sadd.s32 $0x500, s8;
	s11 =	sadd.s32 s0, s11;
	[dreg:$0xd] =	wrdreg s14  }
0x17: {  	s15 =	sadd.s32 s24, s1;
	s13 =	sadd.s32 $0x780, s8;
	[dreg:$0xe] =	wrdreg s23  }
0x18: {  	s16 =	sadd.s32 $0xA00, s8;
	s24 =	sadd.s32 $0xB400, s4;
	[dreg:$0xf] =	wrdreg s11  }
0x19: {  	s17 =	simm.s32 $0x6;
	s19 =	simm.s32 $0x5;
	[dreg:$0x15] =	wrdreg s13  }
0x1a: {  	s10 =	sadd.s32 s22, s20;
	s14 =	sadd.s32 $0x9C54, s9;
	[dreg:$0x17] =	wrdreg s16  }
0x1b: {  	s18 =	smax.u32 s7, $0x1;
	s20 =	sadd.s32 $0x6400, s4;
	[dreg:$0x1f] =	wrdreg s24  }
0x1c: {  	s21 =	sadd.s32 $0x7800, s4;
	s22 =	sadd.s32 $0x8C00, s4;
	[dreg:$0x16] =	wrdreg s14  }
0x1d: {  	s23 =	sadd.s32 $0xA000, s4;
	s13 =	simm.s32 $0x2C00;
	[dreg:$0x19] =	wrdreg s18  }
0x1e: {  	s16 =	simm.s32 $0x5400;
	s24 =	simm.s32 $0xA;
	[dreg:$0x1b] =	wrdreg s20  }
0x1f: {  	s12 =	sadd.s32 $0x4E368, s10;
	s26 =	sadd.s32 $0x4E340, s10;
	[dreg:$0x1c] =	wrdreg s21  }
0x20: {  	s30 =	sadd.s32 $0x4E318, s10;
	s31 =	sadd.s32 $0x4E2F0, s10;
	[dreg:$0x1d] =	wrdreg s22  }
0x21: {  	s10 =	sadd.s32 $0x4E2C8, s10;
	[dreg:$0x1e] =	wrdreg s23;
	s14 =	simm.s32 $0x200  }
0x22: {  	s25 =	sshrl.u32 s12, $0x3;
	s29 =	sshrl.u32 s26, $0x3;
	s26 =	sadd.s32 $0xDC00, s4  }
0x23: {  	s5 =	sshrl.u32 s31, $0x3;
	s31 =	sadd.s32 $0x12C00, s4;
	[smem:$0x7F9] =	sst s26  }
0x24: {  	s21 =	simm.s32 $0x28;
	s28 =	sadd.s32 s25, s0;
	[smem:$0x7FD] =	sst s31  }
0x25: {  	s22 =	simm.s32 $0xB;
	s1 =	sadd.s32 s29, s0;
	[dreg:$0x10] =	wrdreg s28  }
0x26: {  	s18 =	simm.s32 $0x3;
	s11 =	sadd.s32 s5, s0;
	[dreg:$0x11] =	wrdreg s1  }
0x27: {  	s23 =	simm.s32 $0x8;
	s25 =	sadd.s32 $0xC800, s4;
	[dreg:$0x13] =	wrdreg s11  }
0x28: {  	s12 =	sshrl.u32 s10, $0x3;
	s29 =	sadd.s32 $0x10400, s4;
	[smem:$0x7F8] =	sst s25  }
.Ltmp0:
0x29: {  	s28 =	sadd.s32 $0xF000, s4;
	[smem:$0x7FB] =	sst s29;
	(pc) =	sbr.rel .LBB2_1-.Ltmp0, $4  }
0x2a: {  	s1 =	sshrl.u32 s30, $0x3;
	s30 =	sadd.s32 $0x11800, s4;
	[smem:$0x7FA] =	sst s28  }
0x2b: {  	s10 =	simm.s32 $0x400;
	s1 =	sadd.s32 s1, s0;
	[smem:$0x7FC] =	sst s30  }
0x2c: {  	s11 =	simm.s32 $0x1;
	s0 =	sadd.s32 s12, s0;
	[dreg:$0x12] =	wrdreg s1  }
0x2d: {  	v0 =	vimm.f32 $0.0e+00;
	s25 =	simm.s32 $0x0;
	s12 =	simm.s32 $0x100;
	[dreg:$0x14] =	wrdreg s0  }
.LBB2_4:
0x2e: {  	s0 =	stileid.u32;
	[bflag:$0x0] =	sbarrier.arrive $0xFFFF  }
0x2f: {  	s0 =	sshll.u32 s0, $0x6;
	s4 =	rddreg [dreg:$0x5]  }
0x30: {  	s5 =	rddreg [dreg:$0x18];
	s0 =	sor.u32 $0x1C0B, s0;
	s1 =	sshrl.u32 s4, $0x3  }
0x31: {  	[hbm:s5], [sflag:s0] =	dma.local [spmem:s1], $0x2800  }
0x32: {  	_ =	swait.ge [sflag:s22], $0x2800  }
0x33: {  	s25 =	sadd.s32 $0x1, s25;
	s31 =	rddreg [dreg:$0x19]  }
0x34: {  	p0 =	sne.s32 s25, s31  }
.Ltmp1:
0x35: {  	_ = 	snop;
	(pc) =	sbr.rel @!p0 .LBB2_5-.Ltmp1, $3  }
0x36: {  	_ =	sdelay $0x1  }
0x37: {  	[sflag:s22] =	ssyncset.done $0x0  }
0x38: {  	[sflag:s22] =	ssyncadd.s32 $0xFFFFD800  }
.LBB2_1:
0x39: {  	[tilespmem:$0x400] =	vst v0  }
0x3a: {  	[tilespmem:$0x410] =	vst v0  }
0x3b: {  	[tilespmem:$0x420] =	vst v0  }
0x3c: {  	[tilespmem:$0x430] =	vst v0  }
0x3d: {  	[tilespmem:$0x440] =	vst v0  }
0x3e: {  	[tilespmem:$0x450] =	vst v0  }
0x3f: {  	[tilespmem:$0x460] =	vst v0  }
0x40: {  	[tilespmem:$0x470] =	vst v0  }
0x41: {  	[tilespmem:$0x480] =	vst v0  }
0x42: {  	[tilespmem:$0x490] =	vst v0  }
0x43: {  	[tilespmem:$0x4A0] =	vst v0  }
0x44: {  	[tilespmem:$0x4B0] =	vst v0  }
0x45: {  	[tilespmem:$0x4C0] =	vst v0  }
0x46: {  	[tilespmem:$0x4D0] =	vst v0  }
0x47: {  	[tilespmem:$0x4E0] =	vst v0  }
0x48: {  	[tilespmem:$0x4F0] =	vst v0  }
0x49: {  	[tilespmem:$0x500] =	vst v0  }
0x4a: {  	[tilespmem:$0x510] =	vst v0  }
0x4b: {  	[tilespmem:$0x520] =	vst v0  }
0x4c: {  	[tilespmem:$0x530] =	vst v0  }
0x4d: {  	[tilespmem:$0x540] =	vst v0  }
0x4e: {  	[tilespmem:$0x550] =	vst v0  }
0x4f: {  	[tilespmem:$0x560] =	vst v0  }
0x50: {  	[tilespmem:$0x570] =	vst v0  }
0x51: {  	[tilespmem:$0x580] =	vst v0  }
0x52: {  	[tilespmem:$0x590] =	vst v0  }
0x53: {  	[tilespmem:$0x5A0] =	vst v0  }
0x54: {  	[tilespmem:$0x5B0] =	vst v0  }
0x55: {  	[tilespmem:$0x5C0] =	vst v0  }
0x56: {  	[tilespmem:$0x5D0] =	vst v0  }
0x57: {  	[tilespmem:$0x5E0] =	vst v0  }
0x58: {  	[tilespmem:$0x5F0] =	vst v0  }
0x59: {  	[tilespmem:$0x600] =	vst v0  }
0x5a: {  	[tilespmem:$0x610] =	vst v0  }
0x5b: {  	[tilespmem:$0x620] =	vst v0  }
0x5c: {  	[tilespmem:$0x630] =	vst v0  }
0x5d: {  	[tilespmem:$0x640] =	vst v0  }
0x5e: {  	[tilespmem:$0x650] =	vst v0  }
0x5f: {  	[tilespmem:$0x660] =	vst v0  }
0x60: {  	[tilespmem:$0x670] =	vst v0  }
0x61: {  	[tilespmem:$0x680] =	vst v0  }
0x62: {  	[tilespmem:$0x690] =	vst v0  }
0x63: {  	[tilespmem:$0x6A0] =	vst v0  }
0x64: {  	[tilespmem:$0x6B0] =	vst v0  }
0x65: {  	[tilespmem:$0x6C0] =	vst v0  }
0x66: {  	[tilespmem:$0x6D0] =	vst v0  }
0x67: {  	[tilespmem:$0x6E0] =	vst v0  }
0x68: {  	[tilespmem:$0x6F0] =	vst v0  }
0x69: {  	[tilespmem:$0x700] =	vst v0  }
0x6a: {  	[tilespmem:$0x710] =	vst v0  }
0x6b: {  	[tilespmem:$0x720] =	vst v0  }
0x6c: {  	[tilespmem:$0x730] =	vst v0  }
0x6d: {  	[tilespmem:$0x740] =	vst v0  }
0x6e: {  	[tilespmem:$0x750] =	vst v0  }
0x6f: {  	[tilespmem:$0x760] =	vst v0  }
0x70: {  	[tilespmem:$0x770] =	vst v0  }
0x71: {  	[tilespmem:$0x780] =	vst v0  }
0x72: {  	[tilespmem:$0x790] =	vst v0  }
0x73: {  	[tilespmem:$0x7A0] =	vst v0  }
0x74: {  	[tilespmem:$0x7B0] =	vst v0  }
0x75: {  	[tilespmem:$0x7C0] =	vst v0  }
0x76: {  	[tilespmem:$0x7D0] =	vst v0  }
0x77: {  	[tilespmem:$0x7E0] =	vst v0  }
0x78: {  	[tilespmem:$0x7F0] =	vst v0  }
0x79: {  	[tilespmem:$0x800] =	vst v0  }
0x7a: {  	[tilespmem:$0x810] =	vst v0  }
0x7b: {  	[tilespmem:$0x820] =	vst v0  }
0x7c: {  	[tilespmem:$0x830] =	vst v0  }
0x7d: {  	[tilespmem:$0x840] =	vst v0  }
0x7e: {  	[tilespmem:$0x850] =	vst v0  }
0x7f: {  	[tilespmem:$0x860] =	vst v0  }
0x80: {  	[tilespmem:$0x870] =	vst v0  }
0x81: {  	[tilespmem:$0x880] =	vst v0  }
0x82: {  	[tilespmem:$0x890] =	vst v0  }
0x83: {  	[tilespmem:$0x8A0] =	vst v0  }
0x84: {  	[tilespmem:$0x8B0] =	vst v0  }
0x85: {  	[tilespmem:$0x8C0] =	vst v0  }
0x86: {  	[tilespmem:$0x8D0] =	vst v0  }
0x87: {  	[tilespmem:$0x8E0] =	vst v0  }
0x88: {  	[tilespmem:$0x8F0] =	vst v0  }
0x89: {  	[tilespmem:$0x900] =	vst v0  }
0x8a: {  	[tilespmem:$0x910] =	vst v0  }
0x8b: {  	[tilespmem:$0x920] =	vst v0  }
0x8c: {  	[tilespmem:$0x930] =	vst v0  }
0x8d: {  	[tilespmem:$0x940] =	vst v0  }
0x8e: {  	[tilespmem:$0x950] =	vst v0  }
0x8f: {  	[tilespmem:$0x960] =	vst v0  }
0x90: {  	[tilespmem:$0x970] =	vst v0  }
0x91: {  	[tilespmem:$0x980] =	vst v0  }
0x92: {  	[tilespmem:$0x990] =	vst v0  }
0x93: {  	[tilespmem:$0x9A0] =	vst v0  }
0x94: {  	[tilespmem:$0x9B0] =	vst v0  }
0x95: {  	[tilespmem:$0x9C0] =	vst v0  }
0x96: {  	[tilespmem:$0x9D0] =	vst v0  }
0x97: {  	[tilespmem:$0x9E0] =	vst v0  }
0x98: {  	[tilespmem:$0x9F0] =	vst v0  }
0x99: {  	[tilespmem:$0xA00] =	vst v0  }
0x9a: {  	[tilespmem:$0xA10] =	vst v0  }
0x9b: {  	[tilespmem:$0xA20] =	vst v0  }
0x9c: {  	[tilespmem:$0xA30] =	vst v0  }
0x9d: {  	[tilespmem:$0xA40] =	vst v0  }
0x9e: {  	[tilespmem:$0xA50] =	vst v0  }
0x9f: {  	[tilespmem:$0xA60] =	vst v0  }
0xa0: {  	[tilespmem:$0xA70] =	vst v0  }
0xa1: {  	[tilespmem:$0xA80] =	vst v0  }
0xa2: {  	[tilespmem:$0xA90] =	vst v0  }
0xa3: {  	[tilespmem:$0xAA0] =	vst v0  }
0xa4: {  	[tilespmem:$0xAB0] =	vst v0  }
0xa5: {  	[tilespmem:$0xAC0] =	vst v0  }
0xa6: {  	[tilespmem:$0xAD0] =	vst v0  }
0xa7: {  	[tilespmem:$0xAE0] =	vst v0  }
0xa8: {  	[tilespmem:$0xAF0] =	vst v0  }
0xa9: {  	[tilespmem:$0xB00] =	vst v0  }
0xaa: {  	[tilespmem:$0xB10] =	vst v0  }
0xab: {  	[tilespmem:$0xB20] =	vst v0  }
0xac: {  	[tilespmem:$0xB30] =	vst v0  }
0xad: {  	[tilespmem:$0xB40] =	vst v0  }
0xae: {  	[tilespmem:$0xB50] =	vst v0  }
0xaf: {  	[tilespmem:$0xB60] =	vst v0  }
0xb0: {  	[tilespmem:$0xB70] =	vst v0  }
0xb1: {  	[tilespmem:$0xB80] =	vst v0  }
0xb2: {  	[tilespmem:$0xB90] =	vst v0  }
0xb3: {  	[tilespmem:$0xBA0] =	vst v0  }
0xb4: {  	[tilespmem:$0xBB0] =	vst v0  }
0xb5: {  	[tilespmem:$0xBC0] =	vst v0  }
0xb6: {  	[tilespmem:$0xBD0] =	vst v0  }
0xb7: {  	[tilespmem:$0xBE0] =	vst v0  }
0xb8: {  	[tilespmem:$0xBF0] =	vst v0  }
0xb9: {  	[tilespmem:$0xC00] =	vst v0  }
0xba: {  	[tilespmem:$0xC10] =	vst v0  }
0xbb: {  	[tilespmem:$0xC20] =	vst v0  }
0xbc: {  	[tilespmem:$0xC30] =	vst v0  }
0xbd: {  	[tilespmem:$0xC40] =	vst v0  }
0xbe: {  	[tilespmem:$0xC50] =	vst v0  }
0xbf: {  	[tilespmem:$0xC60] =	vst v0  }
0xc0: {  	[tilespmem:$0xC70] =	vst v0  }
0xc1: {  	[tilespmem:$0xC80] =	vst v0  }
0xc2: {  	[tilespmem:$0xC90] =	vst v0  }
0xc3: {  	[tilespmem:$0xCA0] =	vst v0  }
0xc4: {  	[tilespmem:$0xCB0] =	vst v0  }
0xc5: {  	[tilespmem:$0xCC0] =	vst v0  }
0xc6: {  	[tilespmem:$0xCD0] =	vst v0  }
0xc7: {  	[tilespmem:$0xCE0] =	vst v0  }
0xc8: {  	[tilespmem:$0xCF0] =	vst v0  }
0xc9: {  	[tilespmem:$0xD00] =	vst v0  }
0xca: {  	[tilespmem:$0xD10] =	vst v0  }
0xcb: {  	[tilespmem:$0xD20] =	vst v0  }
0xcc: {  	[tilespmem:$0xD30] =	vst v0  }
0xcd: {  	[tilespmem:$0xD40] =	vst v0  }
0xce: {  	[tilespmem:$0xD50] =	vst v0  }
0xcf: {  	[tilespmem:$0xD60] =	vst v0  }
0xd0: {  	[tilespmem:$0xD70] =	vst v0  }
0xd1: {  	[tilespmem:$0xD80] =	vst v0  }
0xd2: {  	[tilespmem:$0xD90] =	vst v0  }
0xd3: {  	[tilespmem:$0xDA0] =	vst v0  }
0xd4: {  	[tilespmem:$0xDB0] =	vst v0  }
0xd5: {  	[tilespmem:$0xDC0] =	vst v0  }
0xd6: {  	[tilespmem:$0xDD0] =	vst v0  }
0xd7: {  	[tilespmem:$0xDE0] =	vst v0  }
0xd8: {  	[tilespmem:$0xDF0] =	vst v0  }
0xd9: {  	[tilespmem:$0xE00] =	vst v0  }
0xda: {  	[tilespmem:$0xE10] =	vst v0  }
0xdb: {  	[tilespmem:$0xE20] =	vst v0  }
0xdc: {  	[tilespmem:$0xE30] =	vst v0  }
0xdd: {  	[tilespmem:$0xE40] =	vst v0  }
0xde: {  	[tilespmem:$0xE50] =	vst v0  }
0xdf: {  	[tilespmem:$0xE60] =	vst v0  }
0xe0: {  	[tilespmem:$0xE70] =	vst v0  }
0xe1: {  	[tilespmem:$0xE80] =	vst v0  }
0xe2: {  	[tilespmem:$0xE90] =	vst v0  }
0xe3: {  	[tilespmem:$0xEA0] =	vst v0  }
0xe4: {  	[tilespmem:$0xEB0] =	vst v0  }
0xe5: {  	[tilespmem:$0xEC0] =	vst v0  }
0xe6: {  	[tilespmem:$0xED0] =	vst v0  }
0xe7: {  	[tilespmem:$0xEE0] =	vst v0  }
0xe8: {  	[tilespmem:$0xEF0] =	vst v0  }
0xe9: {  	[tilespmem:$0xF00] =	vst v0  }
0xea: {  	[tilespmem:$0xF10] =	vst v0  }
0xeb: {  	[tilespmem:$0xF20] =	vst v0  }
0xec: {  	[tilespmem:$0xF30] =	vst v0  }
0xed: {  	[tilespmem:$0xF40] =	vst v0  }
0xee: {  	[tilespmem:$0xF50] =	vst v0  }
0xef: {  	[tilespmem:$0xF60] =	vst v0  }
0xf0: {  	[tilespmem:$0xF70] =	vst v0  }
0xf1: {  	[tilespmem:$0xF80] =	vst v0  }
0xf2: {  	[tilespmem:$0xF90] =	vst v0  }
0xf3: {  	[tilespmem:$0xFA0] =	vst v0  }
0xf4: {  	[tilespmem:$0xFB0] =	vst v0  }
0xf5: {  	[tilespmem:$0xFC0] =	vst v0  }
0xf6: {  	[tilespmem:$0xFD0] =	vst v0  }
0xf7: {  	[tilespmem:$0xFE0] =	vst v0  }
0xf8: {  	[tilespmem:$0xFF0] =	vst v0  }
0xf9: {  	[tilespmem:$0x1000] =	vst v0  }
0xfa: {  	[tilespmem:$0x1010] =	vst v0  }
0xfb: {  	[tilespmem:$0x1020] =	vst v0  }
0xfc: {  	[tilespmem:$0x1030] =	vst v0  }
0xfd: {  	[tilespmem:$0x1040] =	vst v0  }
0xfe: {  	[tilespmem:$0x1050] =	vst v0  }
0xff: {  	[tilespmem:$0x1060] =	vst v0  }
0x100: {  	[tilespmem:$0x1070] =	vst v0  }
0x101: {  	[tilespmem:$0x1080] =	vst v0  }
0x102: {  	[tilespmem:$0x1090] =	vst v0  }
0x103: {  	[tilespmem:$0x10A0] =	vst v0  }
0x104: {  	[tilespmem:$0x10B0] =	vst v0  }
0x105: {  	[tilespmem:$0x10C0] =	vst v0  }
0x106: {  	[tilespmem:$0x10D0] =	vst v0  }
0x107: {  	[tilespmem:$0x10E0] =	vst v0  }
0x108: {  	[tilespmem:$0x10F0] =	vst v0  }
0x109: {  	[tilespmem:$0x1100] =	vst v0  }
0x10a: {  	[tilespmem:$0x1110] =	vst v0  }
0x10b: {  	[tilespmem:$0x1120] =	vst v0  }
0x10c: {  	[tilespmem:$0x1130] =	vst v0  }
0x10d: {  	[tilespmem:$0x1140] =	vst v0  }
0x10e: {  	[tilespmem:$0x1150] =	vst v0  }
0x10f: {  	[tilespmem:$0x1160] =	vst v0  }
0x110: {  	[tilespmem:$0x1170] =	vst v0  }
0x111: {  	[tilespmem:$0x1180] =	vst v0  }
0x112: {  	[tilespmem:$0x1190] =	vst v0  }
0x113: {  	[tilespmem:$0x11A0] =	vst v0  }
0x114: {  	[tilespmem:$0x11B0] =	vst v0  }
0x115: {  	[tilespmem:$0x11C0] =	vst v0  }
0x116: {  	[tilespmem:$0x11D0] =	vst v0  }
0x117: {  	[tilespmem:$0x11E0] =	vst v0  }
0x118: {  	[tilespmem:$0x11F0] =	vst v0  }
0x119: {  	[tilespmem:$0x1200] =	vst v0  }
0x11a: {  	[tilespmem:$0x1210] =	vst v0  }
0x11b: {  	[tilespmem:$0x1220] =	vst v0  }
0x11c: {  	[tilespmem:$0x1230] =	vst v0  }
0x11d: {  	[tilespmem:$0x1240] =	vst v0  }
0x11e: {  	[tilespmem:$0x1250] =	vst v0  }
0x11f: {  	[tilespmem:$0x1260] =	vst v0  }
0x120: {  	[tilespmem:$0x1270] =	vst v0  }
0x121: {  	[tilespmem:$0x1280] =	vst v0  }
0x122: {  	[tilespmem:$0x1290] =	vst v0  }
0x123: {  	[tilespmem:$0x12A0] =	vst v0  }
0x124: {  	[tilespmem:$0x12B0] =	vst v0  }
0x125: {  	[tilespmem:$0x12C0] =	vst v0  }
0x126: {  	[tilespmem:$0x12D0] =	vst v0  }
0x127: {  	[tilespmem:$0x12E0] =	vst v0  }
0x128: {  	[tilespmem:$0x12F0] =	vst v0  }
0x129: {  	[tilespmem:$0x1300] =	vst v0  }
0x12a: {  	[tilespmem:$0x1310] =	vst v0  }
0x12b: {  	[tilespmem:$0x1320] =	vst v0  }
0x12c: {  	[tilespmem:$0x1330] =	vst v0  }
0x12d: {  	[tilespmem:$0x1340] =	vst v0  }
0x12e: {  	[tilespmem:$0x1350] =	vst v0  }
0x12f: {  	[tilespmem:$0x1360] =	vst v0  }
0x130: {  	[tilespmem:$0x1370] =	vst v0  }
0x131: {  	[tilespmem:$0x1380] =	vst v0  }
0x132: {  	[tilespmem:$0x1390] =	vst v0  }
0x133: {  	[tilespmem:$0x13A0] =	vst v0  }
0x134: {  	[tilespmem:$0x13B0] =	vst v0  }
0x135: {  	[tilespmem:$0x13C0] =	vst v0  }
0x136: {  	[tilespmem:$0x13D0] =	vst v0  }
0x137: {  	[tilespmem:$0x13E0] =	vst v0  }
0x138: {  	[tilespmem:$0x13F0] =	vst v0  }
0x139: {  	[tilespmem:$0x1400] =	vst v0  }
0x13a: {  	[tilespmem:$0x1410] =	vst v0  }
0x13b: {  	[tilespmem:$0x1420] =	vst v0  }
0x13c: {  	[tilespmem:$0x1430] =	vst v0  }
0x13d: {  	[tilespmem:$0x1440] =	vst v0  }
0x13e: {  	[tilespmem:$0x1450] =	vst v0  }
0x13f: {  	[tilespmem:$0x1460] =	vst v0  }
0x140: {  	[tilespmem:$0x1470] =	vst v0  }
0x141: {  	[tilespmem:$0x1480] =	vst v0  }
0x142: {  	[tilespmem:$0x1490] =	vst v0  }
0x143: {  	[tilespmem:$0x14A0] =	vst v0  }
0x144: {  	[tilespmem:$0x14B0] =	vst v0  }
0x145: {  	[tilespmem:$0x14C0] =	vst v0  }
0x146: {  	[tilespmem:$0x14D0] =	vst v0  }
0x147: {  	[tilespmem:$0x14E0] =	vst v0  }
0x148: {  	[tilespmem:$0x14F0] =	vst v0  }
0x149: {  	[tilespmem:$0x1500] =	vst v0  }
0x14a: {  	[tilespmem:$0x1510] =	vst v0  }
0x14b: {  	[tilespmem:$0x1520] =	vst v0  }
0x14c: {  	[tilespmem:$0x1530] =	vst v0  }
0x14d: {  	[tilespmem:$0x1540] =	vst v0  }
0x14e: {  	[tilespmem:$0x1550] =	vst v0  }
0x14f: {  	[tilespmem:$0x1560] =	vst v0  }
0x150: {  	[tilespmem:$0x1570] =	vst v0  }
0x151: {  	[tilespmem:$0x1580] =	vst v0  }
0x152: {  	[tilespmem:$0x1590] =	vst v0  }
0x153: {  	[tilespmem:$0x15A0] =	vst v0  }
0x154: {  	[tilespmem:$0x15B0] =	vst v0  }
0x155: {  	[tilespmem:$0x15C0] =	vst v0  }
0x156: {  	[tilespmem:$0x15D0] =	vst v0  }
0x157: {  	[tilespmem:$0x15E0] =	vst v0  }
0x158: {  	[tilespmem:$0x15F0] =	vst v0  }
0x159: {  	[tilespmem:$0x1600] =	vst v0  }
0x15a: {  	[tilespmem:$0x1610] =	vst v0  }
0x15b: {  	[tilespmem:$0x1620] =	vst v0  }
0x15c: {  	[tilespmem:$0x1630] =	vst v0  }
0x15d: {  	[tilespmem:$0x1640] =	vst v0  }
0x15e: {  	[tilespmem:$0x1650] =	vst v0  }
0x15f: {  	[tilespmem:$0x1660] =	vst v0  }
0x160: {  	[tilespmem:$0x1670] =	vst v0  }
0x161: {  	[tilespmem:$0x1680] =	vst v0  }
0x162: {  	[tilespmem:$0x1690] =	vst v0  }
0x163: {  	[tilespmem:$0x16A0] =	vst v0  }
0x164: {  	[tilespmem:$0x16B0] =	vst v0  }
0x165: {  	[tilespmem:$0x16C0] =	vst v0  }
0x166: {  	[tilespmem:$0x16D0] =	vst v0  }
0x167: {  	[tilespmem:$0x16E0] =	vst v0  }
0x168: {  	[tilespmem:$0x16F0] =	vst v0  }
0x169: {  	[tilespmem:$0x1700] =	vst v0  }
0x16a: {  	[tilespmem:$0x1710] =	vst v0  }
0x16b: {  	[tilespmem:$0x1720] =	vst v0  }
0x16c: {  	[tilespmem:$0x1730] =	vst v0  }
0x16d: {  	[tilespmem:$0x1740] =	vst v0  }
0x16e: {  	[tilespmem:$0x1750] =	vst v0  }
0x16f: {  	[tilespmem:$0x1760] =	vst v0  }
0x170: {  	[tilespmem:$0x1770] =	vst v0  }
0x171: {  	[tilespmem:$0x1780] =	vst v0  }
0x172: {  	[tilespmem:$0x1790] =	vst v0  }
0x173: {  	[tilespmem:$0x17A0] =	vst v0  }
0x174: {  	[tilespmem:$0x17B0] =	vst v0  }
0x175: {  	[tilespmem:$0x17C0] =	vst v0  }
0x176: {  	[tilespmem:$0x17D0] =	vst v0  }
0x177: {  	[tilespmem:$0x17E0] =	vst v0  }
0x178: {  	[tilespmem:$0x17F0] =	vst v0;
	s0 =	rddreg [dreg:$0x6]  }
0x179: {  	[spmem:s4] =	stream.linear.scatter [tilespmem:s10], [sflag:$0x1], $0x1400, $0x38;
	[tilespmem:$0x1A800] =	vst v63  }
0x17a: {  	s26 =	rddreg [dreg:$0x7]  }
0x17b: {  	[spmem:s0] =	stream.linear.scatter [tilespmem:s10], [sflag:$0x1], $0x1400, $0x38;
	[tilespmem:$0x1A800] =	vst v63  }
0x17c: {  	s1 =	rddreg [dreg:$0x8]  }
0x17d: {  	[spmem:s26] =	stream.linear.scatter [tilespmem:s10], [sflag:$0x1], $0x1400, $0x38;
	[tilespmem:$0x1A800] =	vst v63  }
0x17e: {  	s5 =	rddreg [dreg:$0x1b]  }
0x17f: {  	[spmem:s1] =	stream.linear.scatter [tilespmem:s10], [sflag:$0x1], $0x1400, $0x38;
	[tilespmem:$0x1A800] =	vst v63  }
0x180: {  	s4 =	rddreg [dreg:$0x1a]  }
0x181: {  	[spmem:s4] =	stream.linear.scatter [tilespmem:s10], [sflag:$0x1], $0x1400, $0x38;
	[tilespmem:$0x1A800] =	vst v63  }
0x182: {  	s6 =	rddreg [dreg:$0x1c]  }
0x183: {  	[spmem:s5] =	stream.linear.scatter [tilespmem:s10], [sflag:$0x1], $0x1400, $0x38;
	[tilespmem:$0x1A800] =	vst v63  }
0x184: {  	s7 =	rddreg [dreg:$0x1d]  }
0x185: {  	[spmem:s6] =	stream.linear.scatter [tilespmem:s10], [sflag:$0x1], $0x1400, $0x38;
	[tilespmem:$0x1A800] =	vst v63  }
0x186: {  	s8 =	rddreg [dreg:$0x1e]  }
0x187: {  	[spmem:s7] =	stream.linear.scatter [tilespmem:s10], [sflag:$0x1], $0x1400, $0x38;
	[tilespmem:$0x1A800] =	vst v63  }
0x188: {  	s9 =	rddreg [dreg:$0x1f]  }
0x189: {  	[spmem:s8] =	stream.linear.scatter [tilespmem:s10], [sflag:$0x1], $0x1400, $0x38;
	[tilespmem:$0x1A800] =	vst v63  }
0x18a: {  	s20 =	sld [smem:$0x7F8]  }
0x18b: {  	[spmem:s9] =	stream.linear.scatter [tilespmem:s10], [sflag:$0x1], $0x1400, $0x38;
	[tilespmem:$0x1A800] =	vst v63  }
0x18c: {  	s26 =	sld [smem:$0x7F9]  }
0x18d: {  	[spmem:s20] =	stream.linear.scatter [tilespmem:s10], [sflag:$0x1], $0x1400, $0x38;
	[tilespmem:$0x1A800] =	vst v63  }
0x18e: {  	s1 =	sld [smem:$0x7FA]  }
0x18f: {  	[spmem:s26] =	stream.linear.scatter [tilespmem:s10], [sflag:$0x1], $0x1400, $0x38;
	[tilespmem:$0x1A800] =	vst v63  }
0x190: {  	s4 =	sld [smem:$0x7FB]  }
0x191: {  	[spmem:s1] =	stream.linear.scatter [tilespmem:s10], [sflag:$0x1], $0x1400, $0x38;
	[tilespmem:$0x1A800] =	vst v63  }
0x192: {  	s5 =	sld [smem:$0x7FC]  }
0x193: {  	[spmem:s4] =	stream.linear.scatter [tilespmem:s10], [sflag:$0x1], $0x1400, $0x38;
	[tilespmem:$0x1A800] =	vst v63  }
0x194: {  	s6 =	sld [smem:$0x7FD]  }
0x195: {  	[spmem:s5] =	stream.linear.scatter [tilespmem:s10], [sflag:$0x1], $0x1400, $0x38;
	[tilespmem:$0x1A800] =	vst v63  }
0x196: {  	_ = 	snop  }
0x197: {  	[spmem:s6] =	stream.linear.scatter [tilespmem:s10], [sflag:$0x1], $0x1400, $0x38;
	[tilespmem:$0x1A800] =	vst v63  }
0x198: {  	_ =	swait.ge [sflag:s11], $0x1400  }
0x199: {  	[sflag:s11] =	ssyncset.done $0x0  }
0x19a: {  	[sflag:s11] =	ssyncadd.s32 $0xFFFFEC00  }
0x19b: {  	_ =	swait.ge [sflag:s11], $0x1400  }
0x19c: {  	[sflag:s11] =	ssyncset.done $0x0  }
0x19d: {  	[sflag:s11] =	ssyncadd.s32 $0xFFFFEC00  }
0x19e: {  	_ =	swait.ge [sflag:s11], $0x1400  }
0x19f: {  	[sflag:s11] =	ssyncset.done $0x0  }
0x1a0: {  	[sflag:s11] =	ssyncadd.s32 $0xFFFFEC00  }
0x1a1: {  	_ =	swait.ge [sflag:s11], $0x1400  }
0x1a2: {  	[sflag:s11] =	ssyncset.done $0x0  }
0x1a3: {  	[sflag:s11] =	ssyncadd.s32 $0xFFFFEC00  }
0x1a4: {  	_ =	swait.ge [sflag:s11], $0x1400  }
0x1a5: {  	[sflag:s11] =	ssyncset.done $0x0  }
0x1a6: {  	[sflag:s11] =	ssyncadd.s32 $0xFFFFEC00  }
0x1a7: {  	_ =	swait.ge [sflag:s11], $0x1400  }
0x1a8: {  	[sflag:s11] =	ssyncset.done $0x0  }
0x1a9: {  	[sflag:s11] =	ssyncadd.s32 $0xFFFFEC00  }
0x1aa: {  	_ =	swait.ge [sflag:s11], $0x1400  }
0x1ab: {  	[sflag:s11] =	ssyncset.done $0x0  }
0x1ac: {  	[sflag:s11] =	ssyncadd.s32 $0xFFFFEC00  }
0x1ad: {  	_ =	swait.ge [sflag:s11], $0x1400  }
0x1ae: {  	[sflag:s11] =	ssyncset.done $0x0  }
0x1af: {  	[sflag:s11] =	ssyncadd.s32 $0xFFFFEC00  }
0x1b0: {  	_ =	swait.ge [sflag:s11], $0x1400  }
0x1b1: {  	[sflag:s11] =	ssyncset.done $0x0  }
0x1b2: {  	[sflag:s11] =	ssyncadd.s32 $0xFFFFEC00  }
0x1b3: {  	_ =	swait.ge [sflag:s11], $0x1400  }
0x1b4: {  	[sflag:s11] =	ssyncset.done $0x0  }
0x1b5: {  	[sflag:s11] =	ssyncadd.s32 $0xFFFFEC00  }
0x1b6: {  	_ =	swait.ge [sflag:s11], $0x1400  }
0x1b7: {  	[sflag:s11] =	ssyncset.done $0x0  }
0x1b8: {  	[sflag:s11] =	ssyncadd.s32 $0xFFFFEC00  }
0x1b9: {  	_ =	swait.ge [sflag:s11], $0x1400  }
0x1ba: {  	[sflag:s11] =	ssyncset.done $0x0  }
0x1bb: {  	[sflag:s11] =	ssyncadd.s32 $0xFFFFEC00  }
0x1bc: {  	_ =	swait.ge [sflag:s11], $0x1400  }
0x1bd: {  	[sflag:s11] =	ssyncset.done $0x0  }
0x1be: {  	[sflag:s11] =	ssyncadd.s32 $0xFFFFEC00  }
0x1bf: {  	_ =	swait.ge [sflag:s11], $0x1400  }
0x1c0: {  	[sflag:s11] =	ssyncset.done $0x0  }
0x1c1: {  	[sflag:s11] =	ssyncadd.s32 $0xFFFFEC00  }
0x1c2: {  	_ =	swait.ge [sflag:s11], $0x1400  }
0x1c3: {  	[sflag:s11] =	ssyncset.done $0x0  }
0x1c4: {  	[sflag:s11] =	ssyncadd.s32 $0xFFFFEC00  }
0x1c5: {  	_ =	swait.ge [sflag:s11], $0x1400  }
0x1c6: {  	[sflag:s11] =	ssyncset.done $0x0  }
0x1c7: {  	[sflag:s11] =	ssyncadd.s32 $0xFFFFEC00  }
0x1c8: {  	[bflag:$0x0] =	sbarrier.arrive $0xFFFF  }
0x1c9: {  	s7 =	rddreg [dreg:$0x9]  }
0x1ca: {  	s8 =	rddreg [dreg:$0xa]  }
0x1cb: {  	s9 =	rddreg [dreg:$0xb]  }
0x1cc: {  	s20 =	rddreg [dreg:$0xc]  }
0x1cd: {  	s4 =	rddreg [dreg:$0xd]  }
0x1ce: {  	[tilespmem:s3], [sflag:$0x1] =	stream.linear.gather [hbm4b:s7+s3], $0x28, $0x38;
	[tilespmem:$0x1A800] =	vst v63  }
0x1cf: {  	s5 =	rddreg [dreg:$0xe]  }
0x1d0: {  	[tilespmem:s10], [sflag:$0x6] =	stream.linear.gather [hbm4b:s8+s3], $0x1400, $0x38;
	[tilespmem:$0x1A800] =	vst v63  }
0x1d1: {  	s1 =	simm.s32 $0x80;
	s6 =	rddreg [dreg:$0xf]  }
0x1d2: {  	[tilespmem:s1], [sflag:$0x2] =	stream.linear.gather [hbm4b:s9+s3], $0x28, $0x38;
	[tilespmem:$0x1A800] =	vst v63  }
0x1d3: {  	s26 =	simm.s32 $0x1800;
	s28 =	rddreg [dreg:$0x12]  }
0x1d4: {  	[tilespmem:s26], [sflag:$0x7] =	stream.linear.gather [hbm4b:s20+s3], $0x1400, $0x38;
	[tilespmem:$0x1A800] =	vst v63  }
0x1d5: {  	s29 =	rddreg [dreg:$0x11]  }
0x1d6: {  	[tilespmem:s12], [sflag:$0x3] =	stream.linear.gather [hbm4b:s4+s3], $0x28, $0x38;
	[tilespmem:$0x1A800] =	vst v63  }
0x1d7: {  	s30 =	rddreg [dreg:$0x10]  }
0x1d8: {  	[tilespmem:s13], [sflag:$0x8] =	stream.linear.gather [hbm4b:s5+s3], $0x1400, $0x38;
	[tilespmem:$0x1A800] =	vst v63  }
0x1d9: {  	s7 =	simm.s32 $0x180;
	s8 =	rddreg [dreg:$0x15]  }
0x1da: {  	[tilespmem:s7], [sflag:$0x4] =	stream.linear.gather [hbm4b:s6+s3], $0x28, $0x38;
	[tilespmem:$0x1A800] =	vst v63  }
0x1db: {  	s9 =	simm.s32 $0x4000;
	s20 =	rddreg [dreg:$0x16]  }
0x1dc: {  	[tilespmem:s9], [sflag:$0x9] =	stream.linear.gather [hbm4b:s8+s3], $0x1400, $0x38;
	[tilespmem:$0x1A800] =	vst v63  }
0x1dd: {  	s26 =	rddreg [dreg:$0x17]  }
0x1de: {  	[tilespmem:s14], [sflag:$0x5] =	stream.linear.gather [hbm4b:s20+s3], $0x28, $0x38;
	[tilespmem:$0x1A800] =	vst v63  }
0x1df: {  	s20 =	rddreg [dreg:$0x14]  }
0x1e0: {  	[tilespmem:s16], [sflag:$0xA] =	stream.linear.gather [hbm4b:s26+s3], $0x1400, $0x38;
	[tilespmem:$0x1A800] =	vst v63  }
0x1e1: {  	s31 =	simm.s32 $0x0;
	s26 =	rddreg [dreg:$0x13]  }
.LBB2_2:
0x1e2: {  	_ =	swait.ge [sflag:s11], $0x28  }
0x1e3: {  	[sflag:s11] =	ssyncset.done $0x0  }
0x1e4: {  	[sflag:s11] =	ssyncadd.s32 $0xFFFFFFD8  }
0x1e5: {  	_ =	swait.ge [sflag:s17], $0x1400  }
0x1e6: {  	[sflag:s17] =	ssyncset.done $0x0  }
0x1e7: {  	[sflag:s17] =	ssyncadd.s32 $0xFFFFEC00  }
0x1e8: {  	[spmem:s2] =	stream.indirect.scatter.add.f32 [tilespmem:s10], [sflag:$0xB], $0x80, s3, s21, $0xb8;
	[tilespmem:$0x1A800] =	vst v63  }
0x1e9: {  	_ =	swait.ge [sflag:s22], $0x1400  }
0x1ea: {  	p0 =	seq.s32 s31, $0x26480;
	[sflag:s22] =	ssyncset.done $0x0  }
0x1eb: {  	s0 =	simm.s32 @p0 $0x2;
	[sflag:s22] =	ssyncadd.s32 $0xFFFFEC00  }
0x1ec: {  	_ =	swait.ge @p0 [sflag:s0], $0x28  }
0x1ed: {  	[sflag:s0] =	ssyncset.done @p0 $0x0  }
0x1ee: {  	[sflag:s0] =	ssyncadd.s32 @p0 $0xFFFFFFD8;
	s0 =	simm.s32 @p0 $0x7  }
0x1ef: {  	_ =	swait.ge @p0 [sflag:s0], $0x1400  }
0x1f0: {  	s5 =	simm.s32 @p0 $0x28;
	s1 =	simm.s32 @p0 $0x1800;
	[sflag:s0] =	ssyncset.done @p0 $0x0  }
0x1f1: {  	s6 =	simm.s32 @p0 $0xB;
	[sflag:s0] =	ssyncadd.s32 @p0 $0xFFFFEC00;
	s0 =	simm.s32 @p0 $0x80  }
0x1f2: {  	[spmem:s2] =	stream.indirect.scatter.add.f32 @p0 [tilespmem:s1], [sflag:$0xB], $0x80, s0, s5, $0xb8;
	[tilespmem:$0x1A800] =	vst v63  }
0x1f3: {  	_ =	swait.ge @p0 [sflag:s6], $0x1400  }
0x1f4: {  	[sflag:s6] =	ssyncset.done @p0 $0x0  }
0x1f5: {  	s0 =	simm.s32 @!p0 $0x0;
	s1 =	sadd.s32 @!p0 s31, s15;
	[sflag:s6] =	ssyncadd.s32 @p0 $0xFFFFEC00  }
0x1f6: {  	[tilespmem:s0], [sflag:$0x1] =	stream.linear.gather @!p0 [hbm4b:s20+s0], $0x28, $0x38;
	[tilespmem:$0x1A800] =	vst v63  }
0x1f7: {  	s8 =	simm.s32 @!p0 $0x400;
	s7 =	sadd.s32 @!p0 $0xC80, s1  }
0x1f8: {  	[tilespmem:s8], [sflag:$0x6] =	stream.linear.gather @!p0 [hbm4b:s7+s0], $0x1400, $0x38;
	[tilespmem:$0x1A800] =	vst v63  }
0x1f9: {  	s7 =	simm.s32 @!p0 $0x2  }
0x1fa: {  	_ =	swait.ge @!p0 [sflag:s7], $0x28  }
0x1fb: {  	[sflag:s7] =	ssyncset.done @!p0 $0x0  }
0x1fc: {  	[sflag:s7] =	ssyncadd.s32 @!p0 $0xFFFFFFD8;
	s7 =	simm.s32 @!p0 $0x7  }
0x1fd: {  	_ =	swait.ge @!p0 [sflag:s7], $0x1400  }
0x1fe: {  	s9 =	simm.s32 @!p0 $0x1800;
	s4 =	simm.s32 @!p0 $0xB;
	[sflag:s7] =	ssyncset.done @!p0 $0x0  }
0x1ff: {  	s8 =	simm.s32 @!p0 $0x80;
	[sflag:s7] =	ssyncadd.s32 @!p0 $0xFFFFEC00;
	s7 =	simm.s32 @!p0 $0x28  }
0x200: {  	[spmem:s2] =	stream.indirect.scatter.add.f32 @!p0 [tilespmem:s9], [sflag:$0xB], $0x80, s8, s7, $0xb8;
	[tilespmem:$0x1A800] =	vst v63  }
0x201: {  	_ =	swait.ge @!p0 [sflag:s4], $0x1400  }
0x202: {  	[sflag:s4] =	ssyncset.done @!p0 $0x0  }
0x203: {  	[sflag:s4] =	ssyncadd.s32 @!p0 $0xFFFFEC00  }
0x204: {  	[tilespmem:s8], [sflag:$0x2] =	stream.linear.gather @!p0 [hbm4b:s26+s0], $0x28, $0x38;
	[tilespmem:$0x1A800] =	vst v63  }
0x205: {  	s8 =	sadd.s32 @!p0 $0xF00, s1  }
0x206: {  	[tilespmem:s9], [sflag:$0x7] =	stream.linear.gather @!p0 [hbm4b:s8+s0], $0x1400, $0x38;
	[tilespmem:$0x1A800] =	vst v63  }
0x207: {  	_ =	swait.ge [sflag:s18], $0x28  }
0x208: {  	[sflag:s18] =	ssyncset.done $0x0  }
0x209: {  	[sflag:s18] =	ssyncadd.s32 $0xFFFFFFD8  }
0x20a: {  	_ =	swait.ge [sflag:s23], $0x1400  }
0x20b: {  	[sflag:s23] =	ssyncset.done $0x0  }
0x20c: {  	[sflag:s23] =	ssyncadd.s32 $0xFFFFEC00  }
0x20d: {  	[spmem:s2] =	stream.indirect.scatter.add.f32 [tilespmem:s13], [sflag:$0xB], $0x80, s12, s21, $0xb8;
	[tilespmem:$0x1A800] =	vst v63  }
0x20e: {  	_ =	swait.ge [sflag:s22], $0x1400  }
0x20f: {  	[sflag:s22] =	ssyncset.done $0x0  }
0x210: {  	s8 =	simm.s32 @p0 $0x4;
	[sflag:s22] =	ssyncadd.s32 $0xFFFFEC00  }
0x211: {  	_ =	swait.ge @p0 [sflag:s8], $0x28  }
0x212: {  	[sflag:s8] =	ssyncset.done @p0 $0x0  }
0x213: {  	[sflag:s8] =	ssyncadd.s32 @p0 $0xFFFFFFD8;
	s8 =	simm.s32 @p0 $0x9  }
0x214: {  	_ =	swait.ge @p0 [sflag:s8], $0x1400  }
0x215: {  	[sflag:s8] =	ssyncset.done @p0 $0x0  }
0x216: {  	s9 =	simm.s32 @p0 $0x4000;
	[sflag:s8] =	ssyncadd.s32 @p0 $0xFFFFEC00;
	s8 =	simm.s32 @p0 $0x180  }
0x217: {  	[spmem:s2] =	stream.indirect.scatter.add.f32 @p0 [tilespmem:s9], [sflag:$0xB], $0x80, s8, s5, $0xb8;
	[tilespmem:$0x1A800] =	vst v63  }
0x218: {  	_ =	swait.ge @p0 [sflag:s6], $0x1400  }
0x219: {  	[sflag:s6] =	ssyncset.done @p0 $0x0  }
0x21a: {  	s5 =	simm.s32 @!p0 $0x100;
	[sflag:s6] =	ssyncadd.s32 @p0 $0xFFFFEC00  }
0x21b: {  	[tilespmem:s5], [sflag:$0x3] =	stream.linear.gather @!p0 [hbm4b:s28+s0], $0x28, $0x38;
	[tilespmem:$0x1A800] =	vst v63  }
0x21c: {  	s6 =	simm.s32 @!p0 $0x2C00;
	s5 =	sadd.s32 @!p0 $0x1180, s1  }
0x21d: {  	[tilespmem:s6], [sflag:$0x8] =	stream.linear.gather @!p0 [hbm4b:s5+s0], $0x1400, $0x38;
	[tilespmem:$0x1A800] =	vst v63  }
0x21e: {  	s5 =	simm.s32 @!p0 $0x4  }
0x21f: {  	_ =	swait.ge @!p0 [sflag:s5], $0x28  }
0x220: {  	[sflag:s5] =	ssyncset.done @!p0 $0x0  }
0x221: {  	[sflag:s5] =	ssyncadd.s32 @!p0 $0xFFFFFFD8;
	s5 =	simm.s32 @!p0 $0x9  }
0x222: {  	_ =	swait.ge @!p0 [sflag:s5], $0x1400  }
0x223: {  	[sflag:s5] =	ssyncset.done @!p0 $0x0  }
0x224: {  	s6 =	simm.s32 @!p0 $0x4000;
	[sflag:s5] =	ssyncadd.s32 @!p0 $0xFFFFEC00;
	s5 =	simm.s32 @!p0 $0x180  }
0x225: {  	[spmem:s2] =	stream.indirect.scatter.add.f32 @!p0 [tilespmem:s6], [sflag:$0xB], $0x80, s5, s7, $0xb8;
	[tilespmem:$0x1A800] =	vst v63  }
0x226: {  	_ =	swait.ge @!p0 [sflag:s4], $0x1400  }
0x227: {  	[sflag:s4] =	ssyncset.done @!p0 $0x0  }
0x228: {  	[sflag:s4] =	ssyncadd.s32 @!p0 $0xFFFFEC00  }
0x229: {  	[tilespmem:s5], [sflag:$0x4] =	stream.linear.gather @!p0 [hbm4b:s29+s0], $0x28, $0x38;
	[tilespmem:$0x1A800] =	vst v63  }
0x22a: {  	s1 =	sadd.s32 @!p0 $0x1400, s1  }
0x22b: {  	[tilespmem:s6], [sflag:$0x9] =	stream.linear.gather @!p0 [hbm4b:s1+s0], $0x1400, $0x38;
	[tilespmem:$0x1A800] =	vst v63  }
0x22c: {  	_ =	swait.ge [sflag:s19], $0x28  }
0x22d: {  	[sflag:s19] =	ssyncset.done $0x0  }
0x22e: {  	[sflag:s19] =	ssyncadd.s32 $0xFFFFFFD8  }
0x22f: {  	_ =	swait.ge [sflag:s24], $0x1400  }
0x230: {  	[sflag:s24] =	ssyncset.done $0x0  }
.Ltmp2:
0x231: {  	[sflag:s24] =	ssyncadd.s32 $0xFFFFEC00;
	(pc) =	sbr.rel @p0 .LBB2_4-.Ltmp2, $4  }
0x232: {  	[spmem:s2] =	stream.indirect.scatter.add.f32 [tilespmem:s16], [sflag:$0xB], $0x80, s14, s21, $0xb8;
	[tilespmem:$0x1A800] =	vst v63  }
0x233: {  	_ =	swait.ge [sflag:s22], $0x1400  }
0x234: {  	[sflag:s22] =	ssyncset.done $0x0  }
0x235: {  	[sflag:s22] =	ssyncadd.s32 $0xFFFFEC00  }
0x236: {  	[tilespmem:s14], [sflag:$0x5] =	stream.linear.gather [hbm4b:s30+s3], $0x28, $0x38;
	[tilespmem:$0x1A800] =	vst v63  }
.Ltmp3:
0x237: {  	_ = 	snop;
	(pc) =	sbr.rel .LBB2_2-.Ltmp3, $4  }
0x238: {  	s0 =	sadd.s32 s31, s15;
	s31 =	sadd.s32 $0xC80, s31  }
0x239: {  	s30 =	sadd.s32 $0x19, s30;
	s29 =	sadd.s32 $0x19, s29;
	s28 =	sadd.s32 $0x19, s28  }
0x23a: {  	s26 =	sadd.s32 $0x19, s26;
	s20 =	sadd.s32 $0x19, s20;
	s0 =	sadd.s32 $0x1680, s0  }
0x23b: {  	[tilespmem:s16], [sflag:$0xA] =	stream.linear.gather [hbm4b:s0+s3], $0x1400, $0x38;
	[tilespmem:$0x1A800] =	vst v63  }
.LBB2_5:
0x23c: {  	_ =	sfence.sel $0x180000  }
0x23d: {  	[bflag:$0x0] =	sbarrier.arrive $0xFFFF  }
0x23e: {  	_ =	strace $0x90000047  }
0x23f: {  	s0 =	stileid.u32;
	[bflag:$0x2] =	sbarrier.arrive $0xFFFF  }
0x240: {  	p0 =	sne.s32 s0, $0x0;
	s0 =	rddreg [dreg:$0x4]  }
0x241: {  	s0 =	sadd.s32 @!p0 $0x100000, s0  }
0x242: {  	[sflag:s0] =	ssyncadd.tile.s32 @!p0 $0x1;
	_ =	shalt  }
.Lfunc_end2:
_tile_overlayer_lowered:
.L_overlay_start_2:
0x243: {  	(tag) =	ssettag $0x2  }
0x244: {  	s0 =	rddreg [dreg:$0x0];
	s2 =	stileid.u32  }
0x245: {  	s1 =	rddreg [dreg:$0x1];
	p0 =	sne.s32 s2, $0x0  }
0x246: {  	s3 =	rddreg [dreg:$0x2];
	[bflag:$0x3] =	sbarrier.arrive $0xFFFF;
	s2 =	simm.s32 @!p0 $0x1C0B  }
0x247: {  	[timem:s3], [sflag:s2] =	dma.local @!p0 [hbm:s0], s1  }
0x248: {  	s0 =	simm.s32 @!p0 $0xB  }
0x249: {  	_ =	swait.ge @!p0 [sflag:s0], s1  }
0x24a: {  	s1 =	ssub.s32 @!p0 $0x0, s1;
	[sflag:s0] =	ssyncset.done @!p0 $0x0  }
0x24b: {  	[sflag:s0] =	ssyncadd.s32 @!p0 s1  }
0x24c: {  	[bflag:$0x3] =	sbarrier.arrive $0xFFFF  }
0x24d: {  	_ =	shalt  }

</sc_bundles>
